<compile_context>
chip_gen: v7x
topology: tpu7x:2x2x1
jax: 0.10.2.dev20260603
libtpu: 0.0.44.dev20260713+nightly
codegen_flags: <defaults>
</compile_context>

<pallas_src>
import dataclasses
import functools

import jax
import jax.numpy as jnp
from jax import lax
from jax.experimental import pallas as pl
from jax.experimental.pallas import tpu as pltpu
from jax.experimental.pallas import tpu_sc as plsc

N = 10000
E = 320000
D = 128
T = 4
NC = 2
NS = 16
NW = NC * NS
EPT = E // NW
CH = 80
NCHUNK = EPT // CH
RB = 80
NRC = N // RB
ZROUNDS = (NRC + NS - 1) // NS


NSLOT = 4
MAIN = NCHUNK - 1
NROUND = MAIN // NSLOT
REC = 256
ZB = 40
NZC = N // ZB
ZZROUNDS = (NZC + NS - 1) // NS


def _sc_pass(x_flat, packed, g_count):
    mesh = plsc.VectorSubcoreMesh(core_axis_name="c", subcore_axis_name="s")
    cp = pltpu.CompilerParams()
    if "needs_layout_passes" in pltpu.CompilerParams.__dataclass_fields__:
        cp = dataclasses.replace(cp, needs_layout_passes=False)

    @functools.partial(
        pl.kernel,
        mesh=mesh,
        compiler_params=cp,
        out_type=jax.ShapeDtypeStruct((NC * g_count * N, D), jnp.float32),
        scratch_types=(
            [pltpu.VMEM((REC,), jnp.int32)] * NSLOT
            + [pltpu.VMEM((CH,), jnp.int32)] * NSLOT
            + [pltpu.VMEM((CH,), jnp.int32)] * NSLOT
            + [pltpu.VMEM((CH, D), jnp.float32)] * NSLOT
            + [pltpu.VMEM((CH,), jnp.float32)] * NSLOT
            + [
                pltpu.VMEM((ZB, D), jnp.float32),
                pltpu.VMEM_SHARED((N, D), jnp.float32),
            ]
            + [pltpu.SemaphoreType.DMA] * (3 * NSLOT)
        ),
    )
    def k(x_hbm, pk_hbm, out_hbm, *scratch):
        idx_v = scratch[0:NSLOT]
        srcg = scratch[NSLOT:2 * NSLOT]
        dstb = scratch[2 * NSLOT:3 * NSLOT]
        rows_v = scratch[3 * NSLOT:4 * NSLOT]
        wbuf = scratch[4 * NSLOT:5 * NSLOT]
        zbuf_v = scratch[5 * NSLOT]
        acc = scratch[5 * NSLOT + 1]
        isem = scratch[5 * NSLOT + 2:5 * NSLOT + 2 + NSLOT]
        gsem = scratch[5 * NSLOT + 2 + NSLOT:5 * NSLOT + 2 + 2 * NSLOT]
        ssem = scratch[5 * NSLOT + 2 + 2 * NSLOT:]

        cid = lax.axis_index("c")
        sid = lax.axis_index("s")
        wid = cid * NS + sid
        cbase = wid * NCHUNK

        def idx_copy(c, s):
            off = (cbase + c) * REC
            return pltpu.make_async_copy(
                pk_hbm.at[pl.ds(off, REC)], idx_v[s], isem[s])

        def gather_copy(s):
            return pltpu.make_async_copy(
                x_hbm.at[srcg[s]], rows_v[s], gsem[s])

        def scatter_copy(s):
            return pltpu.make_async_copy(
                rows_v[s], acc.at[dstb[s]], ssem[s])

        def s1_prep(g, s):
            goff = jnp.full((16,), g * N, jnp.int32)
            for t in range(CH // 16):
                sl = pl.ds(t * 16, 16)
                srcg[s][sl] = idx_v[s][pl.ds(t * 16, 16)] + goff
                dstb[s][sl] = idx_v[s][pl.ds(CH + t * 16, 16)]
                wbuf[s][sl] = plsc.bitcast(
                    idx_v[s][pl.ds(2 * CH + t * 16, 16)], jnp.float32)
            gather_copy(s).start()

        def s2_scale(s):
            @plsc.parallel_loop(0, CH, 1, unroll=4)
            def _(j):
                wv = plsc.load_gather(
                    wbuf[s], [jnp.full((16,), j, jnp.int32)])
                for f in range(D // 16):
                    sl = (j, pl.ds(f * 16, 16))
                    rows_v[s][sl] = rows_v[s][sl] * wv

        @pl.loop(0, ZB)
        def _(r):
            for f in range(D // 16):
                zbuf_v[r, pl.ds(f * 16, 16)] = jnp.zeros((16,), jnp.float32)

        @pl.loop(0, g_count)
        def _(g):
            idx_copy(0, 0).start()
            idx_copy(1, 1).start()
            idx_copy(2, 2).start()
            idx_copy(0, 0).wait()
            s1_prep(g, 0)
            idx_copy(1, 1).wait()
            s1_prep(g, 1)

            @pl.loop(0, ZZROUNDS)
            def _(r):
                c = sid + r * NS

                @pl.when(c < NZC)
                def _():
                    pltpu.sync_copy(zbuf_v, acc.at[pl.ds(c * ZB, ZB), :])

            plsc.subcore_barrier()

            @pl.loop(0, NROUND)
            def _(t):
                c0 = t * NSLOT
                for p in range(NSLOT):
                    c = c0 + p
                    s = p
                    s2 = (p + 2) % NSLOT
                    s3 = (p + 3) % NSLOT

                    @pl.when(c + 3 < NCHUNK)
                    def _():
                        idx_copy(c + 3, s3).start()

                    @pl.when(c + 2 < NCHUNK)
                    def _():
                        idx_copy(c + 2, s2).wait()

                        @pl.when(c + 2 >= NSLOT)
                        def _():
                            scatter_copy(s2).wait()

                        s1_prep(g, s2)

                    gather_copy(s).wait()
                    s2_scale(s)
                    scatter_copy(s).start(add=True)

            gather_copy(0).wait()
            s2_scale(0)
            scatter_copy(0).start(add=True)

            for s in range(NSLOT):
                scatter_copy(s).wait()
            plsc.subcore_barrier()

            obase = (cid * g_count + g) * N

            @pl.loop(0, ZROUNDS)
            def _(r):
                c = sid + r * NS

                @pl.when(c < NRC)
                def _():
                    pltpu.sync_copy(
                        acc.at[pl.ds(c * RB, RB), :],
                        out_hbm.at[pl.ds(obase + c * RB, RB), :])

            plsc.subcore_barrier()

    return k(x_flat, packed)


BN = 10000


def _tc_stage(partial, W, mask, relu):
    per_sample = partial.shape[1] == T

    def body(p_ref, w_ref, m_ref, o_ref):
        p = p_ref[0, 0] + p_ref[1, 0]
        pw = jnp.dot(p, w_ref[...] * m_ref[0],
                     preferred_element_type=jnp.float32)
        if relu:
            pw = jnp.maximum(pw, 0.0)
        o_ref[0] = pw

    if per_sample:
        p_map = lambda n, i: (0, i, n, 0)
    else:
        p_map = lambda n, i: (0, 0, n, 0)
    return pl.pallas_call(
        body,
        grid=(N // BN, T),
        in_specs=[
            pl.BlockSpec((2, 1, BN, D), p_map),
            pl.BlockSpec((D, D), lambda n, i: (0, 0)),
            pl.BlockSpec((1, D, D), lambda n, i: (i, 0, 0)),
        ],
        out_specs=pl.BlockSpec((1, BN, D), lambda n, i: (i, n, 0)),
        out_shape=jax.ShapeDtypeStruct((T, N, D), jnp.float32),
    )(partial, W, mask)


def kernel(feature, edge_weight, W1, W2, mask1, mask2, edge_index):
    w_bits = jax.lax.bitcast_convert_type(edge_weight, jnp.int32)
    packed = jnp.concatenate(
        [edge_index, w_bits[None]], axis=0)
    packed = packed.reshape(3, NW * NCHUNK, CH).transpose(1, 0, 2)
    packed = jnp.pad(packed.reshape(NW * NCHUNK, 3 * CH),
                     ((0, 0), (0, REC - 3 * CH))).reshape(-1)

    p1 = _sc_pass(feature, packed, 1)
    p1 = p1.reshape(NC, 1, N, D)

    H = _tc_stage(p1, W1, mask1, relu=True)

    p2 = _sc_pass(H.reshape(T * N, D), packed, T)
    p2 = p2.reshape(NC, T, N, D)

    return _tc_stage(p2, W2, mask2, relu=False)

# --- scband reference (transcript-rebuilt; emitter-appended) ---
"""Pipeline reference for scband-bayesian-gnn-76149770158503 (READ-ONLY COPY).

The authoritative reference and input builder live on the scoring server;
editing this copy changes nothing except your own understanding.
"""

import jax, jax.numpy as jnp
import numpy as np

N = 10000
E = 320000
IN_FEATS = 128
HID_FEATS = 128
OUT_FEATS = 128
T = 4
THETA = 0.1


def _xavier_uniform(key, fan_in, fan_out, gain):
    lim = gain * np.sqrt(6.0 / (fan_in + fan_out))
    return jax.random.uniform(key, (fan_in, fan_out), minval=-lim, maxval=lim, dtype=jnp.float32)


def setup_inputs(seed: int = 0) -> dict:
    key = jax.random.key(seed)
    k1, k2, k3, k4, k5, k6, k7 = jax.random.split(key, 7)
    feature = jax.random.normal(k1, (N, IN_FEATS), dtype=jnp.float32)
    edge_index = jax.random.randint(k2, (2, E), 0, N, dtype=jnp.int32)
    edge_weight = jax.random.uniform(k3, (E,), dtype=jnp.float32)
    gain = np.sqrt(2.0)  # relu gain
    W1 = _xavier_uniform(k4, IN_FEATS, HID_FEATS, gain)
    W2 = _xavier_uniform(k5, HID_FEATS, OUT_FEATS, gain)
    # bernoulli(1 - theta) dropout-style masks, one per MC sample
    mask1 = (jax.random.uniform(k6, (T, IN_FEATS, HID_FEATS)) < (1.0 - THETA)).astype(jnp.float32)
    mask2 = (jax.random.uniform(k7, (T, HID_FEATS, OUT_FEATS)) < (1.0 - THETA)).astype(jnp.float32)
    return {
        "feature": feature,
        "edge_weight": edge_weight,
        "W1": W1,
        "W2": W2,
        "mask1": mask1,
        "mask2": mask2,
        "edge_index": edge_index,
    }


def reference(feature, edge_weight, W1, W2, mask1, mask2, edge_index):
    src = edge_index[0]
    dst = edge_index[1]
    outs = []
    for i in range(T):
        # update_all(u_mul_e('feature','edge_weight','msg'), sum('msg','res'))
        msg = feature[src] * edge_weight[:, None]
        res = jnp.zeros((N, IN_FEATS), dtype=feature.dtype).at[dst].add(msg)
        p1 = W1 * mask1[i]
        h = jax.nn.relu(res @ p1)
        # update_all(u_mul_e('res','edge_weight','msg'), sum('msg','output'))
        msg2 = h[src] * edge_weight[:, None]
        agg = jnp.zeros((N, HID_FEATS), dtype=h.dtype).at[dst].add(msg2)
        p2 = W2 * mask2[i]
        outs.append(agg @ p2)
    return jnp.stack(outs, axis=0)

if __name__ == "__main__":
    import jax
    _d = setup_inputs()
    print(jax.jit(kernel)(*tuple(_d.values())))

</pallas_src>

<mosaic_0001>
#map = affine_map<(d0, d1) -> (0, 0)>
#map1 = affine_map<(d0, d1) -> (0)>
module attributes {stable_mosaic.version = 14 : i64} {
  func.func @k(%arg0: i32, %arg1: i32, %arg2: memref<10000x128xf32, #tpu.memory_space<hbm>>, %arg3: memref<1024000xi32, #tpu.memory_space<hbm>>, %arg4: memref<20000x128xf32, #tpu.memory_space<hbm>>, %arg5: memref<256xi32, #tpu.memory_space<vmem>>, %arg6: memref<256xi32, #tpu.memory_space<vmem>>, %arg7: memref<256xi32, #tpu.memory_space<vmem>>, %arg8: memref<256xi32, #tpu.memory_space<vmem>>, %arg9: memref<80xi32, #tpu.memory_space<vmem>>, %arg10: memref<80xi32, #tpu.memory_space<vmem>>, %arg11: memref<80xi32, #tpu.memory_space<vmem>>, %arg12: memref<80xi32, #tpu.memory_space<vmem>>, %arg13: memref<80xi32, #tpu.memory_space<vmem>>, %arg14: memref<80xi32, #tpu.memory_space<vmem>>, %arg15: memref<80xi32, #tpu.memory_space<vmem>>, %arg16: memref<80xi32, #tpu.memory_space<vmem>>, %arg17: memref<80x128xf32, #tpu.memory_space<vmem>>, %arg18: memref<80x128xf32, #tpu.memory_space<vmem>>, %arg19: memref<80x128xf32, #tpu.memory_space<vmem>>, %arg20: memref<80x128xf32, #tpu.memory_space<vmem>>, %arg21: memref<80xf32, #tpu.memory_space<vmem>>, %arg22: memref<80xf32, #tpu.memory_space<vmem>>, %arg23: memref<80xf32, #tpu.memory_space<vmem>>, %arg24: memref<80xf32, #tpu.memory_space<vmem>>, %arg25: memref<40x128xf32, #tpu.memory_space<vmem>>, %arg26: memref<10000x128xf32, #tpu.memory_space<vmem_shared>>, %arg27: memref<!tpu.dma_semaphore, #tpu.memory_space<semaphore_mem>>, %arg28: memref<!tpu.dma_semaphore, #tpu.memory_space<semaphore_mem>>, %arg29: memref<!tpu.dma_semaphore, #tpu.memory_space<semaphore_mem>>, %arg30: memref<!tpu.dma_semaphore, #tpu.memory_space<semaphore_mem>>, %arg31: memref<!tpu.dma_semaphore, #tpu.memory_space<semaphore_mem>>, %arg32: memref<!tpu.dma_semaphore, #tpu.memory_space<semaphore_mem>>, %arg33: memref<!tpu.dma_semaphore, #tpu.memory_space<semaphore_mem>>, %arg34: memref<!tpu.dma_semaphore, #tpu.memory_space<semaphore_mem>>, %arg35: memref<!tpu.dma_semaphore, #tpu.memory_space<semaphore_mem>>, %arg36: memref<!tpu.dma_semaphore, #tpu.memory_space<semaphore_mem>>, %arg37: memref<!tpu.dma_semaphore, #tpu.memory_space<semaphore_mem>>, %arg38: memref<!tpu.dma_semaphore, #tpu.memory_space<semaphore_mem>>) attributes {dimension_semantics = [#tpu.dimension_semantics<core_parallel>, #tpu.dimension_semantics<subcore_parallel>], iteration_bounds = array<i64: 2, 16>, scalar_prefetch = 0 : i64, scratch_operands = 34 : i64, tpu.core_type = #tpu.core_type<sc_vector_subcore>, window_params = [{transform_indices = #map}, {transform_indices = #map1}, {transform_indices = #map}]} {
    %mul3A = arith.constant 16 : i32
    %mul3A_0 = arith.muli %arg0, %mul3A : i32
    %add3A = arith.addi %mul3A_0, %arg1 : i32
    %mul3A_1 = arith.constant 125 : i32
    %mul3A_2 = arith.muli %add3A, %mul3A_1 : i32
    %scan3A = arith.constant 0 : i32
    %scan3A_3 = arith.constant 40 : i32
    %scan3A_4 = arith.addi %scan3A, %scan3A_3 : i32
    %scan3A_5 = arith.constant 1 : i32
    scf.for %scan3A_231 = %scan3A to %scan3A_4 step %scan3A_5  : i32 {
      %mul3A_232 = arith.constant 1 : i32
      %mul3A_233 = arith.muli %scan3A_231, %mul3A_232 : i32
      %add3A_234 = arith.constant 0 : i32
      %add3A_235 = arith.addi %add3A_234, %mul3A_233 : i32
      %broadcast_in_dim3A_236 = arith.constant 0.000000e+00 : f32
      %broadcast_in_dim3A_237 = vector.broadcast %broadcast_in_dim3A_236 : f32 to vector<16xf32>
      %swap3A_238 = arith.index_cast %add3A_235 : i32 to index
      %swap3A_239 = arith.constant 0 : index
      %swap3A_240 = tpu.vector_load %arg25[%swap3A_238, %swap3A_239] {strides = array<i32>} : memref<40x128xf32, #tpu.memory_space<vmem>>, vector<16xf32>,
      tpu.vector_store %arg25[%swap3A_238, %swap3A_239], %broadcast_in_dim3A_237 {strides = array<i32>} : memref<40x128xf32, #tpu.memory_space<vmem>>, vector<16xf32>,
      %broadcast_in_dim3A_241 = arith.constant 0.000000e+00 : f32
      %broadcast_in_dim3A_242 = vector.broadcast %broadcast_in_dim3A_241 : f32 to vector<16xf32>
      %swap3A_243 = arith.index_cast %add3A_235 : i32 to index
      %swap3A_244 = arith.constant 16 : index
      %swap3A_245 = tpu.vector_load %arg25[%swap3A_243, %swap3A_244] {strides = array<i32>} : memref<40x128xf32, #tpu.memory_space<vmem>>, vector<16xf32>,
      tpu.vector_store %arg25[%swap3A_243, %swap3A_244], %broadcast_in_dim3A_242 {strides = array<i32>} : memref<40x128xf32, #tpu.memory_space<vmem>>, vector<16xf32>,
      %broadcast_in_dim3A_246 = arith.constant 0.000000e+00 : f32
      %broadcast_in_dim3A_247 = vector.broadcast %broadcast_in_dim3A_246 : f32 to vector<16xf32>
      %swap3A_248 = arith.index_cast %add3A_235 : i32 to index
      %swap3A_249 = arith.constant 32 : index
      %swap3A_250 = tpu.vector_load %arg25[%swap3A_248, %swap3A_249] {strides = array<i32>} : memref<40x128xf32, #tpu.memory_space<vmem>>, vector<16xf32>,
      tpu.vector_store %arg25[%swap3A_248, %swap3A_249], %broadcast_in_dim3A_247 {strides = array<i32>} : memref<40x128xf32, #tpu.memory_space<vmem>>, vector<16xf32>,
      %broadcast_in_dim3A_251 = arith.constant 0.000000e+00 : f32
      %broadcast_in_dim3A_252 = vector.broadcast %broadcast_in_dim3A_251 : f32 to vector<16xf32>
      %swap3A_253 = arith.index_cast %add3A_235 : i32 to index
      %swap3A_254 = arith.constant 48 : index
      %swap3A_255 = tpu.vector_load %arg25[%swap3A_253, %swap3A_254] {strides = array<i32>} : memref<40x128xf32, #tpu.memory_space<vmem>>, vector<16xf32>,
      tpu.vector_store %arg25[%swap3A_253, %swap3A_254], %broadcast_in_dim3A_252 {strides = array<i32>} : memref<40x128xf32, #tpu.memory_space<vmem>>, vector<16xf32>,
      %broadcast_in_dim3A_256 = arith.constant 0.000000e+00 : f32
      %broadcast_in_dim3A_257 = vector.broadcast %broadcast_in_dim3A_256 : f32 to vector<16xf32>
      %swap3A_258 = arith.index_cast %add3A_235 : i32 to index
      %swap3A_259 = arith.constant 64 : index
      %swap3A_260 = tpu.vector_load %arg25[%swap3A_258, %swap3A_259] {strides = array<i32>} : memref<40x128xf32, #tpu.memory_space<vmem>>, vector<16xf32>,
      tpu.vector_store %arg25[%swap3A_258, %swap3A_259], %broadcast_in_dim3A_257 {strides = array<i32>} : memref<40x128xf32, #tpu.memory_space<vmem>>, vector<16xf32>,
      %broadcast_in_dim3A_261 = arith.constant 0.000000e+00 : f32
      %broadcast_in_dim3A_262 = vector.broadcast %broadcast_in_dim3A_261 : f32 to vector<16xf32>
      %swap3A_263 = arith.index_cast %add3A_235 : i32 to index
      %swap3A_264 = arith.constant 80 : index
      %swap3A_265 = tpu.vector_load %arg25[%swap3A_263, %swap3A_264] {strides = array<i32>} : memref<40x128xf32, #tpu.memory_space<vmem>>, vector<16xf32>,
      tpu.vector_store %arg25[%swap3A_263, %swap3A_264], %broadcast_in_dim3A_262 {strides = array<i32>} : memref<40x128xf32, #tpu.memory_space<vmem>>, vector<16xf32>,
      %broadcast_in_dim3A_266 = arith.constant 0.000000e+00 : f32
      %broadcast_in_dim3A_267 = vector.broadcast %broadcast_in_dim3A_266 : f32 to vector<16xf32>
      %swap3A_268 = arith.index_cast %add3A_235 : i32 to index
      %swap3A_269 = arith.constant 96 : index
      %swap3A_270 = tpu.vector_load %arg25[%swap3A_268, %swap3A_269] {strides = array<i32>} : memref<40x128xf32, #tpu.memory_space<vmem>>, vector<16xf32>,
      tpu.vector_store %arg25[%swap3A_268, %swap3A_269], %broadcast_in_dim3A_267 {strides = array<i32>} : memref<40x128xf32, #tpu.memory_space<vmem>>, vector<16xf32>,
      %broadcast_in_dim3A_271 = arith.constant 0.000000e+00 : f32
      %broadcast_in_dim3A_272 = vector.broadcast %broadcast_in_dim3A_271 : f32 to vector<16xf32>
      %swap3A_273 = arith.index_cast %add3A_235 : i32 to index
      %swap3A_274 = arith.constant 112 : index
      %swap3A_275 = tpu.vector_load %arg25[%swap3A_273, %swap3A_274] {strides = array<i32>} : memref<40x128xf32, #tpu.memory_space<vmem>>, vector<16xf32>,
      tpu.vector_store %arg25[%swap3A_273, %swap3A_274], %broadcast_in_dim3A_272 {strides = array<i32>} : memref<40x128xf32, #tpu.memory_space<vmem>>, vector<16xf32>,
    }
    %scan3A_6 = arith.constant 40 : i32
    %scan3A_7 = arith.constant 0 : i32
    %mul3A_8 = arith.constant 1 : i32
    %mul3A_9 = arith.muli %scan3A_7, %mul3A_8 : i32
    %add3A_10 = arith.constant 0 : i32
    %add3A_11 = arith.addi %add3A_10, %mul3A_9 : i32
    %add3A_12 = arith.constant 0 : i32
    %add3A_13 = arith.addi %mul3A_2, %add3A_12 : i32
    %mul3A_14 = arith.constant 256 : i32
    %mul3A_15 = arith.muli %add3A_13, %mul3A_14 : i32
    %dma_start3A = tpu.memref_slice %arg3[%mul3A_15] : memref<1024000xi32, #tpu.memory_space<hbm>> -> memref<256xi32, #tpu.memory_space<hbm>>
    %dma_start3A_16 = tpu.memref_slice %arg3[%mul3A_15] : memref<1024000xi32, #tpu.memory_space<hbm>> -> memref<256xi32, #tpu.memory_space<hbm>>
    tpu.enqueue_dma source(%dma_start3A_16 : memref<256xi32, #tpu.memory_space<hbm>>) target(%arg5 : memref<256xi32, #tpu.memory_space<vmem>>) target_semaphore(%arg27 : memref<!tpu.dma_semaphore, #tpu.memory_space<semaphore_mem>>)
    %add3A_17 = arith.constant 1 : i32
    %add3A_18 = arith.addi %mul3A_2, %add3A_17 : i32
    %mul3A_19 = arith.constant 256 : i32
    %mul3A_20 = arith.muli %add3A_18, %mul3A_19 : i32
    %dma_start3A_21 = tpu.memref_slice %arg3[%mul3A_20] : memref<1024000xi32, #tpu.memory_space<hbm>> -> memref<256xi32, #tpu.memory_space<hbm>>
    %dma_start3A_22 = tpu.memref_slice %arg3[%mul3A_20] : memref<1024000xi32, #tpu.memory_space<hbm>> -> memref<256xi32, #tpu.memory_space<hbm>>
    tpu.enqueue_dma source(%dma_start3A_22 : memref<256xi32, #tpu.memory_space<hbm>>) target(%arg6 : memref<256xi32, #tpu.memory_space<vmem>>) target_semaphore(%arg28 : memref<!tpu.dma_semaphore, #tpu.memory_space<semaphore_mem>>)
    %add3A_23 = arith.constant 2 : i32
    %add3A_24 = arith.addi %mul3A_2, %add3A_23 : i32
    %mul3A_25 = arith.constant 256 : i32
    %mul3A_26 = arith.muli %add3A_24, %mul3A_25 : i32
    %dma_start3A_27 = tpu.memref_slice %arg3[%mul3A_26] : memref<1024000xi32, #tpu.memory_space<hbm>> -> memref<256xi32, #tpu.memory_space<hbm>>
    %dma_start3A_28 = tpu.memref_slice %arg3[%mul3A_26] : memref<1024000xi32, #tpu.memory_space<hbm>> -> memref<256xi32, #tpu.memory_space<hbm>>
    tpu.enqueue_dma source(%dma_start3A_28 : memref<256xi32, #tpu.memory_space<hbm>>) target(%arg7 : memref<256xi32, #tpu.memory_space<vmem>>) target_semaphore(%arg29 : memref<!tpu.dma_semaphore, #tpu.memory_space<semaphore_mem>>)
    %add3A_29 = arith.constant 0 : i32
    %add3A_30 = arith.addi %mul3A_2, %add3A_29 : i32
    %mul3A_31 = arith.constant 256 : i32
    %mul3A_32 = arith.muli %add3A_30, %mul3A_31 : i32
    %dma_wait3A = tpu.memref_slice %arg3[%mul3A_32] : memref<1024000xi32, #tpu.memory_space<hbm>> -> memref<256xi32, #tpu.memory_space<hbm>>
    %dma_wait3A_33 = tpu.memref_slice %arg3[%mul3A_32] : memref<1024000xi32, #tpu.memory_space<hbm>> -> memref<256xi32, #tpu.memory_space<hbm>>
    tpu.wait_dma2 semaphore(%arg27 : memref<!tpu.dma_semaphore, #tpu.memory_space<semaphore_mem>>) src(%dma_wait3A_33 : memref<256xi32, #tpu.memory_space<hbm>>) dst(%arg5 : memref<256xi32, #tpu.memory_space<vmem>>)
    %mul3A_34 = arith.constant 10000 : i32
    %mul3A_35 = arith.muli %add3A_11, %mul3A_34 : i32
    %broadcast_in_dim3A = vector.broadcast %mul3A_35 : i32 to vector<16xi32>
    %get3A = arith.constant 0 : index
    %get3A_36 = tpu.vector_load %arg5[%get3A] {strides = array<i32>} : memref<256xi32, #tpu.memory_space<vmem>>, vector<16xi32>,
    %add3A_37 = arith.addi %get3A_36, %broadcast_in_dim3A : vector<16xi32>
    %swap3A = arith.constant 0 : index
    %swap3A_38 = tpu.vector_load %arg9[%swap3A] {strides = array<i32>} : memref<80xi32, #tpu.memory_space<vmem>>, vector<16xi32>,
    tpu.vector_store %arg9[%swap3A], %add3A_37 {strides = array<i32>} : memref<80xi32, #tpu.memory_space<vmem>>, vector<16xi32>,
    %get3A_39 = arith.constant 80 : index
    %get3A_40 = tpu.vector_load %arg5[%get3A_39] {strides = array<i32>} : memref<256xi32, #tpu.memory_space<vmem>>, vector<16xi32>,
    %swap3A_41 = arith.constant 0 : index
    %swap3A_42 = tpu.vector_load %arg13[%swap3A_41] {strides = array<i32>} : memref<80xi32, #tpu.memory_space<vmem>>, vector<16xi32>,
    tpu.vector_store %arg13[%swap3A_41], %get3A_40 {strides = array<i32>} : memref<80xi32, #tpu.memory_space<vmem>>, vector<16xi32>,
    %get3A_43 = arith.constant 160 : index
    %get3A_44 = tpu.vector_load %arg5[%get3A_43] {strides = array<i32>} : memref<256xi32, #tpu.memory_space<vmem>>, vector<16xi32>,
    %bitcast3A = vector.bitcast %get3A_44 : vector<16xi32> to vector<16xf32>
    %swap3A_45 = arith.constant 0 : index
    %swap3A_46 = tpu.vector_load %arg21[%swap3A_45] {strides = array<i32>} : memref<80xf32, #tpu.memory_space<vmem>>, vector<16xf32>,
    tpu.vector_store %arg21[%swap3A_45], %bitcast3A {strides = array<i32>} : memref<80xf32, #tpu.memory_space<vmem>>, vector<16xf32>,
    %get3A_47 = arith.constant 16 : index
    %get3A_48 = tpu.vector_load %arg5[%get3A_47] {strides = array<i32>} : memref<256xi32, #tpu.memory_space<vmem>>, vector<16xi32>,
    %add3A_49 = arith.addi %get3A_48, %broadcast_in_dim3A : vector<16xi32>
    %swap3A_50 = arith.constant 16 : index
    %swap3A_51 = tpu.vector_load %arg9[%swap3A_50] {strides = array<i32>} : memref<80xi32, #tpu.memory_space<vmem>>, vector<16xi32>,
    tpu.vector_store %arg9[%swap3A_50], %add3A_49 {strides = array<i32>} : memref<80xi32, #tpu.memory_space<vmem>>, vector<16xi32>,
    %get3A_52 = arith.constant 96 : index
    %get3A_53 = tpu.vector_load %arg5[%get3A_52] {strides = array<i32>} : memref<256xi32, #tpu.memory_space<vmem>>, vector<16xi32>,
    %swap3A_54 = arith.constant 16 : index
    %swap3A_55 = tpu.vector_load %arg13[%swap3A_54] {strides = array<i32>} : memref<80xi32, #tpu.memory_space<vmem>>, vector<16xi32>,
    tpu.vector_store %arg13[%swap3A_54], %get3A_53 {strides = array<i32>} : memref<80xi32, #tpu.memory_space<vmem>>, vector<16xi32>,
    %get3A_56 = arith.constant 176 : index
    %get3A_57 = tpu.vector_load %arg5[%get3A_56] {strides = array<i32>} : memref<256xi32, #tpu.memory_space<vmem>>, vector<16xi32>,
    %bitcast3A_58 = vector.bitcast %get3A_57 : vector<16xi32> to vector<16xf32>
    %swap3A_59 = arith.constant 16 : index
    %swap3A_60 = tpu.vector_load %arg21[%swap3A_59] {strides = array<i32>} : memref<80xf32, #tpu.memory_space<vmem>>, vector<16xf32>,
    tpu.vector_store %arg21[%swap3A_59], %bitcast3A_58 {strides = array<i32>} : memref<80xf32, #tpu.memory_space<vmem>>, vector<16xf32>,
    %get3A_61 = arith.constant 32 : index
    %get3A_62 = tpu.vector_load %arg5[%get3A_61] {strides = array<i32>} : memref<256xi32, #tpu.memory_space<vmem>>, vector<16xi32>,
    %add3A_63 = arith.addi %get3A_62, %broadcast_in_dim3A : vector<16xi32>
    %swap3A_64 = arith.constant 32 : index
    %swap3A_65 = tpu.vector_load %arg9[%swap3A_64] {strides = array<i32>} : memref<80xi32, #tpu.memory_space<vmem>>, vector<16xi32>,
    tpu.vector_store %arg9[%swap3A_64], %add3A_63 {strides = array<i32>} : memref<80xi32, #tpu.memory_space<vmem>>, vector<16xi32>,
    %get3A_66 = arith.constant 112 : index
    %get3A_67 = tpu.vector_load %arg5[%get3A_66] {strides = array<i32>} : memref<256xi32, #tpu.memory_space<vmem>>, vector<16xi32>,
    %swap3A_68 = arith.constant 32 : index
    %swap3A_69 = tpu.vector_load %arg13[%swap3A_68] {strides = array<i32>} : memref<80xi32, #tpu.memory_space<vmem>>, vector<16xi32>,
    tpu.vector_store %arg13[%swap3A_68], %get3A_67 {strides = array<i32>} : memref<80xi32, #tpu.memory_space<vmem>>, vector<16xi32>,
    %get3A_70 = arith.constant 192 : index
    %get3A_71 = tpu.vector_load %arg5[%get3A_70] {strides = array<i32>} : memref<256xi32, #tpu.memory_space<vmem>>, vector<16xi32>,
    %bitcast3A_72 = vector.bitcast %get3A_71 : vector<16xi32> to vector<16xf32>
    %swap3A_73 = arith.constant 32 : index
    %swap3A_74 = tpu.vector_load %arg21[%swap3A_73] {strides = array<i32>} : memref<80xf32, #tpu.memory_space<vmem>>, vector<16xf32>,
    tpu.vector_store %arg21[%swap3A_73], %bitcast3A_72 {strides = array<i32>} : memref<80xf32, #tpu.memory_space<vmem>>, vector<16xf32>,
    %get3A_75 = arith.constant 48 : index
    %get3A_76 = tpu.vector_load %arg5[%get3A_75] {strides = array<i32>} : memref<256xi32, #tpu.memory_space<vmem>>, vector<16xi32>,
    %add3A_77 = arith.addi %get3A_76, %broadcast_in_dim3A : vector<16xi32>
    %swap3A_78 = arith.constant 48 : index
    %swap3A_79 = tpu.vector_load %arg9[%swap3A_78] {strides = array<i32>} : memref<80xi32, #tpu.memory_space<vmem>>, vector<16xi32>,
    tpu.vector_store %arg9[%swap3A_78], %add3A_77 {strides = array<i32>} : memref<80xi32, #tpu.memory_space<vmem>>, vector<16xi32>,
    %get3A_80 = arith.constant 128 : index
    %get3A_81 = tpu.vector_load %arg5[%get3A_80] {strides = array<i32>} : memref<256xi32, #tpu.memory_space<vmem>>, vector<16xi32>,
    %swap3A_82 = arith.constant 48 : index
    %swap3A_83 = tpu.vector_load %arg13[%swap3A_82] {strides = array<i32>} : memref<80xi32, #tpu.memory_space<vmem>>, vector<16xi32>,
    tpu.vector_store %arg13[%swap3A_82], %get3A_81 {strides = array<i32>} : memref<80xi32, #tpu.memory_space<vmem>>, vector<16xi32>,
    %get3A_84 = arith.constant 208 : index
    %get3A_85 = tpu.vector_load %arg5[%get3A_84] {strides = array<i32>} : memref<256xi32, #tpu.memory_space<vmem>>, vector<16xi32>,
    %bitcast3A_86 = vector.bitcast %get3A_85 : vector<16xi32> to vector<16xf32>
    %swap3A_87 = arith.constant 48 : index
    %swap3A_88 = tpu.vector_load %arg21[%swap3A_87] {strides = array<i32>} : memref<80xf32, #tpu.memory_space<vmem>>, vector<16xf32>,
    tpu.vector_store %arg21[%swap3A_87], %bitcast3A_86 {strides = array<i32>} : memref<80xf32, #tpu.memory_space<vmem>>, vector<16xf32>,
    %get3A_89 = arith.constant 64 : index
    %get3A_90 = tpu.vector_load %arg5[%get3A_89] {strides = array<i32>} : memref<256xi32, #tpu.memory_space<vmem>>, vector<16xi32>,
    %add3A_91 = arith.addi %get3A_90, %broadcast_in_dim3A : vector<16xi32>
    %swap3A_92 = arith.constant 64 : index
    %swap3A_93 = tpu.vector_load %arg9[%swap3A_92] {strides = array<i32>} : memref<80xi32, #tpu.memory_space<vmem>>, vector<16xi32>,
    tpu.vector_store %arg9[%swap3A_92], %add3A_91 {strides = array<i32>} : memref<80xi32, #tpu.memory_space<vmem>>, vector<16xi32>,
    %get3A_94 = arith.constant 144 : index
    %get3A_95 = tpu.vector_load %arg5[%get3A_94] {strides = array<i32>} : memref<256xi32, #tpu.memory_space<vmem>>, vector<16xi32>,
    %swap3A_96 = arith.constant 64 : index
    %swap3A_97 = tpu.vector_load %arg13[%swap3A_96] {strides = array<i32>} : memref<80xi32, #tpu.memory_space<vmem>>, vector<16xi32>,
    tpu.vector_store %arg13[%swap3A_96], %get3A_95 {strides = array<i32>} : memref<80xi32, #tpu.memory_space<vmem>>, vector<16xi32>,
    %get3A_98 = arith.constant 224 : index
    %get3A_99 = tpu.vector_load %arg5[%get3A_98] {strides = array<i32>} : memref<256xi32, #tpu.memory_space<vmem>>, vector<16xi32>,
    %bitcast3A_100 = vector.bitcast %get3A_99 : vector<16xi32> to vector<16xf32>
    %swap3A_101 = arith.constant 64 : index
    %swap3A_102 = tpu.vector_load %arg21[%swap3A_101] {strides = array<i32>} : memref<80xf32, #tpu.memory_space<vmem>>, vector<16xf32>,
    tpu.vector_store %arg21[%swap3A_101], %bitcast3A_100 {strides = array<i32>} : memref<80xf32, #tpu.memory_space<vmem>>, vector<16xf32>,
    %dma_start3A_103 = arith.constant 0 : i32
    %dma_start3A_104 = arith.constant 0 : i32
    %dma_start3A_105 = tpu.memref_slice %arg2[%dma_start3A_103, %dma_start3A_104] : memref<10000x128xf32, #tpu.memory_space<hbm>> -> memref<10000x128xf32, #tpu.memory_space<hbm>>
    tpu.enqueue_indirect_dma source(%dma_start3A_105 : memref<10000x128xf32, #tpu.memory_space<hbm>>) target(%arg17 : memref<80x128xf32, #tpu.memory_space<vmem>>) offsets(%arg9 : memref<80xi32, #tpu.memory_space<vmem>>) semaphore(%arg31 : memref<!tpu.dma_semaphore, #tpu.memory_space<semaphore_mem>>)
    %add3A_106 = arith.constant 1 : i32
    %add3A_107 = arith.addi %mul3A_2, %add3A_106 : i32
    %mul3A_108 = arith.constant 256 : i32
    %mul3A_109 = arith.muli %add3A_107, %mul3A_108 : i32
    %dma_wait3A_110 = tpu.memref_slice %arg3[%mul3A_109] : memref<1024000xi32, #tpu.memory_space<hbm>> -> memref<256xi32, #tpu.memory_space<hbm>>
    %dma_wait3A_111 = tpu.memref_slice %arg3[%mul3A_109] : memref<1024000xi32, #tpu.memory_space<hbm>> -> memref<256xi32, #tpu.memory_space<hbm>>
    tpu.wait_dma2 semaphore(%arg28 : memref<!tpu.dma_semaphore, #tpu.memory_space<semaphore_mem>>) src(%dma_wait3A_111 : memref<256xi32, #tpu.memory_space<hbm>>) dst(%arg6 : memref<256xi32, #tpu.memory_space<vmem>>)
    %mul3A_112 = arith.constant 10000 : i32
    %mul3A_113 = arith.muli %add3A_11, %mul3A_112 : i32
    %broadcast_in_dim3A_114 = vector.broadcast %mul3A_113 : i32 to vector<16xi32>
    %get3A_115 = arith.constant 0 : index
    %get3A_116 = tpu.vector_load %arg6[%get3A_115] {strides = array<i32>} : memref<256xi32, #tpu.memory_space<vmem>>, vector<16xi32>,
    %add3A_117 = arith.addi %get3A_116, %broadcast_in_dim3A_114 : vector<16xi32>
    %swap3A_118 = arith.constant 0 : index
    %swap3A_119 = tpu.vector_load %arg10[%swap3A_118] {strides = array<i32>} : memref<80xi32, #tpu.memory_space<vmem>>, vector<16xi32>,
    tpu.vector_store %arg10[%swap3A_118], %add3A_117 {strides = array<i32>} : memref<80xi32, #tpu.memory_space<vmem>>, vector<16xi32>,
    %get3A_120 = arith.constant 80 : index
    %get3A_121 = tpu.vector_load %arg6[%get3A_120] {strides = array<i32>} : memref<256xi32, #tpu.memory_space<vmem>>, vector<16xi32>,
    %swap3A_122 = arith.constant 0 : index
    %swap3A_123 = tpu.vector_load %arg14[%swap3A_122] {strides = array<i32>} : memref<80xi32, #tpu.memory_space<vmem>>, vector<16xi32>,
    tpu.vector_store %arg14[%swap3A_122], %get3A_121 {strides = array<i32>} : memref<80xi32, #tpu.memory_space<vmem>>, vector<16xi32>,
    %get3A_124 = arith.constant 160 : index
    %get3A_125 = tpu.vector_load %arg6[%get3A_124] {strides = array<i32>} : memref<256xi32, #tpu.memory_space<vmem>>, vector<16xi32>,
    %bitcast3A_126 = vector.bitcast %get3A_125 : vector<16xi32> to vector<16xf32>
    %swap3A_127 = arith.constant 0 : index
    %swap3A_128 = tpu.vector_load %arg22[%swap3A_127] {strides = array<i32>} : memref<80xf32, #tpu.memory_space<vmem>>, vector<16xf32>,
    tpu.vector_store %arg22[%swap3A_127], %bitcast3A_126 {strides = array<i32>} : memref<80xf32, #tpu.memory_space<vmem>>, vector<16xf32>,
    %get3A_129 = arith.constant 16 : index
    %get3A_130 = tpu.vector_load %arg6[%get3A_129] {strides = array<i32>} : memref<256xi32, #tpu.memory_space<vmem>>, vector<16xi32>,
    %add3A_131 = arith.addi %get3A_130, %broadcast_in_dim3A_114 : vector<16xi32>
    %swap3A_132 = arith.constant 16 : index
    %swap3A_133 = tpu.vector_load %arg10[%swap3A_132] {strides = array<i32>} : memref<80xi32, #tpu.memory_space<vmem>>, vector<16xi32>,
    tpu.vector_store %arg10[%swap3A_132], %add3A_131 {strides = array<i32>} : memref<80xi32, #tpu.memory_space<vmem>>, vector<16xi32>,
    %get3A_134 = arith.constant 96 : index
    %get3A_135 = tpu.vector_load %arg6[%get3A_134] {strides = array<i32>} : memref<256xi32, #tpu.memory_space<vmem>>, vector<16xi32>,
    %swap3A_136 = arith.constant 16 : index
    %swap3A_137 = tpu.vector_load %arg14[%swap3A_136] {strides = array<i32>} : memref<80xi32, #tpu.memory_space<vmem>>, vector<16xi32>,
    tpu.vector_store %arg14[%swap3A_136], %get3A_135 {strides = array<i32>} : memref<80xi32, #tpu.memory_space<vmem>>, vector<16xi32>,
    %get3A_138 = arith.constant 176 : index
    %get3A_139 = tpu.vector_load %arg6[%get3A_138] {strides = array<i32>} : memref<256xi32, #tpu.memory_space<vmem>>, vector<16xi32>,
    %bitcast3A_140 = vector.bitcast %get3A_139 : vector<16xi32> to vector<16xf32>
    %swap3A_141 = arith.constant 16 : index
    %swap3A_142 = tpu.vector_load %arg22[%swap3A_141] {strides = array<i32>} : memref<80xf32, #tpu.memory_space<vmem>>, vector<16xf32>,
    tpu.vector_store %arg22[%swap3A_141], %bitcast3A_140 {strides = array<i32>} : memref<80xf32, #tpu.memory_space<vmem>>, vector<16xf32>,
    %get3A_143 = arith.constant 32 : index
    %get3A_144 = tpu.vector_load %arg6[%get3A_143] {strides = array<i32>} : memref<256xi32, #tpu.memory_space<vmem>>, vector<16xi32>,
    %add3A_145 = arith.addi %get3A_144, %broadcast_in_dim3A_114 : vector<16xi32>
    %swap3A_146 = arith.constant 32 : index
    %swap3A_147 = tpu.vector_load %arg10[%swap3A_146] {strides = array<i32>} : memref<80xi32, #tpu.memory_space<vmem>>, vector<16xi32>,
    tpu.vector_store %arg10[%swap3A_146], %add3A_145 {strides = array<i32>} : memref<80xi32, #tpu.memory_space<vmem>>, vector<16xi32>,
    %get3A_148 = arith.constant 112 : index
    %get3A_149 = tpu.vector_load %arg6[%get3A_148] {strides = array<i32>} : memref<256xi32, #tpu.memory_space<vmem>>, vector<16xi32>,
    %swap3A_150 = arith.constant 32 : index
    %swap3A_151 = tpu.vector_load %arg14[%swap3A_150] {strides = array<i32>} : memref<80xi32, #tpu.memory_space<vmem>>, vector<16xi32>,
    tpu.vector_store %arg14[%swap3A_150], %get3A_149 {strides = array<i32>} : memref<80xi32, #tpu.memory_space<vmem>>, vector<16xi32>,
    %get3A_152 = arith.constant 192 : index
    %get3A_153 = tpu.vector_load %arg6[%get3A_152] {strides = array<i32>} : memref<256xi32, #tpu.memory_space<vmem>>, vector<16xi32>,
    %bitcast3A_154 = vector.bitcast %get3A_153 : vector<16xi32> to vector<16xf32>
    %swap3A_155 = arith.constant 32 : index
    %swap3A_156 = tpu.vector_load %arg22[%swap3A_155] {strides = array<i32>} : memref<80xf32, #tpu.memory_space<vmem>>, vector<16xf32>,
    tpu.vector_store %arg22[%swap3A_155], %bitcast3A_154 {strides = array<i32>} : memref<80xf32, #tpu.memory_space<vmem>>, vector<16xf32>,
    %get3A_157 = arith.constant 48 : index
    %get3A_158 = tpu.vector_load %arg6[%get3A_157] {strides = array<i32>} : memref<256xi32, #tpu.memory_space<vmem>>, vector<16xi32>,
    %add3A_159 = arith.addi %get3A_158, %broadcast_in_dim3A_114 : vector<16xi32>
    %swap3A_160 = arith.constant 48 : index
    %swap3A_161 = tpu.vector_load %arg10[%swap3A_160] {strides = array<i32>} : memref<80xi32, #tpu.memory_space<vmem>>, vector<16xi32>,
    tpu.vector_store %arg10[%swap3A_160], %add3A_159 {strides = array<i32>} : memref<80xi32, #tpu.memory_space<vmem>>, vector<16xi32>,
    %get3A_162 = arith.constant 128 : index
    %get3A_163 = tpu.vector_load %arg6[%get3A_162] {strides = array<i32>} : memref<256xi32, #tpu.memory_space<vmem>>, vector<16xi32>,
    %swap3A_164 = arith.constant 48 : index
    %swap3A_165 = tpu.vector_load %arg14[%swap3A_164] {strides = array<i32>} : memref<80xi32, #tpu.memory_space<vmem>>, vector<16xi32>,
    tpu.vector_store %arg14[%swap3A_164], %get3A_163 {strides = array<i32>} : memref<80xi32, #tpu.memory_space<vmem>>, vector<16xi32>,
    %get3A_166 = arith.constant 208 : index
    %get3A_167 = tpu.vector_load %arg6[%get3A_166] {strides = array<i32>} : memref<256xi32, #tpu.memory_space<vmem>>, vector<16xi32>,
    %bitcast3A_168 = vector.bitcast %get3A_167 : vector<16xi32> to vector<16xf32>
    %swap3A_169 = arith.constant 48 : index
    %swap3A_170 = tpu.vector_load %arg22[%swap3A_169] {strides = array<i32>} : memref<80xf32, #tpu.memory_space<vmem>>, vector<16xf32>,
    tpu.vector_store %arg22[%swap3A_169], %bitcast3A_168 {strides = array<i32>} : memref<80xf32, #tpu.memory_space<vmem>>, vector<16xf32>,
    %get3A_171 = arith.constant 64 : index
    %get3A_172 = tpu.vector_load %arg6[%get3A_171] {strides = array<i32>} : memref<256xi32, #tpu.memory_space<vmem>>, vector<16xi32>,
    %add3A_173 = arith.addi %get3A_172, %broadcast_in_dim3A_114 : vector<16xi32>
    %swap3A_174 = arith.constant 64 : index
    %swap3A_175 = tpu.vector_load %arg10[%swap3A_174] {strides = array<i32>} : memref<80xi32, #tpu.memory_space<vmem>>, vector<16xi32>,
    tpu.vector_store %arg10[%swap3A_174], %add3A_173 {strides = array<i32>} : memref<80xi32, #tpu.memory_space<vmem>>, vector<16xi32>,
    %get3A_176 = arith.constant 144 : index
    %get3A_177 = tpu.vector_load %arg6[%get3A_176] {strides = array<i32>} : memref<256xi32, #tpu.memory_space<vmem>>, vector<16xi32>,
    %swap3A_178 = arith.constant 64 : index
    %swap3A_179 = tpu.vector_load %arg14[%swap3A_178] {strides = array<i32>} : memref<80xi32, #tpu.memory_space<vmem>>, vector<16xi32>,
    tpu.vector_store %arg14[%swap3A_178], %get3A_177 {strides = array<i32>} : memref<80xi32, #tpu.memory_space<vmem>>, vector<16xi32>,
    %get3A_180 = arith.constant 224 : index
    %get3A_181 = tpu.vector_load %arg6[%get3A_180] {strides = array<i32>} : memref<256xi32, #tpu.memory_space<vmem>>, vector<16xi32>,
    %bitcast3A_182 = vector.bitcast %get3A_181 : vector<16xi32> to vector<16xf32>
    %swap3A_183 = arith.constant 64 : index
    %swap3A_184 = tpu.vector_load %arg22[%swap3A_183] {strides = array<i32>} : memref<80xf32, #tpu.memory_space<vmem>>, vector<16xf32>,
    tpu.vector_store %arg22[%swap3A_183], %bitcast3A_182 {strides = array<i32>} : memref<80xf32, #tpu.memory_space<vmem>>, vector<16xf32>,
    %dma_start3A_185 = arith.constant 0 : i32
    %dma_start3A_186 = arith.constant 0 : i32
    %dma_start3A_187 = tpu.memref_slice %arg2[%dma_start3A_185, %dma_start3A_186] : memref<10000x128xf32, #tpu.memory_space<hbm>> -> memref<10000x128xf32, #tpu.memory_space<hbm>>
    tpu.enqueue_indirect_dma source(%dma_start3A_187 : memref<10000x128xf32, #tpu.memory_space<hbm>>) target(%arg18 : memref<80x128xf32, #tpu.memory_space<vmem>>) offsets(%arg10 : memref<80xi32, #tpu.memory_space<vmem>>) semaphore(%arg32 : memref<!tpu.dma_semaphore, #tpu.memory_space<semaphore_mem>>)
    %scan3A_188 = arith.constant 0 : i32
    %scan3A_189 = arith.constant 16 : i32
    %scan3A_190 = arith.addi %scan3A_188, %scan3A_189 : i32
    %scan3A_191 = arith.constant 1 : i32
    scf.for %scan3A_231 = %scan3A_188 to %scan3A_190 step %scan3A_191  : i32 {
      %mul3A_232 = arith.constant 1 : i32
      %mul3A_233 = arith.muli %scan3A_231, %mul3A_232 : i32
      %add3A_234 = arith.constant 0 : i32
      %add3A_235 = arith.addi %add3A_234, %mul3A_233 : i32
      %mul3A_236 = arith.constant 16 : i32
      %mul3A_237 = arith.muli %add3A_235, %mul3A_236 : i32
      %add3A_238 = arith.addi %arg1, %mul3A_237 : i32
      %lt3A = arith.constant 250 : i32
      %lt3A_239 = arith.cmpi slt, %add3A_238, %lt3A : i32
      %convert_element_type3A = arith.extui %lt3A_239 : i1 to i32
      %cond3A = arith.constant 0 : i32
      %cond3A_240 = arith.cmpi ne, %convert_element_type3A, %cond3A : i32
      scf.if %cond3A_240 {
        %mul3A_241 = arith.constant 40 : i32
        %mul3A_242 = arith.muli %add3A_238, %mul3A_241 : i32
        "tpu.region"() ({
          %run_scoped3A = tpu.sem_alloc : memref<!tpu.dma_semaphore, #tpu.memory_space<semaphore_mem>>
          %dma_start3A_243 = arith.constant 0 : i32
          %dma_start3A_244 = tpu.memref_slice %arg26[%mul3A_242, %dma_start3A_243] : memref<10000x128xf32, #tpu.memory_space<vmem_shared>> -> memref<40x128xf32, #tpu.memory_space<vmem_shared>>
          %dma_start3A_245 = arith.constant 0 : i32
          %dma_start3A_246 = tpu.memref_slice %arg26[%mul3A_242, %dma_start3A_245] : memref<10000x128xf32, #tpu.memory_space<vmem_shared>> -> memref<40x128xf32, #tpu.memory_space<vmem_shared>>
          tpu.enqueue_dma source(%arg25 : memref<40x128xf32, #tpu.memory_space<vmem>>) target(%dma_start3A_246 : memref<40x128xf32, #tpu.memory_space<vmem_shared>>) target_semaphore(%run_scoped3A : memref<!tpu.dma_semaphore, #tpu.memory_space<semaphore_mem>>)
          %dma_wait3A_247 = arith.constant 0 : i32
          %dma_wait3A_248 = tpu.memref_slice %arg26[%mul3A_242, %dma_wait3A_247] : memref<10000x128xf32, #tpu.memory_space<vmem_shared>> -> memref<40x128xf32, #tpu.memory_space<vmem_shared>>
          %dma_wait3A_249 = arith.constant 0 : i32
          %dma_wait3A_250 = tpu.memref_slice %arg26[%mul3A_242, %dma_wait3A_249] : memref<10000x128xf32, #tpu.memory_space<vmem_shared>> -> memref<40x128xf32, #tpu.memory_space<vmem_shared>>
          tpu.wait_dma2 semaphore(%run_scoped3A : memref<!tpu.dma_semaphore, #tpu.memory_space<semaphore_mem>>) src(%arg25 : memref<40x128xf32, #tpu.memory_space<vmem>>) dst(%dma_wait3A_250 : memref<40x128xf32, #tpu.memory_space<vmem_shared>>)
          tpu.yield
        }) : () -> ()
      } else {
      }
    }
    %scan3A_192 = arith.constant 16 : i32
    %barrier3A = arith.constant 0 : index
    tpu.barrier barrier_id(%barrier3A)
    %scan3A_193 = arith.constant 0 : i32
    %scan3A_194 = arith.constant 31 : i32
    %scan3A_195 = arith.addi %scan3A_193, %scan3A_194 : i32
    %scan3A_196 = arith.constant 1 : i32
    scf.for %scan3A_231 = %scan3A_193 to %scan3A_195 step %scan3A_196  : i32 {
      %mul3A_232 = arith.constant 1 : i32
      %mul3A_233 = arith.muli %scan3A_231, %mul3A_232 : i32
      %add3A_234 = arith.constant 0 : i32
      %add3A_235 = arith.addi %add3A_234, %mul3A_233 : i32
      %mul3A_236 = arith.constant 4 : i32
      %mul3A_237 = arith.muli %add3A_235, %mul3A_236 : i32
      %add3A_238 = arith.constant 0 : i32
      %add3A_239 = arith.addi %mul3A_237, %add3A_238 : i32
      %add3A_240 = arith.constant 3 : i32
      %add3A_241 = arith.addi %add3A_239, %add3A_240 : i32
      %lt3A = arith.constant 125 : i32
      %lt3A_242 = arith.cmpi slt, %add3A_241, %lt3A : i32
      %convert_element_type3A = arith.extui %lt3A_242 : i1 to i32
      %cond3A = arith.constant 0 : i32
      %cond3A_243 = arith.cmpi ne, %convert_element_type3A, %cond3A : i32
      scf.if %cond3A_243 {
        %add3A_335 = arith.constant 3 : i32
        %add3A_336 = arith.addi %add3A_239, %add3A_335 : i32
        %add3A_337 = arith.addi %mul3A_2, %add3A_336 : i32
        %mul3A_338 = arith.constant 256 : i32
        %mul3A_339 = arith.muli %add3A_337, %mul3A_338 : i32
        %dma_start3A_340 = tpu.memref_slice %arg3[%mul3A_339] : memref<1024000xi32, #tpu.memory_space<hbm>> -> memref<256xi32, #tpu.memory_space<hbm>>
        %dma_start3A_341 = tpu.memref_slice %arg3[%mul3A_339] : memref<1024000xi32, #tpu.memory_space<hbm>> -> memref<256xi32, #tpu.memory_space<hbm>>
        tpu.enqueue_dma source(%dma_start3A_341 : memref<256xi32, #tpu.memory_space<hbm>>) target(%arg8 : memref<256xi32, #tpu.memory_space<vmem>>) target_semaphore(%arg30 : memref<!tpu.dma_semaphore, #tpu.memory_space<semaphore_mem>>)
      } else {
      }
      %add3A_244 = arith.constant 2 : i32
      %add3A_245 = arith.addi %add3A_239, %add3A_244 : i32
      %lt3A_246 = arith.constant 125 : i32
      %lt3A_247 = arith.cmpi slt, %add3A_245, %lt3A_246 : i32
      %convert_element_type3A_248 = arith.extui %lt3A_247 : i1 to i32
      %cond3A_249 = arith.constant 0 : i32
      %cond3A_250 = arith.cmpi ne, %convert_element_type3A_248, %cond3A_249 : i32
      scf.if %cond3A_250 {
        %add3A_335 = arith.constant 2 : i32
        %add3A_336 = arith.addi %add3A_239, %add3A_335 : i32
        %add3A_337 = arith.addi %mul3A_2, %add3A_336 : i32
        %mul3A_338 = arith.constant 256 : i32
        %mul3A_339 = arith.muli %add3A_337, %mul3A_338 : i32
        %dma_wait3A_340 = tpu.memref_slice %arg3[%mul3A_339] : memref<1024000xi32, #tpu.memory_space<hbm>> -> memref<256xi32, #tpu.memory_space<hbm>>
        %dma_wait3A_341 = tpu.memref_slice %arg3[%mul3A_339] : memref<1024000xi32, #tpu.memory_space<hbm>> -> memref<256xi32, #tpu.memory_space<hbm>>
        tpu.wait_dma2 semaphore(%arg29 : memref<!tpu.dma_semaphore, #tpu.memory_space<semaphore_mem>>) src(%dma_wait3A_341 : memref<256xi32, #tpu.memory_space<hbm>>) dst(%arg7 : memref<256xi32, #tpu.memory_space<vmem>>)
        %add3A_342 = arith.constant 2 : i32
        %add3A_343 = arith.addi %add3A_239, %add3A_342 : i32
        %ge3A = arith.constant 4 : i32
        %ge3A_344 = arith.cmpi sge, %add3A_343, %ge3A : i32
        %convert_element_type3A_345 = arith.extui %ge3A_344 : i1 to i32
        %cond3A_346 = arith.constant 0 : i32
        %cond3A_347 = arith.cmpi ne, %convert_element_type3A_345, %cond3A_346 : i32
        scf.if %cond3A_347 {
          %dma_wait3A_424 = arith.constant 0 : i32
          %dma_wait3A_425 = arith.constant 0 : i32
          %dma_wait3A_426 = tpu.memref_slice %arg26[%dma_wait3A_424, %dma_wait3A_425] : memref<10000x128xf32, #tpu.memory_space<vmem_shared>> -> memref<10000x128xf32, #tpu.memory_space<vmem_shared>>
          tpu.wait_indirect_dma semaphore(%arg37 : memref<!tpu.dma_semaphore, #tpu.memory_space<semaphore_mem>>) src(%arg19 : memref<80x128xf32, #tpu.memory_space<vmem>>) dst(%dma_wait3A_426 : memref<10000x128xf32, #tpu.memory_space<vmem_shared>>)
        } else {
        }
        %mul3A_348 = arith.constant 10000 : i32
        %mul3A_349 = arith.muli %add3A_11, %mul3A_348 : i32
        %broadcast_in_dim3A_350 = vector.broadcast %mul3A_349 : i32 to vector<16xi32>
        %get3A_351 = arith.constant 0 : index
        %get3A_352 = tpu.vector_load %arg7[%get3A_351] {strides = array<i32>} : memref<256xi32, #tpu.memory_space<vmem>>, vector<16xi32>,
        %add3A_353 = arith.addi %get3A_352, %broadcast_in_dim3A_350 : vector<16xi32>
        %swap3A_354 = arith.constant 0 : index
        %swap3A_355 = tpu.vector_load %arg11[%swap3A_354] {strides = array<i32>} : memref<80xi32, #tpu.memory_space<vmem>>, vector<16xi32>,
        tpu.vector_store %arg11[%swap3A_354], %add3A_353 {strides = array<i32>} : memref<80xi32, #tpu.memory_space<vmem>>, vector<16xi32>,
        %get3A_356 = arith.constant 80 : index
        %get3A_357 = tpu.vector_load %arg7[%get3A_356] {strides = array<i32>} : memref<256xi32, #tpu.memory_space<vmem>>, vector<16xi32>,
        %swap3A_358 = arith.constant 0 : index
        %swap3A_359 = tpu.vector_load %arg15[%swap3A_358] {strides = array<i32>} : memref<80xi32, #tpu.memory_space<vmem>>, vector<16xi32>,
        tpu.vector_store %arg15[%swap3A_358], %get3A_357 {strides = array<i32>} : memref<80xi32, #tpu.memory_space<vmem>>, vector<16xi32>,
        %get3A_360 = arith.constant 160 : index
        %get3A_361 = tpu.vector_load %arg7[%get3A_360] {strides = array<i32>} : memref<256xi32, #tpu.memory_space<vmem>>, vector<16xi32>,
        %bitcast3A_362 = vector.bitcast %get3A_361 : vector<16xi32> to vector<16xf32>
        %swap3A_363 = arith.constant 0 : index
        %swap3A_364 = tpu.vector_load %arg23[%swap3A_363] {strides = array<i32>} : memref<80xf32, #tpu.memory_space<vmem>>, vector<16xf32>,
        tpu.vector_store %arg23[%swap3A_363], %bitcast3A_362 {strides = array<i32>} : memref<80xf32, #tpu.memory_space<vmem>>, vector<16xf32>,
        %get3A_365 = arith.constant 16 : index
        %get3A_366 = tpu.vector_load %arg7[%get3A_365] {strides = array<i32>} : memref<256xi32, #tpu.memory_space<vmem>>, vector<16xi32>,
        %add3A_367 = arith.addi %get3A_366, %broadcast_in_dim3A_350 : vector<16xi32>
        %swap3A_368 = arith.constant 16 : index
        %swap3A_369 = tpu.vector_load %arg11[%swap3A_368] {strides = array<i32>} : memref<80xi32, #tpu.memory_space<vmem>>, vector<16xi32>,
        tpu.vector_store %arg11[%swap3A_368], %add3A_367 {strides = array<i32>} : memref<80xi32, #tpu.memory_space<vmem>>, vector<16xi32>,
        %get3A_370 = arith.constant 96 : index
        %get3A_371 = tpu.vector_load %arg7[%get3A_370] {strides = array<i32>} : memref<256xi32, #tpu.memory_space<vmem>>, vector<16xi32>,
        %swap3A_372 = arith.constant 16 : index
        %swap3A_373 = tpu.vector_load %arg15[%swap3A_372] {strides = array<i32>} : memref<80xi32, #tpu.memory_space<vmem>>, vector<16xi32>,
        tpu.vector_store %arg15[%swap3A_372], %get3A_371 {strides = array<i32>} : memref<80xi32, #tpu.memory_space<vmem>>, vector<16xi32>,
        %get3A_374 = arith.constant 176 : index
        %get3A_375 = tpu.vector_load %arg7[%get3A_374] {strides = array<i32>} : memref<256xi32, #tpu.memory_space<vmem>>, vector<16xi32>,
        %bitcast3A_376 = vector.bitcast %get3A_375 : vector<16xi32> to vector<16xf32>
        %swap3A_377 = arith.constant 16 : index
        %swap3A_378 = tpu.vector_load %arg23[%swap3A_377] {strides = array<i32>} : memref<80xf32, #tpu.memory_space<vmem>>, vector<16xf32>,
        tpu.vector_store %arg23[%swap3A_377], %bitcast3A_376 {strides = array<i32>} : memref<80xf32, #tpu.memory_space<vmem>>, vector<16xf32>,
        %get3A_379 = arith.constant 32 : index
        %get3A_380 = tpu.vector_load %arg7[%get3A_379] {strides = array<i32>} : memref<256xi32, #tpu.memory_space<vmem>>, vector<16xi32>,
        %add3A_381 = arith.addi %get3A_380, %broadcast_in_dim3A_350 : vector<16xi32>
        %swap3A_382 = arith.constant 32 : index
        %swap3A_383 = tpu.vector_load %arg11[%swap3A_382] {strides = array<i32>} : memref<80xi32, #tpu.memory_space<vmem>>, vector<16xi32>,
        tpu.vector_store %arg11[%swap3A_382], %add3A_381 {strides = array<i32>} : memref<80xi32, #tpu.memory_space<vmem>>, vector<16xi32>,
        %get3A_384 = arith.constant 112 : index
        %get3A_385 = tpu.vector_load %arg7[%get3A_384] {strides = array<i32>} : memref<256xi32, #tpu.memory_space<vmem>>, vector<16xi32>,
        %swap3A_386 = arith.constant 32 : index
        %swap3A_387 = tpu.vector_load %arg15[%swap3A_386] {strides = array<i32>} : memref<80xi32, #tpu.memory_space<vmem>>, vector<16xi32>,
        tpu.vector_store %arg15[%swap3A_386], %get3A_385 {strides = array<i32>} : memref<80xi32, #tpu.memory_space<vmem>>, vector<16xi32>,
        %get3A_388 = arith.constant 192 : index
        %get3A_389 = tpu.vector_load %arg7[%get3A_388] {strides = array<i32>} : memref<256xi32, #tpu.memory_space<vmem>>, vector<16xi32>,
        %bitcast3A_390 = vector.bitcast %get3A_389 : vector<16xi32> to vector<16xf32>
        %swap3A_391 = arith.constant 32 : index
        %swap3A_392 = tpu.vector_load %arg23[%swap3A_391] {strides = array<i32>} : memref<80xf32, #tpu.memory_space<vmem>>, vector<16xf32>,
        tpu.vector_store %arg23[%swap3A_391], %bitcast3A_390 {strides = array<i32>} : memref<80xf32, #tpu.memory_space<vmem>>, vector<16xf32>,
        %get3A_393 = arith.constant 48 : index
        %get3A_394 = tpu.vector_load %arg7[%get3A_393] {strides = array<i32>} : memref<256xi32, #tpu.memory_space<vmem>>, vector<16xi32>,
        %add3A_395 = arith.addi %get3A_394, %broadcast_in_dim3A_350 : vector<16xi32>
        %swap3A_396 = arith.constant 48 : index
        %swap3A_397 = tpu.vector_load %arg11[%swap3A_396] {strides = array<i32>} : memref<80xi32, #tpu.memory_space<vmem>>, vector<16xi32>,
        tpu.vector_store %arg11[%swap3A_396], %add3A_395 {strides = array<i32>} : memref<80xi32, #tpu.memory_space<vmem>>, vector<16xi32>,
        %get3A_398 = arith.constant 128 : index
        %get3A_399 = tpu.vector_load %arg7[%get3A_398] {strides = array<i32>} : memref<256xi32, #tpu.memory_space<vmem>>, vector<16xi32>,
        %swap3A_400 = arith.constant 48 : index
        %swap3A_401 = tpu.vector_load %arg15[%swap3A_400] {strides = array<i32>} : memref<80xi32, #tpu.memory_space<vmem>>, vector<16xi32>,
        tpu.vector_store %arg15[%swap3A_400], %get3A_399 {strides = array<i32>} : memref<80xi32, #tpu.memory_space<vmem>>, vector<16xi32>,
        %get3A_402 = arith.constant 208 : index
        %get3A_403 = tpu.vector_load %arg7[%get3A_402] {strides = array<i32>} : memref<256xi32, #tpu.memory_space<vmem>>, vector<16xi32>,
        %bitcast3A_404 = vector.bitcast %get3A_403 : vector<16xi32> to vector<16xf32>
        %swap3A_405 = arith.constant 48 : index
        %swap3A_406 = tpu.vector_load %arg23[%swap3A_405] {strides = array<i32>} : memref<80xf32, #tpu.memory_space<vmem>>, vector<16xf32>,
        tpu.vector_store %arg23[%swap3A_405], %bitcast3A_404 {strides = array<i32>} : memref<80xf32, #tpu.memory_space<vmem>>, vector<16xf32>,
        %get3A_407 = arith.constant 64 : index
        %get3A_408 = tpu.vector_load %arg7[%get3A_407] {strides = array<i32>} : memref<256xi32, #tpu.memory_space<vmem>>, vector<16xi32>,
        %add3A_409 = arith.addi %get3A_408, %broadcast_in_dim3A_350 : vector<16xi32>
        %swap3A_410 = arith.constant 64 : index
        %swap3A_411 = tpu.vector_load %arg11[%swap3A_410] {strides = array<i32>} : memref<80xi32, #tpu.memory_space<vmem>>, vector<16xi32>,
        tpu.vector_store %arg11[%swap3A_410], %add3A_409 {strides = array<i32>} : memref<80xi32, #tpu.memory_space<vmem>>, vector<16xi32>,
        %get3A_412 = arith.constant 144 : index
        %get3A_413 = tpu.vector_load %arg7[%get3A_412] {strides = array<i32>} : memref<256xi32, #tpu.memory_space<vmem>>, vector<16xi32>,
        %swap3A_414 = arith.constant 64 : index
        %swap3A_415 = tpu.vector_load %arg15[%swap3A_414] {strides = array<i32>} : memref<80xi32, #tpu.memory_space<vmem>>, vector<16xi32>,
        tpu.vector_store %arg15[%swap3A_414], %get3A_413 {strides = array<i32>} : memref<80xi32, #tpu.memory_space<vmem>>, vector<16xi32>,
        %get3A_416 = arith.constant 224 : index
        %get3A_417 = tpu.vector_load %arg7[%get3A_416] {strides = array<i32>} : memref<256xi32, #tpu.memory_space<vmem>>, vector<16xi32>,
        %bitcast3A_418 = vector.bitcast %get3A_417 : vector<16xi32> to vector<16xf32>
        %swap3A_419 = arith.constant 64 : index
        %swap3A_420 = tpu.vector_load %arg23[%swap3A_419] {strides = array<i32>} : memref<80xf32, #tpu.memory_space<vmem>>, vector<16xf32>,
        tpu.vector_store %arg23[%swap3A_419], %bitcast3A_418 {strides = array<i32>} : memref<80xf32, #tpu.memory_space<vmem>>, vector<16xf32>,
        %dma_start3A_421 = arith.constant 0 : i32
        %dma_start3A_422 = arith.constant 0 : i32
        %dma_start3A_423 = tpu.memref_slice %arg2[%dma_start3A_421, %dma_start3A_422] : memref<10000x128xf32, #tpu.memory_space<hbm>> -> memref<10000x128xf32, #tpu.memory_space<hbm>>
        tpu.enqueue_indirect_dma source(%dma_start3A_423 : memref<10000x128xf32, #tpu.memory_space<hbm>>) target(%arg19 : memref<80x128xf32, #tpu.memory_space<vmem>>) offsets(%arg11 : memref<80xi32, #tpu.memory_space<vmem>>) semaphore(%arg33 : memref<!tpu.dma_semaphore, #tpu.memory_space<semaphore_mem>>)
      } else {
      }
      %dma_wait3A_251 = arith.constant 0 : i32
      %dma_wait3A_252 = arith.constant 0 : i32
      %dma_wait3A_253 = tpu.memref_slice %arg2[%dma_wait3A_251, %dma_wait3A_252] : memref<10000x128xf32, #tpu.memory_space<hbm>> -> memref<10000x128xf32, #tpu.memory_space<hbm>>
      tpu.wait_indirect_dma semaphore(%arg31 : memref<!tpu.dma_semaphore, #tpu.memory_space<semaphore_mem>>) src(%dma_wait3A_253 : memref<10000x128xf32, #tpu.memory_space<hbm>>) dst(%arg17 : memref<80x128xf32, #tpu.memory_space<vmem>>)
      %parallel_loop3A_254 = arith.constant 0 : i32
      %parallel_loop3A_255 = arith.constant 80 : i32
      %parallel_loop3A_256 = arith.constant 1 : i32
      scf.for %parallel_loop3A_335 = %parallel_loop3A_254 to %parallel_loop3A_255 step %parallel_loop3A_256  : i32 {
        %parallel_loop3A_336 = vector.broadcast %parallel_loop3A_335 : i32 to vector<16xi32>
        %parallel_loop3A_337 = tpu.vector_load_idx %arg21[%parallel_loop3A_336] : memref<80xf32, #tpu.memory_space<vmem>>[vector<16xi32>], vector<16xf32>,
        %parallel_loop3A_338 = arith.index_cast %parallel_loop3A_335 : i32 to index
        %parallel_loop3A_339 = arith.constant 0 : index
        %parallel_loop3A_340 = tpu.vector_load %arg17[%parallel_loop3A_338, %parallel_loop3A_339] {strides = array<i32>} : memref<80x128xf32, #tpu.memory_space<vmem>>, vector<16xf32>,
        %parallel_loop3A_341 = arith.mulf %parallel_loop3A_340, %parallel_loop3A_337 : vector<16xf32>
        %parallel_loop3A_342 = arith.index_cast %parallel_loop3A_335 : i32 to index
        %parallel_loop3A_343 = arith.constant 0 : index
        %parallel_loop3A_344 = tpu.vector_load %arg17[%parallel_loop3A_342, %parallel_loop3A_343] {strides = array<i32>} : memref<80x128xf32, #tpu.memory_space<vmem>>, vector<16xf32>,
        tpu.vector_store %arg17[%parallel_loop3A_342, %parallel_loop3A_343], %parallel_loop3A_341 {strides = array<i32>} : memref<80x128xf32, #tpu.memory_space<vmem>>, vector<16xf32>,
        %parallel_loop3A_345 = arith.index_cast %parallel_loop3A_335 : i32 to index
        %parallel_loop3A_346 = arith.constant 16 : index
        %parallel_loop3A_347 = tpu.vector_load %arg17[%parallel_loop3A_345, %parallel_loop3A_346] {strides = array<i32>} : memref<80x128xf32, #tpu.memory_space<vmem>>, vector<16xf32>,
        %parallel_loop3A_348 = arith.mulf %parallel_loop3A_347, %parallel_loop3A_337 : vector<16xf32>
        %parallel_loop3A_349 = arith.index_cast %parallel_loop3A_335 : i32 to index
        %parallel_loop3A_350 = arith.constant 16 : index
        %parallel_loop3A_351 = tpu.vector_load %arg17[%parallel_loop3A_349, %parallel_loop3A_350] {strides = array<i32>} : memref<80x128xf32, #tpu.memory_space<vmem>>, vector<16xf32>,
        tpu.vector_store %arg17[%parallel_loop3A_349, %parallel_loop3A_350], %parallel_loop3A_348 {strides = array<i32>} : memref<80x128xf32, #tpu.memory_space<vmem>>, vector<16xf32>,
        %parallel_loop3A_352 = arith.index_cast %parallel_loop3A_335 : i32 to index
        %parallel_loop3A_353 = arith.constant 32 : index
        %parallel_loop3A_354 = tpu.vector_load %arg17[%parallel_loop3A_352, %parallel_loop3A_353] {strides = array<i32>} : memref<80x128xf32, #tpu.memory_space<vmem>>, vector<16xf32>,
        %parallel_loop3A_355 = arith.mulf %parallel_loop3A_354, %parallel_loop3A_337 : vector<16xf32>
        %parallel_loop3A_356 = arith.index_cast %parallel_loop3A_335 : i32 to index
        %parallel_loop3A_357 = arith.constant 32 : index
        %parallel_loop3A_358 = tpu.vector_load %arg17[%parallel_loop3A_356, %parallel_loop3A_357] {strides = array<i32>} : memref<80x128xf32, #tpu.memory_space<vmem>>, vector<16xf32>,
        tpu.vector_store %arg17[%parallel_loop3A_356, %parallel_loop3A_357], %parallel_loop3A_355 {strides = array<i32>} : memref<80x128xf32, #tpu.memory_space<vmem>>, vector<16xf32>,
        %parallel_loop3A_359 = arith.index_cast %parallel_loop3A_335 : i32 to index
        %parallel_loop3A_360 = arith.constant 48 : index
        %parallel_loop3A_361 = tpu.vector_load %arg17[%parallel_loop3A_359, %parallel_loop3A_360] {strides = array<i32>} : memref<80x128xf32, #tpu.memory_space<vmem>>, vector<16xf32>,
        %parallel_loop3A_362 = arith.mulf %parallel_loop3A_361, %parallel_loop3A_337 : vector<16xf32>
        %parallel_loop3A_363 = arith.index_cast %parallel_loop3A_335 : i32 to index
        %parallel_loop3A_364 = arith.constant 48 : index
        %parallel_loop3A_365 = tpu.vector_load %arg17[%parallel_loop3A_363, %parallel_loop3A_364] {strides = array<i32>} : memref<80x128xf32, #tpu.memory_space<vmem>>, vector<16xf32>,
        tpu.vector_store %arg17[%parallel_loop3A_363, %parallel_loop3A_364], %parallel_loop3A_362 {strides = array<i32>} : memref<80x128xf32, #tpu.memory_space<vmem>>, vector<16xf32>,
        %parallel_loop3A_366 = arith.index_cast %parallel_loop3A_335 : i32 to index
        %parallel_loop3A_367 = arith.constant 64 : index
        %parallel_loop3A_368 = tpu.vector_load %arg17[%parallel_loop3A_366, %parallel_loop3A_367] {strides = array<i32>} : memref<80x128xf32, #tpu.memory_space<vmem>>, vector<16xf32>,
        %parallel_loop3A_369 = arith.mulf %parallel_loop3A_368, %parallel_loop3A_337 : vector<16xf32>
        %parallel_loop3A_370 = arith.index_cast %parallel_loop3A_335 : i32 to index
        %parallel_loop3A_371 = arith.constant 64 : index
        %parallel_loop3A_372 = tpu.vector_load %arg17[%parallel_loop3A_370, %parallel_loop3A_371] {strides = array<i32>} : memref<80x128xf32, #tpu.memory_space<vmem>>, vector<16xf32>,
        tpu.vector_store %arg17[%parallel_loop3A_370, %parallel_loop3A_371], %parallel_loop3A_369 {strides = array<i32>} : memref<80x128xf32, #tpu.memory_space<vmem>>, vector<16xf32>,
        %parallel_loop3A_373 = arith.index_cast %parallel_loop3A_335 : i32 to index
        %parallel_loop3A_374 = arith.constant 80 : index
        %parallel_loop3A_375 = tpu.vector_load %arg17[%parallel_loop3A_373, %parallel_loop3A_374] {strides = array<i32>} : memref<80x128xf32, #tpu.memory_space<vmem>>, vector<16xf32>,
        %parallel_loop3A_376 = arith.mulf %parallel_loop3A_375, %parallel_loop3A_337 : vector<16xf32>
        %parallel_loop3A_377 = arith.index_cast %parallel_loop3A_335 : i32 to index
        %parallel_loop3A_378 = arith.constant 80 : index
        %parallel_loop3A_379 = tpu.vector_load %arg17[%parallel_loop3A_377, %parallel_loop3A_378] {strides = array<i32>} : memref<80x128xf32, #tpu.memory_space<vmem>>, vector<16xf32>,
        tpu.vector_store %arg17[%parallel_loop3A_377, %parallel_loop3A_378], %parallel_loop3A_376 {strides = array<i32>} : memref<80x128xf32, #tpu.memory_space<vmem>>, vector<16xf32>,
        %parallel_loop3A_380 = arith.index_cast %parallel_loop3A_335 : i32 to index
        %parallel_loop3A_381 = arith.constant 96 : index
        %parallel_loop3A_382 = tpu.vector_load %arg17[%parallel_loop3A_380, %parallel_loop3A_381] {strides = array<i32>} : memref<80x128xf32, #tpu.memory_space<vmem>>, vector<16xf32>,
        %parallel_loop3A_383 = arith.mulf %parallel_loop3A_382, %parallel_loop3A_337 : vector<16xf32>
        %parallel_loop3A_384 = arith.index_cast %parallel_loop3A_335 : i32 to index
        %parallel_loop3A_385 = arith.constant 96 : index
        %parallel_loop3A_386 = tpu.vector_load %arg17[%parallel_loop3A_384, %parallel_loop3A_385] {strides = array<i32>} : memref<80x128xf32, #tpu.memory_space<vmem>>, vector<16xf32>,
        tpu.vector_store %arg17[%parallel_loop3A_384, %parallel_loop3A_385], %parallel_loop3A_383 {strides = array<i32>} : memref<80x128xf32, #tpu.memory_space<vmem>>, vector<16xf32>,
        %parallel_loop3A_387 = arith.index_cast %parallel_loop3A_335 : i32 to index
        %parallel_loop3A_388 = arith.constant 112 : index
        %parallel_loop3A_389 = tpu.vector_load %arg17[%parallel_loop3A_387, %parallel_loop3A_388] {strides = array<i32>} : memref<80x128xf32, #tpu.memory_space<vmem>>, vector<16xf32>,
        %parallel_loop3A_390 = arith.mulf %parallel_loop3A_389, %parallel_loop3A_337 : vector<16xf32>
        %parallel_loop3A_391 = arith.index_cast %parallel_loop3A_335 : i32 to index
        %parallel_loop3A_392 = arith.constant 112 : index
        %parallel_loop3A_393 = tpu.vector_load %arg17[%parallel_loop3A_391, %parallel_loop3A_392] {strides = array<i32>} : memref<80x128xf32, #tpu.memory_space<vmem>>, vector<16xf32>,
        tpu.vector_store %arg17[%parallel_loop3A_391, %parallel_loop3A_392], %parallel_loop3A_390 {strides = array<i32>} : memref<80x128xf32, #tpu.memory_space<vmem>>, vector<16xf32>,
      } {sc.loop_unroll_factor = 4 : i64, sc.parallel_access}
      %dma_start3A_257 = arith.constant 0 : i32
      %dma_start3A_258 = arith.constant 0 : i32
      %dma_start3A_259 = tpu.memref_slice %arg26[%dma_start3A_257, %dma_start3A_258] : memref<10000x128xf32, #tpu.memory_space<vmem_shared>> -> memref<10000x128xf32, #tpu.memory_space<vmem_shared>>
      tpu.enqueue_indirect_dma source(%arg17 : memref<80x128xf32, #tpu.memory_space<vmem>>) target(%dma_start3A_259 : memref<10000x128xf32, #tpu.memory_space<vmem_shared>>) offsets(%arg13 : memref<80xi32, #tpu.memory_space<vmem>>) semaphore(%arg35 : memref<!tpu.dma_semaphore, #tpu.memory_space<semaphore_mem>>) {add = true}
      %add3A_260 = arith.constant 1 : i32
      %add3A_261 = arith.addi %mul3A_237, %add3A_260 : i32
      %add3A_262 = arith.constant 3 : i32
      %add3A_263 = arith.addi %add3A_261, %add3A_262 : i32
      %lt3A_264 = arith.constant 125 : i32
      %lt3A_265 = arith.cmpi slt, %add3A_263, %lt3A_264 : i32
      %convert_element_type3A_266 = arith.extui %lt3A_265 : i1 to i32
      %cond3A_267 = arith.constant 0 : i32
      %cond3A_268 = arith.cmpi ne, %convert_element_type3A_266, %cond3A_267 : i32
      scf.if %cond3A_268 {
        %add3A_335 = arith.constant 3 : i32
        %add3A_336 = arith.addi %add3A_261, %add3A_335 : i32
        %add3A_337 = arith.addi %mul3A_2, %add3A_336 : i32
        %mul3A_338 = arith.constant 256 : i32
        %mul3A_339 = arith.muli %add3A_337, %mul3A_338 : i32
        %dma_start3A_340 = tpu.memref_slice %arg3[%mul3A_339] : memref<1024000xi32, #tpu.memory_space<hbm>> -> memref<256xi32, #tpu.memory_space<hbm>>
        %dma_start3A_341 = tpu.memref_slice %arg3[%mul3A_339] : memref<1024000xi32, #tpu.memory_space<hbm>> -> memref<256xi32, #tpu.memory_space<hbm>>
        tpu.enqueue_dma source(%dma_start3A_341 : memref<256xi32, #tpu.memory_space<hbm>>) target(%arg5 : memref<256xi32, #tpu.memory_space<vmem>>) target_semaphore(%arg27 : memref<!tpu.dma_semaphore, #tpu.memory_space<semaphore_mem>>)
      } else {
      }
      %add3A_269 = arith.constant 2 : i32
      %add3A_270 = arith.addi %add3A_261, %add3A_269 : i32
      %lt3A_271 = arith.constant 125 : i32
      %lt3A_272 = arith.cmpi slt, %add3A_270, %lt3A_271 : i32
      %convert_element_type3A_273 = arith.extui %lt3A_272 : i1 to i32
      %cond3A_274 = arith.constant 0 : i32
      %cond3A_275 = arith.cmpi ne, %convert_element_type3A_273, %cond3A_274 : i32
      scf.if %cond3A_275 {
        %add3A_335 = arith.constant 2 : i32
        %add3A_336 = arith.addi %add3A_261, %add3A_335 : i32
        %add3A_337 = arith.addi %mul3A_2, %add3A_336 : i32
        %mul3A_338 = arith.constant 256 : i32
        %mul3A_339 = arith.muli %add3A_337, %mul3A_338 : i32
        %dma_wait3A_340 = tpu.memref_slice %arg3[%mul3A_339] : memref<1024000xi32, #tpu.memory_space<hbm>> -> memref<256xi32, #tpu.memory_space<hbm>>
        %dma_wait3A_341 = tpu.memref_slice %arg3[%mul3A_339] : memref<1024000xi32, #tpu.memory_space<hbm>> -> memref<256xi32, #tpu.memory_space<hbm>>
        tpu.wait_dma2 semaphore(%arg30 : memref<!tpu.dma_semaphore, #tpu.memory_space<semaphore_mem>>) src(%dma_wait3A_341 : memref<256xi32, #tpu.memory_space<hbm>>) dst(%arg8 : memref<256xi32, #tpu.memory_space<vmem>>)
        %add3A_342 = arith.constant 2 : i32
        %add3A_343 = arith.addi %add3A_261, %add3A_342 : i32
        %ge3A = arith.constant 4 : i32
        %ge3A_344 = arith.cmpi sge, %add3A_343, %ge3A : i32
        %convert_element_type3A_345 = arith.extui %ge3A_344 : i1 to i32
        %cond3A_346 = arith.constant 0 : i32
        %cond3A_347 = arith.cmpi ne, %convert_element_type3A_345, %cond3A_346 : i32
        scf.if %cond3A_347 {
          %dma_wait3A_424 = arith.constant 0 : i32
          %dma_wait3A_425 = arith.constant 0 : i32
          %dma_wait3A_426 = tpu.memref_slice %arg26[%dma_wait3A_424, %dma_wait3A_425] : memref<10000x128xf32, #tpu.memory_space<vmem_shared>> -> memref<10000x128xf32, #tpu.memory_space<vmem_shared>>
          tpu.wait_indirect_dma semaphore(%arg38 : memref<!tpu.dma_semaphore, #tpu.memory_space<semaphore_mem>>) src(%arg20 : memref<80x128xf32, #tpu.memory_space<vmem>>) dst(%dma_wait3A_426 : memref<10000x128xf32, #tpu.memory_space<vmem_shared>>)
        } else {
        }
        %mul3A_348 = arith.constant 10000 : i32
        %mul3A_349 = arith.muli %add3A_11, %mul3A_348 : i32
        %broadcast_in_dim3A_350 = vector.broadcast %mul3A_349 : i32 to vector<16xi32>
        %get3A_351 = arith.constant 0 : index
        %get3A_352 = tpu.vector_load %arg8[%get3A_351] {strides = array<i32>} : memref<256xi32, #tpu.memory_space<vmem>>, vector<16xi32>,
        %add3A_353 = arith.addi %get3A_352, %broadcast_in_dim3A_350 : vector<16xi32>
        %swap3A_354 = arith.constant 0 : index
        %swap3A_355 = tpu.vector_load %arg12[%swap3A_354] {strides = array<i32>} : memref<80xi32, #tpu.memory_space<vmem>>, vector<16xi32>,
        tpu.vector_store %arg12[%swap3A_354], %add3A_353 {strides = array<i32>} : memref<80xi32, #tpu.memory_space<vmem>>, vector<16xi32>,
        %get3A_356 = arith.constant 80 : index
        %get3A_357 = tpu.vector_load %arg8[%get3A_356] {strides = array<i32>} : memref<256xi32, #tpu.memory_space<vmem>>, vector<16xi32>,
        %swap3A_358 = arith.constant 0 : index
        %swap3A_359 = tpu.vector_load %arg16[%swap3A_358] {strides = array<i32>} : memref<80xi32, #tpu.memory_space<vmem>>, vector<16xi32>,
        tpu.vector_store %arg16[%swap3A_358], %get3A_357 {strides = array<i32>} : memref<80xi32, #tpu.memory_space<vmem>>, vector<16xi32>,
        %get3A_360 = arith.constant 160 : index
        %get3A_361 = tpu.vector_load %arg8[%get3A_360] {strides = array<i32>} : memref<256xi32, #tpu.memory_space<vmem>>, vector<16xi32>,
        %bitcast3A_362 = vector.bitcast %get3A_361 : vector<16xi32> to vector<16xf32>
        %swap3A_363 = arith.constant 0 : index
        %swap3A_364 = tpu.vector_load %arg24[%swap3A_363] {strides = array<i32>} : memref<80xf32, #tpu.memory_space<vmem>>, vector<16xf32>,
        tpu.vector_store %arg24[%swap3A_363], %bitcast3A_362 {strides = array<i32>} : memref<80xf32, #tpu.memory_space<vmem>>, vector<16xf32>,
        %get3A_365 = arith.constant 16 : index
        %get3A_366 = tpu.vector_load %arg8[%get3A_365] {strides = array<i32>} : memref<256xi32, #tpu.memory_space<vmem>>, vector<16xi32>,
        %add3A_367 = arith.addi %get3A_366, %broadcast_in_dim3A_350 : vector<16xi32>
        %swap3A_368 = arith.constant 16 : index
        %swap3A_369 = tpu.vector_load %arg12[%swap3A_368] {strides = array<i32>} : memref<80xi32, #tpu.memory_space<vmem>>, vector<16xi32>,
        tpu.vector_store %arg12[%swap3A_368], %add3A_367 {strides = array<i32>} : memref<80xi32, #tpu.memory_space<vmem>>, vector<16xi32>,
        %get3A_370 = arith.constant 96 : index
        %get3A_371 = tpu.vector_load %arg8[%get3A_370] {strides = array<i32>} : memref<256xi32, #tpu.memory_space<vmem>>, vector<16xi32>,
        %swap3A_372 = arith.constant 16 : index
        %swap3A_373 = tpu.vector_load %arg16[%swap3A_372] {strides = array<i32>} : memref<80xi32, #tpu.memory_space<vmem>>, vector<16xi32>,
        tpu.vector_store %arg16[%swap3A_372], %get3A_371 {strides = array<i32>} : memref<80xi32, #tpu.memory_space<vmem>>, vector<16xi32>,
        %get3A_374 = arith.constant 176 : index
        %get3A_375 = tpu.vector_load %arg8[%get3A_374] {strides = array<i32>} : memref<256xi32, #tpu.memory_space<vmem>>, vector<16xi32>,
        %bitcast3A_376 = vector.bitcast %get3A_375 : vector<16xi32> to vector<16xf32>
        %swap3A_377 = arith.constant 16 : index
        %swap3A_378 = tpu.vector_load %arg24[%swap3A_377] {strides = array<i32>} : memref<80xf32, #tpu.memory_space<vmem>>, vector<16xf32>,
        tpu.vector_store %arg24[%swap3A_377], %bitcast3A_376 {strides = array<i32>} : memref<80xf32, #tpu.memory_space<vmem>>, vector<16xf32>,
        %get3A_379 = arith.constant 32 : index
        %get3A_380 = tpu.vector_load %arg8[%get3A_379] {strides = array<i32>} : memref<256xi32, #tpu.memory_space<vmem>>, vector<16xi32>,
        %add3A_381 = arith.addi %get3A_380, %broadcast_in_dim3A_350 : vector<16xi32>
        %swap3A_382 = arith.constant 32 : index
        %swap3A_383 = tpu.vector_load %arg12[%swap3A_382] {strides = array<i32>} : memref<80xi32, #tpu.memory_space<vmem>>, vector<16xi32>,
        tpu.vector_store %arg12[%swap3A_382], %add3A_381 {strides = array<i32>} : memref<80xi32, #tpu.memory_space<vmem>>, vector<16xi32>,
        %get3A_384 = arith.constant 112 : index
        %get3A_385 = tpu.vector_load %arg8[%get3A_384] {strides = array<i32>} : memref<256xi32, #tpu.memory_space<vmem>>, vector<16xi32>,
        %swap3A_386 = arith.constant 32 : index
        %swap3A_387 = tpu.vector_load %arg16[%swap3A_386] {strides = array<i32>} : memref<80xi32, #tpu.memory_space<vmem>>, vector<16xi32>,
        tpu.vector_store %arg16[%swap3A_386], %get3A_385 {strides = array<i32>} : memref<80xi32, #tpu.memory_space<vmem>>, vector<16xi32>,
        %get3A_388 = arith.constant 192 : index
        %get3A_389 = tpu.vector_load %arg8[%get3A_388] {strides = array<i32>} : memref<256xi32, #tpu.memory_space<vmem>>, vector<16xi32>,
        %bitcast3A_390 = vector.bitcast %get3A_389 : vector<16xi32> to vector<16xf32>
        %swap3A_391 = arith.constant 32 : index
        %swap3A_392 = tpu.vector_load %arg24[%swap3A_391] {strides = array<i32>} : memref<80xf32, #tpu.memory_space<vmem>>, vector<16xf32>,
        tpu.vector_store %arg24[%swap3A_391], %bitcast3A_390 {strides = array<i32>} : memref<80xf32, #tpu.memory_space<vmem>>, vector<16xf32>,
        %get3A_393 = arith.constant 48 : index
        %get3A_394 = tpu.vector_load %arg8[%get3A_393] {strides = array<i32>} : memref<256xi32, #tpu.memory_space<vmem>>, vector<16xi32>,
        %add3A_395 = arith.addi %get3A_394, %broadcast_in_dim3A_350 : vector<16xi32>
        %swap3A_396 = arith.constant 48 : index
        %swap3A_397 = tpu.vector_load %arg12[%swap3A_396] {strides = array<i32>} : memref<80xi32, #tpu.memory_space<vmem>>, vector<16xi32>,
        tpu.vector_store %arg12[%swap3A_396], %add3A_395 {strides = array<i32>} : memref<80xi32, #tpu.memory_space<vmem>>, vector<16xi32>,
        %get3A_398 = arith.constant 128 : index
        %get3A_399 = tpu.vector_load %arg8[%get3A_398] {strides = array<i32>} : memref<256xi32, #tpu.memory_space<vmem>>, vector<16xi32>,
        %swap3A_400 = arith.constant 48 : index
        %swap3A_401 = tpu.vector_load %arg16[%swap3A_400] {strides = array<i32>} : memref<80xi32, #tpu.memory_space<vmem>>, vector<16xi32>,
        tpu.vector_store %arg16[%swap3A_400], %get3A_399 {strides = array<i32>} : memref<80xi32, #tpu.memory_space<vmem>>, vector<16xi32>,
        %get3A_402 = arith.constant 208 : index
        %get3A_403 = tpu.vector_load %arg8[%get3A_402] {strides = array<i32>} : memref<256xi32, #tpu.memory_space<vmem>>, vector<16xi32>,
        %bitcast3A_404 = vector.bitcast %get3A_403 : vector<16xi32> to vector<16xf32>
        %swap3A_405 = arith.constant 48 : index
        %swap3A_406 = tpu.vector_load %arg24[%swap3A_405] {strides = array<i32>} : memref<80xf32, #tpu.memory_space<vmem>>, vector<16xf32>,
        tpu.vector_store %arg24[%swap3A_405], %bitcast3A_404 {strides = array<i32>} : memref<80xf32, #tpu.memory_space<vmem>>, vector<16xf32>,
        %get3A_407 = arith.constant 64 : index
        %get3A_408 = tpu.vector_load %arg8[%get3A_407] {strides = array<i32>} : memref<256xi32, #tpu.memory_space<vmem>>, vector<16xi32>,
        %add3A_409 = arith.addi %get3A_408, %broadcast_in_dim3A_350 : vector<16xi32>
        %swap3A_410 = arith.constant 64 : index
        %swap3A_411 = tpu.vector_load %arg12[%swap3A_410] {strides = array<i32>} : memref<80xi32, #tpu.memory_space<vmem>>, vector<16xi32>,
        tpu.vector_store %arg12[%swap3A_410], %add3A_409 {strides = array<i32>} : memref<80xi32, #tpu.memory_space<vmem>>, vector<16xi32>,
        %get3A_412 = arith.constant 144 : index
        %get3A_413 = tpu.vector_load %arg8[%get3A_412] {strides = array<i32>} : memref<256xi32, #tpu.memory_space<vmem>>, vector<16xi32>,
        %swap3A_414 = arith.constant 64 : index
        %swap3A_415 = tpu.vector_load %arg16[%swap3A_414] {strides = array<i32>} : memref<80xi32, #tpu.memory_space<vmem>>, vector<16xi32>,
        tpu.vector_store %arg16[%swap3A_414], %get3A_413 {strides = array<i32>} : memref<80xi32, #tpu.memory_space<vmem>>, vector<16xi32>,
        %get3A_416 = arith.constant 224 : index
        %get3A_417 = tpu.vector_load %arg8[%get3A_416] {strides = array<i32>} : memref<256xi32, #tpu.memory_space<vmem>>, vector<16xi32>,
        %bitcast3A_418 = vector.bitcast %get3A_417 : vector<16xi32> to vector<16xf32>
        %swap3A_419 = arith.constant 64 : index
        %swap3A_420 = tpu.vector_load %arg24[%swap3A_419] {strides = array<i32>} : memref<80xf32, #tpu.memory_space<vmem>>, vector<16xf32>,
        tpu.vector_store %arg24[%swap3A_419], %bitcast3A_418 {strides = array<i32>} : memref<80xf32, #tpu.memory_space<vmem>>, vector<16xf32>,
        %dma_start3A_421 = arith.constant 0 : i32
        %dma_start3A_422 = arith.constant 0 : i32
        %dma_start3A_423 = tpu.memref_slice %arg2[%dma_start3A_421, %dma_start3A_422] : memref<10000x128xf32, #tpu.memory_space<hbm>> -> memref<10000x128xf32, #tpu.memory_space<hbm>>
        tpu.enqueue_indirect_dma source(%dma_start3A_423 : memref<10000x128xf32, #tpu.memory_space<hbm>>) target(%arg20 : memref<80x128xf32, #tpu.memory_space<vmem>>) offsets(%arg12 : memref<80xi32, #tpu.memory_space<vmem>>) semaphore(%arg34 : memref<!tpu.dma_semaphore, #tpu.memory_space<semaphore_mem>>)
      } else {
      }
      %dma_wait3A_276 = arith.constant 0 : i32
      %dma_wait3A_277 = arith.constant 0 : i32
      %dma_wait3A_278 = tpu.memref_slice %arg2[%dma_wait3A_276, %dma_wait3A_277] : memref<10000x128xf32, #tpu.memory_space<hbm>> -> memref<10000x128xf32, #tpu.memory_space<hbm>>
      tpu.wait_indirect_dma semaphore(%arg32 : memref<!tpu.dma_semaphore, #tpu.memory_space<semaphore_mem>>) src(%dma_wait3A_278 : memref<10000x128xf32, #tpu.memory_space<hbm>>) dst(%arg18 : memref<80x128xf32, #tpu.memory_space<vmem>>)
      %parallel_loop3A_279 = arith.constant 0 : i32
      %parallel_loop3A_280 = arith.constant 80 : i32
      %parallel_loop3A_281 = arith.constant 1 : i32
      scf.for %parallel_loop3A_335 = %parallel_loop3A_279 to %parallel_loop3A_280 step %parallel_loop3A_281  : i32 {
        %parallel_loop3A_336 = vector.broadcast %parallel_loop3A_335 : i32 to vector<16xi32>
        %parallel_loop3A_337 = tpu.vector_load_idx %arg22[%parallel_loop3A_336] : memref<80xf32, #tpu.memory_space<vmem>>[vector<16xi32>], vector<16xf32>,
        %parallel_loop3A_338 = arith.index_cast %parallel_loop3A_335 : i32 to index
        %parallel_loop3A_339 = arith.constant 0 : index
        %parallel_loop3A_340 = tpu.vector_load %arg18[%parallel_loop3A_338, %parallel_loop3A_339] {strides = array<i32>} : memref<80x128xf32, #tpu.memory_space<vmem>>, vector<16xf32>,
        %parallel_loop3A_341 = arith.mulf %parallel_loop3A_340, %parallel_loop3A_337 : vector<16xf32>
        %parallel_loop3A_342 = arith.index_cast %parallel_loop3A_335 : i32 to index
        %parallel_loop3A_343 = arith.constant 0 : index
        %parallel_loop3A_344 = tpu.vector_load %arg18[%parallel_loop3A_342, %parallel_loop3A_343] {strides = array<i32>} : memref<80x128xf32, #tpu.memory_space<vmem>>, vector<16xf32>,
        tpu.vector_store %arg18[%parallel_loop3A_342, %parallel_loop3A_343], %parallel_loop3A_341 {strides = array<i32>} : memref<80x128xf32, #tpu.memory_space<vmem>>, vector<16xf32>,
        %parallel_loop3A_345 = arith.index_cast %parallel_loop3A_335 : i32 to index
        %parallel_loop3A_346 = arith.constant 16 : index
        %parallel_loop3A_347 = tpu.vector_load %arg18[%parallel_loop3A_345, %parallel_loop3A_346] {strides = array<i32>} : memref<80x128xf32, #tpu.memory_space<vmem>>, vector<16xf32>,
        %parallel_loop3A_348 = arith.mulf %parallel_loop3A_347, %parallel_loop3A_337 : vector<16xf32>
        %parallel_loop3A_349 = arith.index_cast %parallel_loop3A_335 : i32 to index
        %parallel_loop3A_350 = arith.constant 16 : index
        %parallel_loop3A_351 = tpu.vector_load %arg18[%parallel_loop3A_349, %parallel_loop3A_350] {strides = array<i32>} : memref<80x128xf32, #tpu.memory_space<vmem>>, vector<16xf32>,
        tpu.vector_store %arg18[%parallel_loop3A_349, %parallel_loop3A_350], %parallel_loop3A_348 {strides = array<i32>} : memref<80x128xf32, #tpu.memory_space<vmem>>, vector<16xf32>,
        %parallel_loop3A_352 = arith.index_cast %parallel_loop3A_335 : i32 to index
        %parallel_loop3A_353 = arith.constant 32 : index
        %parallel_loop3A_354 = tpu.vector_load %arg18[%parallel_loop3A_352, %parallel_loop3A_353] {strides = array<i32>} : memref<80x128xf32, #tpu.memory_space<vmem>>, vector<16xf32>,
        %parallel_loop3A_355 = arith.mulf %parallel_loop3A_354, %parallel_loop3A_337 : vector<16xf32>
        %parallel_loop3A_356 = arith.index_cast %parallel_loop3A_335 : i32 to index
        %parallel_loop3A_357 = arith.constant 32 : index
        %parallel_loop3A_358 = tpu.vector_load %arg18[%parallel_loop3A_356, %parallel_loop3A_357] {strides = array<i32>} : memref<80x128xf32, #tpu.memory_space<vmem>>, vector<16xf32>,
        tpu.vector_store %arg18[%parallel_loop3A_356, %parallel_loop3A_357], %parallel_loop3A_355 {strides = array<i32>} : memref<80x128xf32, #tpu.memory_space<vmem>>, vector<16xf32>,
        %parallel_loop3A_359 = arith.index_cast %parallel_loop3A_335 : i32 to index
        %parallel_loop3A_360 = arith.constant 48 : index
        %parallel_loop3A_361 = tpu.vector_load %arg18[%parallel_loop3A_359, %parallel_loop3A_360] {strides = array<i32>} : memref<80x128xf32, #tpu.memory_space<vmem>>, vector<16xf32>,
        %parallel_loop3A_362 = arith.mulf %parallel_loop3A_361, %parallel_loop3A_337 : vector<16xf32>
        %parallel_loop3A_363 = arith.index_cast %parallel_loop3A_335 : i32 to index
        %parallel_loop3A_364 = arith.constant 48 : index
        %parallel_loop3A_365 = tpu.vector_load %arg18[%parallel_loop3A_363, %parallel_loop3A_364] {strides = array<i32>} : memref<80x128xf32, #tpu.memory_space<vmem>>, vector<16xf32>,
        tpu.vector_store %arg18[%parallel_loop3A_363, %parallel_loop3A_364], %parallel_loop3A_362 {strides = array<i32>} : memref<80x128xf32, #tpu.memory_space<vmem>>, vector<16xf32>,
        %parallel_loop3A_366 = arith.index_cast %parallel_loop3A_335 : i32 to index
        %parallel_loop3A_367 = arith.constant 64 : index
        %parallel_loop3A_368 = tpu.vector_load %arg18[%parallel_loop3A_366, %parallel_loop3A_367] {strides = array<i32>} : memref<80x128xf32, #tpu.memory_space<vmem>>, vector<16xf32>,
        %parallel_loop3A_369 = arith.mulf %parallel_loop3A_368, %parallel_loop3A_337 : vector<16xf32>
        %parallel_loop3A_370 = arith.index_cast %parallel_loop3A_335 : i32 to index
        %parallel_loop3A_371 = arith.constant 64 : index
        %parallel_loop3A_372 = tpu.vector_load %arg18[%parallel_loop3A_370, %parallel_loop3A_371] {strides = array<i32>} : memref<80x128xf32, #tpu.memory_space<vmem>>, vector<16xf32>,
        tpu.vector_store %arg18[%parallel_loop3A_370, %parallel_loop3A_371], %parallel_loop3A_369 {strides = array<i32>} : memref<80x128xf32, #tpu.memory_space<vmem>>, vector<16xf32>,
        %parallel_loop3A_373 = arith.index_cast %parallel_loop3A_335 : i32 to index
        %parallel_loop3A_374 = arith.constant 80 : index
        %parallel_loop3A_375 = tpu.vector_load %arg18[%parallel_loop3A_373, %parallel_loop3A_374] {strides = array<i32>} : memref<80x128xf32, #tpu.memory_space<vmem>>, vector<16xf32>,
        %parallel_loop3A_376 = arith.mulf %parallel_loop3A_375, %parallel_loop3A_337 : vector<16xf32>
        %parallel_loop3A_377 = arith.index_cast %parallel_loop3A_335 : i32 to index
        %parallel_loop3A_378 = arith.constant 80 : index
        %parallel_loop3A_379 = tpu.vector_load %arg18[%parallel_loop3A_377, %parallel_loop3A_378] {strides = array<i32>} : memref<80x128xf32, #tpu.memory_space<vmem>>, vector<16xf32>,
        tpu.vector_store %arg18[%parallel_loop3A_377, %parallel_loop3A_378], %parallel_loop3A_376 {strides = array<i32>} : memref<80x128xf32, #tpu.memory_space<vmem>>, vector<16xf32>,
        %parallel_loop3A_380 = arith.index_cast %parallel_loop3A_335 : i32 to index
        %parallel_loop3A_381 = arith.constant 96 : index
        %parallel_loop3A_382 = tpu.vector_load %arg18[%parallel_loop3A_380, %parallel_loop3A_381] {strides = array<i32>} : memref<80x128xf32, #tpu.memory_space<vmem>>, vector<16xf32>,
        %parallel_loop3A_383 = arith.mulf %parallel_loop3A_382, %parallel_loop3A_337 : vector<16xf32>
        %parallel_loop3A_384 = arith.index_cast %parallel_loop3A_335 : i32 to index
        %parallel_loop3A_385 = arith.constant 96 : index
        %parallel_loop3A_386 = tpu.vector_load %arg18[%parallel_loop3A_384, %parallel_loop3A_385] {strides = array<i32>} : memref<80x128xf32, #tpu.memory_space<vmem>>, vector<16xf32>,
        tpu.vector_store %arg18[%parallel_loop3A_384, %parallel_loop3A_385], %parallel_loop3A_383 {strides = array<i32>} : memref<80x128xf32, #tpu.memory_space<vmem>>, vector<16xf32>,
        %parallel_loop3A_387 = arith.index_cast %parallel_loop3A_335 : i32 to index
        %parallel_loop3A_388 = arith.constant 112 : index
        %parallel_loop3A_389 = tpu.vector_load %arg18[%parallel_loop3A_387, %parallel_loop3A_388] {strides = array<i32>} : memref<80x128xf32, #tpu.memory_space<vmem>>, vector<16xf32>,
        %parallel_loop3A_390 = arith.mulf %parallel_loop3A_389, %parallel_loop3A_337 : vector<16xf32>
        %parallel_loop3A_391 = arith.index_cast %parallel_loop3A_335 : i32 to index
        %parallel_loop3A_392 = arith.constant 112 : index
        %parallel_loop3A_393 = tpu.vector_load %arg18[%parallel_loop3A_391, %parallel_loop3A_392] {strides = array<i32>} : memref<80x128xf32, #tpu.memory_space<vmem>>, vector<16xf32>,
        tpu.vector_store %arg18[%parallel_loop3A_391, %parallel_loop3A_392], %parallel_loop3A_390 {strides = array<i32>} : memref<80x128xf32, #tpu.memory_space<vmem>>, vector<16xf32>,
      } {sc.loop_unroll_factor = 4 : i64, sc.parallel_access}
      %dma_start3A_282 = arith.constant 0 : i32
      %dma_start3A_283 = arith.constant 0 : i32
      %dma_start3A_284 = tpu.memref_slice %arg26[%dma_start3A_282, %dma_start3A_283] : memref<10000x128xf32, #tpu.memory_space<vmem_shared>> -> memref<10000x128xf32, #tpu.memory_space<vmem_shared>>
      tpu.enqueue_indirect_dma source(%arg18 : memref<80x128xf32, #tpu.memory_space<vmem>>) target(%dma_start3A_284 : memref<10000x128xf32, #tpu.memory_space<vmem_shared>>) offsets(%arg14 : memref<80xi32, #tpu.memory_space<vmem>>) semaphore(%arg36 : memref<!tpu.dma_semaphore, #tpu.memory_space<semaphore_mem>>) {add = true}
      %add3A_285 = arith.constant 2 : i32
      %add3A_286 = arith.addi %mul3A_237, %add3A_285 : i32
      %add3A_287 = arith.constant 3 : i32
      %add3A_288 = arith.addi %add3A_286, %add3A_287 : i32
      %lt3A_289 = arith.constant 125 : i32
      %lt3A_290 = arith.cmpi slt, %add3A_288, %lt3A_289 : i32
      %convert_element_type3A_291 = arith.extui %lt3A_290 : i1 to i32
      %cond3A_292 = arith.constant 0 : i32
      %cond3A_293 = arith.cmpi ne, %convert_element_type3A_291, %cond3A_292 : i32
      scf.if %cond3A_293 {
        %add3A_335 = arith.constant 3 : i32
        %add3A_336 = arith.addi %add3A_286, %add3A_335 : i32
        %add3A_337 = arith.addi %mul3A_2, %add3A_336 : i32
        %mul3A_338 = arith.constant 256 : i32
        %mul3A_339 = arith.muli %add3A_337, %mul3A_338 : i32
        %dma_start3A_340 = tpu.memref_slice %arg3[%mul3A_339] : memref<1024000xi32, #tpu.memory_space<hbm>> -> memref<256xi32, #tpu.memory_space<hbm>>
        %dma_start3A_341 = tpu.memref_slice %arg3[%mul3A_339] : memref<1024000xi32, #tpu.memory_space<hbm>> -> memref<256xi32, #tpu.memory_space<hbm>>
        tpu.enqueue_dma source(%dma_start3A_341 : memref<256xi32, #tpu.memory_space<hbm>>) target(%arg6 : memref<256xi32, #tpu.memory_space<vmem>>) target_semaphore(%arg28 : memref<!tpu.dma_semaphore, #tpu.memory_space<semaphore_mem>>)
      } else {
      }
      %add3A_294 = arith.constant 2 : i32
      %add3A_295 = arith.addi %add3A_286, %add3A_294 : i32
      %lt3A_296 = arith.constant 125 : i32
      %lt3A_297 = arith.cmpi slt, %add3A_295, %lt3A_296 : i32
      %convert_element_type3A_298 = arith.extui %lt3A_297 : i1 to i32
      %cond3A_299 = arith.constant 0 : i32
      %cond3A_300 = arith.cmpi ne, %convert_element_type3A_298, %cond3A_299 : i32
      scf.if %cond3A_300 {
        %add3A_335 = arith.constant 2 : i32
        %add3A_336 = arith.addi %add3A_286, %add3A_335 : i32
        %add3A_337 = arith.addi %mul3A_2, %add3A_336 : i32
        %mul3A_338 = arith.constant 256 : i32
        %mul3A_339 = arith.muli %add3A_337, %mul3A_338 : i32
        %dma_wait3A_340 = tpu.memref_slice %arg3[%mul3A_339] : memref<1024000xi32, #tpu.memory_space<hbm>> -> memref<256xi32, #tpu.memory_space<hbm>>
        %dma_wait3A_341 = tpu.memref_slice %arg3[%mul3A_339] : memref<1024000xi32, #tpu.memory_space<hbm>> -> memref<256xi32, #tpu.memory_space<hbm>>
        tpu.wait_dma2 semaphore(%arg27 : memref<!tpu.dma_semaphore, #tpu.memory_space<semaphore_mem>>) src(%dma_wait3A_341 : memref<256xi32, #tpu.memory_space<hbm>>) dst(%arg5 : memref<256xi32, #tpu.memory_space<vmem>>)
        %add3A_342 = arith.constant 2 : i32
        %add3A_343 = arith.addi %add3A_286, %add3A_342 : i32
        %ge3A = arith.constant 4 : i32
        %ge3A_344 = arith.cmpi sge, %add3A_343, %ge3A : i32
        %convert_element_type3A_345 = arith.extui %ge3A_344 : i1 to i32
        %cond3A_346 = arith.constant 0 : i32
        %cond3A_347 = arith.cmpi ne, %convert_element_type3A_345, %cond3A_346 : i32
        scf.if %cond3A_347 {
          %dma_wait3A_424 = arith.constant 0 : i32
          %dma_wait3A_425 = arith.constant 0 : i32
          %dma_wait3A_426 = tpu.memref_slice %arg26[%dma_wait3A_424, %dma_wait3A_425] : memref<10000x128xf32, #tpu.memory_space<vmem_shared>> -> memref<10000x128xf32, #tpu.memory_space<vmem_shared>>
          tpu.wait_indirect_dma semaphore(%arg35 : memref<!tpu.dma_semaphore, #tpu.memory_space<semaphore_mem>>) src(%arg17 : memref<80x128xf32, #tpu.memory_space<vmem>>) dst(%dma_wait3A_426 : memref<10000x128xf32, #tpu.memory_space<vmem_shared>>)
        } else {
        }
        %mul3A_348 = arith.constant 10000 : i32
        %mul3A_349 = arith.muli %add3A_11, %mul3A_348 : i32
        %broadcast_in_dim3A_350 = vector.broadcast %mul3A_349 : i32 to vector<16xi32>
        %get3A_351 = arith.constant 0 : index
        %get3A_352 = tpu.vector_load %arg5[%get3A_351] {strides = array<i32>} : memref<256xi32, #tpu.memory_space<vmem>>, vector<16xi32>,
        %add3A_353 = arith.addi %get3A_352, %broadcast_in_dim3A_350 : vector<16xi32>
        %swap3A_354 = arith.constant 0 : index
        %swap3A_355 = tpu.vector_load %arg9[%swap3A_354] {strides = array<i32>} : memref<80xi32, #tpu.memory_space<vmem>>, vector<16xi32>,
        tpu.vector_store %arg9[%swap3A_354], %add3A_353 {strides = array<i32>} : memref<80xi32, #tpu.memory_space<vmem>>, vector<16xi32>,
        %get3A_356 = arith.constant 80 : index
        %get3A_357 = tpu.vector_load %arg5[%get3A_356] {strides = array<i32>} : memref<256xi32, #tpu.memory_space<vmem>>, vector<16xi32>,
        %swap3A_358 = arith.constant 0 : index
        %swap3A_359 = tpu.vector_load %arg13[%swap3A_358] {strides = array<i32>} : memref<80xi32, #tpu.memory_space<vmem>>, vector<16xi32>,
        tpu.vector_store %arg13[%swap3A_358], %get3A_357 {strides = array<i32>} : memref<80xi32, #tpu.memory_space<vmem>>, vector<16xi32>,
        %get3A_360 = arith.constant 160 : index
        %get3A_361 = tpu.vector_load %arg5[%get3A_360] {strides = array<i32>} : memref<256xi32, #tpu.memory_space<vmem>>, vector<16xi32>,
        %bitcast3A_362 = vector.bitcast %get3A_361 : vector<16xi32> to vector<16xf32>
        %swap3A_363 = arith.constant 0 : index
        %swap3A_364 = tpu.vector_load %arg21[%swap3A_363] {strides = array<i32>} : memref<80xf32, #tpu.memory_space<vmem>>, vector<16xf32>,
        tpu.vector_store %arg21[%swap3A_363], %bitcast3A_362 {strides = array<i32>} : memref<80xf32, #tpu.memory_space<vmem>>, vector<16xf32>,
        %get3A_365 = arith.constant 16 : index
        %get3A_366 = tpu.vector_load %arg5[%get3A_365] {strides = array<i32>} : memref<256xi32, #tpu.memory_space<vmem>>, vector<16xi32>,
        %add3A_367 = arith.addi %get3A_366, %broadcast_in_dim3A_350 : vector<16xi32>
        %swap3A_368 = arith.constant 16 : index
        %swap3A_369 = tpu.vector_load %arg9[%swap3A_368] {strides = array<i32>} : memref<80xi32, #tpu.memory_space<vmem>>, vector<16xi32>,
        tpu.vector_store %arg9[%swap3A_368], %add3A_367 {strides = array<i32>} : memref<80xi32, #tpu.memory_space<vmem>>, vector<16xi32>,
        %get3A_370 = arith.constant 96 : index
        %get3A_371 = tpu.vector_load %arg5[%get3A_370] {strides = array<i32>} : memref<256xi32, #tpu.memory_space<vmem>>, vector<16xi32>,
        %swap3A_372 = arith.constant 16 : index
        %swap3A_373 = tpu.vector_load %arg13[%swap3A_372] {strides = array<i32>} : memref<80xi32, #tpu.memory_space<vmem>>, vector<16xi32>,
        tpu.vector_store %arg13[%swap3A_372], %get3A_371 {strides = array<i32>} : memref<80xi32, #tpu.memory_space<vmem>>, vector<16xi32>,
        %get3A_374 = arith.constant 176 : index
        %get3A_375 = tpu.vector_load %arg5[%get3A_374] {strides = array<i32>} : memref<256xi32, #tpu.memory_space<vmem>>, vector<16xi32>,
        %bitcast3A_376 = vector.bitcast %get3A_375 : vector<16xi32> to vector<16xf32>
        %swap3A_377 = arith.constant 16 : index
        %swap3A_378 = tpu.vector_load %arg21[%swap3A_377] {strides = array<i32>} : memref<80xf32, #tpu.memory_space<vmem>>, vector<16xf32>,
        tpu.vector_store %arg21[%swap3A_377], %bitcast3A_376 {strides = array<i32>} : memref<80xf32, #tpu.memory_space<vmem>>, vector<16xf32>,
        %get3A_379 = arith.constant 32 : index
        %get3A_380 = tpu.vector_load %arg5[%get3A_379] {strides = array<i32>} : memref<256xi32, #tpu.memory_space<vmem>>, vector<16xi32>,
        %add3A_381 = arith.addi %get3A_380, %broadcast_in_dim3A_350 : vector<16xi32>
        %swap3A_382 = arith.constant 32 : index
        %swap3A_383 = tpu.vector_load %arg9[%swap3A_382] {strides = array<i32>} : memref<80xi32, #tpu.memory_space<vmem>>, vector<16xi32>,
        tpu.vector_store %arg9[%swap3A_382], %add3A_381 {strides = array<i32>} : memref<80xi32, #tpu.memory_space<vmem>>, vector<16xi32>,
        %get3A_384 = arith.constant 112 : index
        %get3A_385 = tpu.vector_load %arg5[%get3A_384] {strides = array<i32>} : memref<256xi32, #tpu.memory_space<vmem>>, vector<16xi32>,
        %swap3A_386 = arith.constant 32 : index
        %swap3A_387 = tpu.vector_load %arg13[%swap3A_386] {strides = array<i32>} : memref<80xi32, #tpu.memory_space<vmem>>, vector<16xi32>,
        tpu.vector_store %arg13[%swap3A_386], %get3A_385 {strides = array<i32>} : memref<80xi32, #tpu.memory_space<vmem>>, vector<16xi32>,
        %get3A_388 = arith.constant 192 : index
        %get3A_389 = tpu.vector_load %arg5[%get3A_388] {strides = array<i32>} : memref<256xi32, #tpu.memory_space<vmem>>, vector<16xi32>,
        %bitcast3A_390 = vector.bitcast %get3A_389 : vector<16xi32> to vector<16xf32>
        %swap3A_391 = arith.constant 32 : index
        %swap3A_392 = tpu.vector_load %arg21[%swap3A_391] {strides = array<i32>} : memref<80xf32, #tpu.memory_space<vmem>>, vector<16xf32>,
        tpu.vector_store %arg21[%swap3A_391], %bitcast3A_390 {strides = array<i32>} : memref<80xf32, #tpu.memory_space<vmem>>, vector<16xf32>,
        %get3A_393 = arith.constant 48 : index
        %get3A_394 = tpu.vector_load %arg5[%get3A_393] {strides = array<i32>} : memref<256xi32, #tpu.memory_space<vmem>>, vector<16xi32>,
        %add3A_395 = arith.addi %get3A_394, %broadcast_in_dim3A_350 : vector<16xi32>
        %swap3A_396 = arith.constant 48 : index
        %swap3A_397 = tpu.vector_load %arg9[%swap3A_396] {strides = array<i32>} : memref<80xi32, #tpu.memory_space<vmem>>, vector<16xi32>,
        tpu.vector_store %arg9[%swap3A_396], %add3A_395 {strides = array<i32>} : memref<80xi32, #tpu.memory_space<vmem>>, vector<16xi32>,
        %get3A_398 = arith.constant 128 : index
        %get3A_399 = tpu.vector_load %arg5[%get3A_398] {strides = array<i32>} : memref<256xi32, #tpu.memory_space<vmem>>, vector<16xi32>,
        %swap3A_400 = arith.constant 48 : index
        %swap3A_401 = tpu.vector_load %arg13[%swap3A_400] {strides = array<i32>} : memref<80xi32, #tpu.memory_space<vmem>>, vector<16xi32>,
        tpu.vector_store %arg13[%swap3A_400], %get3A_399 {strides = array<i32>} : memref<80xi32, #tpu.memory_space<vmem>>, vector<16xi32>,
        %get3A_402 = arith.constant 208 : index
        %get3A_403 = tpu.vector_load %arg5[%get3A_402] {strides = array<i32>} : memref<256xi32, #tpu.memory_space<vmem>>, vector<16xi32>,
        %bitcast3A_404 = vector.bitcast %get3A_403 : vector<16xi32> to vector<16xf32>
        %swap3A_405 = arith.constant 48 : index
        %swap3A_406 = tpu.vector_load %arg21[%swap3A_405] {strides = array<i32>} : memref<80xf32, #tpu.memory_space<vmem>>, vector<16xf32>,
        tpu.vector_store %arg21[%swap3A_405], %bitcast3A_404 {strides = array<i32>} : memref<80xf32, #tpu.memory_space<vmem>>, vector<16xf32>,
        %get3A_407 = arith.constant 64 : index
        %get3A_408 = tpu.vector_load %arg5[%get3A_407] {strides = array<i32>} : memref<256xi32, #tpu.memory_space<vmem>>, vector<16xi32>,
        %add3A_409 = arith.addi %get3A_408, %broadcast_in_dim3A_350 : vector<16xi32>
        %swap3A_410 = arith.constant 64 : index
        %swap3A_411 = tpu.vector_load %arg9[%swap3A_410] {strides = array<i32>} : memref<80xi32, #tpu.memory_space<vmem>>, vector<16xi32>,
        tpu.vector_store %arg9[%swap3A_410], %add3A_409 {strides = array<i32>} : memref<80xi32, #tpu.memory_space<vmem>>, vector<16xi32>,
        %get3A_412 = arith.constant 144 : index
        %get3A_413 = tpu.vector_load %arg5[%get3A_412] {strides = array<i32>} : memref<256xi32, #tpu.memory_space<vmem>>, vector<16xi32>,
        %swap3A_414 = arith.constant 64 : index
        %swap3A_415 = tpu.vector_load %arg13[%swap3A_414] {strides = array<i32>} : memref<80xi32, #tpu.memory_space<vmem>>, vector<16xi32>,
        tpu.vector_store %arg13[%swap3A_414], %get3A_413 {strides = array<i32>} : memref<80xi32, #tpu.memory_space<vmem>>, vector<16xi32>,
        %get3A_416 = arith.constant 224 : index
        %get3A_417 = tpu.vector_load %arg5[%get3A_416] {strides = array<i32>} : memref<256xi32, #tpu.memory_space<vmem>>, vector<16xi32>,
        %bitcast3A_418 = vector.bitcast %get3A_417 : vector<16xi32> to vector<16xf32>
        %swap3A_419 = arith.constant 64 : index
        %swap3A_420 = tpu.vector_load %arg21[%swap3A_419] {strides = array<i32>} : memref<80xf32, #tpu.memory_space<vmem>>, vector<16xf32>,
        tpu.vector_store %arg21[%swap3A_419], %bitcast3A_418 {strides = array<i32>} : memref<80xf32, #tpu.memory_space<vmem>>, vector<16xf32>,
        %dma_start3A_421 = arith.constant 0 : i32
        %dma_start3A_422 = arith.constant 0 : i32
        %dma_start3A_423 = tpu.memref_slice %arg2[%dma_start3A_421, %dma_start3A_422] : memref<10000x128xf32, #tpu.memory_space<hbm>> -> memref<10000x128xf32, #tpu.memory_space<hbm>>
        tpu.enqueue_indirect_dma source(%dma_start3A_423 : memref<10000x128xf32, #tpu.memory_space<hbm>>) target(%arg17 : memref<80x128xf32, #tpu.memory_space<vmem>>) offsets(%arg9 : memref<80xi32, #tpu.memory_space<vmem>>) semaphore(%arg31 : memref<!tpu.dma_semaphore, #tpu.memory_space<semaphore_mem>>)
      } else {
      }
      %dma_wait3A_301 = arith.constant 0 : i32
      %dma_wait3A_302 = arith.constant 0 : i32
      %dma_wait3A_303 = tpu.memref_slice %arg2[%dma_wait3A_301, %dma_wait3A_302] : memref<10000x128xf32, #tpu.memory_space<hbm>> -> memref<10000x128xf32, #tpu.memory_space<hbm>>
      tpu.wait_indirect_dma semaphore(%arg33 : memref<!tpu.dma_semaphore, #tpu.memory_space<semaphore_mem>>) src(%dma_wait3A_303 : memref<10000x128xf32, #tpu.memory_space<hbm>>) dst(%arg19 : memref<80x128xf32, #tpu.memory_space<vmem>>)
      %parallel_loop3A_304 = arith.constant 0 : i32
      %parallel_loop3A_305 = arith.constant 80 : i32
      %parallel_loop3A_306 = arith.constant 1 : i32
      scf.for %parallel_loop3A_335 = %parallel_loop3A_304 to %parallel_loop3A_305 step %parallel_loop3A_306  : i32 {
        %parallel_loop3A_336 = vector.broadcast %parallel_loop3A_335 : i32 to vector<16xi32>
        %parallel_loop3A_337 = tpu.vector_load_idx %arg23[%parallel_loop3A_336] : memref<80xf32, #tpu.memory_space<vmem>>[vector<16xi32>], vector<16xf32>,
        %parallel_loop3A_338 = arith.index_cast %parallel_loop3A_335 : i32 to index
        %parallel_loop3A_339 = arith.constant 0 : index
        %parallel_loop3A_340 = tpu.vector_load %arg19[%parallel_loop3A_338, %parallel_loop3A_339] {strides = array<i32>} : memref<80x128xf32, #tpu.memory_space<vmem>>, vector<16xf32>,
        %parallel_loop3A_341 = arith.mulf %parallel_loop3A_340, %parallel_loop3A_337 : vector<16xf32>
        %parallel_loop3A_342 = arith.index_cast %parallel_loop3A_335 : i32 to index
        %parallel_loop3A_343 = arith.constant 0 : index
        %parallel_loop3A_344 = tpu.vector_load %arg19[%parallel_loop3A_342, %parallel_loop3A_343] {strides = array<i32>} : memref<80x128xf32, #tpu.memory_space<vmem>>, vector<16xf32>,
        tpu.vector_store %arg19[%parallel_loop3A_342, %parallel_loop3A_343], %parallel_loop3A_341 {strides = array<i32>} : memref<80x128xf32, #tpu.memory_space<vmem>>, vector<16xf32>,
        %parallel_loop3A_345 = arith.index_cast %parallel_loop3A_335 : i32 to index
        %parallel_loop3A_346 = arith.constant 16 : index
        %parallel_loop3A_347 = tpu.vector_load %arg19[%parallel_loop3A_345, %parallel_loop3A_346] {strides = array<i32>} : memref<80x128xf32, #tpu.memory_space<vmem>>, vector<16xf32>,
        %parallel_loop3A_348 = arith.mulf %parallel_loop3A_347, %parallel_loop3A_337 : vector<16xf32>
        %parallel_loop3A_349 = arith.index_cast %parallel_loop3A_335 : i32 to index
        %parallel_loop3A_350 = arith.constant 16 : index
        %parallel_loop3A_351 = tpu.vector_load %arg19[%parallel_loop3A_349, %parallel_loop3A_350] {strides = array<i32>} : memref<80x128xf32, #tpu.memory_space<vmem>>, vector<16xf32>,
        tpu.vector_store %arg19[%parallel_loop3A_349, %parallel_loop3A_350], %parallel_loop3A_348 {strides = array<i32>} : memref<80x128xf32, #tpu.memory_space<vmem>>, vector<16xf32>,
        %parallel_loop3A_352 = arith.index_cast %parallel_loop3A_335 : i32 to index
        %parallel_loop3A_353 = arith.constant 32 : index
        %parallel_loop3A_354 = tpu.vector_load %arg19[%parallel_loop3A_352, %parallel_loop3A_353] {strides = array<i32>} : memref<80x128xf32, #tpu.memory_space<vmem>>, vector<16xf32>,
        %parallel_loop3A_355 = arith.mulf %parallel_loop3A_354, %parallel_loop3A_337 : vector<16xf32>
        %parallel_loop3A_356 = arith.index_cast %parallel_loop3A_335 : i32 to index
        %parallel_loop3A_357 = arith.constant 32 : index
        %parallel_loop3A_358 = tpu.vector_load %arg19[%parallel_loop3A_356, %parallel_loop3A_357] {strides = array<i32>} : memref<80x128xf32, #tpu.memory_space<vmem>>, vector<16xf32>,
        tpu.vector_store %arg19[%parallel_loop3A_356, %parallel_loop3A_357], %parallel_loop3A_355 {strides = array<i32>} : memref<80x128xf32, #tpu.memory_space<vmem>>, vector<16xf32>,
        %parallel_loop3A_359 = arith.index_cast %parallel_loop3A_335 : i32 to index
        %parallel_loop3A_360 = arith.constant 48 : index
        %parallel_loop3A_361 = tpu.vector_load %arg19[%parallel_loop3A_359, %parallel_loop3A_360] {strides = array<i32>} : memref<80x128xf32, #tpu.memory_space<vmem>>, vector<16xf32>,
        %parallel_loop3A_362 = arith.mulf %parallel_loop3A_361, %parallel_loop3A_337 : vector<16xf32>
        %parallel_loop3A_363 = arith.index_cast %parallel_loop3A_335 : i32 to index
        %parallel_loop3A_364 = arith.constant 48 : index
        %parallel_loop3A_365 = tpu.vector_load %arg19[%parallel_loop3A_363, %parallel_loop3A_364] {strides = array<i32>} : memref<80x128xf32, #tpu.memory_space<vmem>>, vector<16xf32>,
        tpu.vector_store %arg19[%parallel_loop3A_363, %parallel_loop3A_364], %parallel_loop3A_362 {strides = array<i32>} : memref<80x128xf32, #tpu.memory_space<vmem>>, vector<16xf32>,
        %parallel_loop3A_366 = arith.index_cast %parallel_loop3A_335 : i32 to index
        %parallel_loop3A_367 = arith.constant 64 : index
        %parallel_loop3A_368 = tpu.vector_load %arg19[%parallel_loop3A_366, %parallel_loop3A_367] {strides = array<i32>} : memref<80x128xf32, #tpu.memory_space<vmem>>, vector<16xf32>,
        %parallel_loop3A_369 = arith.mulf %parallel_loop3A_368, %parallel_loop3A_337 : vector<16xf32>
        %parallel_loop3A_370 = arith.index_cast %parallel_loop3A_335 : i32 to index
        %parallel_loop3A_371 = arith.constant 64 : index
        %parallel_loop3A_372 = tpu.vector_load %arg19[%parallel_loop3A_370, %parallel_loop3A_371] {strides = array<i32>} : memref<80x128xf32, #tpu.memory_space<vmem>>, vector<16xf32>,
        tpu.vector_store %arg19[%parallel_loop3A_370, %parallel_loop3A_371], %parallel_loop3A_369 {strides = array<i32>} : memref<80x128xf32, #tpu.memory_space<vmem>>, vector<16xf32>,
        %parallel_loop3A_373 = arith.index_cast %parallel_loop3A_335 : i32 to index
        %parallel_loop3A_374 = arith.constant 80 : index
        %parallel_loop3A_375 = tpu.vector_load %arg19[%parallel_loop3A_373, %parallel_loop3A_374] {strides = array<i32>} : memref<80x128xf32, #tpu.memory_space<vmem>>, vector<16xf32>,
        %parallel_loop3A_376 = arith.mulf %parallel_loop3A_375, %parallel_loop3A_337 : vector<16xf32>
        %parallel_loop3A_377 = arith.index_cast %parallel_loop3A_335 : i32 to index
        %parallel_loop3A_378 = arith.constant 80 : index
        %parallel_loop3A_379 = tpu.vector_load %arg19[%parallel_loop3A_377, %parallel_loop3A_378] {strides = array<i32>} : memref<80x128xf32, #tpu.memory_space<vmem>>, vector<16xf32>,
        tpu.vector_store %arg19[%parallel_loop3A_377, %parallel_loop3A_378], %parallel_loop3A_376 {strides = array<i32>} : memref<80x128xf32, #tpu.memory_space<vmem>>, vector<16xf32>,
        %parallel_loop3A_380 = arith.index_cast %parallel_loop3A_335 : i32 to index
        %parallel_loop3A_381 = arith.constant 96 : index
        %parallel_loop3A_382 = tpu.vector_load %arg19[%parallel_loop3A_380, %parallel_loop3A_381] {strides = array<i32>} : memref<80x128xf32, #tpu.memory_space<vmem>>, vector<16xf32>,
        %parallel_loop3A_383 = arith.mulf %parallel_loop3A_382, %parallel_loop3A_337 : vector<16xf32>
        %parallel_loop3A_384 = arith.index_cast %parallel_loop3A_335 : i32 to index
        %parallel_loop3A_385 = arith.constant 96 : index
        %parallel_loop3A_386 = tpu.vector_load %arg19[%parallel_loop3A_384, %parallel_loop3A_385] {strides = array<i32>} : memref<80x128xf32, #tpu.memory_space<vmem>>, vector<16xf32>,
        tpu.vector_store %arg19[%parallel_loop3A_384, %parallel_loop3A_385], %parallel_loop3A_383 {strides = array<i32>} : memref<80x128xf32, #tpu.memory_space<vmem>>, vector<16xf32>,
        %parallel_loop3A_387 = arith.index_cast %parallel_loop3A_335 : i32 to index
        %parallel_loop3A_388 = arith.constant 112 : index
        %parallel_loop3A_389 = tpu.vector_load %arg19[%parallel_loop3A_387, %parallel_loop3A_388] {strides = array<i32>} : memref<80x128xf32, #tpu.memory_space<vmem>>, vector<16xf32>,
        %parallel_loop3A_390 = arith.mulf %parallel_loop3A_389, %parallel_loop3A_337 : vector<16xf32>
        %parallel_loop3A_391 = arith.index_cast %parallel_loop3A_335 : i32 to index
        %parallel_loop3A_392 = arith.constant 112 : index
        %parallel_loop3A_393 = tpu.vector_load %arg19[%parallel_loop3A_391, %parallel_loop3A_392] {strides = array<i32>} : memref<80x128xf32, #tpu.memory_space<vmem>>, vector<16xf32>,
        tpu.vector_store %arg19[%parallel_loop3A_391, %parallel_loop3A_392], %parallel_loop3A_390 {strides = array<i32>} : memref<80x128xf32, #tpu.memory_space<vmem>>, vector<16xf32>,
      } {sc.loop_unroll_factor = 4 : i64, sc.parallel_access}
      %dma_start3A_307 = arith.constant 0 : i32
      %dma_start3A_308 = arith.constant 0 : i32
      %dma_start3A_309 = tpu.memref_slice %arg26[%dma_start3A_307, %dma_start3A_308] : memref<10000x128xf32, #tpu.memory_space<vmem_shared>> -> memref<10000x128xf32, #tpu.memory_space<vmem_shared>>
      tpu.enqueue_indirect_dma source(%arg19 : memref<80x128xf32, #tpu.memory_space<vmem>>) target(%dma_start3A_309 : memref<10000x128xf32, #tpu.memory_space<vmem_shared>>) offsets(%arg15 : memref<80xi32, #tpu.memory_space<vmem>>) semaphore(%arg37 : memref<!tpu.dma_semaphore, #tpu.memory_space<semaphore_mem>>) {add = true}
      %add3A_310 = arith.constant 3 : i32
      %add3A_311 = arith.addi %mul3A_237, %add3A_310 : i32
      %add3A_312 = arith.constant 3 : i32
      %add3A_313 = arith.addi %add3A_311, %add3A_312 : i32
      %lt3A_314 = arith.constant 125 : i32
      %lt3A_315 = arith.cmpi slt, %add3A_313, %lt3A_314 : i32
      %convert_element_type3A_316 = arith.extui %lt3A_315 : i1 to i32
      %cond3A_317 = arith.constant 0 : i32
      %cond3A_318 = arith.cmpi ne, %convert_element_type3A_316, %cond3A_317 : i32
      scf.if %cond3A_318 {
        %add3A_335 = arith.constant 3 : i32
        %add3A_336 = arith.addi %add3A_311, %add3A_335 : i32
        %add3A_337 = arith.addi %mul3A_2, %add3A_336 : i32
        %mul3A_338 = arith.constant 256 : i32
        %mul3A_339 = arith.muli %add3A_337, %mul3A_338 : i32
        %dma_start3A_340 = tpu.memref_slice %arg3[%mul3A_339] : memref<1024000xi32, #tpu.memory_space<hbm>> -> memref<256xi32, #tpu.memory_space<hbm>>
        %dma_start3A_341 = tpu.memref_slice %arg3[%mul3A_339] : memref<1024000xi32, #tpu.memory_space<hbm>> -> memref<256xi32, #tpu.memory_space<hbm>>
        tpu.enqueue_dma source(%dma_start3A_341 : memref<256xi32, #tpu.memory_space<hbm>>) target(%arg7 : memref<256xi32, #tpu.memory_space<vmem>>) target_semaphore(%arg29 : memref<!tpu.dma_semaphore, #tpu.memory_space<semaphore_mem>>)
      } else {
      }
      %add3A_319 = arith.constant 2 : i32
      %add3A_320 = arith.addi %add3A_311, %add3A_319 : i32
      %lt3A_321 = arith.constant 125 : i32
      %lt3A_322 = arith.cmpi slt, %add3A_320, %lt3A_321 : i32
      %convert_element_type3A_323 = arith.extui %lt3A_322 : i1 to i32
      %cond3A_324 = arith.constant 0 : i32
      %cond3A_325 = arith.cmpi ne, %convert_element_type3A_323, %cond3A_324 : i32
      scf.if %cond3A_325 {
        %add3A_335 = arith.constant 2 : i32
        %add3A_336 = arith.addi %add3A_311, %add3A_335 : i32
        %add3A_337 = arith.addi %mul3A_2, %add3A_336 : i32
        %mul3A_338 = arith.constant 256 : i32
        %mul3A_339 = arith.muli %add3A_337, %mul3A_338 : i32
        %dma_wait3A_340 = tpu.memref_slice %arg3[%mul3A_339] : memref<1024000xi32, #tpu.memory_space<hbm>> -> memref<256xi32, #tpu.memory_space<hbm>>
        %dma_wait3A_341 = tpu.memref_slice %arg3[%mul3A_339] : memref<1024000xi32, #tpu.memory_space<hbm>> -> memref<256xi32, #tpu.memory_space<hbm>>
        tpu.wait_dma2 semaphore(%arg28 : memref<!tpu.dma_semaphore, #tpu.memory_space<semaphore_mem>>) src(%dma_wait3A_341 : memref<256xi32, #tpu.memory_space<hbm>>) dst(%arg6 : memref<256xi32, #tpu.memory_space<vmem>>)
        %add3A_342 = arith.constant 2 : i32
        %add3A_343 = arith.addi %add3A_311, %add3A_342 : i32
        %ge3A = arith.constant 4 : i32
        %ge3A_344 = arith.cmpi sge, %add3A_343, %ge3A : i32
        %convert_element_type3A_345 = arith.extui %ge3A_344 : i1 to i32
        %cond3A_346 = arith.constant 0 : i32
        %cond3A_347 = arith.cmpi ne, %convert_element_type3A_345, %cond3A_346 : i32
        scf.if %cond3A_347 {
          %dma_wait3A_424 = arith.constant 0 : i32
          %dma_wait3A_425 = arith.constant 0 : i32
          %dma_wait3A_426 = tpu.memref_slice %arg26[%dma_wait3A_424, %dma_wait3A_425] : memref<10000x128xf32, #tpu.memory_space<vmem_shared>> -> memref<10000x128xf32, #tpu.memory_space<vmem_shared>>
          tpu.wait_indirect_dma semaphore(%arg36 : memref<!tpu.dma_semaphore, #tpu.memory_space<semaphore_mem>>) src(%arg18 : memref<80x128xf32, #tpu.memory_space<vmem>>) dst(%dma_wait3A_426 : memref<10000x128xf32, #tpu.memory_space<vmem_shared>>)
        } else {
        }
        %mul3A_348 = arith.constant 10000 : i32
        %mul3A_349 = arith.muli %add3A_11, %mul3A_348 : i32
        %broadcast_in_dim3A_350 = vector.broadcast %mul3A_349 : i32 to vector<16xi32>
        %get3A_351 = arith.constant 0 : index
        %get3A_352 = tpu.vector_load %arg6[%get3A_351] {strides = array<i32>} : memref<256xi32, #tpu.memory_space<vmem>>, vector<16xi32>,
        %add3A_353 = arith.addi %get3A_352, %broadcast_in_dim3A_350 : vector<16xi32>
        %swap3A_354 = arith.constant 0 : index
        %swap3A_355 = tpu.vector_load %arg10[%swap3A_354] {strides = array<i32>} : memref<80xi32, #tpu.memory_space<vmem>>, vector<16xi32>,
        tpu.vector_store %arg10[%swap3A_354], %add3A_353 {strides = array<i32>} : memref<80xi32, #tpu.memory_space<vmem>>, vector<16xi32>,
        %get3A_356 = arith.constant 80 : index
        %get3A_357 = tpu.vector_load %arg6[%get3A_356] {strides = array<i32>} : memref<256xi32, #tpu.memory_space<vmem>>, vector<16xi32>,
        %swap3A_358 = arith.constant 0 : index
        %swap3A_359 = tpu.vector_load %arg14[%swap3A_358] {strides = array<i32>} : memref<80xi32, #tpu.memory_space<vmem>>, vector<16xi32>,
        tpu.vector_store %arg14[%swap3A_358], %get3A_357 {strides = array<i32>} : memref<80xi32, #tpu.memory_space<vmem>>, vector<16xi32>,
        %get3A_360 = arith.constant 160 : index
        %get3A_361 = tpu.vector_load %arg6[%get3A_360] {strides = array<i32>} : memref<256xi32, #tpu.memory_space<vmem>>, vector<16xi32>,
        %bitcast3A_362 = vector.bitcast %get3A_361 : vector<16xi32> to vector<16xf32>
        %swap3A_363 = arith.constant 0 : index
        %swap3A_364 = tpu.vector_load %arg22[%swap3A_363] {strides = array<i32>} : memref<80xf32, #tpu.memory_space<vmem>>, vector<16xf32>,
        tpu.vector_store %arg22[%swap3A_363], %bitcast3A_362 {strides = array<i32>} : memref<80xf32, #tpu.memory_space<vmem>>, vector<16xf32>,
        %get3A_365 = arith.constant 16 : index
        %get3A_366 = tpu.vector_load %arg6[%get3A_365] {strides = array<i32>} : memref<256xi32, #tpu.memory_space<vmem>>, vector<16xi32>,
        %add3A_367 = arith.addi %get3A_366, %broadcast_in_dim3A_350 : vector<16xi32>
        %swap3A_368 = arith.constant 16 : index
        %swap3A_369 = tpu.vector_load %arg10[%swap3A_368] {strides = array<i32>} : memref<80xi32, #tpu.memory_space<vmem>>, vector<16xi32>,
        tpu.vector_store %arg10[%swap3A_368], %add3A_367 {strides = array<i32>} : memref<80xi32, #tpu.memory_space<vmem>>, vector<16xi32>,
        %get3A_370 = arith.constant 96 : index
        %get3A_371 = tpu.vector_load %arg6[%get3A_370] {strides = array<i32>} : memref<256xi32, #tpu.memory_space<vmem>>, vector<16xi32>,
        %swap3A_372 = arith.constant 16 : index
        %swap3A_373 = tpu.vector_load %arg14[%swap3A_372] {strides = array<i32>} : memref<80xi32, #tpu.memory_space<vmem>>, vector<16xi32>,
        tpu.vector_store %arg14[%swap3A_372], %get3A_371 {strides = array<i32>} : memref<80xi32, #tpu.memory_space<vmem>>, vector<16xi32>,
        %get3A_374 = arith.constant 176 : index
        %get3A_375 = tpu.vector_load %arg6[%get3A_374] {strides = array<i32>} : memref<256xi32, #tpu.memory_space<vmem>>, vector<16xi32>,
        %bitcast3A_376 = vector.bitcast %get3A_375 : vector<16xi32> to vector<16xf32>
        %swap3A_377 = arith.constant 16 : index
        %swap3A_378 = tpu.vector_load %arg22[%swap3A_377] {strides = array<i32>} : memref<80xf32, #tpu.memory_space<vmem>>, vector<16xf32>,
        tpu.vector_store %arg22[%swap3A_377], %bitcast3A_376 {strides = array<i32>} : memref<80xf32, #tpu.memory_space<vmem>>, vector<16xf32>,
        %get3A_379 = arith.constant 32 : index
        %get3A_380 = tpu.vector_load %arg6[%get3A_379] {strides = array<i32>} : memref<256xi32, #tpu.memory_space<vmem>>, vector<16xi32>,
        %add3A_381 = arith.addi %get3A_380, %broadcast_in_dim3A_350 : vector<16xi32>
        %swap3A_382 = arith.constant 32 : index
        %swap3A_383 = tpu.vector_load %arg10[%swap3A_382] {strides = array<i32>} : memref<80xi32, #tpu.memory_space<vmem>>, vector<16xi32>,
        tpu.vector_store %arg10[%swap3A_382], %add3A_381 {strides = array<i32>} : memref<80xi32, #tpu.memory_space<vmem>>, vector<16xi32>,
        %get3A_384 = arith.constant 112 : index
        %get3A_385 = tpu.vector_load %arg6[%get3A_384] {strides = array<i32>} : memref<256xi32, #tpu.memory_space<vmem>>, vector<16xi32>,
        %swap3A_386 = arith.constant 32 : index
        %swap3A_387 = tpu.vector_load %arg14[%swap3A_386] {strides = array<i32>} : memref<80xi32, #tpu.memory_space<vmem>>, vector<16xi32>,
        tpu.vector_store %arg14[%swap3A_386], %get3A_385 {strides = array<i32>} : memref<80xi32, #tpu.memory_space<vmem>>, vector<16xi32>,
        %get3A_388 = arith.constant 192 : index
        %get3A_389 = tpu.vector_load %arg6[%get3A_388] {strides = array<i32>} : memref<256xi32, #tpu.memory_space<vmem>>, vector<16xi32>,
        %bitcast3A_390 = vector.bitcast %get3A_389 : vector<16xi32> to vector<16xf32>
        %swap3A_391 = arith.constant 32 : index
        %swap3A_392 = tpu.vector_load %arg22[%swap3A_391] {strides = array<i32>} : memref<80xf32, #tpu.memory_space<vmem>>, vector<16xf32>,
        tpu.vector_store %arg22[%swap3A_391], %bitcast3A_390 {strides = array<i32>} : memref<80xf32, #tpu.memory_space<vmem>>, vector<16xf32>,
        %get3A_393 = arith.constant 48 : index
        %get3A_394 = tpu.vector_load %arg6[%get3A_393] {strides = array<i32>} : memref<256xi32, #tpu.memory_space<vmem>>, vector<16xi32>,
        %add3A_395 = arith.addi %get3A_394, %broadcast_in_dim3A_350 : vector<16xi32>
        %swap3A_396 = arith.constant 48 : index
        %swap3A_397 = tpu.vector_load %arg10[%swap3A_396] {strides = array<i32>} : memref<80xi32, #tpu.memory_space<vmem>>, vector<16xi32>,
        tpu.vector_store %arg10[%swap3A_396], %add3A_395 {strides = array<i32>} : memref<80xi32, #tpu.memory_space<vmem>>, vector<16xi32>,
        %get3A_398 = arith.constant 128 : index
        %get3A_399 = tpu.vector_load %arg6[%get3A_398] {strides = array<i32>} : memref<256xi32, #tpu.memory_space<vmem>>, vector<16xi32>,
        %swap3A_400 = arith.constant 48 : index
        %swap3A_401 = tpu.vector_load %arg14[%swap3A_400] {strides = array<i32>} : memref<80xi32, #tpu.memory_space<vmem>>, vector<16xi32>,
        tpu.vector_store %arg14[%swap3A_400], %get3A_399 {strides = array<i32>} : memref<80xi32, #tpu.memory_space<vmem>>, vector<16xi32>,
        %get3A_402 = arith.constant 208 : index
        %get3A_403 = tpu.vector_load %arg6[%get3A_402] {strides = array<i32>} : memref<256xi32, #tpu.memory_space<vmem>>, vector<16xi32>,
        %bitcast3A_404 = vector.bitcast %get3A_403 : vector<16xi32> to vector<16xf32>
        %swap3A_405 = arith.constant 48 : index
        %swap3A_406 = tpu.vector_load %arg22[%swap3A_405] {strides = array<i32>} : memref<80xf32, #tpu.memory_space<vmem>>, vector<16xf32>,
        tpu.vector_store %arg22[%swap3A_405], %bitcast3A_404 {strides = array<i32>} : memref<80xf32, #tpu.memory_space<vmem>>, vector<16xf32>,
        %get3A_407 = arith.constant 64 : index
        %get3A_408 = tpu.vector_load %arg6[%get3A_407] {strides = array<i32>} : memref<256xi32, #tpu.memory_space<vmem>>, vector<16xi32>,
        %add3A_409 = arith.addi %get3A_408, %broadcast_in_dim3A_350 : vector<16xi32>
        %swap3A_410 = arith.constant 64 : index
        %swap3A_411 = tpu.vector_load %arg10[%swap3A_410] {strides = array<i32>} : memref<80xi32, #tpu.memory_space<vmem>>, vector<16xi32>,
        tpu.vector_store %arg10[%swap3A_410], %add3A_409 {strides = array<i32>} : memref<80xi32, #tpu.memory_space<vmem>>, vector<16xi32>,
        %get3A_412 = arith.constant 144 : index
        %get3A_413 = tpu.vector_load %arg6[%get3A_412] {strides = array<i32>} : memref<256xi32, #tpu.memory_space<vmem>>, vector<16xi32>,
        %swap3A_414 = arith.constant 64 : index
        %swap3A_415 = tpu.vector_load %arg14[%swap3A_414] {strides = array<i32>} : memref<80xi32, #tpu.memory_space<vmem>>, vector<16xi32>,
        tpu.vector_store %arg14[%swap3A_414], %get3A_413 {strides = array<i32>} : memref<80xi32, #tpu.memory_space<vmem>>, vector<16xi32>,
        %get3A_416 = arith.constant 224 : index
        %get3A_417 = tpu.vector_load %arg6[%get3A_416] {strides = array<i32>} : memref<256xi32, #tpu.memory_space<vmem>>, vector<16xi32>,
        %bitcast3A_418 = vector.bitcast %get3A_417 : vector<16xi32> to vector<16xf32>
        %swap3A_419 = arith.constant 64 : index
        %swap3A_420 = tpu.vector_load %arg22[%swap3A_419] {strides = array<i32>} : memref<80xf32, #tpu.memory_space<vmem>>, vector<16xf32>,
        tpu.vector_store %arg22[%swap3A_419], %bitcast3A_418 {strides = array<i32>} : memref<80xf32, #tpu.memory_space<vmem>>, vector<16xf32>,
        %dma_start3A_421 = arith.constant 0 : i32
        %dma_start3A_422 = arith.constant 0 : i32
        %dma_start3A_423 = tpu.memref_slice %arg2[%dma_start3A_421, %dma_start3A_422] : memref<10000x128xf32, #tpu.memory_space<hbm>> -> memref<10000x128xf32, #tpu.memory_space<hbm>>
        tpu.enqueue_indirect_dma source(%dma_start3A_423 : memref<10000x128xf32, #tpu.memory_space<hbm>>) target(%arg18 : memref<80x128xf32, #tpu.memory_space<vmem>>) offsets(%arg10 : memref<80xi32, #tpu.memory_space<vmem>>) semaphore(%arg32 : memref<!tpu.dma_semaphore, #tpu.memory_space<semaphore_mem>>)
      } else {
      }
      %dma_wait3A_326 = arith.constant 0 : i32
      %dma_wait3A_327 = arith.constant 0 : i32
      %dma_wait3A_328 = tpu.memref_slice %arg2[%dma_wait3A_326, %dma_wait3A_327] : memref<10000x128xf32, #tpu.memory_space<hbm>> -> memref<10000x128xf32, #tpu.memory_space<hbm>>
      tpu.wait_indirect_dma semaphore(%arg34 : memref<!tpu.dma_semaphore, #tpu.memory_space<semaphore_mem>>) src(%dma_wait3A_328 : memref<10000x128xf32, #tpu.memory_space<hbm>>) dst(%arg20 : memref<80x128xf32, #tpu.memory_space<vmem>>)
      %parallel_loop3A_329 = arith.constant 0 : i32
      %parallel_loop3A_330 = arith.constant 80 : i32
      %parallel_loop3A_331 = arith.constant 1 : i32
      scf.for %parallel_loop3A_335 = %parallel_loop3A_329 to %parallel_loop3A_330 step %parallel_loop3A_331  : i32 {
        %parallel_loop3A_336 = vector.broadcast %parallel_loop3A_335 : i32 to vector<16xi32>
        %parallel_loop3A_337 = tpu.vector_load_idx %arg24[%parallel_loop3A_336] : memref<80xf32, #tpu.memory_space<vmem>>[vector<16xi32>], vector<16xf32>,
        %parallel_loop3A_338 = arith.index_cast %parallel_loop3A_335 : i32 to index
        %parallel_loop3A_339 = arith.constant 0 : index
        %parallel_loop3A_340 = tpu.vector_load %arg20[%parallel_loop3A_338, %parallel_loop3A_339] {strides = array<i32>} : memref<80x128xf32, #tpu.memory_space<vmem>>, vector<16xf32>,
        %parallel_loop3A_341 = arith.mulf %parallel_loop3A_340, %parallel_loop3A_337 : vector<16xf32>
        %parallel_loop3A_342 = arith.index_cast %parallel_loop3A_335 : i32 to index
        %parallel_loop3A_343 = arith.constant 0 : index
        %parallel_loop3A_344 = tpu.vector_load %arg20[%parallel_loop3A_342, %parallel_loop3A_343] {strides = array<i32>} : memref<80x128xf32, #tpu.memory_space<vmem>>, vector<16xf32>,
        tpu.vector_store %arg20[%parallel_loop3A_342, %parallel_loop3A_343], %parallel_loop3A_341 {strides = array<i32>} : memref<80x128xf32, #tpu.memory_space<vmem>>, vector<16xf32>,
        %parallel_loop3A_345 = arith.index_cast %parallel_loop3A_335 : i32 to index
        %parallel_loop3A_346 = arith.constant 16 : index
        %parallel_loop3A_347 = tpu.vector_load %arg20[%parallel_loop3A_345, %parallel_loop3A_346] {strides = array<i32>} : memref<80x128xf32, #tpu.memory_space<vmem>>, vector<16xf32>,
        %parallel_loop3A_348 = arith.mulf %parallel_loop3A_347, %parallel_loop3A_337 : vector<16xf32>
        %parallel_loop3A_349 = arith.index_cast %parallel_loop3A_335 : i32 to index
        %parallel_loop3A_350 = arith.constant 16 : index
        %parallel_loop3A_351 = tpu.vector_load %arg20[%parallel_loop3A_349, %parallel_loop3A_350] {strides = array<i32>} : memref<80x128xf32, #tpu.memory_space<vmem>>, vector<16xf32>,
        tpu.vector_store %arg20[%parallel_loop3A_349, %parallel_loop3A_350], %parallel_loop3A_348 {strides = array<i32>} : memref<80x128xf32, #tpu.memory_space<vmem>>, vector<16xf32>,
        %parallel_loop3A_352 = arith.index_cast %parallel_loop3A_335 : i32 to index
        %parallel_loop3A_353 = arith.constant 32 : index
        %parallel_loop3A_354 = tpu.vector_load %arg20[%parallel_loop3A_352, %parallel_loop3A_353] {strides = array<i32>} : memref<80x128xf32, #tpu.memory_space<vmem>>, vector<16xf32>,
        %parallel_loop3A_355 = arith.mulf %parallel_loop3A_354, %parallel_loop3A_337 : vector<16xf32>
        %parallel_loop3A_356 = arith.index_cast %parallel_loop3A_335 : i32 to index
        %parallel_loop3A_357 = arith.constant 32 : index
        %parallel_loop3A_358 = tpu.vector_load %arg20[%parallel_loop3A_356, %parallel_loop3A_357] {strides = array<i32>} : memref<80x128xf32, #tpu.memory_space<vmem>>, vector<16xf32>,
        tpu.vector_store %arg20[%parallel_loop3A_356, %parallel_loop3A_357], %parallel_loop3A_355 {strides = array<i32>} : memref<80x128xf32, #tpu.memory_space<vmem>>, vector<16xf32>,
        %parallel_loop3A_359 = arith.index_cast %parallel_loop3A_335 : i32 to index
        %parallel_loop3A_360 = arith.constant 48 : index
        %parallel_loop3A_361 = tpu.vector_load %arg20[%parallel_loop3A_359, %parallel_loop3A_360] {strides = array<i32>} : memref<80x128xf32, #tpu.memory_space<vmem>>, vector<16xf32>,
        %parallel_loop3A_362 = arith.mulf %parallel_loop3A_361, %parallel_loop3A_337 : vector<16xf32>
        %parallel_loop3A_363 = arith.index_cast %parallel_loop3A_335 : i32 to index
        %parallel_loop3A_364 = arith.constant 48 : index
        %parallel_loop3A_365 = tpu.vector_load %arg20[%parallel_loop3A_363, %parallel_loop3A_364] {strides = array<i32>} : memref<80x128xf32, #tpu.memory_space<vmem>>, vector<16xf32>,
        tpu.vector_store %arg20[%parallel_loop3A_363, %parallel_loop3A_364], %parallel_loop3A_362 {strides = array<i32>} : memref<80x128xf32, #tpu.memory_space<vmem>>, vector<16xf32>,
        %parallel_loop3A_366 = arith.index_cast %parallel_loop3A_335 : i32 to index
        %parallel_loop3A_367 = arith.constant 64 : index
        %parallel_loop3A_368 = tpu.vector_load %arg20[%parallel_loop3A_366, %parallel_loop3A_367] {strides = array<i32>} : memref<80x128xf32, #tpu.memory_space<vmem>>, vector<16xf32>,
        %parallel_loop3A_369 = arith.mulf %parallel_loop3A_368, %parallel_loop3A_337 : vector<16xf32>
        %parallel_loop3A_370 = arith.index_cast %parallel_loop3A_335 : i32 to index
        %parallel_loop3A_371 = arith.constant 64 : index
        %parallel_loop3A_372 = tpu.vector_load %arg20[%parallel_loop3A_370, %parallel_loop3A_371] {strides = array<i32>} : memref<80x128xf32, #tpu.memory_space<vmem>>, vector<16xf32>,
        tpu.vector_store %arg20[%parallel_loop3A_370, %parallel_loop3A_371], %parallel_loop3A_369 {strides = array<i32>} : memref<80x128xf32, #tpu.memory_space<vmem>>, vector<16xf32>,
        %parallel_loop3A_373 = arith.index_cast %parallel_loop3A_335 : i32 to index
        %parallel_loop3A_374 = arith.constant 80 : index
        %parallel_loop3A_375 = tpu.vector_load %arg20[%parallel_loop3A_373, %parallel_loop3A_374] {strides = array<i32>} : memref<80x128xf32, #tpu.memory_space<vmem>>, vector<16xf32>,
        %parallel_loop3A_376 = arith.mulf %parallel_loop3A_375, %parallel_loop3A_337 : vector<16xf32>
        %parallel_loop3A_377 = arith.index_cast %parallel_loop3A_335 : i32 to index
        %parallel_loop3A_378 = arith.constant 80 : index
        %parallel_loop3A_379 = tpu.vector_load %arg20[%parallel_loop3A_377, %parallel_loop3A_378] {strides = array<i32>} : memref<80x128xf32, #tpu.memory_space<vmem>>, vector<16xf32>,
        tpu.vector_store %arg20[%parallel_loop3A_377, %parallel_loop3A_378], %parallel_loop3A_376 {strides = array<i32>} : memref<80x128xf32, #tpu.memory_space<vmem>>, vector<16xf32>,
        %parallel_loop3A_380 = arith.index_cast %parallel_loop3A_335 : i32 to index
        %parallel_loop3A_381 = arith.constant 96 : index
        %parallel_loop3A_382 = tpu.vector_load %arg20[%parallel_loop3A_380, %parallel_loop3A_381] {strides = array<i32>} : memref<80x128xf32, #tpu.memory_space<vmem>>, vector<16xf32>,
        %parallel_loop3A_383 = arith.mulf %parallel_loop3A_382, %parallel_loop3A_337 : vector<16xf32>
        %parallel_loop3A_384 = arith.index_cast %parallel_loop3A_335 : i32 to index
        %parallel_loop3A_385 = arith.constant 96 : index
        %parallel_loop3A_386 = tpu.vector_load %arg20[%parallel_loop3A_384, %parallel_loop3A_385] {strides = array<i32>} : memref<80x128xf32, #tpu.memory_space<vmem>>, vector<16xf32>,
        tpu.vector_store %arg20[%parallel_loop3A_384, %parallel_loop3A_385], %parallel_loop3A_383 {strides = array<i32>} : memref<80x128xf32, #tpu.memory_space<vmem>>, vector<16xf32>,
        %parallel_loop3A_387 = arith.index_cast %parallel_loop3A_335 : i32 to index
        %parallel_loop3A_388 = arith.constant 112 : index
        %parallel_loop3A_389 = tpu.vector_load %arg20[%parallel_loop3A_387, %parallel_loop3A_388] {strides = array<i32>} : memref<80x128xf32, #tpu.memory_space<vmem>>, vector<16xf32>,
        %parallel_loop3A_390 = arith.mulf %parallel_loop3A_389, %parallel_loop3A_337 : vector<16xf32>
        %parallel_loop3A_391 = arith.index_cast %parallel_loop3A_335 : i32 to index
        %parallel_loop3A_392 = arith.constant 112 : index
        %parallel_loop3A_393 = tpu.vector_load %arg20[%parallel_loop3A_391, %parallel_loop3A_392] {strides = array<i32>} : memref<80x128xf32, #tpu.memory_space<vmem>>, vector<16xf32>,
        tpu.vector_store %arg20[%parallel_loop3A_391, %parallel_loop3A_392], %parallel_loop3A_390 {strides = array<i32>} : memref<80x128xf32, #tpu.memory_space<vmem>>, vector<16xf32>,
      } {sc.loop_unroll_factor = 4 : i64, sc.parallel_access}
      %dma_start3A_332 = arith.constant 0 : i32
      %dma_start3A_333 = arith.constant 0 : i32
      %dma_start3A_334 = tpu.memref_slice %arg26[%dma_start3A_332, %dma_start3A_333] : memref<10000x128xf32, #tpu.memory_space<vmem_shared>> -> memref<10000x128xf32, #tpu.memory_space<vmem_shared>>
      tpu.enqueue_indirect_dma source(%arg20 : memref<80x128xf32, #tpu.memory_space<vmem>>) target(%dma_start3A_334 : memref<10000x128xf32, #tpu.memory_space<vmem_shared>>) offsets(%arg16 : memref<80xi32, #tpu.memory_space<vmem>>) semaphore(%arg38 : memref<!tpu.dma_semaphore, #tpu.memory_space<semaphore_mem>>) {add = true}
    }
    %scan3A_197 = arith.constant 31 : i32
    %dma_wait3A_198 = arith.constant 0 : i32
    %dma_wait3A_199 = arith.constant 0 : i32
    %dma_wait3A_200 = tpu.memref_slice %arg2[%dma_wait3A_198, %dma_wait3A_199] : memref<10000x128xf32, #tpu.memory_space<hbm>> -> memref<10000x128xf32, #tpu.memory_space<hbm>>
    tpu.wait_indirect_dma semaphore(%arg31 : memref<!tpu.dma_semaphore, #tpu.memory_space<semaphore_mem>>) src(%dma_wait3A_200 : memref<10000x128xf32, #tpu.memory_space<hbm>>) dst(%arg17 : memref<80x128xf32, #tpu.memory_space<vmem>>)
    %parallel_loop3A = arith.constant 0 : i32
    %parallel_loop3A_201 = arith.constant 80 : i32
    %parallel_loop3A_202 = arith.constant 1 : i32
    scf.for %parallel_loop3A_231 = %parallel_loop3A to %parallel_loop3A_201 step %parallel_loop3A_202  : i32 {
      %parallel_loop3A_232 = vector.broadcast %parallel_loop3A_231 : i32 to vector<16xi32>
      %parallel_loop3A_233 = tpu.vector_load_idx %arg21[%parallel_loop3A_232] : memref<80xf32, #tpu.memory_space<vmem>>[vector<16xi32>], vector<16xf32>,
      %parallel_loop3A_234 = arith.index_cast %parallel_loop3A_231 : i32 to index
      %parallel_loop3A_235 = arith.constant 0 : index
      %parallel_loop3A_236 = tpu.vector_load %arg17[%parallel_loop3A_234, %parallel_loop3A_235] {strides = array<i32>} : memref<80x128xf32, #tpu.memory_space<vmem>>, vector<16xf32>,
      %parallel_loop3A_237 = arith.mulf %parallel_loop3A_236, %parallel_loop3A_233 : vector<16xf32>
      %parallel_loop3A_238 = arith.index_cast %parallel_loop3A_231 : i32 to index
      %parallel_loop3A_239 = arith.constant 0 : index
      %parallel_loop3A_240 = tpu.vector_load %arg17[%parallel_loop3A_238, %parallel_loop3A_239] {strides = array<i32>} : memref<80x128xf32, #tpu.memory_space<vmem>>, vector<16xf32>,
      tpu.vector_store %arg17[%parallel_loop3A_238, %parallel_loop3A_239], %parallel_loop3A_237 {strides = array<i32>} : memref<80x128xf32, #tpu.memory_space<vmem>>, vector<16xf32>,
      %parallel_loop3A_241 = arith.index_cast %parallel_loop3A_231 : i32 to index
      %parallel_loop3A_242 = arith.constant 16 : index
      %parallel_loop3A_243 = tpu.vector_load %arg17[%parallel_loop3A_241, %parallel_loop3A_242] {strides = array<i32>} : memref<80x128xf32, #tpu.memory_space<vmem>>, vector<16xf32>,
      %parallel_loop3A_244 = arith.mulf %parallel_loop3A_243, %parallel_loop3A_233 : vector<16xf32>
      %parallel_loop3A_245 = arith.index_cast %parallel_loop3A_231 : i32 to index
      %parallel_loop3A_246 = arith.constant 16 : index
      %parallel_loop3A_247 = tpu.vector_load %arg17[%parallel_loop3A_245, %parallel_loop3A_246] {strides = array<i32>} : memref<80x128xf32, #tpu.memory_space<vmem>>, vector<16xf32>,
      tpu.vector_store %arg17[%parallel_loop3A_245, %parallel_loop3A_246], %parallel_loop3A_244 {strides = array<i32>} : memref<80x128xf32, #tpu.memory_space<vmem>>, vector<16xf32>,
      %parallel_loop3A_248 = arith.index_cast %parallel_loop3A_231 : i32 to index
      %parallel_loop3A_249 = arith.constant 32 : index
      %parallel_loop3A_250 = tpu.vector_load %arg17[%parallel_loop3A_248, %parallel_loop3A_249] {strides = array<i32>} : memref<80x128xf32, #tpu.memory_space<vmem>>, vector<16xf32>,
      %parallel_loop3A_251 = arith.mulf %parallel_loop3A_250, %parallel_loop3A_233 : vector<16xf32>
      %parallel_loop3A_252 = arith.index_cast %parallel_loop3A_231 : i32 to index
      %parallel_loop3A_253 = arith.constant 32 : index
      %parallel_loop3A_254 = tpu.vector_load %arg17[%parallel_loop3A_252, %parallel_loop3A_253] {strides = array<i32>} : memref<80x128xf32, #tpu.memory_space<vmem>>, vector<16xf32>,
      tpu.vector_store %arg17[%parallel_loop3A_252, %parallel_loop3A_253], %parallel_loop3A_251 {strides = array<i32>} : memref<80x128xf32, #tpu.memory_space<vmem>>, vector<16xf32>,
      %parallel_loop3A_255 = arith.index_cast %parallel_loop3A_231 : i32 to index
      %parallel_loop3A_256 = arith.constant 48 : index
      %parallel_loop3A_257 = tpu.vector_load %arg17[%parallel_loop3A_255, %parallel_loop3A_256] {strides = array<i32>} : memref<80x128xf32, #tpu.memory_space<vmem>>, vector<16xf32>,
      %parallel_loop3A_258 = arith.mulf %parallel_loop3A_257, %parallel_loop3A_233 : vector<16xf32>
      %parallel_loop3A_259 = arith.index_cast %parallel_loop3A_231 : i32 to index
      %parallel_loop3A_260 = arith.constant 48 : index
      %parallel_loop3A_261 = tpu.vector_load %arg17[%parallel_loop3A_259, %parallel_loop3A_260] {strides = array<i32>} : memref<80x128xf32, #tpu.memory_space<vmem>>, vector<16xf32>,
      tpu.vector_store %arg17[%parallel_loop3A_259, %parallel_loop3A_260], %parallel_loop3A_258 {strides = array<i32>} : memref<80x128xf32, #tpu.memory_space<vmem>>, vector<16xf32>,
      %parallel_loop3A_262 = arith.index_cast %parallel_loop3A_231 : i32 to index
      %parallel_loop3A_263 = arith.constant 64 : index
      %parallel_loop3A_264 = tpu.vector_load %arg17[%parallel_loop3A_262, %parallel_loop3A_263] {strides = array<i32>} : memref<80x128xf32, #tpu.memory_space<vmem>>, vector<16xf32>,
      %parallel_loop3A_265 = arith.mulf %parallel_loop3A_264, %parallel_loop3A_233 : vector<16xf32>
      %parallel_loop3A_266 = arith.index_cast %parallel_loop3A_231 : i32 to index
      %parallel_loop3A_267 = arith.constant 64 : index
      %parallel_loop3A_268 = tpu.vector_load %arg17[%parallel_loop3A_266, %parallel_loop3A_267] {strides = array<i32>} : memref<80x128xf32, #tpu.memory_space<vmem>>, vector<16xf32>,
      tpu.vector_store %arg17[%parallel_loop3A_266, %parallel_loop3A_267], %parallel_loop3A_265 {strides = array<i32>} : memref<80x128xf32, #tpu.memory_space<vmem>>, vector<16xf32>,
      %parallel_loop3A_269 = arith.index_cast %parallel_loop3A_231 : i32 to index
      %parallel_loop3A_270 = arith.constant 80 : index
      %parallel_loop3A_271 = tpu.vector_load %arg17[%parallel_loop3A_269, %parallel_loop3A_270] {strides = array<i32>} : memref<80x128xf32, #tpu.memory_space<vmem>>, vector<16xf32>,
      %parallel_loop3A_272 = arith.mulf %parallel_loop3A_271, %parallel_loop3A_233 : vector<16xf32>
      %parallel_loop3A_273 = arith.index_cast %parallel_loop3A_231 : i32 to index
      %parallel_loop3A_274 = arith.constant 80 : index
      %parallel_loop3A_275 = tpu.vector_load %arg17[%parallel_loop3A_273, %parallel_loop3A_274] {strides = array<i32>} : memref<80x128xf32, #tpu.memory_space<vmem>>, vector<16xf32>,
      tpu.vector_store %arg17[%parallel_loop3A_273, %parallel_loop3A_274], %parallel_loop3A_272 {strides = array<i32>} : memref<80x128xf32, #tpu.memory_space<vmem>>, vector<16xf32>,
      %parallel_loop3A_276 = arith.index_cast %parallel_loop3A_231 : i32 to index
      %parallel_loop3A_277 = arith.constant 96 : index
      %parallel_loop3A_278 = tpu.vector_load %arg17[%parallel_loop3A_276, %parallel_loop3A_277] {strides = array<i32>} : memref<80x128xf32, #tpu.memory_space<vmem>>, vector<16xf32>,
      %parallel_loop3A_279 = arith.mulf %parallel_loop3A_278, %parallel_loop3A_233 : vector<16xf32>
      %parallel_loop3A_280 = arith.index_cast %parallel_loop3A_231 : i32 to index
      %parallel_loop3A_281 = arith.constant 96 : index
      %parallel_loop3A_282 = tpu.vector_load %arg17[%parallel_loop3A_280, %parallel_loop3A_281] {strides = array<i32>} : memref<80x128xf32, #tpu.memory_space<vmem>>, vector<16xf32>,
      tpu.vector_store %arg17[%parallel_loop3A_280, %parallel_loop3A_281], %parallel_loop3A_279 {strides = array<i32>} : memref<80x128xf32, #tpu.memory_space<vmem>>, vector<16xf32>,
      %parallel_loop3A_283 = arith.index_cast %parallel_loop3A_231 : i32 to index
      %parallel_loop3A_284 = arith.constant 112 : index
      %parallel_loop3A_285 = tpu.vector_load %arg17[%parallel_loop3A_283, %parallel_loop3A_284] {strides = array<i32>} : memref<80x128xf32, #tpu.memory_space<vmem>>, vector<16xf32>,
      %parallel_loop3A_286 = arith.mulf %parallel_loop3A_285, %parallel_loop3A_233 : vector<16xf32>
      %parallel_loop3A_287 = arith.index_cast %parallel_loop3A_231 : i32 to index
      %parallel_loop3A_288 = arith.constant 112 : index
      %parallel_loop3A_289 = tpu.vector_load %arg17[%parallel_loop3A_287, %parallel_loop3A_288] {strides = array<i32>} : memref<80x128xf32, #tpu.memory_space<vmem>>, vector<16xf32>,
      tpu.vector_store %arg17[%parallel_loop3A_287, %parallel_loop3A_288], %parallel_loop3A_286 {strides = array<i32>} : memref<80x128xf32, #tpu.memory_space<vmem>>, vector<16xf32>,
    } {sc.loop_unroll_factor = 4 : i64, sc.parallel_access}
    %dma_start3A_203 = arith.constant 0 : i32
    %dma_start3A_204 = arith.constant 0 : i32
    %dma_start3A_205 = tpu.memref_slice %arg26[%dma_start3A_203, %dma_start3A_204] : memref<10000x128xf32, #tpu.memory_space<vmem_shared>> -> memref<10000x128xf32, #tpu.memory_space<vmem_shared>>
    tpu.enqueue_indirect_dma source(%arg17 : memref<80x128xf32, #tpu.memory_space<vmem>>) target(%dma_start3A_205 : memref<10000x128xf32, #tpu.memory_space<vmem_shared>>) offsets(%arg13 : memref<80xi32, #tpu.memory_space<vmem>>) semaphore(%arg35 : memref<!tpu.dma_semaphore, #tpu.memory_space<semaphore_mem>>) {add = true}
    %dma_wait3A_206 = arith.constant 0 : i32
    %dma_wait3A_207 = arith.constant 0 : i32
    %dma_wait3A_208 = tpu.memref_slice %arg26[%dma_wait3A_206, %dma_wait3A_207] : memref<10000x128xf32, #tpu.memory_space<vmem_shared>> -> memref<10000x128xf32, #tpu.memory_space<vmem_shared>>
    tpu.wait_indirect_dma semaphore(%arg35 : memref<!tpu.dma_semaphore, #tpu.memory_space<semaphore_mem>>) src(%arg17 : memref<80x128xf32, #tpu.memory_space<vmem>>) dst(%dma_wait3A_208 : memref<10000x128xf32, #tpu.memory_space<vmem_shared>>)
    %dma_wait3A_209 = arith.constant 0 : i32
    %dma_wait3A_210 = arith.constant 0 : i32
    %dma_wait3A_211 = tpu.memref_slice %arg26[%dma_wait3A_209, %dma_wait3A_210] : memref<10000x128xf32, #tpu.memory_space<vmem_shared>> -> memref<10000x128xf32, #tpu.memory_space<vmem_shared>>
    tpu.wait_indirect_dma semaphore(%arg36 : memref<!tpu.dma_semaphore, #tpu.memory_space<semaphore_mem>>) src(%arg18 : memref<80x128xf32, #tpu.memory_space<vmem>>) dst(%dma_wait3A_211 : memref<10000x128xf32, #tpu.memory_space<vmem_shared>>)
    %dma_wait3A_212 = arith.constant 0 : i32
    %dma_wait3A_213 = arith.constant 0 : i32
    %dma_wait3A_214 = tpu.memref_slice %arg26[%dma_wait3A_212, %dma_wait3A_213] : memref<10000x128xf32, #tpu.memory_space<vmem_shared>> -> memref<10000x128xf32, #tpu.memory_space<vmem_shared>>
    tpu.wait_indirect_dma semaphore(%arg37 : memref<!tpu.dma_semaphore, #tpu.memory_space<semaphore_mem>>) src(%arg19 : memref<80x128xf32, #tpu.memory_space<vmem>>) dst(%dma_wait3A_214 : memref<10000x128xf32, #tpu.memory_space<vmem_shared>>)
    %dma_wait3A_215 = arith.constant 0 : i32
    %dma_wait3A_216 = arith.constant 0 : i32
    %dma_wait3A_217 = tpu.memref_slice %arg26[%dma_wait3A_215, %dma_wait3A_216] : memref<10000x128xf32, #tpu.memory_space<vmem_shared>> -> memref<10000x128xf32, #tpu.memory_space<vmem_shared>>
    tpu.wait_indirect_dma semaphore(%arg38 : memref<!tpu.dma_semaphore, #tpu.memory_space<semaphore_mem>>) src(%arg20 : memref<80x128xf32, #tpu.memory_space<vmem>>) dst(%dma_wait3A_217 : memref<10000x128xf32, #tpu.memory_space<vmem_shared>>)
    %barrier3A_218 = arith.constant 0 : index
    tpu.barrier barrier_id(%barrier3A_218)
    %mul3A_219 = arith.constant 1 : i32
    %mul3A_220 = arith.muli %arg0, %mul3A_219 : i32
    %add3A_221 = arith.addi %mul3A_220, %add3A_11 : i32
    %mul3A_222 = arith.constant 10000 : i32
    %mul3A_223 = arith.muli %add3A_221, %mul3A_222 : i32
    %scan3A_224 = arith.constant 0 : i32
    %scan3A_225 = arith.constant 8 : i32
    %scan3A_226 = arith.addi %scan3A_224, %scan3A_225 : i32
    %scan3A_227 = arith.constant 1 : i32
    scf.for %scan3A_231 = %scan3A_224 to %scan3A_226 step %scan3A_227  : i32 {
      %mul3A_232 = arith.constant 1 : i32
      %mul3A_233 = arith.muli %scan3A_231, %mul3A_232 : i32
      %add3A_234 = arith.constant 0 : i32
      %add3A_235 = arith.addi %add3A_234, %mul3A_233 : i32
      %mul3A_236 = arith.constant 16 : i32
      %mul3A_237 = arith.muli %add3A_235, %mul3A_236 : i32
      %add3A_238 = arith.addi %arg1, %mul3A_237 : i32
      %lt3A = arith.constant 125 : i32
      %lt3A_239 = arith.cmpi slt, %add3A_238, %lt3A : i32
      %convert_element_type3A = arith.extui %lt3A_239 : i1 to i32
      %cond3A = arith.constant 0 : i32
      %cond3A_240 = arith.cmpi ne, %convert_element_type3A, %cond3A : i32
      scf.if %cond3A_240 {
        %mul3A_241 = arith.constant 80 : i32
        %mul3A_242 = arith.muli %add3A_238, %mul3A_241 : i32
        %mul3A_243 = arith.constant 80 : i32
        %mul3A_244 = arith.muli %add3A_238, %mul3A_243 : i32
        %add3A_245 = arith.addi %mul3A_223, %mul3A_244 : i32
        "tpu.region"() ({
          %run_scoped3A = tpu.sem_alloc : memref<!tpu.dma_semaphore, #tpu.memory_space<semaphore_mem>>
          %dma_start3A_246 = arith.constant 0 : i32
          %dma_start3A_247 = tpu.memref_slice %arg4[%add3A_245, %dma_start3A_246] : memref<20000x128xf32, #tpu.memory_space<hbm>> -> memref<80x128xf32, #tpu.memory_space<hbm>>
          %dma_start3A_248 = arith.constant 0 : i32
          %dma_start3A_249 = tpu.memref_slice %arg26[%mul3A_242, %dma_start3A_248] : memref<10000x128xf32, #tpu.memory_space<vmem_shared>> -> memref<80x128xf32, #tpu.memory_space<vmem_shared>>
          tpu.enqueue_dma source(%dma_start3A_249 : memref<80x128xf32, #tpu.memory_space<vmem_shared>>) target(%dma_start3A_247 : memref<80x128xf32, #tpu.memory_space<hbm>>) target_semaphore(%run_scoped3A : memref<!tpu.dma_semaphore, #tpu.memory_space<semaphore_mem>>)
          %dma_wait3A_250 = arith.constant 0 : i32
          %dma_wait3A_251 = tpu.memref_slice %arg4[%add3A_245, %dma_wait3A_250] : memref<20000x128xf32, #tpu.memory_space<hbm>> -> memref<80x128xf32, #tpu.memory_space<hbm>>
          %dma_wait3A_252 = arith.constant 0 : i32
          %dma_wait3A_253 = tpu.memref_slice %arg26[%mul3A_242, %dma_wait3A_252] : memref<10000x128xf32, #tpu.memory_space<vmem_shared>> -> memref<80x128xf32, #tpu.memory_space<vmem_shared>>
          tpu.wait_dma2 semaphore(%run_scoped3A : memref<!tpu.dma_semaphore, #tpu.memory_space<semaphore_mem>>) src(%dma_wait3A_253 : memref<80x128xf32, #tpu.memory_space<vmem_shared>>) dst(%dma_wait3A_251 : memref<80x128xf32, #tpu.memory_space<hbm>>)
          tpu.yield
        }) : () -> ()
      } else {
      }
    }
    %scan3A_228 = arith.constant 8 : i32
    %barrier3A_229 = arith.constant 0 : index
    tpu.barrier barrier_id(%barrier3A_229)
    %scan3A_230 = arith.constant 1 : i32
    return
  }
}

#map = affine_map<(d0, d1) -> (0, 0)>
#map1 = affine_map<(d0, d1) -> (0)>
module attributes {stable_mosaic.version = 14 : i64} {
  func.func @k(%arg0: i32, %arg1: i32, %arg2: memref<40000x128xf32, #tpu.memory_space<hbm>>, %arg3: memref<1024000xi32, #tpu.memory_space<hbm>>, %arg4: memref<80000x128xf32, #tpu.memory_space<hbm>>, %arg5: memref<256xi32, #tpu.memory_space<vmem>>, %arg6: memref<256xi32, #tpu.memory_space<vmem>>, %arg7: memref<256xi32, #tpu.memory_space<vmem>>, %arg8: memref<256xi32, #tpu.memory_space<vmem>>, %arg9: memref<80xi32, #tpu.memory_space<vmem>>, %arg10: memref<80xi32, #tpu.memory_space<vmem>>, %arg11: memref<80xi32, #tpu.memory_space<vmem>>, %arg12: memref<80xi32, #tpu.memory_space<vmem>>, %arg13: memref<80xi32, #tpu.memory_space<vmem>>, %arg14: memref<80xi32, #tpu.memory_space<vmem>>, %arg15: memref<80xi32, #tpu.memory_space<vmem>>, %arg16: memref<80xi32, #tpu.memory_space<vmem>>, %arg17: memref<80x128xf32, #tpu.memory_space<vmem>>, %arg18: memref<80x128xf32, #tpu.memory_space<vmem>>, %arg19: memref<80x128xf32, #tpu.memory_space<vmem>>, %arg20: memref<80x128xf32, #tpu.memory_space<vmem>>, %arg21: memref<80xf32, #tpu.memory_space<vmem>>, %arg22: memref<80xf32, #tpu.memory_space<vmem>>, %arg23: memref<80xf32, #tpu.memory_space<vmem>>, %arg24: memref<80xf32, #tpu.memory_space<vmem>>, %arg25: memref<40x128xf32, #tpu.memory_space<vmem>>, %arg26: memref<10000x128xf32, #tpu.memory_space<vmem_shared>>, %arg27: memref<!tpu.dma_semaphore, #tpu.memory_space<semaphore_mem>>, %arg28: memref<!tpu.dma_semaphore, #tpu.memory_space<semaphore_mem>>, %arg29: memref<!tpu.dma_semaphore, #tpu.memory_space<semaphore_mem>>, %arg30: memref<!tpu.dma_semaphore, #tpu.memory_space<semaphore_mem>>, %arg31: memref<!tpu.dma_semaphore, #tpu.memory_space<semaphore_mem>>, %arg32: memref<!tpu.dma_semaphore, #tpu.memory_space<semaphore_mem>>, %arg33: memref<!tpu.dma_semaphore, #tpu.memory_space<semaphore_mem>>, %arg34: memref<!tpu.dma_semaphore, #tpu.memory_space<semaphore_mem>>, %arg35: memref<!tpu.dma_semaphore, #tpu.memory_space<semaphore_mem>>, %arg36: memref<!tpu.dma_semaphore, #tpu.memory_space<semaphore_mem>>, %arg37: memref<!tpu.dma_semaphore, #tpu.memory_space<semaphore_mem>>, %arg38: memref<!tpu.dma_semaphore, #tpu.memory_space<semaphore_mem>>) attributes {dimension_semantics = [#tpu.dimension_semantics<core_parallel>, #tpu.dimension_semantics<subcore_parallel>], iteration_bounds = array<i64: 2, 16>, scalar_prefetch = 0 : i64, scratch_operands = 34 : i64, tpu.core_type = #tpu.core_type<sc_vector_subcore>, window_params = [{transform_indices = #map}, {transform_indices = #map1}, {transform_indices = #map}]} {
    %mul3A = arith.constant 16 : i32
    %mul3A_0 = arith.muli %arg0, %mul3A : i32
    %add3A = arith.addi %mul3A_0, %arg1 : i32
    %mul3A_1 = arith.constant 125 : i32
    %mul3A_2 = arith.muli %add3A, %mul3A_1 : i32
    %scan3A = arith.constant 0 : i32
    %scan3A_3 = arith.constant 40 : i32
    %scan3A_4 = arith.addi %scan3A, %scan3A_3 : i32
    %scan3A_5 = arith.constant 1 : i32
    scf.for %scan3A_12 = %scan3A to %scan3A_4 step %scan3A_5  : i32 {
      %mul3A_13 = arith.constant 1 : i32
      %mul3A_14 = arith.muli %scan3A_12, %mul3A_13 : i32
      %add3A_15 = arith.constant 0 : i32
      %add3A_16 = arith.addi %add3A_15, %mul3A_14 : i32
      %broadcast_in_dim3A = arith.constant 0.000000e+00 : f32
      %broadcast_in_dim3A_17 = vector.broadcast %broadcast_in_dim3A : f32 to vector<16xf32>
      %swap3A = arith.index_cast %add3A_16 : i32 to index
      %swap3A_18 = arith.constant 0 : index
      %swap3A_19 = tpu.vector_load %arg25[%swap3A, %swap3A_18] {strides = array<i32>} : memref<40x128xf32, #tpu.memory_space<vmem>>, vector<16xf32>,
      tpu.vector_store %arg25[%swap3A, %swap3A_18], %broadcast_in_dim3A_17 {strides = array<i32>} : memref<40x128xf32, #tpu.memory_space<vmem>>, vector<16xf32>,
      %broadcast_in_dim3A_20 = arith.constant 0.000000e+00 : f32
      %broadcast_in_dim3A_21 = vector.broadcast %broadcast_in_dim3A_20 : f32 to vector<16xf32>
      %swap3A_22 = arith.index_cast %add3A_16 : i32 to index
      %swap3A_23 = arith.constant 16 : index
      %swap3A_24 = tpu.vector_load %arg25[%swap3A_22, %swap3A_23] {strides = array<i32>} : memref<40x128xf32, #tpu.memory_space<vmem>>, vector<16xf32>,
      tpu.vector_store %arg25[%swap3A_22, %swap3A_23], %broadcast_in_dim3A_21 {strides = array<i32>} : memref<40x128xf32, #tpu.memory_space<vmem>>, vector<16xf32>,
      %broadcast_in_dim3A_25 = arith.constant 0.000000e+00 : f32
      %broadcast_in_dim3A_26 = vector.broadcast %broadcast_in_dim3A_25 : f32 to vector<16xf32>
      %swap3A_27 = arith.index_cast %add3A_16 : i32 to index
      %swap3A_28 = arith.constant 32 : index
      %swap3A_29 = tpu.vector_load %arg25[%swap3A_27, %swap3A_28] {strides = array<i32>} : memref<40x128xf32, #tpu.memory_space<vmem>>, vector<16xf32>,
      tpu.vector_store %arg25[%swap3A_27, %swap3A_28], %broadcast_in_dim3A_26 {strides = array<i32>} : memref<40x128xf32, #tpu.memory_space<vmem>>, vector<16xf32>,
      %broadcast_in_dim3A_30 = arith.constant 0.000000e+00 : f32
      %broadcast_in_dim3A_31 = vector.broadcast %broadcast_in_dim3A_30 : f32 to vector<16xf32>
      %swap3A_32 = arith.index_cast %add3A_16 : i32 to index
      %swap3A_33 = arith.constant 48 : index
      %swap3A_34 = tpu.vector_load %arg25[%swap3A_32, %swap3A_33] {strides = array<i32>} : memref<40x128xf32, #tpu.memory_space<vmem>>, vector<16xf32>,
      tpu.vector_store %arg25[%swap3A_32, %swap3A_33], %broadcast_in_dim3A_31 {strides = array<i32>} : memref<40x128xf32, #tpu.memory_space<vmem>>, vector<16xf32>,
      %broadcast_in_dim3A_35 = arith.constant 0.000000e+00 : f32
      %broadcast_in_dim3A_36 = vector.broadcast %broadcast_in_dim3A_35 : f32 to vector<16xf32>
      %swap3A_37 = arith.index_cast %add3A_16 : i32 to index
      %swap3A_38 = arith.constant 64 : index
      %swap3A_39 = tpu.vector_load %arg25[%swap3A_37, %swap3A_38] {strides = array<i32>} : memref<40x128xf32, #tpu.memory_space<vmem>>, vector<16xf32>,
      tpu.vector_store %arg25[%swap3A_37, %swap3A_38], %broadcast_in_dim3A_36 {strides = array<i32>} : memref<40x128xf32, #tpu.memory_space<vmem>>, vector<16xf32>,
      %broadcast_in_dim3A_40 = arith.constant 0.000000e+00 : f32
      %broadcast_in_dim3A_41 = vector.broadcast %broadcast_in_dim3A_40 : f32 to vector<16xf32>
      %swap3A_42 = arith.index_cast %add3A_16 : i32 to index
      %swap3A_43 = arith.constant 80 : index
      %swap3A_44 = tpu.vector_load %arg25[%swap3A_42, %swap3A_43] {strides = array<i32>} : memref<40x128xf32, #tpu.memory_space<vmem>>, vector<16xf32>,
      tpu.vector_store %arg25[%swap3A_42, %swap3A_43], %broadcast_in_dim3A_41 {strides = array<i32>} : memref<40x128xf32, #tpu.memory_space<vmem>>, vector<16xf32>,
      %broadcast_in_dim3A_45 = arith.constant 0.000000e+00 : f32
      %broadcast_in_dim3A_46 = vector.broadcast %broadcast_in_dim3A_45 : f32 to vector<16xf32>
      %swap3A_47 = arith.index_cast %add3A_16 : i32 to index
      %swap3A_48 = arith.constant 96 : index
      %swap3A_49 = tpu.vector_load %arg25[%swap3A_47, %swap3A_48] {strides = array<i32>} : memref<40x128xf32, #tpu.memory_space<vmem>>, vector<16xf32>,
      tpu.vector_store %arg25[%swap3A_47, %swap3A_48], %broadcast_in_dim3A_46 {strides = array<i32>} : memref<40x128xf32, #tpu.memory_space<vmem>>, vector<16xf32>,
      %broadcast_in_dim3A_50 = arith.constant 0.000000e+00 : f32
      %broadcast_in_dim3A_51 = vector.broadcast %broadcast_in_dim3A_50 : f32 to vector<16xf32>
      %swap3A_52 = arith.index_cast %add3A_16 : i32 to index
      %swap3A_53 = arith.constant 112 : index
      %swap3A_54 = tpu.vector_load %arg25[%swap3A_52, %swap3A_53] {strides = array<i32>} : memref<40x128xf32, #tpu.memory_space<vmem>>, vector<16xf32>,
      tpu.vector_store %arg25[%swap3A_52, %swap3A_53], %broadcast_in_dim3A_51 {strides = array<i32>} : memref<40x128xf32, #tpu.memory_space<vmem>>, vector<16xf32>,
    }
    %scan3A_6 = arith.constant 40 : i32
    %scan3A_7 = arith.constant 0 : i32
    %scan3A_8 = arith.constant 4 : i32
    %scan3A_9 = arith.addi %scan3A_7, %scan3A_8 : i32
    %scan3A_10 = arith.constant 1 : i32
    scf.for %scan3A_12 = %scan3A_7 to %scan3A_9 step %scan3A_10  : i32 {
      %mul3A_13 = arith.constant 1 : i32
      %mul3A_14 = arith.muli %scan3A_12, %mul3A_13 : i32
      %add3A_15 = arith.constant 0 : i32
      %add3A_16 = arith.addi %add3A_15, %mul3A_14 : i32
      %add3A_17 = arith.constant 0 : i32
      %add3A_18 = arith.addi %mul3A_2, %add3A_17 : i32
      %mul3A_19 = arith.constant 256 : i32
      %mul3A_20 = arith.muli %add3A_18, %mul3A_19 : i32
      %dma_start3A = tpu.memref_slice %arg3[%mul3A_20] : memref<1024000xi32, #tpu.memory_space<hbm>> -> memref<256xi32, #tpu.memory_space<hbm>>
      %dma_start3A_21 = tpu.memref_slice %arg3[%mul3A_20] : memref<1024000xi32, #tpu.memory_space<hbm>> -> memref<256xi32, #tpu.memory_space<hbm>>
      tpu.enqueue_dma source(%dma_start3A_21 : memref<256xi32, #tpu.memory_space<hbm>>) target(%arg5 : memref<256xi32, #tpu.memory_space<vmem>>) target_semaphore(%arg27 : memref<!tpu.dma_semaphore, #tpu.memory_space<semaphore_mem>>)
      %add3A_22 = arith.constant 1 : i32
      %add3A_23 = arith.addi %mul3A_2, %add3A_22 : i32
      %mul3A_24 = arith.constant 256 : i32
      %mul3A_25 = arith.muli %add3A_23, %mul3A_24 : i32
      %dma_start3A_26 = tpu.memref_slice %arg3[%mul3A_25] : memref<1024000xi32, #tpu.memory_space<hbm>> -> memref<256xi32, #tpu.memory_space<hbm>>
      %dma_start3A_27 = tpu.memref_slice %arg3[%mul3A_25] : memref<1024000xi32, #tpu.memory_space<hbm>> -> memref<256xi32, #tpu.memory_space<hbm>>
      tpu.enqueue_dma source(%dma_start3A_27 : memref<256xi32, #tpu.memory_space<hbm>>) target(%arg6 : memref<256xi32, #tpu.memory_space<vmem>>) target_semaphore(%arg28 : memref<!tpu.dma_semaphore, #tpu.memory_space<semaphore_mem>>)
      %add3A_28 = arith.constant 2 : i32
      %add3A_29 = arith.addi %mul3A_2, %add3A_28 : i32
      %mul3A_30 = arith.constant 256 : i32
      %mul3A_31 = arith.muli %add3A_29, %mul3A_30 : i32
      %dma_start3A_32 = tpu.memref_slice %arg3[%mul3A_31] : memref<1024000xi32, #tpu.memory_space<hbm>> -> memref<256xi32, #tpu.memory_space<hbm>>
      %dma_start3A_33 = tpu.memref_slice %arg3[%mul3A_31] : memref<1024000xi32, #tpu.memory_space<hbm>> -> memref<256xi32, #tpu.memory_space<hbm>>
      tpu.enqueue_dma source(%dma_start3A_33 : memref<256xi32, #tpu.memory_space<hbm>>) target(%arg7 : memref<256xi32, #tpu.memory_space<vmem>>) target_semaphore(%arg29 : memref<!tpu.dma_semaphore, #tpu.memory_space<semaphore_mem>>)
      %add3A_34 = arith.constant 0 : i32
      %add3A_35 = arith.addi %mul3A_2, %add3A_34 : i32
      %mul3A_36 = arith.constant 256 : i32
      %mul3A_37 = arith.muli %add3A_35, %mul3A_36 : i32
      %dma_wait3A = tpu.memref_slice %arg3[%mul3A_37] : memref<1024000xi32, #tpu.memory_space<hbm>> -> memref<256xi32, #tpu.memory_space<hbm>>
      %dma_wait3A_38 = tpu.memref_slice %arg3[%mul3A_37] : memref<1024000xi32, #tpu.memory_space<hbm>> -> memref<256xi32, #tpu.memory_space<hbm>>
      tpu.wait_dma2 semaphore(%arg27 : memref<!tpu.dma_semaphore, #tpu.memory_space<semaphore_mem>>) src(%dma_wait3A_38 : memref<256xi32, #tpu.memory_space<hbm>>) dst(%arg5 : memref<256xi32, #tpu.memory_space<vmem>>)
      %mul3A_39 = arith.constant 10000 : i32
      %mul3A_40 = arith.muli %add3A_16, %mul3A_39 : i32
      %broadcast_in_dim3A = vector.broadcast %mul3A_40 : i32 to vector<16xi32>
      %get3A = arith.constant 0 : index
      %get3A_41 = tpu.vector_load %arg5[%get3A] {strides = array<i32>} : memref<256xi32, #tpu.memory_space<vmem>>, vector<16xi32>,
      %add3A_42 = arith.addi %get3A_41, %broadcast_in_dim3A : vector<16xi32>
      %swap3A = arith.constant 0 : index
      %swap3A_43 = tpu.vector_load %arg9[%swap3A] {strides = array<i32>} : memref<80xi32, #tpu.memory_space<vmem>>, vector<16xi32>,
      tpu.vector_store %arg9[%swap3A], %add3A_42 {strides = array<i32>} : memref<80xi32, #tpu.memory_space<vmem>>, vector<16xi32>,
      %get3A_44 = arith.constant 80 : index
      %get3A_45 = tpu.vector_load %arg5[%get3A_44] {strides = array<i32>} : memref<256xi32, #tpu.memory_space<vmem>>, vector<16xi32>,
      %swap3A_46 = arith.constant 0 : index
      %swap3A_47 = tpu.vector_load %arg13[%swap3A_46] {strides = array<i32>} : memref<80xi32, #tpu.memory_space<vmem>>, vector<16xi32>,
      tpu.vector_store %arg13[%swap3A_46], %get3A_45 {strides = array<i32>} : memref<80xi32, #tpu.memory_space<vmem>>, vector<16xi32>,
      %get3A_48 = arith.constant 160 : index
      %get3A_49 = tpu.vector_load %arg5[%get3A_48] {strides = array<i32>} : memref<256xi32, #tpu.memory_space<vmem>>, vector<16xi32>,
      %bitcast3A = vector.bitcast %get3A_49 : vector<16xi32> to vector<16xf32>
      %swap3A_50 = arith.constant 0 : index
      %swap3A_51 = tpu.vector_load %arg21[%swap3A_50] {strides = array<i32>} : memref<80xf32, #tpu.memory_space<vmem>>, vector<16xf32>,
      tpu.vector_store %arg21[%swap3A_50], %bitcast3A {strides = array<i32>} : memref<80xf32, #tpu.memory_space<vmem>>, vector<16xf32>,
      %get3A_52 = arith.constant 16 : index
      %get3A_53 = tpu.vector_load %arg5[%get3A_52] {strides = array<i32>} : memref<256xi32, #tpu.memory_space<vmem>>, vector<16xi32>,
      %add3A_54 = arith.addi %get3A_53, %broadcast_in_dim3A : vector<16xi32>
      %swap3A_55 = arith.constant 16 : index
      %swap3A_56 = tpu.vector_load %arg9[%swap3A_55] {strides = array<i32>} : memref<80xi32, #tpu.memory_space<vmem>>, vector<16xi32>,
      tpu.vector_store %arg9[%swap3A_55], %add3A_54 {strides = array<i32>} : memref<80xi32, #tpu.memory_space<vmem>>, vector<16xi32>,
      %get3A_57 = arith.constant 96 : index
      %get3A_58 = tpu.vector_load %arg5[%get3A_57] {strides = array<i32>} : memref<256xi32, #tpu.memory_space<vmem>>, vector<16xi32>,
      %swap3A_59 = arith.constant 16 : index
      %swap3A_60 = tpu.vector_load %arg13[%swap3A_59] {strides = array<i32>} : memref<80xi32, #tpu.memory_space<vmem>>, vector<16xi32>,
      tpu.vector_store %arg13[%swap3A_59], %get3A_58 {strides = array<i32>} : memref<80xi32, #tpu.memory_space<vmem>>, vector<16xi32>,
      %get3A_61 = arith.constant 176 : index
      %get3A_62 = tpu.vector_load %arg5[%get3A_61] {strides = array<i32>} : memref<256xi32, #tpu.memory_space<vmem>>, vector<16xi32>,
      %bitcast3A_63 = vector.bitcast %get3A_62 : vector<16xi32> to vector<16xf32>
      %swap3A_64 = arith.constant 16 : index
      %swap3A_65 = tpu.vector_load %arg21[%swap3A_64] {strides = array<i32>} : memref<80xf32, #tpu.memory_space<vmem>>, vector<16xf32>,
      tpu.vector_store %arg21[%swap3A_64], %bitcast3A_63 {strides = array<i32>} : memref<80xf32, #tpu.memory_space<vmem>>, vector<16xf32>,
      %get3A_66 = arith.constant 32 : index
      %get3A_67 = tpu.vector_load %arg5[%get3A_66] {strides = array<i32>} : memref<256xi32, #tpu.memory_space<vmem>>, vector<16xi32>,
      %add3A_68 = arith.addi %get3A_67, %broadcast_in_dim3A : vector<16xi32>
      %swap3A_69 = arith.constant 32 : index
      %swap3A_70 = tpu.vector_load %arg9[%swap3A_69] {strides = array<i32>} : memref<80xi32, #tpu.memory_space<vmem>>, vector<16xi32>,
      tpu.vector_store %arg9[%swap3A_69], %add3A_68 {strides = array<i32>} : memref<80xi32, #tpu.memory_space<vmem>>, vector<16xi32>,
      %get3A_71 = arith.constant 112 : index
      %get3A_72 = tpu.vector_load %arg5[%get3A_71] {strides = array<i32>} : memref<256xi32, #tpu.memory_space<vmem>>, vector<16xi32>,
      %swap3A_73 = arith.constant 32 : index
      %swap3A_74 = tpu.vector_load %arg13[%swap3A_73] {strides = array<i32>} : memref<80xi32, #tpu.memory_space<vmem>>, vector<16xi32>,
      tpu.vector_store %arg13[%swap3A_73], %get3A_72 {strides = array<i32>} : memref<80xi32, #tpu.memory_space<vmem>>, vector<16xi32>,
      %get3A_75 = arith.constant 192 : index
      %get3A_76 = tpu.vector_load %arg5[%get3A_75] {strides = array<i32>} : memref<256xi32, #tpu.memory_space<vmem>>, vector<16xi32>,
      %bitcast3A_77 = vector.bitcast %get3A_76 : vector<16xi32> to vector<16xf32>
      %swap3A_78 = arith.constant 32 : index
      %swap3A_79 = tpu.vector_load %arg21[%swap3A_78] {strides = array<i32>} : memref<80xf32, #tpu.memory_space<vmem>>, vector<16xf32>,
      tpu.vector_store %arg21[%swap3A_78], %bitcast3A_77 {strides = array<i32>} : memref<80xf32, #tpu.memory_space<vmem>>, vector<16xf32>,
      %get3A_80 = arith.constant 48 : index
      %get3A_81 = tpu.vector_load %arg5[%get3A_80] {strides = array<i32>} : memref<256xi32, #tpu.memory_space<vmem>>, vector<16xi32>,
      %add3A_82 = arith.addi %get3A_81, %broadcast_in_dim3A : vector<16xi32>
      %swap3A_83 = arith.constant 48 : index
      %swap3A_84 = tpu.vector_load %arg9[%swap3A_83] {strides = array<i32>} : memref<80xi32, #tpu.memory_space<vmem>>, vector<16xi32>,
      tpu.vector_store %arg9[%swap3A_83], %add3A_82 {strides = array<i32>} : memref<80xi32, #tpu.memory_space<vmem>>, vector<16xi32>,
      %get3A_85 = arith.constant 128 : index
      %get3A_86 = tpu.vector_load %arg5[%get3A_85] {strides = array<i32>} : memref<256xi32, #tpu.memory_space<vmem>>, vector<16xi32>,
      %swap3A_87 = arith.constant 48 : index
      %swap3A_88 = tpu.vector_load %arg13[%swap3A_87] {strides = array<i32>} : memref<80xi32, #tpu.memory_space<vmem>>, vector<16xi32>,
      tpu.vector_store %arg13[%swap3A_87], %get3A_86 {strides = array<i32>} : memref<80xi32, #tpu.memory_space<vmem>>, vector<16xi32>,
      %get3A_89 = arith.constant 208 : index
      %get3A_90 = tpu.vector_load %arg5[%get3A_89] {strides = array<i32>} : memref<256xi32, #tpu.memory_space<vmem>>, vector<16xi32>,
      %bitcast3A_91 = vector.bitcast %get3A_90 : vector<16xi32> to vector<16xf32>
      %swap3A_92 = arith.constant 48 : index
      %swap3A_93 = tpu.vector_load %arg21[%swap3A_92] {strides = array<i32>} : memref<80xf32, #tpu.memory_space<vmem>>, vector<16xf32>,
      tpu.vector_store %arg21[%swap3A_92], %bitcast3A_91 {strides = array<i32>} : memref<80xf32, #tpu.memory_space<vmem>>, vector<16xf32>,
      %get3A_94 = arith.constant 64 : index
      %get3A_95 = tpu.vector_load %arg5[%get3A_94] {strides = array<i32>} : memref<256xi32, #tpu.memory_space<vmem>>, vector<16xi32>,
      %add3A_96 = arith.addi %get3A_95, %broadcast_in_dim3A : vector<16xi32>
      %swap3A_97 = arith.constant 64 : index
      %swap3A_98 = tpu.vector_load %arg9[%swap3A_97] {strides = array<i32>} : memref<80xi32, #tpu.memory_space<vmem>>, vector<16xi32>,
      tpu.vector_store %arg9[%swap3A_97], %add3A_96 {strides = array<i32>} : memref<80xi32, #tpu.memory_space<vmem>>, vector<16xi32>,
      %get3A_99 = arith.constant 144 : index
      %get3A_100 = tpu.vector_load %arg5[%get3A_99] {strides = array<i32>} : memref<256xi32, #tpu.memory_space<vmem>>, vector<16xi32>,
      %swap3A_101 = arith.constant 64 : index
      %swap3A_102 = tpu.vector_load %arg13[%swap3A_101] {strides = array<i32>} : memref<80xi32, #tpu.memory_space<vmem>>, vector<16xi32>,
      tpu.vector_store %arg13[%swap3A_101], %get3A_100 {strides = array<i32>} : memref<80xi32, #tpu.memory_space<vmem>>, vector<16xi32>,
      %get3A_103 = arith.constant 224 : index
      %get3A_104 = tpu.vector_load %arg5[%get3A_103] {strides = array<i32>} : memref<256xi32, #tpu.memory_space<vmem>>, vector<16xi32>,
      %bitcast3A_105 = vector.bitcast %get3A_104 : vector<16xi32> to vector<16xf32>
      %swap3A_106 = arith.constant 64 : index
      %swap3A_107 = tpu.vector_load %arg21[%swap3A_106] {strides = array<i32>} : memref<80xf32, #tpu.memory_space<vmem>>, vector<16xf32>,
      tpu.vector_store %arg21[%swap3A_106], %bitcast3A_105 {strides = array<i32>} : memref<80xf32, #tpu.memory_space<vmem>>, vector<16xf32>,
      %dma_start3A_108 = arith.constant 0 : i32
      %dma_start3A_109 = arith.constant 0 : i32
      %dma_start3A_110 = tpu.memref_slice %arg2[%dma_start3A_108, %dma_start3A_109] : memref<40000x128xf32, #tpu.memory_space<hbm>> -> memref<40000x128xf32, #tpu.memory_space<hbm>>
      tpu.enqueue_indirect_dma source(%dma_start3A_110 : memref<40000x128xf32, #tpu.memory_space<hbm>>) target(%arg17 : memref<80x128xf32, #tpu.memory_space<vmem>>) offsets(%arg9 : memref<80xi32, #tpu.memory_space<vmem>>) semaphore(%arg31 : memref<!tpu.dma_semaphore, #tpu.memory_space<semaphore_mem>>)
      %add3A_111 = arith.constant 1 : i32
      %add3A_112 = arith.addi %mul3A_2, %add3A_111 : i32
      %mul3A_113 = arith.constant 256 : i32
      %mul3A_114 = arith.muli %add3A_112, %mul3A_113 : i32
      %dma_wait3A_115 = tpu.memref_slice %arg3[%mul3A_114] : memref<1024000xi32, #tpu.memory_space<hbm>> -> memref<256xi32, #tpu.memory_space<hbm>>
      %dma_wait3A_116 = tpu.memref_slice %arg3[%mul3A_114] : memref<1024000xi32, #tpu.memory_space<hbm>> -> memref<256xi32, #tpu.memory_space<hbm>>
      tpu.wait_dma2 semaphore(%arg28 : memref<!tpu.dma_semaphore, #tpu.memory_space<semaphore_mem>>) src(%dma_wait3A_116 : memref<256xi32, #tpu.memory_space<hbm>>) dst(%arg6 : memref<256xi32, #tpu.memory_space<vmem>>)
      %mul3A_117 = arith.constant 10000 : i32
      %mul3A_118 = arith.muli %add3A_16, %mul3A_117 : i32
      %broadcast_in_dim3A_119 = vector.broadcast %mul3A_118 : i32 to vector<16xi32>
      %get3A_120 = arith.constant 0 : index
      %get3A_121 = tpu.vector_load %arg6[%get3A_120] {strides = array<i32>} : memref<256xi32, #tpu.memory_space<vmem>>, vector<16xi32>,
      %add3A_122 = arith.addi %get3A_121, %broadcast_in_dim3A_119 : vector<16xi32>
      %swap3A_123 = arith.constant 0 : index
      %swap3A_124 = tpu.vector_load %arg10[%swap3A_123] {strides = array<i32>} : memref<80xi32, #tpu.memory_space<vmem>>, vector<16xi32>,
      tpu.vector_store %arg10[%swap3A_123], %add3A_122 {strides = array<i32>} : memref<80xi32, #tpu.memory_space<vmem>>, vector<16xi32>,
      %get3A_125 = arith.constant 80 : index
      %get3A_126 = tpu.vector_load %arg6[%get3A_125] {strides = array<i32>} : memref<256xi32, #tpu.memory_space<vmem>>, vector<16xi32>,
      %swap3A_127 = arith.constant 0 : index
      %swap3A_128 = tpu.vector_load %arg14[%swap3A_127] {strides = array<i32>} : memref<80xi32, #tpu.memory_space<vmem>>, vector<16xi32>,
      tpu.vector_store %arg14[%swap3A_127], %get3A_126 {strides = array<i32>} : memref<80xi32, #tpu.memory_space<vmem>>, vector<16xi32>,
      %get3A_129 = arith.constant 160 : index
      %get3A_130 = tpu.vector_load %arg6[%get3A_129] {strides = array<i32>} : memref<256xi32, #tpu.memory_space<vmem>>, vector<16xi32>,
      %bitcast3A_131 = vector.bitcast %get3A_130 : vector<16xi32> to vector<16xf32>
      %swap3A_132 = arith.constant 0 : index
      %swap3A_133 = tpu.vector_load %arg22[%swap3A_132] {strides = array<i32>} : memref<80xf32, #tpu.memory_space<vmem>>, vector<16xf32>,
      tpu.vector_store %arg22[%swap3A_132], %bitcast3A_131 {strides = array<i32>} : memref<80xf32, #tpu.memory_space<vmem>>, vector<16xf32>,
      %get3A_134 = arith.constant 16 : index
      %get3A_135 = tpu.vector_load %arg6[%get3A_134] {strides = array<i32>} : memref<256xi32, #tpu.memory_space<vmem>>, vector<16xi32>,
      %add3A_136 = arith.addi %get3A_135, %broadcast_in_dim3A_119 : vector<16xi32>
      %swap3A_137 = arith.constant 16 : index
      %swap3A_138 = tpu.vector_load %arg10[%swap3A_137] {strides = array<i32>} : memref<80xi32, #tpu.memory_space<vmem>>, vector<16xi32>,
      tpu.vector_store %arg10[%swap3A_137], %add3A_136 {strides = array<i32>} : memref<80xi32, #tpu.memory_space<vmem>>, vector<16xi32>,
      %get3A_139 = arith.constant 96 : index
      %get3A_140 = tpu.vector_load %arg6[%get3A_139] {strides = array<i32>} : memref<256xi32, #tpu.memory_space<vmem>>, vector<16xi32>,
      %swap3A_141 = arith.constant 16 : index
      %swap3A_142 = tpu.vector_load %arg14[%swap3A_141] {strides = array<i32>} : memref<80xi32, #tpu.memory_space<vmem>>, vector<16xi32>,
      tpu.vector_store %arg14[%swap3A_141], %get3A_140 {strides = array<i32>} : memref<80xi32, #tpu.memory_space<vmem>>, vector<16xi32>,
      %get3A_143 = arith.constant 176 : index
      %get3A_144 = tpu.vector_load %arg6[%get3A_143] {strides = array<i32>} : memref<256xi32, #tpu.memory_space<vmem>>, vector<16xi32>,
      %bitcast3A_145 = vector.bitcast %get3A_144 : vector<16xi32> to vector<16xf32>
      %swap3A_146 = arith.constant 16 : index
      %swap3A_147 = tpu.vector_load %arg22[%swap3A_146] {strides = array<i32>} : memref<80xf32, #tpu.memory_space<vmem>>, vector<16xf32>,
      tpu.vector_store %arg22[%swap3A_146], %bitcast3A_145 {strides = array<i32>} : memref<80xf32, #tpu.memory_space<vmem>>, vector<16xf32>,
      %get3A_148 = arith.constant 32 : index
      %get3A_149 = tpu.vector_load %arg6[%get3A_148] {strides = array<i32>} : memref<256xi32, #tpu.memory_space<vmem>>, vector<16xi32>,
      %add3A_150 = arith.addi %get3A_149, %broadcast_in_dim3A_119 : vector<16xi32>
      %swap3A_151 = arith.constant 32 : index
      %swap3A_152 = tpu.vector_load %arg10[%swap3A_151] {strides = array<i32>} : memref<80xi32, #tpu.memory_space<vmem>>, vector<16xi32>,
      tpu.vector_store %arg10[%swap3A_151], %add3A_150 {strides = array<i32>} : memref<80xi32, #tpu.memory_space<vmem>>, vector<16xi32>,
      %get3A_153 = arith.constant 112 : index
      %get3A_154 = tpu.vector_load %arg6[%get3A_153] {strides = array<i32>} : memref<256xi32, #tpu.memory_space<vmem>>, vector<16xi32>,
      %swap3A_155 = arith.constant 32 : index
      %swap3A_156 = tpu.vector_load %arg14[%swap3A_155] {strides = array<i32>} : memref<80xi32, #tpu.memory_space<vmem>>, vector<16xi32>,
      tpu.vector_store %arg14[%swap3A_155], %get3A_154 {strides = array<i32>} : memref<80xi32, #tpu.memory_space<vmem>>, vector<16xi32>,
      %get3A_157 = arith.constant 192 : index
      %get3A_158 = tpu.vector_load %arg6[%get3A_157] {strides = array<i32>} : memref<256xi32, #tpu.memory_space<vmem>>, vector<16xi32>,
      %bitcast3A_159 = vector.bitcast %get3A_158 : vector<16xi32> to vector<16xf32>
      %swap3A_160 = arith.constant 32 : index
      %swap3A_161 = tpu.vector_load %arg22[%swap3A_160] {strides = array<i32>} : memref<80xf32, #tpu.memory_space<vmem>>, vector<16xf32>,
      tpu.vector_store %arg22[%swap3A_160], %bitcast3A_159 {strides = array<i32>} : memref<80xf32, #tpu.memory_space<vmem>>, vector<16xf32>,
      %get3A_162 = arith.constant 48 : index
      %get3A_163 = tpu.vector_load %arg6[%get3A_162] {strides = array<i32>} : memref<256xi32, #tpu.memory_space<vmem>>, vector<16xi32>,
      %add3A_164 = arith.addi %get3A_163, %broadcast_in_dim3A_119 : vector<16xi32>
      %swap3A_165 = arith.constant 48 : index
      %swap3A_166 = tpu.vector_load %arg10[%swap3A_165] {strides = array<i32>} : memref<80xi32, #tpu.memory_space<vmem>>, vector<16xi32>,
      tpu.vector_store %arg10[%swap3A_165], %add3A_164 {strides = array<i32>} : memref<80xi32, #tpu.memory_space<vmem>>, vector<16xi32>,
      %get3A_167 = arith.constant 128 : index
      %get3A_168 = tpu.vector_load %arg6[%get3A_167] {strides = array<i32>} : memref<256xi32, #tpu.memory_space<vmem>>, vector<16xi32>,
      %swap3A_169 = arith.constant 48 : index
      %swap3A_170 = tpu.vector_load %arg14[%swap3A_169] {strides = array<i32>} : memref<80xi32, #tpu.memory_space<vmem>>, vector<16xi32>,
      tpu.vector_store %arg14[%swap3A_169], %get3A_168 {strides = array<i32>} : memref<80xi32, #tpu.memory_space<vmem>>, vector<16xi32>,
      %get3A_171 = arith.constant 208 : index
      %get3A_172 = tpu.vector_load %arg6[%get3A_171] {strides = array<i32>} : memref<256xi32, #tpu.memory_space<vmem>>, vector<16xi32>,
      %bitcast3A_173 = vector.bitcast %get3A_172 : vector<16xi32> to vector<16xf32>
      %swap3A_174 = arith.constant 48 : index
      %swap3A_175 = tpu.vector_load %arg22[%swap3A_174] {strides = array<i32>} : memref<80xf32, #tpu.memory_space<vmem>>, vector<16xf32>,
      tpu.vector_store %arg22[%swap3A_174], %bitcast3A_173 {strides = array<i32>} : memref<80xf32, #tpu.memory_space<vmem>>, vector<16xf32>,
      %get3A_176 = arith.constant 64 : index
      %get3A_177 = tpu.vector_load %arg6[%get3A_176] {strides = array<i32>} : memref<256xi32, #tpu.memory_space<vmem>>, vector<16xi32>,
      %add3A_178 = arith.addi %get3A_177, %broadcast_in_dim3A_119 : vector<16xi32>
      %swap3A_179 = arith.constant 64 : index
      %swap3A_180 = tpu.vector_load %arg10[%swap3A_179] {strides = array<i32>} : memref<80xi32, #tpu.memory_space<vmem>>, vector<16xi32>,
      tpu.vector_store %arg10[%swap3A_179], %add3A_178 {strides = array<i32>} : memref<80xi32, #tpu.memory_space<vmem>>, vector<16xi32>,
      %get3A_181 = arith.constant 144 : index
      %get3A_182 = tpu.vector_load %arg6[%get3A_181] {strides = array<i32>} : memref<256xi32, #tpu.memory_space<vmem>>, vector<16xi32>,
      %swap3A_183 = arith.constant 64 : index
      %swap3A_184 = tpu.vector_load %arg14[%swap3A_183] {strides = array<i32>} : memref<80xi32, #tpu.memory_space<vmem>>, vector<16xi32>,
      tpu.vector_store %arg14[%swap3A_183], %get3A_182 {strides = array<i32>} : memref<80xi32, #tpu.memory_space<vmem>>, vector<16xi32>,
      %get3A_185 = arith.constant 224 : index
      %get3A_186 = tpu.vector_load %arg6[%get3A_185] {strides = array<i32>} : memref<256xi32, #tpu.memory_space<vmem>>, vector<16xi32>,
      %bitcast3A_187 = vector.bitcast %get3A_186 : vector<16xi32> to vector<16xf32>
      %swap3A_188 = arith.constant 64 : index
      %swap3A_189 = tpu.vector_load %arg22[%swap3A_188] {strides = array<i32>} : memref<80xf32, #tpu.memory_space<vmem>>, vector<16xf32>,
      tpu.vector_store %arg22[%swap3A_188], %bitcast3A_187 {strides = array<i32>} : memref<80xf32, #tpu.memory_space<vmem>>, vector<16xf32>,
      %dma_start3A_190 = arith.constant 0 : i32
      %dma_start3A_191 = arith.constant 0 : i32
      %dma_start3A_192 = tpu.memref_slice %arg2[%dma_start3A_190, %dma_start3A_191] : memref<40000x128xf32, #tpu.memory_space<hbm>> -> memref<40000x128xf32, #tpu.memory_space<hbm>>
      tpu.enqueue_indirect_dma source(%dma_start3A_192 : memref<40000x128xf32, #tpu.memory_space<hbm>>) target(%arg18 : memref<80x128xf32, #tpu.memory_space<vmem>>) offsets(%arg10 : memref<80xi32, #tpu.memory_space<vmem>>) semaphore(%arg32 : memref<!tpu.dma_semaphore, #tpu.memory_space<semaphore_mem>>)
      %scan3A_193 = arith.constant 0 : i32
      %scan3A_194 = arith.constant 16 : i32
      %scan3A_195 = arith.addi %scan3A_193, %scan3A_194 : i32
      %scan3A_196 = arith.constant 1 : i32
      scf.for %scan3A_235 = %scan3A_193 to %scan3A_195 step %scan3A_196  : i32 {
        %mul3A_236 = arith.constant 1 : i32
        %mul3A_237 = arith.muli %scan3A_235, %mul3A_236 : i32
        %add3A_238 = arith.constant 0 : i32
        %add3A_239 = arith.addi %add3A_238, %mul3A_237 : i32
        %mul3A_240 = arith.constant 16 : i32
        %mul3A_241 = arith.muli %add3A_239, %mul3A_240 : i32
        %add3A_242 = arith.addi %arg1, %mul3A_241 : i32
        %lt3A = arith.constant 250 : i32
        %lt3A_243 = arith.cmpi slt, %add3A_242, %lt3A : i32
        %convert_element_type3A = arith.extui %lt3A_243 : i1 to i32
        %cond3A = arith.constant 0 : i32
        %cond3A_244 = arith.cmpi ne, %convert_element_type3A, %cond3A : i32
        scf.if %cond3A_244 {
          %mul3A_245 = arith.constant 40 : i32
          %mul3A_246 = arith.muli %add3A_242, %mul3A_245 : i32
          "tpu.region"() ({
            %run_scoped3A = tpu.sem_alloc : memref<!tpu.dma_semaphore, #tpu.memory_space<semaphore_mem>>
            %dma_start3A_247 = arith.constant 0 : i32
            %dma_start3A_248 = tpu.memref_slice %arg26[%mul3A_246, %dma_start3A_247] : memref<10000x128xf32, #tpu.memory_space<vmem_shared>> -> memref<40x128xf32, #tpu.memory_space<vmem_shared>>
            %dma_start3A_249 = arith.constant 0 : i32
            %dma_start3A_250 = tpu.memref_slice %arg26[%mul3A_246, %dma_start3A_249] : memref<10000x128xf32, #tpu.memory_space<vmem_shared>> -> memref<40x128xf32, #tpu.memory_space<vmem_shared>>
            tpu.enqueue_dma source(%arg25 : memref<40x128xf32, #tpu.memory_space<vmem>>) target(%dma_start3A_250 : memref<40x128xf32, #tpu.memory_space<vmem_shared>>) target_semaphore(%run_scoped3A : memref<!tpu.dma_semaphore, #tpu.memory_space<semaphore_mem>>)
            %dma_wait3A_251 = arith.constant 0 : i32
            %dma_wait3A_252 = tpu.memref_slice %arg26[%mul3A_246, %dma_wait3A_251] : memref<10000x128xf32, #tpu.memory_space<vmem_shared>> -> memref<40x128xf32, #tpu.memory_space<vmem_shared>>
            %dma_wait3A_253 = arith.constant 0 : i32
            %dma_wait3A_254 = tpu.memref_slice %arg26[%mul3A_246, %dma_wait3A_253] : memref<10000x128xf32, #tpu.memory_space<vmem_shared>> -> memref<40x128xf32, #tpu.memory_space<vmem_shared>>
            tpu.wait_dma2 semaphore(%run_scoped3A : memref<!tpu.dma_semaphore, #tpu.memory_space<semaphore_mem>>) src(%arg25 : memref<40x128xf32, #tpu.memory_space<vmem>>) dst(%dma_wait3A_254 : memref<40x128xf32, #tpu.memory_space<vmem_shared>>)
            tpu.yield
          }) : () -> ()
        } else {
        }
      }
      %scan3A_197 = arith.constant 16 : i32
      %barrier3A = arith.constant 0 : index
      tpu.barrier barrier_id(%barrier3A)
      %scan3A_198 = arith.constant 0 : i32
      %scan3A_199 = arith.constant 31 : i32
      %scan3A_200 = arith.addi %scan3A_198, %scan3A_199 : i32
      %scan3A_201 = arith.constant 1 : i32
      scf.for %scan3A_235 = %scan3A_198 to %scan3A_200 step %scan3A_201  : i32 {
        %mul3A_236 = arith.constant 1 : i32
        %mul3A_237 = arith.muli %scan3A_235, %mul3A_236 : i32
        %add3A_238 = arith.constant 0 : i32
        %add3A_239 = arith.addi %add3A_238, %mul3A_237 : i32
        %mul3A_240 = arith.constant 4 : i32
        %mul3A_241 = arith.muli %add3A_239, %mul3A_240 : i32
        %add3A_242 = arith.constant 0 : i32
        %add3A_243 = arith.addi %mul3A_241, %add3A_242 : i32
        %add3A_244 = arith.constant 3 : i32
        %add3A_245 = arith.addi %add3A_243, %add3A_244 : i32
        %lt3A = arith.constant 125 : i32
        %lt3A_246 = arith.cmpi slt, %add3A_245, %lt3A : i32
        %convert_element_type3A = arith.extui %lt3A_246 : i1 to i32
        %cond3A = arith.constant 0 : i32
        %cond3A_247 = arith.cmpi ne, %convert_element_type3A, %cond3A : i32
        scf.if %cond3A_247 {
          %add3A_339 = arith.constant 3 : i32
          %add3A_340 = arith.addi %add3A_243, %add3A_339 : i32
          %add3A_341 = arith.addi %mul3A_2, %add3A_340 : i32
          %mul3A_342 = arith.constant 256 : i32
          %mul3A_343 = arith.muli %add3A_341, %mul3A_342 : i32
          %dma_start3A_344 = tpu.memref_slice %arg3[%mul3A_343] : memref<1024000xi32, #tpu.memory_space<hbm>> -> memref<256xi32, #tpu.memory_space<hbm>>
          %dma_start3A_345 = tpu.memref_slice %arg3[%mul3A_343] : memref<1024000xi32, #tpu.memory_space<hbm>> -> memref<256xi32, #tpu.memory_space<hbm>>
          tpu.enqueue_dma source(%dma_start3A_345 : memref<256xi32, #tpu.memory_space<hbm>>) target(%arg8 : memref<256xi32, #tpu.memory_space<vmem>>) target_semaphore(%arg30 : memref<!tpu.dma_semaphore, #tpu.memory_space<semaphore_mem>>)
        } else {
        }
        %add3A_248 = arith.constant 2 : i32
        %add3A_249 = arith.addi %add3A_243, %add3A_248 : i32
        %lt3A_250 = arith.constant 125 : i32
        %lt3A_251 = arith.cmpi slt, %add3A_249, %lt3A_250 : i32
        %convert_element_type3A_252 = arith.extui %lt3A_251 : i1 to i32
        %cond3A_253 = arith.constant 0 : i32
        %cond3A_254 = arith.cmpi ne, %convert_element_type3A_252, %cond3A_253 : i32
        scf.if %cond3A_254 {
          %add3A_339 = arith.constant 2 : i32
          %add3A_340 = arith.addi %add3A_243, %add3A_339 : i32
          %add3A_341 = arith.addi %mul3A_2, %add3A_340 : i32
          %mul3A_342 = arith.constant 256 : i32
          %mul3A_343 = arith.muli %add3A_341, %mul3A_342 : i32
          %dma_wait3A_344 = tpu.memref_slice %arg3[%mul3A_343] : memref<1024000xi32, #tpu.memory_space<hbm>> -> memref<256xi32, #tpu.memory_space<hbm>>
          %dma_wait3A_345 = tpu.memref_slice %arg3[%mul3A_343] : memref<1024000xi32, #tpu.memory_space<hbm>> -> memref<256xi32, #tpu.memory_space<hbm>>
          tpu.wait_dma2 semaphore(%arg29 : memref<!tpu.dma_semaphore, #tpu.memory_space<semaphore_mem>>) src(%dma_wait3A_345 : memref<256xi32, #tpu.memory_space<hbm>>) dst(%arg7 : memref<256xi32, #tpu.memory_space<vmem>>)
          %add3A_346 = arith.constant 2 : i32
          %add3A_347 = arith.addi %add3A_243, %add3A_346 : i32
          %ge3A = arith.constant 4 : i32
          %ge3A_348 = arith.cmpi sge, %add3A_347, %ge3A : i32
          %convert_element_type3A_349 = arith.extui %ge3A_348 : i1 to i32
          %cond3A_350 = arith.constant 0 : i32
          %cond3A_351 = arith.cmpi ne, %convert_element_type3A_349, %cond3A_350 : i32
          scf.if %cond3A_351 {
            %dma_wait3A_428 = arith.constant 0 : i32
            %dma_wait3A_429 = arith.constant 0 : i32
            %dma_wait3A_430 = tpu.memref_slice %arg26[%dma_wait3A_428, %dma_wait3A_429] : memref<10000x128xf32, #tpu.memory_space<vmem_shared>> -> memref<10000x128xf32, #tpu.memory_space<vmem_shared>>
            tpu.wait_indirect_dma semaphore(%arg37 : memref<!tpu.dma_semaphore, #tpu.memory_space<semaphore_mem>>) src(%arg19 : memref<80x128xf32, #tpu.memory_space<vmem>>) dst(%dma_wait3A_430 : memref<10000x128xf32, #tpu.memory_space<vmem_shared>>)
          } else {
          }
          %mul3A_352 = arith.constant 10000 : i32
          %mul3A_353 = arith.muli %add3A_16, %mul3A_352 : i32
          %broadcast_in_dim3A_354 = vector.broadcast %mul3A_353 : i32 to vector<16xi32>
          %get3A_355 = arith.constant 0 : index
          %get3A_356 = tpu.vector_load %arg7[%get3A_355] {strides = array<i32>} : memref<256xi32, #tpu.memory_space<vmem>>, vector<16xi32>,
          %add3A_357 = arith.addi %get3A_356, %broadcast_in_dim3A_354 : vector<16xi32>
          %swap3A_358 = arith.constant 0 : index
          %swap3A_359 = tpu.vector_load %arg11[%swap3A_358] {strides = array<i32>} : memref<80xi32, #tpu.memory_space<vmem>>, vector<16xi32>,
          tpu.vector_store %arg11[%swap3A_358], %add3A_357 {strides = array<i32>} : memref<80xi32, #tpu.memory_space<vmem>>, vector<16xi32>,
          %get3A_360 = arith.constant 80 : index
          %get3A_361 = tpu.vector_load %arg7[%get3A_360] {strides = array<i32>} : memref<256xi32, #tpu.memory_space<vmem>>, vector<16xi32>,
          %swap3A_362 = arith.constant 0 : index
          %swap3A_363 = tpu.vector_load %arg15[%swap3A_362] {strides = array<i32>} : memref<80xi32, #tpu.memory_space<vmem>>, vector<16xi32>,
          tpu.vector_store %arg15[%swap3A_362], %get3A_361 {strides = array<i32>} : memref<80xi32, #tpu.memory_space<vmem>>, vector<16xi32>,
          %get3A_364 = arith.constant 160 : index
          %get3A_365 = tpu.vector_load %arg7[%get3A_364] {strides = array<i32>} : memref<256xi32, #tpu.memory_space<vmem>>, vector<16xi32>,
          %bitcast3A_366 = vector.bitcast %get3A_365 : vector<16xi32> to vector<16xf32>
          %swap3A_367 = arith.constant 0 : index
          %swap3A_368 = tpu.vector_load %arg23[%swap3A_367] {strides = array<i32>} : memref<80xf32, #tpu.memory_space<vmem>>, vector<16xf32>,
          tpu.vector_store %arg23[%swap3A_367], %bitcast3A_366 {strides = array<i32>} : memref<80xf32, #tpu.memory_space<vmem>>, vector<16xf32>,
          %get3A_369 = arith.constant 16 : index
          %get3A_370 = tpu.vector_load %arg7[%get3A_369] {strides = array<i32>} : memref<256xi32, #tpu.memory_space<vmem>>, vector<16xi32>,
          %add3A_371 = arith.addi %get3A_370, %broadcast_in_dim3A_354 : vector<16xi32>
          %swap3A_372 = arith.constant 16 : index
          %swap3A_373 = tpu.vector_load %arg11[%swap3A_372] {strides = array<i32>} : memref<80xi32, #tpu.memory_space<vmem>>, vector<16xi32>,
          tpu.vector_store %arg11[%swap3A_372], %add3A_371 {strides = array<i32>} : memref<80xi32, #tpu.memory_space<vmem>>, vector<16xi32>,
          %get3A_374 = arith.constant 96 : index
          %get3A_375 = tpu.vector_load %arg7[%get3A_374] {strides = array<i32>} : memref<256xi32, #tpu.memory_space<vmem>>, vector<16xi32>,
          %swap3A_376 = arith.constant 16 : index
          %swap3A_377 = tpu.vector_load %arg15[%swap3A_376] {strides = array<i32>} : memref<80xi32, #tpu.memory_space<vmem>>, vector<16xi32>,
          tpu.vector_store %arg15[%swap3A_376], %get3A_375 {strides = array<i32>} : memref<80xi32, #tpu.memory_space<vmem>>, vector<16xi32>,
          %get3A_378 = arith.constant 176 : index
          %get3A_379 = tpu.vector_load %arg7[%get3A_378] {strides = array<i32>} : memref<256xi32, #tpu.memory_space<vmem>>, vector<16xi32>,
          %bitcast3A_380 = vector.bitcast %get3A_379 : vector<16xi32> to vector<16xf32>
          %swap3A_381 = arith.constant 16 : index
          %swap3A_382 = tpu.vector_load %arg23[%swap3A_381] {strides = array<i32>} : memref<80xf32, #tpu.memory_space<vmem>>, vector<16xf32>,
          tpu.vector_store %arg23[%swap3A_381], %bitcast3A_380 {strides = array<i32>} : memref<80xf32, #tpu.memory_space<vmem>>, vector<16xf32>,
          %get3A_383 = arith.constant 32 : index
          %get3A_384 = tpu.vector_load %arg7[%get3A_383] {strides = array<i32>} : memref<256xi32, #tpu.memory_space<vmem>>, vector<16xi32>,
          %add3A_385 = arith.addi %get3A_384, %broadcast_in_dim3A_354 : vector<16xi32>
          %swap3A_386 = arith.constant 32 : index
          %swap3A_387 = tpu.vector_load %arg11[%swap3A_386] {strides = array<i32>} : memref<80xi32, #tpu.memory_space<vmem>>, vector<16xi32>,
          tpu.vector_store %arg11[%swap3A_386], %add3A_385 {strides = array<i32>} : memref<80xi32, #tpu.memory_space<vmem>>, vector<16xi32>,
          %get3A_388 = arith.constant 112 : index
          %get3A_389 = tpu.vector_load %arg7[%get3A_388] {strides = array<i32>} : memref<256xi32, #tpu.memory_space<vmem>>, vector<16xi32>,
          %swap3A_390 = arith.constant 32 : index
          %swap3A_391 = tpu.vector_load %arg15[%swap3A_390] {strides = array<i32>} : memref<80xi32, #tpu.memory_space<vmem>>, vector<16xi32>,
          tpu.vector_store %arg15[%swap3A_390], %get3A_389 {strides = array<i32>} : memref<80xi32, #tpu.memory_space<vmem>>, vector<16xi32>,
          %get3A_392 = arith.constant 192 : index
          %get3A_393 = tpu.vector_load %arg7[%get3A_392] {strides = array<i32>} : memref<256xi32, #tpu.memory_space<vmem>>, vector<16xi32>,
          %bitcast3A_394 = vector.bitcast %get3A_393 : vector<16xi32> to vector<16xf32>
          %swap3A_395 = arith.constant 32 : index
          %swap3A_396 = tpu.vector_load %arg23[%swap3A_395] {strides = array<i32>} : memref<80xf32, #tpu.memory_space<vmem>>, vector<16xf32>,
          tpu.vector_store %arg23[%swap3A_395], %bitcast3A_394 {strides = array<i32>} : memref<80xf32, #tpu.memory_space<vmem>>, vector<16xf32>,
          %get3A_397 = arith.constant 48 : index
          %get3A_398 = tpu.vector_load %arg7[%get3A_397] {strides = array<i32>} : memref<256xi32, #tpu.memory_space<vmem>>, vector<16xi32>,
          %add3A_399 = arith.addi %get3A_398, %broadcast_in_dim3A_354 : vector<16xi32>
          %swap3A_400 = arith.constant 48 : index
          %swap3A_401 = tpu.vector_load %arg11[%swap3A_400] {strides = array<i32>} : memref<80xi32, #tpu.memory_space<vmem>>, vector<16xi32>,
          tpu.vector_store %arg11[%swap3A_400], %add3A_399 {strides = array<i32>} : memref<80xi32, #tpu.memory_space<vmem>>, vector<16xi32>,
          %get3A_402 = arith.constant 128 : index
          %get3A_403 = tpu.vector_load %arg7[%get3A_402] {strides = array<i32>} : memref<256xi32, #tpu.memory_space<vmem>>, vector<16xi32>,
          %swap3A_404 = arith.constant 48 : index
          %swap3A_405 = tpu.vector_load %arg15[%swap3A_404] {strides = array<i32>} : memref<80xi32, #tpu.memory_space<vmem>>, vector<16xi32>,
          tpu.vector_store %arg15[%swap3A_404], %get3A_403 {strides = array<i32>} : memref<80xi32, #tpu.memory_space<vmem>>, vector<16xi32>,
          %get3A_406 = arith.constant 208 : index
          %get3A_407 = tpu.vector_load %arg7[%get3A_406] {strides = array<i32>} : memref<256xi32, #tpu.memory_space<vmem>>, vector<16xi32>,
          %bitcast3A_408 = vector.bitcast %get3A_407 : vector<16xi32> to vector<16xf32>
          %swap3A_409 = arith.constant 48 : index
          %swap3A_410 = tpu.vector_load %arg23[%swap3A_409] {strides = array<i32>} : memref<80xf32, #tpu.memory_space<vmem>>, vector<16xf32>,
          tpu.vector_store %arg23[%swap3A_409], %bitcast3A_408 {strides = array<i32>} : memref<80xf32, #tpu.memory_space<vmem>>, vector<16xf32>,
          %get3A_411 = arith.constant 64 : index
          %get3A_412 = tpu.vector_load %arg7[%get3A_411] {strides = array<i32>} : memref<256xi32, #tpu.memory_space<vmem>>, vector<16xi32>,
          %add3A_413 = arith.addi %get3A_412, %broadcast_in_dim3A_354 : vector<16xi32>
          %swap3A_414 = arith.constant 64 : index
          %swap3A_415 = tpu.vector_load %arg11[%swap3A_414] {strides = array<i32>} : memref<80xi32, #tpu.memory_space<vmem>>, vector<16xi32>,
          tpu.vector_store %arg11[%swap3A_414], %add3A_413 {strides = array<i32>} : memref<80xi32, #tpu.memory_space<vmem>>, vector<16xi32>,
          %get3A_416 = arith.constant 144 : index
          %get3A_417 = tpu.vector_load %arg7[%get3A_416] {strides = array<i32>} : memref<256xi32, #tpu.memory_space<vmem>>, vector<16xi32>,
          %swap3A_418 = arith.constant 64 : index
          %swap3A_419 = tpu.vector_load %arg15[%swap3A_418] {strides = array<i32>} : memref<80xi32, #tpu.memory_space<vmem>>, vector<16xi32>,
          tpu.vector_store %arg15[%swap3A_418], %get3A_417 {strides = array<i32>} : memref<80xi32, #tpu.memory_space<vmem>>, vector<16xi32>,
          %get3A_420 = arith.constant 224 : index
          %get3A_421 = tpu.vector_load %arg7[%get3A_420] {strides = array<i32>} : memref<256xi32, #tpu.memory_space<vmem>>, vector<16xi32>,
          %bitcast3A_422 = vector.bitcast %get3A_421 : vector<16xi32> to vector<16xf32>
          %swap3A_423 = arith.constant 64 : index
          %swap3A_424 = tpu.vector_load %arg23[%swap3A_423] {strides = array<i32>} : memref<80xf32, #tpu.memory_space<vmem>>, vector<16xf32>,
          tpu.vector_store %arg23[%swap3A_423], %bitcast3A_422 {strides = array<i32>} : memref<80xf32, #tpu.memory_space<vmem>>, vector<16xf32>,
          %dma_start3A_425 = arith.constant 0 : i32
          %dma_start3A_426 = arith.constant 0 : i32
          %dma_start3A_427 = tpu.memref_slice %arg2[%dma_start3A_425, %dma_start3A_426] : memref<40000x128xf32, #tpu.memory_space<hbm>> -> memref<40000x128xf32, #tpu.memory_space<hbm>>
          tpu.enqueue_indirect_dma source(%dma_start3A_427 : memref<40000x128xf32, #tpu.memory_space<hbm>>) target(%arg19 : memref<80x128xf32, #tpu.memory_space<vmem>>) offsets(%arg11 : memref<80xi32, #tpu.memory_space<vmem>>) semaphore(%arg33 : memref<!tpu.dma_semaphore, #tpu.memory_space<semaphore_mem>>)
        } else {
        }
        %dma_wait3A_255 = arith.constant 0 : i32
        %dma_wait3A_256 = arith.constant 0 : i32
        %dma_wait3A_257 = tpu.memref_slice %arg2[%dma_wait3A_255, %dma_wait3A_256] : memref<40000x128xf32, #tpu.memory_space<hbm>> -> memref<40000x128xf32, #tpu.memory_space<hbm>>
        tpu.wait_indirect_dma semaphore(%arg31 : memref<!tpu.dma_semaphore, #tpu.memory_space<semaphore_mem>>) src(%dma_wait3A_257 : memref<40000x128xf32, #tpu.memory_space<hbm>>) dst(%arg17 : memref<80x128xf32, #tpu.memory_space<vmem>>)
        %parallel_loop3A_258 = arith.constant 0 : i32
        %parallel_loop3A_259 = arith.constant 80 : i32
        %parallel_loop3A_260 = arith.constant 1 : i32
        scf.for %parallel_loop3A_339 = %parallel_loop3A_258 to %parallel_loop3A_259 step %parallel_loop3A_260  : i32 {
          %parallel_loop3A_340 = vector.broadcast %parallel_loop3A_339 : i32 to vector<16xi32>
          %parallel_loop3A_341 = tpu.vector_load_idx %arg21[%parallel_loop3A_340] : memref<80xf32, #tpu.memory_space<vmem>>[vector<16xi32>], vector<16xf32>,
          %parallel_loop3A_342 = arith.index_cast %parallel_loop3A_339 : i32 to index
          %parallel_loop3A_343 = arith.constant 0 : index
          %parallel_loop3A_344 = tpu.vector_load %arg17[%parallel_loop3A_342, %parallel_loop3A_343] {strides = array<i32>} : memref<80x128xf32, #tpu.memory_space<vmem>>, vector<16xf32>,
          %parallel_loop3A_345 = arith.mulf %parallel_loop3A_344, %parallel_loop3A_341 : vector<16xf32>
          %parallel_loop3A_346 = arith.index_cast %parallel_loop3A_339 : i32 to index
          %parallel_loop3A_347 = arith.constant 0 : index
          %parallel_loop3A_348 = tpu.vector_load %arg17[%parallel_loop3A_346, %parallel_loop3A_347] {strides = array<i32>} : memref<80x128xf32, #tpu.memory_space<vmem>>, vector<16xf32>,
          tpu.vector_store %arg17[%parallel_loop3A_346, %parallel_loop3A_347], %parallel_loop3A_345 {strides = array<i32>} : memref<80x128xf32, #tpu.memory_space<vmem>>, vector<16xf32>,
          %parallel_loop3A_349 = arith.index_cast %parallel_loop3A_339 : i32 to index
          %parallel_loop3A_350 = arith.constant 16 : index
          %parallel_loop3A_351 = tpu.vector_load %arg17[%parallel_loop3A_349, %parallel_loop3A_350] {strides = array<i32>} : memref<80x128xf32, #tpu.memory_space<vmem>>, vector<16xf32>,
          %parallel_loop3A_352 = arith.mulf %parallel_loop3A_351, %parallel_loop3A_341 : vector<16xf32>
          %parallel_loop3A_353 = arith.index_cast %parallel_loop3A_339 : i32 to index
          %parallel_loop3A_354 = arith.constant 16 : index
          %parallel_loop3A_355 = tpu.vector_load %arg17[%parallel_loop3A_353, %parallel_loop3A_354] {strides = array<i32>} : memref<80x128xf32, #tpu.memory_space<vmem>>, vector<16xf32>,
          tpu.vector_store %arg17[%parallel_loop3A_353, %parallel_loop3A_354], %parallel_loop3A_352 {strides = array<i32>} : memref<80x128xf32, #tpu.memory_space<vmem>>, vector<16xf32>,
          %parallel_loop3A_356 = arith.index_cast %parallel_loop3A_339 : i32 to index
          %parallel_loop3A_357 = arith.constant 32 : index
          %parallel_loop3A_358 = tpu.vector_load %arg17[%parallel_loop3A_356, %parallel_loop3A_357] {strides = array<i32>} : memref<80x128xf32, #tpu.memory_space<vmem>>, vector<16xf32>,
          %parallel_loop3A_359 = arith.mulf %parallel_loop3A_358, %parallel_loop3A_341 : vector<16xf32>
          %parallel_loop3A_360 = arith.index_cast %parallel_loop3A_339 : i32 to index
          %parallel_loop3A_361 = arith.constant 32 : index
          %parallel_loop3A_362 = tpu.vector_load %arg17[%parallel_loop3A_360, %parallel_loop3A_361] {strides = array<i32>} : memref<80x128xf32, #tpu.memory_space<vmem>>, vector<16xf32>,
          tpu.vector_store %arg17[%parallel_loop3A_360, %parallel_loop3A_361], %parallel_loop3A_359 {strides = array<i32>} : memref<80x128xf32, #tpu.memory_space<vmem>>, vector<16xf32>,
          %parallel_loop3A_363 = arith.index_cast %parallel_loop3A_339 : i32 to index
          %parallel_loop3A_364 = arith.constant 48 : index
          %parallel_loop3A_365 = tpu.vector_load %arg17[%parallel_loop3A_363, %parallel_loop3A_364] {strides = array<i32>} : memref<80x128xf32, #tpu.memory_space<vmem>>, vector<16xf32>,
          %parallel_loop3A_366 = arith.mulf %parallel_loop3A_365, %parallel_loop3A_341 : vector<16xf32>
          %parallel_loop3A_367 = arith.index_cast %parallel_loop3A_339 : i32 to index
          %parallel_loop3A_368 = arith.constant 48 : index
          %parallel_loop3A_369 = tpu.vector_load %arg17[%parallel_loop3A_367, %parallel_loop3A_368] {strides = array<i32>} : memref<80x128xf32, #tpu.memory_space<vmem>>, vector<16xf32>,
          tpu.vector_store %arg17[%parallel_loop3A_367, %parallel_loop3A_368], %parallel_loop3A_366 {strides = array<i32>} : memref<80x128xf32, #tpu.memory_space<vmem>>, vector<16xf32>,
          %parallel_loop3A_370 = arith.index_cast %parallel_loop3A_339 : i32 to index
          %parallel_loop3A_371 = arith.constant 64 : index
          %parallel_loop3A_372 = tpu.vector_load %arg17[%parallel_loop3A_370, %parallel_loop3A_371] {strides = array<i32>} : memref<80x128xf32, #tpu.memory_space<vmem>>, vector<16xf32>,
          %parallel_loop3A_373 = arith.mulf %parallel_loop3A_372, %parallel_loop3A_341 : vector<16xf32>
          %parallel_loop3A_374 = arith.index_cast %parallel_loop3A_339 : i32 to index
          %parallel_loop3A_375 = arith.constant 64 : index
          %parallel_loop3A_376 = tpu.vector_load %arg17[%parallel_loop3A_374, %parallel_loop3A_375] {strides = array<i32>} : memref<80x128xf32, #tpu.memory_space<vmem>>, vector<16xf32>,
          tpu.vector_store %arg17[%parallel_loop3A_374, %parallel_loop3A_375], %parallel_loop3A_373 {strides = array<i32>} : memref<80x128xf32, #tpu.memory_space<vmem>>, vector<16xf32>,
          %parallel_loop3A_377 = arith.index_cast %parallel_loop3A_339 : i32 to index
          %parallel_loop3A_378 = arith.constant 80 : index
          %parallel_loop3A_379 = tpu.vector_load %arg17[%parallel_loop3A_377, %parallel_loop3A_378] {strides = array<i32>} : memref<80x128xf32, #tpu.memory_space<vmem>>, vector<16xf32>,
          %parallel_loop3A_380 = arith.mulf %parallel_loop3A_379, %parallel_loop3A_341 : vector<16xf32>
          %parallel_loop3A_381 = arith.index_cast %parallel_loop3A_339 : i32 to index
          %parallel_loop3A_382 = arith.constant 80 : index
          %parallel_loop3A_383 = tpu.vector_load %arg17[%parallel_loop3A_381, %parallel_loop3A_382] {strides = array<i32>} : memref<80x128xf32, #tpu.memory_space<vmem>>, vector<16xf32>,
          tpu.vector_store %arg17[%parallel_loop3A_381, %parallel_loop3A_382], %parallel_loop3A_380 {strides = array<i32>} : memref<80x128xf32, #tpu.memory_space<vmem>>, vector<16xf32>,
          %parallel_loop3A_384 = arith.index_cast %parallel_loop3A_339 : i32 to index
          %parallel_loop3A_385 = arith.constant 96 : index
          %parallel_loop3A_386 = tpu.vector_load %arg17[%parallel_loop3A_384, %parallel_loop3A_385] {strides = array<i32>} : memref<80x128xf32, #tpu.memory_space<vmem>>, vector<16xf32>,
          %parallel_loop3A_387 = arith.mulf %parallel_loop3A_386, %parallel_loop3A_341 : vector<16xf32>
          %parallel_loop3A_388 = arith.index_cast %parallel_loop3A_339 : i32 to index
          %parallel_loop3A_389 = arith.constant 96 : index
          %parallel_loop3A_390 = tpu.vector_load %arg17[%parallel_loop3A_388, %parallel_loop3A_389] {strides = array<i32>} : memref<80x128xf32, #tpu.memory_space<vmem>>, vector<16xf32>,
          tpu.vector_store %arg17[%parallel_loop3A_388, %parallel_loop3A_389], %parallel_loop3A_387 {strides = array<i32>} : memref<80x128xf32, #tpu.memory_space<vmem>>, vector<16xf32>,
          %parallel_loop3A_391 = arith.index_cast %parallel_loop3A_339 : i32 to index
          %parallel_loop3A_392 = arith.constant 112 : index
          %parallel_loop3A_393 = tpu.vector_load %arg17[%parallel_loop3A_391, %parallel_loop3A_392] {strides = array<i32>} : memref<80x128xf32, #tpu.memory_space<vmem>>, vector<16xf32>,
          %parallel_loop3A_394 = arith.mulf %parallel_loop3A_393, %parallel_loop3A_341 : vector<16xf32>
          %parallel_loop3A_395 = arith.index_cast %parallel_loop3A_339 : i32 to index
          %parallel_loop3A_396 = arith.constant 112 : index
          %parallel_loop3A_397 = tpu.vector_load %arg17[%parallel_loop3A_395, %parallel_loop3A_396] {strides = array<i32>} : memref<80x128xf32, #tpu.memory_space<vmem>>, vector<16xf32>,
          tpu.vector_store %arg17[%parallel_loop3A_395, %parallel_loop3A_396], %parallel_loop3A_394 {strides = array<i32>} : memref<80x128xf32, #tpu.memory_space<vmem>>, vector<16xf32>,
        } {sc.loop_unroll_factor = 4 : i64, sc.parallel_access}
        %dma_start3A_261 = arith.constant 0 : i32
        %dma_start3A_262 = arith.constant 0 : i32
        %dma_start3A_263 = tpu.memref_slice %arg26[%dma_start3A_261, %dma_start3A_262] : memref<10000x128xf32, #tpu.memory_space<vmem_shared>> -> memref<10000x128xf32, #tpu.memory_space<vmem_shared>>
        tpu.enqueue_indirect_dma source(%arg17 : memref<80x128xf32, #tpu.memory_space<vmem>>) target(%dma_start3A_263 : memref<10000x128xf32, #tpu.memory_space<vmem_shared>>) offsets(%arg13 : memref<80xi32, #tpu.memory_space<vmem>>) semaphore(%arg35 : memref<!tpu.dma_semaphore, #tpu.memory_space<semaphore_mem>>) {add = true}
        %add3A_264 = arith.constant 1 : i32
        %add3A_265 = arith.addi %mul3A_241, %add3A_264 : i32
        %add3A_266 = arith.constant 3 : i32
        %add3A_267 = arith.addi %add3A_265, %add3A_266 : i32
        %lt3A_268 = arith.constant 125 : i32
        %lt3A_269 = arith.cmpi slt, %add3A_267, %lt3A_268 : i32
        %convert_element_type3A_270 = arith.extui %lt3A_269 : i1 to i32
        %cond3A_271 = arith.constant 0 : i32
        %cond3A_272 = arith.cmpi ne, %convert_element_type3A_270, %cond3A_271 : i32
        scf.if %cond3A_272 {
          %add3A_339 = arith.constant 3 : i32
          %add3A_340 = arith.addi %add3A_265, %add3A_339 : i32
          %add3A_341 = arith.addi %mul3A_2, %add3A_340 : i32
          %mul3A_342 = arith.constant 256 : i32
          %mul3A_343 = arith.muli %add3A_341, %mul3A_342 : i32
          %dma_start3A_344 = tpu.memref_slice %arg3[%mul3A_343] : memref<1024000xi32, #tpu.memory_space<hbm>> -> memref<256xi32, #tpu.memory_space<hbm>>
          %dma_start3A_345 = tpu.memref_slice %arg3[%mul3A_343] : memref<1024000xi32, #tpu.memory_space<hbm>> -> memref<256xi32, #tpu.memory_space<hbm>>
          tpu.enqueue_dma source(%dma_start3A_345 : memref<256xi32, #tpu.memory_space<hbm>>) target(%arg5 : memref<256xi32, #tpu.memory_space<vmem>>) target_semaphore(%arg27 : memref<!tpu.dma_semaphore, #tpu.memory_space<semaphore_mem>>)
        } else {
        }
        %add3A_273 = arith.constant 2 : i32
        %add3A_274 = arith.addi %add3A_265, %add3A_273 : i32
        %lt3A_275 = arith.constant 125 : i32
        %lt3A_276 = arith.cmpi slt, %add3A_274, %lt3A_275 : i32
        %convert_element_type3A_277 = arith.extui %lt3A_276 : i1 to i32
        %cond3A_278 = arith.constant 0 : i32
        %cond3A_279 = arith.cmpi ne, %convert_element_type3A_277, %cond3A_278 : i32
        scf.if %cond3A_279 {
          %add3A_339 = arith.constant 2 : i32
          %add3A_340 = arith.addi %add3A_265, %add3A_339 : i32
          %add3A_341 = arith.addi %mul3A_2, %add3A_340 : i32
          %mul3A_342 = arith.constant 256 : i32
          %mul3A_343 = arith.muli %add3A_341, %mul3A_342 : i32
          %dma_wait3A_344 = tpu.memref_slice %arg3[%mul3A_343] : memref<1024000xi32, #tpu.memory_space<hbm>> -> memref<256xi32, #tpu.memory_space<hbm>>
          %dma_wait3A_345 = tpu.memref_slice %arg3[%mul3A_343] : memref<1024000xi32, #tpu.memory_space<hbm>> -> memref<256xi32, #tpu.memory_space<hbm>>
          tpu.wait_dma2 semaphore(%arg30 : memref<!tpu.dma_semaphore, #tpu.memory_space<semaphore_mem>>) src(%dma_wait3A_345 : memref<256xi32, #tpu.memory_space<hbm>>) dst(%arg8 : memref<256xi32, #tpu.memory_space<vmem>>)
          %add3A_346 = arith.constant 2 : i32
          %add3A_347 = arith.addi %add3A_265, %add3A_346 : i32
          %ge3A = arith.constant 4 : i32
          %ge3A_348 = arith.cmpi sge, %add3A_347, %ge3A : i32
          %convert_element_type3A_349 = arith.extui %ge3A_348 : i1 to i32
          %cond3A_350 = arith.constant 0 : i32
          %cond3A_351 = arith.cmpi ne, %convert_element_type3A_349, %cond3A_350 : i32
          scf.if %cond3A_351 {
            %dma_wait3A_428 = arith.constant 0 : i32
            %dma_wait3A_429 = arith.constant 0 : i32
            %dma_wait3A_430 = tpu.memref_slice %arg26[%dma_wait3A_428, %dma_wait3A_429] : memref<10000x128xf32, #tpu.memory_space<vmem_shared>> -> memref<10000x128xf32, #tpu.memory_space<vmem_shared>>
            tpu.wait_indirect_dma semaphore(%arg38 : memref<!tpu.dma_semaphore, #tpu.memory_space<semaphore_mem>>) src(%arg20 : memref<80x128xf32, #tpu.memory_space<vmem>>) dst(%dma_wait3A_430 : memref<10000x128xf32, #tpu.memory_space<vmem_shared>>)
          } else {
          }
          %mul3A_352 = arith.constant 10000 : i32
          %mul3A_353 = arith.muli %add3A_16, %mul3A_352 : i32
          %broadcast_in_dim3A_354 = vector.broadcast %mul3A_353 : i32 to vector<16xi32>
          %get3A_355 = arith.constant 0 : index
          %get3A_356 = tpu.vector_load %arg8[%get3A_355] {strides = array<i32>} : memref<256xi32, #tpu.memory_space<vmem>>, vector<16xi32>,
          %add3A_357 = arith.addi %get3A_356, %broadcast_in_dim3A_354 : vector<16xi32>
          %swap3A_358 = arith.constant 0 : index
          %swap3A_359 = tpu.vector_load %arg12[%swap3A_358] {strides = array<i32>} : memref<80xi32, #tpu.memory_space<vmem>>, vector<16xi32>,
          tpu.vector_store %arg12[%swap3A_358], %add3A_357 {strides = array<i32>} : memref<80xi32, #tpu.memory_space<vmem>>, vector<16xi32>,
          %get3A_360 = arith.constant 80 : index
          %get3A_361 = tpu.vector_load %arg8[%get3A_360] {strides = array<i32>} : memref<256xi32, #tpu.memory_space<vmem>>, vector<16xi32>,
          %swap3A_362 = arith.constant 0 : index
          %swap3A_363 = tpu.vector_load %arg16[%swap3A_362] {strides = array<i32>} : memref<80xi32, #tpu.memory_space<vmem>>, vector<16xi32>,
          tpu.vector_store %arg16[%swap3A_362], %get3A_361 {strides = array<i32>} : memref<80xi32, #tpu.memory_space<vmem>>, vector<16xi32>,
          %get3A_364 = arith.constant 160 : index
          %get3A_365 = tpu.vector_load %arg8[%get3A_364] {strides = array<i32>} : memref<256xi32, #tpu.memory_space<vmem>>, vector<16xi32>,
          %bitcast3A_366 = vector.bitcast %get3A_365 : vector<16xi32> to vector<16xf32>
          %swap3A_367 = arith.constant 0 : index
          %swap3A_368 = tpu.vector_load %arg24[%swap3A_367] {strides = array<i32>} : memref<80xf32, #tpu.memory_space<vmem>>, vector<16xf32>,
          tpu.vector_store %arg24[%swap3A_367], %bitcast3A_366 {strides = array<i32>} : memref<80xf32, #tpu.memory_space<vmem>>, vector<16xf32>,
          %get3A_369 = arith.constant 16 : index
          %get3A_370 = tpu.vector_load %arg8[%get3A_369] {strides = array<i32>} : memref<256xi32, #tpu.memory_space<vmem>>, vector<16xi32>,
          %add3A_371 = arith.addi %get3A_370, %broadcast_in_dim3A_354 : vector<16xi32>
          %swap3A_372 = arith.constant 16 : index
          %swap3A_373 = tpu.vector_load %arg12[%swap3A_372] {strides = array<i32>} : memref<80xi32, #tpu.memory_space<vmem>>, vector<16xi32>,
          tpu.vector_store %arg12[%swap3A_372], %add3A_371 {strides = array<i32>} : memref<80xi32, #tpu.memory_space<vmem>>, vector<16xi32>,
          %get3A_374 = arith.constant 96 : index
          %get3A_375 = tpu.vector_load %arg8[%get3A_374] {strides = array<i32>} : memref<256xi32, #tpu.memory_space<vmem>>, vector<16xi32>,
          %swap3A_376 = arith.constant 16 : index
          %swap3A_377 = tpu.vector_load %arg16[%swap3A_376] {strides = array<i32>} : memref<80xi32, #tpu.memory_space<vmem>>, vector<16xi32>,
          tpu.vector_store %arg16[%swap3A_376], %get3A_375 {strides = array<i32>} : memref<80xi32, #tpu.memory_space<vmem>>, vector<16xi32>,
          %get3A_378 = arith.constant 176 : index
          %get3A_379 = tpu.vector_load %arg8[%get3A_378] {strides = array<i32>} : memref<256xi32, #tpu.memory_space<vmem>>, vector<16xi32>,
          %bitcast3A_380 = vector.bitcast %get3A_379 : vector<16xi32> to vector<16xf32>
          %swap3A_381 = arith.constant 16 : index
          %swap3A_382 = tpu.vector_load %arg24[%swap3A_381] {strides = array<i32>} : memref<80xf32, #tpu.memory_space<vmem>>, vector<16xf32>,
          tpu.vector_store %arg24[%swap3A_381], %bitcast3A_380 {strides = array<i32>} : memref<80xf32, #tpu.memory_space<vmem>>, vector<16xf32>,
          %get3A_383 = arith.constant 32 : index
          %get3A_384 = tpu.vector_load %arg8[%get3A_383] {strides = array<i32>} : memref<256xi32, #tpu.memory_space<vmem>>, vector<16xi32>,
          %add3A_385 = arith.addi %get3A_384, %broadcast_in_dim3A_354 : vector<16xi32>
          %swap3A_386 = arith.constant 32 : index
          %swap3A_387 = tpu.vector_load %arg12[%swap3A_386] {strides = array<i32>} : memref<80xi32, #tpu.memory_space<vmem>>, vector<16xi32>,
          tpu.vector_store %arg12[%swap3A_386], %add3A_385 {strides = array<i32>} : memref<80xi32, #tpu.memory_space<vmem>>, vector<16xi32>,
          %get3A_388 = arith.constant 112 : index
          %get3A_389 = tpu.vector_load %arg8[%get3A_388] {strides = array<i32>} : memref<256xi32, #tpu.memory_space<vmem>>, vector<16xi32>,
          %swap3A_390 = arith.constant 32 : index
          %swap3A_391 = tpu.vector_load %arg16[%swap3A_390] {strides = array<i32>} : memref<80xi32, #tpu.memory_space<vmem>>, vector<16xi32>,
          tpu.vector_store %arg16[%swap3A_390], %get3A_389 {strides = array<i32>} : memref<80xi32, #tpu.memory_space<vmem>>, vector<16xi32>,
          %get3A_392 = arith.constant 192 : index
          %get3A_393 = tpu.vector_load %arg8[%get3A_392] {strides = array<i32>} : memref<256xi32, #tpu.memory_space<vmem>>, vector<16xi32>,
          %bitcast3A_394 = vector.bitcast %get3A_393 : vector<16xi32> to vector<16xf32>
          %swap3A_395 = arith.constant 32 : index
          %swap3A_396 = tpu.vector_load %arg24[%swap3A_395] {strides = array<i32>} : memref<80xf32, #tpu.memory_space<vmem>>, vector<16xf32>,
          tpu.vector_store %arg24[%swap3A_395], %bitcast3A_394 {strides = array<i32>} : memref<80xf32, #tpu.memory_space<vmem>>, vector<16xf32>,
          %get3A_397 = arith.constant 48 : index
          %get3A_398 = tpu.vector_load %arg8[%get3A_397] {strides = array<i32>} : memref<256xi32, #tpu.memory_space<vmem>>, vector<16xi32>,
          %add3A_399 = arith.addi %get3A_398, %broadcast_in_dim3A_354 : vector<16xi32>
          %swap3A_400 = arith.constant 48 : index
          %swap3A_401 = tpu.vector_load %arg12[%swap3A_400] {strides = array<i32>} : memref<80xi32, #tpu.memory_space<vmem>>, vector<16xi32>,
          tpu.vector_store %arg12[%swap3A_400], %add3A_399 {strides = array<i32>} : memref<80xi32, #tpu.memory_space<vmem>>, vector<16xi32>,
          %get3A_402 = arith.constant 128 : index
          %get3A_403 = tpu.vector_load %arg8[%get3A_402] {strides = array<i32>} : memref<256xi32, #tpu.memory_space<vmem>>, vector<16xi32>,
          %swap3A_404 = arith.constant 48 : index
          %swap3A_405 = tpu.vector_load %arg16[%swap3A_404] {strides = array<i32>} : memref<80xi32, #tpu.memory_space<vmem>>, vector<16xi32>,
          tpu.vector_store %arg16[%swap3A_404], %get3A_403 {strides = array<i32>} : memref<80xi32, #tpu.memory_space<vmem>>, vector<16xi32>,
          %get3A_406 = arith.constant 208 : index
          %get3A_407 = tpu.vector_load %arg8[%get3A_406] {strides = array<i32>} : memref<256xi32, #tpu.memory_space<vmem>>, vector<16xi32>,
          %bitcast3A_408 = vector.bitcast %get3A_407 : vector<16xi32> to vector<16xf32>
          %swap3A_409 = arith.constant 48 : index
          %swap3A_410 = tpu.vector_load %arg24[%swap3A_409] {strides = array<i32>} : memref<80xf32, #tpu.memory_space<vmem>>, vector<16xf32>,
          tpu.vector_store %arg24[%swap3A_409], %bitcast3A_408 {strides = array<i32>} : memref<80xf32, #tpu.memory_space<vmem>>, vector<16xf32>,
          %get3A_411 = arith.constant 64 : index
          %get3A_412 = tpu.vector_load %arg8[%get3A_411] {strides = array<i32>} : memref<256xi32, #tpu.memory_space<vmem>>, vector<16xi32>,
          %add3A_413 = arith.addi %get3A_412, %broadcast_in_dim3A_354 : vector<16xi32>
          %swap3A_414 = arith.constant 64 : index
          %swap3A_415 = tpu.vector_load %arg12[%swap3A_414] {strides = array<i32>} : memref<80xi32, #tpu.memory_space<vmem>>, vector<16xi32>,
          tpu.vector_store %arg12[%swap3A_414], %add3A_413 {strides = array<i32>} : memref<80xi32, #tpu.memory_space<vmem>>, vector<16xi32>,
          %get3A_416 = arith.constant 144 : index
          %get3A_417 = tpu.vector_load %arg8[%get3A_416] {strides = array<i32>} : memref<256xi32, #tpu.memory_space<vmem>>, vector<16xi32>,
          %swap3A_418 = arith.constant 64 : index
          %swap3A_419 = tpu.vector_load %arg16[%swap3A_418] {strides = array<i32>} : memref<80xi32, #tpu.memory_space<vmem>>, vector<16xi32>,
          tpu.vector_store %arg16[%swap3A_418], %get3A_417 {strides = array<i32>} : memref<80xi32, #tpu.memory_space<vmem>>, vector<16xi32>,
          %get3A_420 = arith.constant 224 : index
          %get3A_421 = tpu.vector_load %arg8[%get3A_420] {strides = array<i32>} : memref<256xi32, #tpu.memory_space<vmem>>, vector<16xi32>,
          %bitcast3A_422 = vector.bitcast %get3A_421 : vector<16xi32> to vector<16xf32>
          %swap3A_423 = arith.constant 64 : index
          %swap3A_424 = tpu.vector_load %arg24[%swap3A_423] {strides = array<i32>} : memref<80xf32, #tpu.memory_space<vmem>>, vector<16xf32>,
          tpu.vector_store %arg24[%swap3A_423], %bitcast3A_422 {strides = array<i32>} : memref<80xf32, #tpu.memory_space<vmem>>, vector<16xf32>,
          %dma_start3A_425 = arith.constant 0 : i32
          %dma_start3A_426 = arith.constant 0 : i32
          %dma_start3A_427 = tpu.memref_slice %arg2[%dma_start3A_425, %dma_start3A_426] : memref<40000x128xf32, #tpu.memory_space<hbm>> -> memref<40000x128xf32, #tpu.memory_space<hbm>>
          tpu.enqueue_indirect_dma source(%dma_start3A_427 : memref<40000x128xf32, #tpu.memory_space<hbm>>) target(%arg20 : memref<80x128xf32, #tpu.memory_space<vmem>>) offsets(%arg12 : memref<80xi32, #tpu.memory_space<vmem>>) semaphore(%arg34 : memref<!tpu.dma_semaphore, #tpu.memory_space<semaphore_mem>>)
        } else {
        }
        %dma_wait3A_280 = arith.constant 0 : i32
        %dma_wait3A_281 = arith.constant 0 : i32
        %dma_wait3A_282 = tpu.memref_slice %arg2[%dma_wait3A_280, %dma_wait3A_281] : memref<40000x128xf32, #tpu.memory_space<hbm>> -> memref<40000x128xf32, #tpu.memory_space<hbm>>
        tpu.wait_indirect_dma semaphore(%arg32 : memref<!tpu.dma_semaphore, #tpu.memory_space<semaphore_mem>>) src(%dma_wait3A_282 : memref<40000x128xf32, #tpu.memory_space<hbm>>) dst(%arg18 : memref<80x128xf32, #tpu.memory_space<vmem>>)
        %parallel_loop3A_283 = arith.constant 0 : i32
        %parallel_loop3A_284 = arith.constant 80 : i32
        %parallel_loop3A_285 = arith.constant 1 : i32
        scf.for %parallel_loop3A_339 = %parallel_loop3A_283 to %parallel_loop3A_284 step %parallel_loop3A_285  : i32 {
          %parallel_loop3A_340 = vector.broadcast %parallel_loop3A_339 : i32 to vector<16xi32>
          %parallel_loop3A_341 = tpu.vector_load_idx %arg22[%parallel_loop3A_340] : memref<80xf32, #tpu.memory_space<vmem>>[vector<16xi32>], vector<16xf32>,
          %parallel_loop3A_342 = arith.index_cast %parallel_loop3A_339 : i32 to index
          %parallel_loop3A_343 = arith.constant 0 : index
          %parallel_loop3A_344 = tpu.vector_load %arg18[%parallel_loop3A_342, %parallel_loop3A_343] {strides = array<i32>} : memref<80x128xf32, #tpu.memory_space<vmem>>, vector<16xf32>,
          %parallel_loop3A_345 = arith.mulf %parallel_loop3A_344, %parallel_loop3A_341 : vector<16xf32>
          %parallel_loop3A_346 = arith.index_cast %parallel_loop3A_339 : i32 to index
          %parallel_loop3A_347 = arith.constant 0 : index
          %parallel_loop3A_348 = tpu.vector_load %arg18[%parallel_loop3A_346, %parallel_loop3A_347] {strides = array<i32>} : memref<80x128xf32, #tpu.memory_space<vmem>>, vector<16xf32>,
          tpu.vector_store %arg18[%parallel_loop3A_346, %parallel_loop3A_347], %parallel_loop3A_345 {strides = array<i32>} : memref<80x128xf32, #tpu.memory_space<vmem>>, vector<16xf32>,
          %parallel_loop3A_349 = arith.index_cast %parallel_loop3A_339 : i32 to index
          %parallel_loop3A_350 = arith.constant 16 : index
          %parallel_loop3A_351 = tpu.vector_load %arg18[%parallel_loop3A_349, %parallel_loop3A_350] {strides = array<i32>} : memref<80x128xf32, #tpu.memory_space<vmem>>, vector<16xf32>,
          %parallel_loop3A_352 = arith.mulf %parallel_loop3A_351, %parallel_loop3A_341 : vector<16xf32>
          %parallel_loop3A_353 = arith.index_cast %parallel_loop3A_339 : i32 to index
          %parallel_loop3A_354 = arith.constant 16 : index
          %parallel_loop3A_355 = tpu.vector_load %arg18[%parallel_loop3A_353, %parallel_loop3A_354] {strides = array<i32>} : memref<80x128xf32, #tpu.memory_space<vmem>>, vector<16xf32>,
          tpu.vector_store %arg18[%parallel_loop3A_353, %parallel_loop3A_354], %parallel_loop3A_352 {strides = array<i32>} : memref<80x128xf32, #tpu.memory_space<vmem>>, vector<16xf32>,
          %parallel_loop3A_356 = arith.index_cast %parallel_loop3A_339 : i32 to index
          %parallel_loop3A_357 = arith.constant 32 : index
          %parallel_loop3A_358 = tpu.vector_load %arg18[%parallel_loop3A_356, %parallel_loop3A_357] {strides = array<i32>} : memref<80x128xf32, #tpu.memory_space<vmem>>, vector<16xf32>,
          %parallel_loop3A_359 = arith.mulf %parallel_loop3A_358, %parallel_loop3A_341 : vector<16xf32>
          %parallel_loop3A_360 = arith.index_cast %parallel_loop3A_339 : i32 to index
          %parallel_loop3A_361 = arith.constant 32 : index
          %parallel_loop3A_362 = tpu.vector_load %arg18[%parallel_loop3A_360, %parallel_loop3A_361] {strides = array<i32>} : memref<80x128xf32, #tpu.memory_space<vmem>>, vector<16xf32>,
          tpu.vector_store %arg18[%parallel_loop3A_360, %parallel_loop3A_361], %parallel_loop3A_359 {strides = array<i32>} : memref<80x128xf32, #tpu.memory_space<vmem>>, vector<16xf32>,
          %parallel_loop3A_363 = arith.index_cast %parallel_loop3A_339 : i32 to index
          %parallel_loop3A_364 = arith.constant 48 : index
          %parallel_loop3A_365 = tpu.vector_load %arg18[%parallel_loop3A_363, %parallel_loop3A_364] {strides = array<i32>} : memref<80x128xf32, #tpu.memory_space<vmem>>, vector<16xf32>,
          %parallel_loop3A_366 = arith.mulf %parallel_loop3A_365, %parallel_loop3A_341 : vector<16xf32>
          %parallel_loop3A_367 = arith.index_cast %parallel_loop3A_339 : i32 to index
          %parallel_loop3A_368 = arith.constant 48 : index
          %parallel_loop3A_369 = tpu.vector_load %arg18[%parallel_loop3A_367, %parallel_loop3A_368] {strides = array<i32>} : memref<80x128xf32, #tpu.memory_space<vmem>>, vector<16xf32>,
          tpu.vector_store %arg18[%parallel_loop3A_367, %parallel_loop3A_368], %parallel_loop3A_366 {strides = array<i32>} : memref<80x128xf32, #tpu.memory_space<vmem>>, vector<16xf32>,
          %parallel_loop3A_370 = arith.index_cast %parallel_loop3A_339 : i32 to index
          %parallel_loop3A_371 = arith.constant 64 : index
          %parallel_loop3A_372 = tpu.vector_load %arg18[%parallel_loop3A_370, %parallel_loop3A_371] {strides = array<i32>} : memref<80x128xf32, #tpu.memory_space<vmem>>, vector<16xf32>,
          %parallel_loop3A_373 = arith.mulf %parallel_loop3A_372, %parallel_loop3A_341 : vector<16xf32>
          %parallel_loop3A_374 = arith.index_cast %parallel_loop3A_339 : i32 to index
          %parallel_loop3A_375 = arith.constant 64 : index
          %parallel_loop3A_376 = tpu.vector_load %arg18[%parallel_loop3A_374, %parallel_loop3A_375] {strides = array<i32>} : memref<80x128xf32, #tpu.memory_space<vmem>>, vector<16xf32>,
          tpu.vector_store %arg18[%parallel_loop3A_374, %parallel_loop3A_375], %parallel_loop3A_373 {strides = array<i32>} : memref<80x128xf32, #tpu.memory_space<vmem>>, vector<16xf32>,
          %parallel_loop3A_377 = arith.index_cast %parallel_loop3A_339 : i32 to index
          %parallel_loop3A_378 = arith.constant 80 : index
          %parallel_loop3A_379 = tpu.vector_load %arg18[%parallel_loop3A_377, %parallel_loop3A_378] {strides = array<i32>} : memref<80x128xf32, #tpu.memory_space<vmem>>, vector<16xf32>,
          %parallel_loop3A_380 = arith.mulf %parallel_loop3A_379, %parallel_loop3A_341 : vector<16xf32>
          %parallel_loop3A_381 = arith.index_cast %parallel_loop3A_339 : i32 to index
          %parallel_loop3A_382 = arith.constant 80 : index
          %parallel_loop3A_383 = tpu.vector_load %arg18[%parallel_loop3A_381, %parallel_loop3A_382] {strides = array<i32>} : memref<80x128xf32, #tpu.memory_space<vmem>>, vector<16xf32>,
          tpu.vector_store %arg18[%parallel_loop3A_381, %parallel_loop3A_382], %parallel_loop3A_380 {strides = array<i32>} : memref<80x128xf32, #tpu.memory_space<vmem>>, vector<16xf32>,
          %parallel_loop3A_384 = arith.index_cast %parallel_loop3A_339 : i32 to index
          %parallel_loop3A_385 = arith.constant 96 : index
          %parallel_loop3A_386 = tpu.vector_load %arg18[%parallel_loop3A_384, %parallel_loop3A_385] {strides = array<i32>} : memref<80x128xf32, #tpu.memory_space<vmem>>, vector<16xf32>,
          %parallel_loop3A_387 = arith.mulf %parallel_loop3A_386, %parallel_loop3A_341 : vector<16xf32>
          %parallel_loop3A_388 = arith.index_cast %parallel_loop3A_339 : i32 to index
          %parallel_loop3A_389 = arith.constant 96 : index
          %parallel_loop3A_390 = tpu.vector_load %arg18[%parallel_loop3A_388, %parallel_loop3A_389] {strides = array<i32>} : memref<80x128xf32, #tpu.memory_space<vmem>>, vector<16xf32>,
          tpu.vector_store %arg18[%parallel_loop3A_388, %parallel_loop3A_389], %parallel_loop3A_387 {strides = array<i32>} : memref<80x128xf32, #tpu.memory_space<vmem>>, vector<16xf32>,
          %parallel_loop3A_391 = arith.index_cast %parallel_loop3A_339 : i32 to index
          %parallel_loop3A_392 = arith.constant 112 : index
          %parallel_loop3A_393 = tpu.vector_load %arg18[%parallel_loop3A_391, %parallel_loop3A_392] {strides = array<i32>} : memref<80x128xf32, #tpu.memory_space<vmem>>, vector<16xf32>,
          %parallel_loop3A_394 = arith.mulf %parallel_loop3A_393, %parallel_loop3A_341 : vector<16xf32>
          %parallel_loop3A_395 = arith.index_cast %parallel_loop3A_339 : i32 to index
          %parallel_loop3A_396 = arith.constant 112 : index
          %parallel_loop3A_397 = tpu.vector_load %arg18[%parallel_loop3A_395, %parallel_loop3A_396] {strides = array<i32>} : memref<80x128xf32, #tpu.memory_space<vmem>>, vector<16xf32>,
          tpu.vector_store %arg18[%parallel_loop3A_395, %parallel_loop3A_396], %parallel_loop3A_394 {strides = array<i32>} : memref<80x128xf32, #tpu.memory_space<vmem>>, vector<16xf32>,
        } {sc.loop_unroll_factor = 4 : i64, sc.parallel_access}
        %dma_start3A_286 = arith.constant 0 : i32
        %dma_start3A_287 = arith.constant 0 : i32
        %dma_start3A_288 = tpu.memref_slice %arg26[%dma_start3A_286, %dma_start3A_287] : memref<10000x128xf32, #tpu.memory_space<vmem_shared>> -> memref<10000x128xf32, #tpu.memory_space<vmem_shared>>
        tpu.enqueue_indirect_dma source(%arg18 : memref<80x128xf32, #tpu.memory_space<vmem>>) target(%dma_start3A_288 : memref<10000x128xf32, #tpu.memory_space<vmem_shared>>) offsets(%arg14 : memref<80xi32, #tpu.memory_space<vmem>>) semaphore(%arg36 : memref<!tpu.dma_semaphore, #tpu.memory_space<semaphore_mem>>) {add = true}
        %add3A_289 = arith.constant 2 : i32
        %add3A_290 = arith.addi %mul3A_241, %add3A_289 : i32
        %add3A_291 = arith.constant 3 : i32
        %add3A_292 = arith.addi %add3A_290, %add3A_291 : i32
        %lt3A_293 = arith.constant 125 : i32
        %lt3A_294 = arith.cmpi slt, %add3A_292, %lt3A_293 : i32
        %convert_element_type3A_295 = arith.extui %lt3A_294 : i1 to i32
        %cond3A_296 = arith.constant 0 : i32
        %cond3A_297 = arith.cmpi ne, %convert_element_type3A_295, %cond3A_296 : i32
        scf.if %cond3A_297 {
          %add3A_339 = arith.constant 3 : i32
          %add3A_340 = arith.addi %add3A_290, %add3A_339 : i32
          %add3A_341 = arith.addi %mul3A_2, %add3A_340 : i32
          %mul3A_342 = arith.constant 256 : i32
          %mul3A_343 = arith.muli %add3A_341, %mul3A_342 : i32
          %dma_start3A_344 = tpu.memref_slice %arg3[%mul3A_343] : memref<1024000xi32, #tpu.memory_space<hbm>> -> memref<256xi32, #tpu.memory_space<hbm>>
          %dma_start3A_345 = tpu.memref_slice %arg3[%mul3A_343] : memref<1024000xi32, #tpu.memory_space<hbm>> -> memref<256xi32, #tpu.memory_space<hbm>>
          tpu.enqueue_dma source(%dma_start3A_345 : memref<256xi32, #tpu.memory_space<hbm>>) target(%arg6 : memref<256xi32, #tpu.memory_space<vmem>>) target_semaphore(%arg28 : memref<!tpu.dma_semaphore, #tpu.memory_space<semaphore_mem>>)
        } else {
        }
        %add3A_298 = arith.constant 2 : i32
        %add3A_299 = arith.addi %add3A_290, %add3A_298 : i32
        %lt3A_300 = arith.constant 125 : i32
        %lt3A_301 = arith.cmpi slt, %add3A_299, %lt3A_300 : i32
        %convert_element_type3A_302 = arith.extui %lt3A_301 : i1 to i32
        %cond3A_303 = arith.constant 0 : i32
        %cond3A_304 = arith.cmpi ne, %convert_element_type3A_302, %cond3A_303 : i32
        scf.if %cond3A_304 {
          %add3A_339 = arith.constant 2 : i32
          %add3A_340 = arith.addi %add3A_290, %add3A_339 : i32
          %add3A_341 = arith.addi %mul3A_2, %add3A_340 : i32
          %mul3A_342 = arith.constant 256 : i32
          %mul3A_343 = arith.muli %add3A_341, %mul3A_342 : i32
          %dma_wait3A_344 = tpu.memref_slice %arg3[%mul3A_343] : memref<1024000xi32, #tpu.memory_space<hbm>> -> memref<256xi32, #tpu.memory_space<hbm>>
          %dma_wait3A_345 = tpu.memref_slice %arg3[%mul3A_343] : memref<1024000xi32, #tpu.memory_space<hbm>> -> memref<256xi32, #tpu.memory_space<hbm>>
          tpu.wait_dma2 semaphore(%arg27 : memref<!tpu.dma_semaphore, #tpu.memory_space<semaphore_mem>>) src(%dma_wait3A_345 : memref<256xi32, #tpu.memory_space<hbm>>) dst(%arg5 : memref<256xi32, #tpu.memory_space<vmem>>)
          %add3A_346 = arith.constant 2 : i32
          %add3A_347 = arith.addi %add3A_290, %add3A_346 : i32
          %ge3A = arith.constant 4 : i32
          %ge3A_348 = arith.cmpi sge, %add3A_347, %ge3A : i32
          %convert_element_type3A_349 = arith.extui %ge3A_348 : i1 to i32
          %cond3A_350 = arith.constant 0 : i32
          %cond3A_351 = arith.cmpi ne, %convert_element_type3A_349, %cond3A_350 : i32
          scf.if %cond3A_351 {
            %dma_wait3A_428 = arith.constant 0 : i32
            %dma_wait3A_429 = arith.constant 0 : i32
            %dma_wait3A_430 = tpu.memref_slice %arg26[%dma_wait3A_428, %dma_wait3A_429] : memref<10000x128xf32, #tpu.memory_space<vmem_shared>> -> memref<10000x128xf32, #tpu.memory_space<vmem_shared>>
            tpu.wait_indirect_dma semaphore(%arg35 : memref<!tpu.dma_semaphore, #tpu.memory_space<semaphore_mem>>) src(%arg17 : memref<80x128xf32, #tpu.memory_space<vmem>>) dst(%dma_wait3A_430 : memref<10000x128xf32, #tpu.memory_space<vmem_shared>>)
          } else {
          }
          %mul3A_352 = arith.constant 10000 : i32
          %mul3A_353 = arith.muli %add3A_16, %mul3A_352 : i32
          %broadcast_in_dim3A_354 = vector.broadcast %mul3A_353 : i32 to vector<16xi32>
          %get3A_355 = arith.constant 0 : index
          %get3A_356 = tpu.vector_load %arg5[%get3A_355] {strides = array<i32>} : memref<256xi32, #tpu.memory_space<vmem>>, vector<16xi32>,
          %add3A_357 = arith.addi %get3A_356, %broadcast_in_dim3A_354 : vector<16xi32>
          %swap3A_358 = arith.constant 0 : index
          %swap3A_359 = tpu.vector_load %arg9[%swap3A_358] {strides = array<i32>} : memref<80xi32, #tpu.memory_space<vmem>>, vector<16xi32>,
          tpu.vector_store %arg9[%swap3A_358], %add3A_357 {strides = array<i32>} : memref<80xi32, #tpu.memory_space<vmem>>, vector<16xi32>,
          %get3A_360 = arith.constant 80 : index
          %get3A_361 = tpu.vector_load %arg5[%get3A_360] {strides = array<i32>} : memref<256xi32, #tpu.memory_space<vmem>>, vector<16xi32>,
          %swap3A_362 = arith.constant 0 : index
          %swap3A_363 = tpu.vector_load %arg13[%swap3A_362] {strides = array<i32>} : memref<80xi32, #tpu.memory_space<vmem>>, vector<16xi32>,
          tpu.vector_store %arg13[%swap3A_362], %get3A_361 {strides = array<i32>} : memref<80xi32, #tpu.memory_space<vmem>>, vector<16xi32>,
          %get3A_364 = arith.constant 160 : index
          %get3A_365 = tpu.vector_load %arg5[%get3A_364] {strides = array<i32>} : memref<256xi32, #tpu.memory_space<vmem>>, vector<16xi32>,
          %bitcast3A_366 = vector.bitcast %get3A_365 : vector<16xi32> to vector<16xf32>
          %swap3A_367 = arith.constant 0 : index
          %swap3A_368 = tpu.vector_load %arg21[%swap3A_367] {strides = array<i32>} : memref<80xf32, #tpu.memory_space<vmem>>, vector<16xf32>,
          tpu.vector_store %arg21[%swap3A_367], %bitcast3A_366 {strides = array<i32>} : memref<80xf32, #tpu.memory_space<vmem>>, vector<16xf32>,
          %get3A_369 = arith.constant 16 : index
          %get3A_370 = tpu.vector_load %arg5[%get3A_369] {strides = array<i32>} : memref<256xi32, #tpu.memory_space<vmem>>, vector<16xi32>,
          %add3A_371 = arith.addi %get3A_370, %broadcast_in_dim3A_354 : vector<16xi32>
          %swap3A_372 = arith.constant 16 : index
          %swap3A_373 = tpu.vector_load %arg9[%swap3A_372] {strides = array<i32>} : memref<80xi32, #tpu.memory_space<vmem>>, vector<16xi32>,
          tpu.vector_store %arg9[%swap3A_372], %add3A_371 {strides = array<i32>} : memref<80xi32, #tpu.memory_space<vmem>>, vector<16xi32>,
          %get3A_374 = arith.constant 96 : index
          %get3A_375 = tpu.vector_load %arg5[%get3A_374] {strides = array<i32>} : memref<256xi32, #tpu.memory_space<vmem>>, vector<16xi32>,
          %swap3A_376 = arith.constant 16 : index
          %swap3A_377 = tpu.vector_load %arg13[%swap3A_376] {strides = array<i32>} : memref<80xi32, #tpu.memory_space<vmem>>, vector<16xi32>,
          tpu.vector_store %arg13[%swap3A_376], %get3A_375 {strides = array<i32>} : memref<80xi32, #tpu.memory_space<vmem>>, vector<16xi32>,
          %get3A_378 = arith.constant 176 : index
          %get3A_379 = tpu.vector_load %arg5[%get3A_378] {strides = array<i32>} : memref<256xi32, #tpu.memory_space<vmem>>, vector<16xi32>,
          %bitcast3A_380 = vector.bitcast %get3A_379 : vector<16xi32> to vector<16xf32>
          %swap3A_381 = arith.constant 16 : index
          %swap3A_382 = tpu.vector_load %arg21[%swap3A_381] {strides = array<i32>} : memref<80xf32, #tpu.memory_space<vmem>>, vector<16xf32>,
          tpu.vector_store %arg21[%swap3A_381], %bitcast3A_380 {strides = array<i32>} : memref<80xf32, #tpu.memory_space<vmem>>, vector<16xf32>,
          %get3A_383 = arith.constant 32 : index
          %get3A_384 = tpu.vector_load %arg5[%get3A_383] {strides = array<i32>} : memref<256xi32, #tpu.memory_space<vmem>>, vector<16xi32>,
          %add3A_385 = arith.addi %get3A_384, %broadcast_in_dim3A_354 : vector<16xi32>
          %swap3A_386 = arith.constant 32 : index
          %swap3A_387 = tpu.vector_load %arg9[%swap3A_386] {strides = array<i32>} : memref<80xi32, #tpu.memory_space<vmem>>, vector<16xi32>,
          tpu.vector_store %arg9[%swap3A_386], %add3A_385 {strides = array<i32>} : memref<80xi32, #tpu.memory_space<vmem>>, vector<16xi32>,
          %get3A_388 = arith.constant 112 : index
          %get3A_389 = tpu.vector_load %arg5[%get3A_388] {strides = array<i32>} : memref<256xi32, #tpu.memory_space<vmem>>, vector<16xi32>,
          %swap3A_390 = arith.constant 32 : index
          %swap3A_391 = tpu.vector_load %arg13[%swap3A_390] {strides = array<i32>} : memref<80xi32, #tpu.memory_space<vmem>>, vector<16xi32>,
          tpu.vector_store %arg13[%swap3A_390], %get3A_389 {strides = array<i32>} : memref<80xi32, #tpu.memory_space<vmem>>, vector<16xi32>,
          %get3A_392 = arith.constant 192 : index
          %get3A_393 = tpu.vector_load %arg5[%get3A_392] {strides = array<i32>} : memref<256xi32, #tpu.memory_space<vmem>>, vector<16xi32>,
          %bitcast3A_394 = vector.bitcast %get3A_393 : vector<16xi32> to vector<16xf32>
          %swap3A_395 = arith.constant 32 : index
          %swap3A_396 = tpu.vector_load %arg21[%swap3A_395] {strides = array<i32>} : memref<80xf32, #tpu.memory_space<vmem>>, vector<16xf32>,
          tpu.vector_store %arg21[%swap3A_395], %bitcast3A_394 {strides = array<i32>} : memref<80xf32, #tpu.memory_space<vmem>>, vector<16xf32>,
          %get3A_397 = arith.constant 48 : index
          %get3A_398 = tpu.vector_load %arg5[%get3A_397] {strides = array<i32>} : memref<256xi32, #tpu.memory_space<vmem>>, vector<16xi32>,
          %add3A_399 = arith.addi %get3A_398, %broadcast_in_dim3A_354 : vector<16xi32>
          %swap3A_400 = arith.constant 48 : index
          %swap3A_401 = tpu.vector_load %arg9[%swap3A_400] {strides = array<i32>} : memref<80xi32, #tpu.memory_space<vmem>>, vector<16xi32>,
          tpu.vector_store %arg9[%swap3A_400], %add3A_399 {strides = array<i32>} : memref<80xi32, #tpu.memory_space<vmem>>, vector<16xi32>,
          %get3A_402 = arith.constant 128 : index
          %get3A_403 = tpu.vector_load %arg5[%get3A_402] {strides = array<i32>} : memref<256xi32, #tpu.memory_space<vmem>>, vector<16xi32>,
          %swap3A_404 = arith.constant 48 : index
          %swap3A_405 = tpu.vector_load %arg13[%swap3A_404] {strides = array<i32>} : memref<80xi32, #tpu.memory_space<vmem>>, vector<16xi32>,
          tpu.vector_store %arg13[%swap3A_404], %get3A_403 {strides = array<i32>} : memref<80xi32, #tpu.memory_space<vmem>>, vector<16xi32>,
          %get3A_406 = arith.constant 208 : index
          %get3A_407 = tpu.vector_load %arg5[%get3A_406] {strides = array<i32>} : memref<256xi32, #tpu.memory_space<vmem>>, vector<16xi32>,
          %bitcast3A_408 = vector.bitcast %get3A_407 : vector<16xi32> to vector<16xf32>
          %swap3A_409 = arith.constant 48 : index
          %swap3A_410 = tpu.vector_load %arg21[%swap3A_409] {strides = array<i32>} : memref<80xf32, #tpu.memory_space<vmem>>, vector<16xf32>,
          tpu.vector_store %arg21[%swap3A_409], %bitcast3A_408 {strides = array<i32>} : memref<80xf32, #tpu.memory_space<vmem>>, vector<16xf32>,
          %get3A_411 = arith.constant 64 : index
          %get3A_412 = tpu.vector_load %arg5[%get3A_411] {strides = array<i32>} : memref<256xi32, #tpu.memory_space<vmem>>, vector<16xi32>,
          %add3A_413 = arith.addi %get3A_412, %broadcast_in_dim3A_354 : vector<16xi32>
          %swap3A_414 = arith.constant 64 : index
          %swap3A_415 = tpu.vector_load %arg9[%swap3A_414] {strides = array<i32>} : memref<80xi32, #tpu.memory_space<vmem>>, vector<16xi32>,
          tpu.vector_store %arg9[%swap3A_414], %add3A_413 {strides = array<i32>} : memref<80xi32, #tpu.memory_space<vmem>>, vector<16xi32>,
          %get3A_416 = arith.constant 144 : index
          %get3A_417 = tpu.vector_load %arg5[%get3A_416] {strides = array<i32>} : memref<256xi32, #tpu.memory_space<vmem>>, vector<16xi32>,
          %swap3A_418 = arith.constant 64 : index
          %swap3A_419 = tpu.vector_load %arg13[%swap3A_418] {strides = array<i32>} : memref<80xi32, #tpu.memory_space<vmem>>, vector<16xi32>,
          tpu.vector_store %arg13[%swap3A_418], %get3A_417 {strides = array<i32>} : memref<80xi32, #tpu.memory_space<vmem>>, vector<16xi32>,
          %get3A_420 = arith.constant 224 : index
          %get3A_421 = tpu.vector_load %arg5[%get3A_420] {strides = array<i32>} : memref<256xi32, #tpu.memory_space<vmem>>, vector<16xi32>,
          %bitcast3A_422 = vector.bitcast %get3A_421 : vector<16xi32> to vector<16xf32>
          %swap3A_423 = arith.constant 64 : index
          %swap3A_424 = tpu.vector_load %arg21[%swap3A_423] {strides = array<i32>} : memref<80xf32, #tpu.memory_space<vmem>>, vector<16xf32>,
          tpu.vector_store %arg21[%swap3A_423], %bitcast3A_422 {strides = array<i32>} : memref<80xf32, #tpu.memory_space<vmem>>, vector<16xf32>,
          %dma_start3A_425 = arith.constant 0 : i32
          %dma_start3A_426 = arith.constant 0 : i32
          %dma_start3A_427 = tpu.memref_slice %arg2[%dma_start3A_425, %dma_start3A_426] : memref<40000x128xf32, #tpu.memory_space<hbm>> -> memref<40000x128xf32, #tpu.memory_space<hbm>>
          tpu.enqueue_indirect_dma source(%dma_start3A_427 : memref<40000x128xf32, #tpu.memory_space<hbm>>) target(%arg17 : memref<80x128xf32, #tpu.memory_space<vmem>>) offsets(%arg9 : memref<80xi32, #tpu.memory_space<vmem>>) semaphore(%arg31 : memref<!tpu.dma_semaphore, #tpu.memory_space<semaphore_mem>>)
        } else {
        }
        %dma_wait3A_305 = arith.constant 0 : i32
        %dma_wait3A_306 = arith.constant 0 : i32
        %dma_wait3A_307 = tpu.memref_slice %arg2[%dma_wait3A_305, %dma_wait3A_306] : memref<40000x128xf32, #tpu.memory_space<hbm>> -> memref<40000x128xf32, #tpu.memory_space<hbm>>
        tpu.wait_indirect_dma semaphore(%arg33 : memref<!tpu.dma_semaphore, #tpu.memory_space<semaphore_mem>>) src(%dma_wait3A_307 : memref<40000x128xf32, #tpu.memory_space<hbm>>) dst(%arg19 : memref<80x128xf32, #tpu.memory_space<vmem>>)
        %parallel_loop3A_308 = arith.constant 0 : i32
        %parallel_loop3A_309 = arith.constant 80 : i32
        %parallel_loop3A_310 = arith.constant 1 : i32
        scf.for %parallel_loop3A_339 = %parallel_loop3A_308 to %parallel_loop3A_309 step %parallel_loop3A_310  : i32 {
          %parallel_loop3A_340 = vector.broadcast %parallel_loop3A_339 : i32 to vector<16xi32>
          %parallel_loop3A_341 = tpu.vector_load_idx %arg23[%parallel_loop3A_340] : memref<80xf32, #tpu.memory_space<vmem>>[vector<16xi32>], vector<16xf32>,
          %parallel_loop3A_342 = arith.index_cast %parallel_loop3A_339 : i32 to index
          %parallel_loop3A_343 = arith.constant 0 : index
          %parallel_loop3A_344 = tpu.vector_load %arg19[%parallel_loop3A_342, %parallel_loop3A_343] {strides = array<i32>} : memref<80x128xf32, #tpu.memory_space<vmem>>, vector<16xf32>,
          %parallel_loop3A_345 = arith.mulf %parallel_loop3A_344, %parallel_loop3A_341 : vector<16xf32>
          %parallel_loop3A_346 = arith.index_cast %parallel_loop3A_339 : i32 to index
          %parallel_loop3A_347 = arith.constant 0 : index
          %parallel_loop3A_348 = tpu.vector_load %arg19[%parallel_loop3A_346, %parallel_loop3A_347] {strides = array<i32>} : memref<80x128xf32, #tpu.memory_space<vmem>>, vector<16xf32>,
          tpu.vector_store %arg19[%parallel_loop3A_346, %parallel_loop3A_347], %parallel_loop3A_345 {strides = array<i32>} : memref<80x128xf32, #tpu.memory_space<vmem>>, vector<16xf32>,
          %parallel_loop3A_349 = arith.index_cast %parallel_loop3A_339 : i32 to index
          %parallel_loop3A_350 = arith.constant 16 : index
          %parallel_loop3A_351 = tpu.vector_load %arg19[%parallel_loop3A_349, %parallel_loop3A_350] {strides = array<i32>} : memref<80x128xf32, #tpu.memory_space<vmem>>, vector<16xf32>,
          %parallel_loop3A_352 = arith.mulf %parallel_loop3A_351, %parallel_loop3A_341 : vector<16xf32>
          %parallel_loop3A_353 = arith.index_cast %parallel_loop3A_339 : i32 to index
          %parallel_loop3A_354 = arith.constant 16 : index
          %parallel_loop3A_355 = tpu.vector_load %arg19[%parallel_loop3A_353, %parallel_loop3A_354] {strides = array<i32>} : memref<80x128xf32, #tpu.memory_space<vmem>>, vector<16xf32>,
          tpu.vector_store %arg19[%parallel_loop3A_353, %parallel_loop3A_354], %parallel_loop3A_352 {strides = array<i32>} : memref<80x128xf32, #tpu.memory_space<vmem>>, vector<16xf32>,
          %parallel_loop3A_356 = arith.index_cast %parallel_loop3A_339 : i32 to index
          %parallel_loop3A_357 = arith.constant 32 : index
          %parallel_loop3A_358 = tpu.vector_load %arg19[%parallel_loop3A_356, %parallel_loop3A_357] {strides = array<i32>} : memref<80x128xf32, #tpu.memory_space<vmem>>, vector<16xf32>,
          %parallel_loop3A_359 = arith.mulf %parallel_loop3A_358, %parallel_loop3A_341 : vector<16xf32>
          %parallel_loop3A_360 = arith.index_cast %parallel_loop3A_339 : i32 to index
          %parallel_loop3A_361 = arith.constant 32 : index
          %parallel_loop3A_362 = tpu.vector_load %arg19[%parallel_loop3A_360, %parallel_loop3A_361] {strides = array<i32>} : memref<80x128xf32, #tpu.memory_space<vmem>>, vector<16xf32>,
          tpu.vector_store %arg19[%parallel_loop3A_360, %parallel_loop3A_361], %parallel_loop3A_359 {strides = array<i32>} : memref<80x128xf32, #tpu.memory_space<vmem>>, vector<16xf32>,
          %parallel_loop3A_363 = arith.index_cast %parallel_loop3A_339 : i32 to index
          %parallel_loop3A_364 = arith.constant 48 : index
          %parallel_loop3A_365 = tpu.vector_load %arg19[%parallel_loop3A_363, %parallel_loop3A_364] {strides = array<i32>} : memref<80x128xf32, #tpu.memory_space<vmem>>, vector<16xf32>,
          %parallel_loop3A_366 = arith.mulf %parallel_loop3A_365, %parallel_loop3A_341 : vector<16xf32>
          %parallel_loop3A_367 = arith.index_cast %parallel_loop3A_339 : i32 to index
          %parallel_loop3A_368 = arith.constant 48 : index
          %parallel_loop3A_369 = tpu.vector_load %arg19[%parallel_loop3A_367, %parallel_loop3A_368] {strides = array<i32>} : memref<80x128xf32, #tpu.memory_space<vmem>>, vector<16xf32>,
          tpu.vector_store %arg19[%parallel_loop3A_367, %parallel_loop3A_368], %parallel_loop3A_366 {strides = array<i32>} : memref<80x128xf32, #tpu.memory_space<vmem>>, vector<16xf32>,
          %parallel_loop3A_370 = arith.index_cast %parallel_loop3A_339 : i32 to index
          %parallel_loop3A_371 = arith.constant 64 : index
          %parallel_loop3A_372 = tpu.vector_load %arg19[%parallel_loop3A_370, %parallel_loop3A_371] {strides = array<i32>} : memref<80x128xf32, #tpu.memory_space<vmem>>, vector<16xf32>,
          %parallel_loop3A_373 = arith.mulf %parallel_loop3A_372, %parallel_loop3A_341 : vector<16xf32>
          %parallel_loop3A_374 = arith.index_cast %parallel_loop3A_339 : i32 to index
          %parallel_loop3A_375 = arith.constant 64 : index
          %parallel_loop3A_376 = tpu.vector_load %arg19[%parallel_loop3A_374, %parallel_loop3A_375] {strides = array<i32>} : memref<80x128xf32, #tpu.memory_space<vmem>>, vector<16xf32>,
          tpu.vector_store %arg19[%parallel_loop3A_374, %parallel_loop3A_375], %parallel_loop3A_373 {strides = array<i32>} : memref<80x128xf32, #tpu.memory_space<vmem>>, vector<16xf32>,
          %parallel_loop3A_377 = arith.index_cast %parallel_loop3A_339 : i32 to index
          %parallel_loop3A_378 = arith.constant 80 : index
          %parallel_loop3A_379 = tpu.vector_load %arg19[%parallel_loop3A_377, %parallel_loop3A_378] {strides = array<i32>} : memref<80x128xf32, #tpu.memory_space<vmem>>, vector<16xf32>,
          %parallel_loop3A_380 = arith.mulf %parallel_loop3A_379, %parallel_loop3A_341 : vector<16xf32>
          %parallel_loop3A_381 = arith.index_cast %parallel_loop3A_339 : i32 to index
          %parallel_loop3A_382 = arith.constant 80 : index
          %parallel_loop3A_383 = tpu.vector_load %arg19[%parallel_loop3A_381, %parallel_loop3A_382] {strides = array<i32>} : memref<80x128xf32, #tpu.memory_space<vmem>>, vector<16xf32>,
          tpu.vector_store %arg19[%parallel_loop3A_381, %parallel_loop3A_382], %parallel_loop3A_380 {strides = array<i32>} : memref<80x128xf32, #tpu.memory_space<vmem>>, vector<16xf32>,
          %parallel_loop3A_384 = arith.index_cast %parallel_loop3A_339 : i32 to index
          %parallel_loop3A_385 = arith.constant 96 : index
          %parallel_loop3A_386 = tpu.vector_load %arg19[%parallel_loop3A_384, %parallel_loop3A_385] {strides = array<i32>} : memref<80x128xf32, #tpu.memory_space<vmem>>, vector<16xf32>,
          %parallel_loop3A_387 = arith.mulf %parallel_loop3A_386, %parallel_loop3A_341 : vector<16xf32>
          %parallel_loop3A_388 = arith.index_cast %parallel_loop3A_339 : i32 to index
          %parallel_loop3A_389 = arith.constant 96 : index
          %parallel_loop3A_390 = tpu.vector_load %arg19[%parallel_loop3A_388, %parallel_loop3A_389] {strides = array<i32>} : memref<80x128xf32, #tpu.memory_space<vmem>>, vector<16xf32>,
          tpu.vector_store %arg19[%parallel_loop3A_388, %parallel_loop3A_389], %parallel_loop3A_387 {strides = array<i32>} : memref<80x128xf32, #tpu.memory_space<vmem>>, vector<16xf32>,
          %parallel_loop3A_391 = arith.index_cast %parallel_loop3A_339 : i32 to index
          %parallel_loop3A_392 = arith.constant 112 : index
          %parallel_loop3A_393 = tpu.vector_load %arg19[%parallel_loop3A_391, %parallel_loop3A_392] {strides = array<i32>} : memref<80x128xf32, #tpu.memory_space<vmem>>, vector<16xf32>,
          %parallel_loop3A_394 = arith.mulf %parallel_loop3A_393, %parallel_loop3A_341 : vector<16xf32>
          %parallel_loop3A_395 = arith.index_cast %parallel_loop3A_339 : i32 to index
          %parallel_loop3A_396 = arith.constant 112 : index
          %parallel_loop3A_397 = tpu.vector_load %arg19[%parallel_loop3A_395, %parallel_loop3A_396] {strides = array<i32>} : memref<80x128xf32, #tpu.memory_space<vmem>>, vector<16xf32>,
          tpu.vector_store %arg19[%parallel_loop3A_395, %parallel_loop3A_396], %parallel_loop3A_394 {strides = array<i32>} : memref<80x128xf32, #tpu.memory_space<vmem>>, vector<16xf32>,
        } {sc.loop_unroll_factor = 4 : i64, sc.parallel_access}
        %dma_start3A_311 = arith.constant 0 : i32
        %dma_start3A_312 = arith.constant 0 : i32
        %dma_start3A_313 = tpu.memref_slice %arg26[%dma_start3A_311, %dma_start3A_312] : memref<10000x128xf32, #tpu.memory_space<vmem_shared>> -> memref<10000x128xf32, #tpu.memory_space<vmem_shared>>
        tpu.enqueue_indirect_dma source(%arg19 : memref<80x128xf32, #tpu.memory_space<vmem>>) target(%dma_start3A_313 : memref<10000x128xf32, #tpu.memory_space<vmem_shared>>) offsets(%arg15 : memref<80xi32, #tpu.memory_space<vmem>>) semaphore(%arg37 : memref<!tpu.dma_semaphore, #tpu.memory_space<semaphore_mem>>) {add = true}
        %add3A_314 = arith.constant 3 : i32
        %add3A_315 = arith.addi %mul3A_241, %add3A_314 : i32
        %add3A_316 = arith.constant 3 : i32
        %add3A_317 = arith.addi %add3A_315, %add3A_316 : i32
        %lt3A_318 = arith.constant 125 : i32
        %lt3A_319 = arith.cmpi slt, %add3A_317, %lt3A_318 : i32
        %convert_element_type3A_320 = arith.extui %lt3A_319 : i1 to i32
        %cond3A_321 = arith.constant 0 : i32
        %cond3A_322 = arith.cmpi ne, %convert_element_type3A_320, %cond3A_321 : i32
        scf.if %cond3A_322 {
          %add3A_339 = arith.constant 3 : i32
          %add3A_340 = arith.addi %add3A_315, %add3A_339 : i32
          %add3A_341 = arith.addi %mul3A_2, %add3A_340 : i32
          %mul3A_342 = arith.constant 256 : i32
          %mul3A_343 = arith.muli %add3A_341, %mul3A_342 : i32
          %dma_start3A_344 = tpu.memref_slice %arg3[%mul3A_343] : memref<1024000xi32, #tpu.memory_space<hbm>> -> memref<256xi32, #tpu.memory_space<hbm>>
          %dma_start3A_345 = tpu.memref_slice %arg3[%mul3A_343] : memref<1024000xi32, #tpu.memory_space<hbm>> -> memref<256xi32, #tpu.memory_space<hbm>>
          tpu.enqueue_dma source(%dma_start3A_345 : memref<256xi32, #tpu.memory_space<hbm>>) target(%arg7 : memref<256xi32, #tpu.memory_space<vmem>>) target_semaphore(%arg29 : memref<!tpu.dma_semaphore, #tpu.memory_space<semaphore_mem>>)
        } else {
        }
        %add3A_323 = arith.constant 2 : i32
        %add3A_324 = arith.addi %add3A_315, %add3A_323 : i32
        %lt3A_325 = arith.constant 125 : i32
        %lt3A_326 = arith.cmpi slt, %add3A_324, %lt3A_325 : i32
        %convert_element_type3A_327 = arith.extui %lt3A_326 : i1 to i32
        %cond3A_328 = arith.constant 0 : i32
        %cond3A_329 = arith.cmpi ne, %convert_element_type3A_327, %cond3A_328 : i32
        scf.if %cond3A_329 {
          %add3A_339 = arith.constant 2 : i32
          %add3A_340 = arith.addi %add3A_315, %add3A_339 : i32
          %add3A_341 = arith.addi %mul3A_2, %add3A_340 : i32
          %mul3A_342 = arith.constant 256 : i32
          %mul3A_343 = arith.muli %add3A_341, %mul3A_342 : i32
          %dma_wait3A_344 = tpu.memref_slice %arg3[%mul3A_343] : memref<1024000xi32, #tpu.memory_space<hbm>> -> memref<256xi32, #tpu.memory_space<hbm>>
          %dma_wait3A_345 = tpu.memref_slice %arg3[%mul3A_343] : memref<1024000xi32, #tpu.memory_space<hbm>> -> memref<256xi32, #tpu.memory_space<hbm>>
          tpu.wait_dma2 semaphore(%arg28 : memref<!tpu.dma_semaphore, #tpu.memory_space<semaphore_mem>>) src(%dma_wait3A_345 : memref<256xi32, #tpu.memory_space<hbm>>) dst(%arg6 : memref<256xi32, #tpu.memory_space<vmem>>)
          %add3A_346 = arith.constant 2 : i32
          %add3A_347 = arith.addi %add3A_315, %add3A_346 : i32
          %ge3A = arith.constant 4 : i32
          %ge3A_348 = arith.cmpi sge, %add3A_347, %ge3A : i32
          %convert_element_type3A_349 = arith.extui %ge3A_348 : i1 to i32
          %cond3A_350 = arith.constant 0 : i32
          %cond3A_351 = arith.cmpi ne, %convert_element_type3A_349, %cond3A_350 : i32
          scf.if %cond3A_351 {
            %dma_wait3A_428 = arith.constant 0 : i32
            %dma_wait3A_429 = arith.constant 0 : i32
            %dma_wait3A_430 = tpu.memref_slice %arg26[%dma_wait3A_428, %dma_wait3A_429] : memref<10000x128xf32, #tpu.memory_space<vmem_shared>> -> memref<10000x128xf32, #tpu.memory_space<vmem_shared>>
            tpu.wait_indirect_dma semaphore(%arg36 : memref<!tpu.dma_semaphore, #tpu.memory_space<semaphore_mem>>) src(%arg18 : memref<80x128xf32, #tpu.memory_space<vmem>>) dst(%dma_wait3A_430 : memref<10000x128xf32, #tpu.memory_space<vmem_shared>>)
          } else {
          }
          %mul3A_352 = arith.constant 10000 : i32
          %mul3A_353 = arith.muli %add3A_16, %mul3A_352 : i32
          %broadcast_in_dim3A_354 = vector.broadcast %mul3A_353 : i32 to vector<16xi32>
          %get3A_355 = arith.constant 0 : index
          %get3A_356 = tpu.vector_load %arg6[%get3A_355] {strides = array<i32>} : memref<256xi32, #tpu.memory_space<vmem>>, vector<16xi32>,
          %add3A_357 = arith.addi %get3A_356, %broadcast_in_dim3A_354 : vector<16xi32>
          %swap3A_358 = arith.constant 0 : index
          %swap3A_359 = tpu.vector_load %arg10[%swap3A_358] {strides = array<i32>} : memref<80xi32, #tpu.memory_space<vmem>>, vector<16xi32>,
          tpu.vector_store %arg10[%swap3A_358], %add3A_357 {strides = array<i32>} : memref<80xi32, #tpu.memory_space<vmem>>, vector<16xi32>,
          %get3A_360 = arith.constant 80 : index
          %get3A_361 = tpu.vector_load %arg6[%get3A_360] {strides = array<i32>} : memref<256xi32, #tpu.memory_space<vmem>>, vector<16xi32>,
          %swap3A_362 = arith.constant 0 : index
          %swap3A_363 = tpu.vector_load %arg14[%swap3A_362] {strides = array<i32>} : memref<80xi32, #tpu.memory_space<vmem>>, vector<16xi32>,
          tpu.vector_store %arg14[%swap3A_362], %get3A_361 {strides = array<i32>} : memref<80xi32, #tpu.memory_space<vmem>>, vector<16xi32>,
          %get3A_364 = arith.constant 160 : index
          %get3A_365 = tpu.vector_load %arg6[%get3A_364] {strides = array<i32>} : memref<256xi32, #tpu.memory_space<vmem>>, vector<16xi32>,
          %bitcast3A_366 = vector.bitcast %get3A_365 : vector<16xi32> to vector<16xf32>
          %swap3A_367 = arith.constant 0 : index
          %swap3A_368 = tpu.vector_load %arg22[%swap3A_367] {strides = array<i32>} : memref<80xf32, #tpu.memory_space<vmem>>, vector<16xf32>,
          tpu.vector_store %arg22[%swap3A_367], %bitcast3A_366 {strides = array<i32>} : memref<80xf32, #tpu.memory_space<vmem>>, vector<16xf32>,
          %get3A_369 = arith.constant 16 : index
          %get3A_370 = tpu.vector_load %arg6[%get3A_369] {strides = array<i32>} : memref<256xi32, #tpu.memory_space<vmem>>, vector<16xi32>,
          %add3A_371 = arith.addi %get3A_370, %broadcast_in_dim3A_354 : vector<16xi32>
          %swap3A_372 = arith.constant 16 : index
          %swap3A_373 = tpu.vector_load %arg10[%swap3A_372] {strides = array<i32>} : memref<80xi32, #tpu.memory_space<vmem>>, vector<16xi32>,
          tpu.vector_store %arg10[%swap3A_372], %add3A_371 {strides = array<i32>} : memref<80xi32, #tpu.memory_space<vmem>>, vector<16xi32>,
          %get3A_374 = arith.constant 96 : index
          %get3A_375 = tpu.vector_load %arg6[%get3A_374] {strides = array<i32>} : memref<256xi32, #tpu.memory_space<vmem>>, vector<16xi32>,
          %swap3A_376 = arith.constant 16 : index
          %swap3A_377 = tpu.vector_load %arg14[%swap3A_376] {strides = array<i32>} : memref<80xi32, #tpu.memory_space<vmem>>, vector<16xi32>,
          tpu.vector_store %arg14[%swap3A_376], %get3A_375 {strides = array<i32>} : memref<80xi32, #tpu.memory_space<vmem>>, vector<16xi32>,
          %get3A_378 = arith.constant 176 : index
          %get3A_379 = tpu.vector_load %arg6[%get3A_378] {strides = array<i32>} : memref<256xi32, #tpu.memory_space<vmem>>, vector<16xi32>,
          %bitcast3A_380 = vector.bitcast %get3A_379 : vector<16xi32> to vector<16xf32>
          %swap3A_381 = arith.constant 16 : index
          %swap3A_382 = tpu.vector_load %arg22[%swap3A_381] {strides = array<i32>} : memref<80xf32, #tpu.memory_space<vmem>>, vector<16xf32>,
          tpu.vector_store %arg22[%swap3A_381], %bitcast3A_380 {strides = array<i32>} : memref<80xf32, #tpu.memory_space<vmem>>, vector<16xf32>,
          %get3A_383 = arith.constant 32 : index
          %get3A_384 = tpu.vector_load %arg6[%get3A_383] {strides = array<i32>} : memref<256xi32, #tpu.memory_space<vmem>>, vector<16xi32>,
          %add3A_385 = arith.addi %get3A_384, %broadcast_in_dim3A_354 : vector<16xi32>
          %swap3A_386 = arith.constant 32 : index
          %swap3A_387 = tpu.vector_load %arg10[%swap3A_386] {strides = array<i32>} : memref<80xi32, #tpu.memory_space<vmem>>, vector<16xi32>,
          tpu.vector_store %arg10[%swap3A_386], %add3A_385 {strides = array<i32>} : memref<80xi32, #tpu.memory_space<vmem>>, vector<16xi32>,
          %get3A_388 = arith.constant 112 : index
          %get3A_389 = tpu.vector_load %arg6[%get3A_388] {strides = array<i32>} : memref<256xi32, #tpu.memory_space<vmem>>, vector<16xi32>,
          %swap3A_390 = arith.constant 32 : index
          %swap3A_391 = tpu.vector_load %arg14[%swap3A_390] {strides = array<i32>} : memref<80xi32, #tpu.memory_space<vmem>>, vector<16xi32>,
          tpu.vector_store %arg14[%swap3A_390], %get3A_389 {strides = array<i32>} : memref<80xi32, #tpu.memory_space<vmem>>, vector<16xi32>,
          %get3A_392 = arith.constant 192 : index
          %get3A_393 = tpu.vector_load %arg6[%get3A_392] {strides = array<i32>} : memref<256xi32, #tpu.memory_space<vmem>>, vector<16xi32>,
          %bitcast3A_394 = vector.bitcast %get3A_393 : vector<16xi32> to vector<16xf32>
          %swap3A_395 = arith.constant 32 : index
          %swap3A_396 = tpu.vector_load %arg22[%swap3A_395] {strides = array<i32>} : memref<80xf32, #tpu.memory_space<vmem>>, vector<16xf32>,
          tpu.vector_store %arg22[%swap3A_395], %bitcast3A_394 {strides = array<i32>} : memref<80xf32, #tpu.memory_space<vmem>>, vector<16xf32>,
          %get3A_397 = arith.constant 48 : index
          %get3A_398 = tpu.vector_load %arg6[%get3A_397] {strides = array<i32>} : memref<256xi32, #tpu.memory_space<vmem>>, vector<16xi32>,
          %add3A_399 = arith.addi %get3A_398, %broadcast_in_dim3A_354 : vector<16xi32>
          %swap3A_400 = arith.constant 48 : index
          %swap3A_401 = tpu.vector_load %arg10[%swap3A_400] {strides = array<i32>} : memref<80xi32, #tpu.memory_space<vmem>>, vector<16xi32>,
          tpu.vector_store %arg10[%swap3A_400], %add3A_399 {strides = array<i32>} : memref<80xi32, #tpu.memory_space<vmem>>, vector<16xi32>,
          %get3A_402 = arith.constant 128 : index
          %get3A_403 = tpu.vector_load %arg6[%get3A_402] {strides = array<i32>} : memref<256xi32, #tpu.memory_space<vmem>>, vector<16xi32>,
          %swap3A_404 = arith.constant 48 : index
          %swap3A_405 = tpu.vector_load %arg14[%swap3A_404] {strides = array<i32>} : memref<80xi32, #tpu.memory_space<vmem>>, vector<16xi32>,
          tpu.vector_store %arg14[%swap3A_404], %get3A_403 {strides = array<i32>} : memref<80xi32, #tpu.memory_space<vmem>>, vector<16xi32>,
          %get3A_406 = arith.constant 208 : index
          %get3A_407 = tpu.vector_load %arg6[%get3A_406] {strides = array<i32>} : memref<256xi32, #tpu.memory_space<vmem>>, vector<16xi32>,
          %bitcast3A_408 = vector.bitcast %get3A_407 : vector<16xi32> to vector<16xf32>
          %swap3A_409 = arith.constant 48 : index
          %swap3A_410 = tpu.vector_load %arg22[%swap3A_409] {strides = array<i32>} : memref<80xf32, #tpu.memory_space<vmem>>, vector<16xf32>,
          tpu.vector_store %arg22[%swap3A_409], %bitcast3A_408 {strides = array<i32>} : memref<80xf32, #tpu.memory_space<vmem>>, vector<16xf32>,
          %get3A_411 = arith.constant 64 : index
          %get3A_412 = tpu.vector_load %arg6[%get3A_411] {strides = array<i32>} : memref<256xi32, #tpu.memory_space<vmem>>, vector<16xi32>,
          %add3A_413 = arith.addi %get3A_412, %broadcast_in_dim3A_354 : vector<16xi32>
          %swap3A_414 = arith.constant 64 : index
          %swap3A_415 = tpu.vector_load %arg10[%swap3A_414] {strides = array<i32>} : memref<80xi32, #tpu.memory_space<vmem>>, vector<16xi32>,
          tpu.vector_store %arg10[%swap3A_414], %add3A_413 {strides = array<i32>} : memref<80xi32, #tpu.memory_space<vmem>>, vector<16xi32>,
          %get3A_416 = arith.constant 144 : index
          %get3A_417 = tpu.vector_load %arg6[%get3A_416] {strides = array<i32>} : memref<256xi32, #tpu.memory_space<vmem>>, vector<16xi32>,
          %swap3A_418 = arith.constant 64 : index
          %swap3A_419 = tpu.vector_load %arg14[%swap3A_418] {strides = array<i32>} : memref<80xi32, #tpu.memory_space<vmem>>, vector<16xi32>,
          tpu.vector_store %arg14[%swap3A_418], %get3A_417 {strides = array<i32>} : memref<80xi32, #tpu.memory_space<vmem>>, vector<16xi32>,
          %get3A_420 = arith.constant 224 : index
          %get3A_421 = tpu.vector_load %arg6[%get3A_420] {strides = array<i32>} : memref<256xi32, #tpu.memory_space<vmem>>, vector<16xi32>,
          %bitcast3A_422 = vector.bitcast %get3A_421 : vector<16xi32> to vector<16xf32>
          %swap3A_423 = arith.constant 64 : index
          %swap3A_424 = tpu.vector_load %arg22[%swap3A_423] {strides = array<i32>} : memref<80xf32, #tpu.memory_space<vmem>>, vector<16xf32>,
          tpu.vector_store %arg22[%swap3A_423], %bitcast3A_422 {strides = array<i32>} : memref<80xf32, #tpu.memory_space<vmem>>, vector<16xf32>,
          %dma_start3A_425 = arith.constant 0 : i32
          %dma_start3A_426 = arith.constant 0 : i32
          %dma_start3A_427 = tpu.memref_slice %arg2[%dma_start3A_425, %dma_start3A_426] : memref<40000x128xf32, #tpu.memory_space<hbm>> -> memref<40000x128xf32, #tpu.memory_space<hbm>>
          tpu.enqueue_indirect_dma source(%dma_start3A_427 : memref<40000x128xf32, #tpu.memory_space<hbm>>) target(%arg18 : memref<80x128xf32, #tpu.memory_space<vmem>>) offsets(%arg10 : memref<80xi32, #tpu.memory_space<vmem>>) semaphore(%arg32 : memref<!tpu.dma_semaphore, #tpu.memory_space<semaphore_mem>>)
        } else {
        }
        %dma_wait3A_330 = arith.constant 0 : i32
        %dma_wait3A_331 = arith.constant 0 : i32
        %dma_wait3A_332 = tpu.memref_slice %arg2[%dma_wait3A_330, %dma_wait3A_331] : memref<40000x128xf32, #tpu.memory_space<hbm>> -> memref<40000x128xf32, #tpu.memory_space<hbm>>
        tpu.wait_indirect_dma semaphore(%arg34 : memref<!tpu.dma_semaphore, #tpu.memory_space<semaphore_mem>>) src(%dma_wait3A_332 : memref<40000x128xf32, #tpu.memory_space<hbm>>) dst(%arg20 : memref<80x128xf32, #tpu.memory_space<vmem>>)
        %parallel_loop3A_333 = arith.constant 0 : i32
        %parallel_loop3A_334 = arith.constant 80 : i32
        %parallel_loop3A_335 = arith.constant 1 : i32
        scf.for %parallel_loop3A_339 = %parallel_loop3A_333 to %parallel_loop3A_334 step %parallel_loop3A_335  : i32 {
          %parallel_loop3A_340 = vector.broadcast %parallel_loop3A_339 : i32 to vector<16xi32>
          %parallel_loop3A_341 = tpu.vector_load_idx %arg24[%parallel_loop3A_340] : memref<80xf32, #tpu.memory_space<vmem>>[vector<16xi32>], vector<16xf32>,
          %parallel_loop3A_342 = arith.index_cast %parallel_loop3A_339 : i32 to index
          %parallel_loop3A_343 = arith.constant 0 : index
          %parallel_loop3A_344 = tpu.vector_load %arg20[%parallel_loop3A_342, %parallel_loop3A_343] {strides = array<i32>} : memref<80x128xf32, #tpu.memory_space<vmem>>, vector<16xf32>,
          %parallel_loop3A_345 = arith.mulf %parallel_loop3A_344, %parallel_loop3A_341 : vector<16xf32>
          %parallel_loop3A_346 = arith.index_cast %parallel_loop3A_339 : i32 to index
          %parallel_loop3A_347 = arith.constant 0 : index
          %parallel_loop3A_348 = tpu.vector_load %arg20[%parallel_loop3A_346, %parallel_loop3A_347] {strides = array<i32>} : memref<80x128xf32, #tpu.memory_space<vmem>>, vector<16xf32>,
          tpu.vector_store %arg20[%parallel_loop3A_346, %parallel_loop3A_347], %parallel_loop3A_345 {strides = array<i32>} : memref<80x128xf32, #tpu.memory_space<vmem>>, vector<16xf32>,
          %parallel_loop3A_349 = arith.index_cast %parallel_loop3A_339 : i32 to index
          %parallel_loop3A_350 = arith.constant 16 : index
          %parallel_loop3A_351 = tpu.vector_load %arg20[%parallel_loop3A_349, %parallel_loop3A_350] {strides = array<i32>} : memref<80x128xf32, #tpu.memory_space<vmem>>, vector<16xf32>,
          %parallel_loop3A_352 = arith.mulf %parallel_loop3A_351, %parallel_loop3A_341 : vector<16xf32>
          %parallel_loop3A_353 = arith.index_cast %parallel_loop3A_339 : i32 to index
          %parallel_loop3A_354 = arith.constant 16 : index
          %parallel_loop3A_355 = tpu.vector_load %arg20[%parallel_loop3A_353, %parallel_loop3A_354] {strides = array<i32>} : memref<80x128xf32, #tpu.memory_space<vmem>>, vector<16xf32>,
          tpu.vector_store %arg20[%parallel_loop3A_353, %parallel_loop3A_354], %parallel_loop3A_352 {strides = array<i32>} : memref<80x128xf32, #tpu.memory_space<vmem>>, vector<16xf32>,
          %parallel_loop3A_356 = arith.index_cast %parallel_loop3A_339 : i32 to index
          %parallel_loop3A_357 = arith.constant 32 : index
          %parallel_loop3A_358 = tpu.vector_load %arg20[%parallel_loop3A_356, %parallel_loop3A_357] {strides = array<i32>} : memref<80x128xf32, #tpu.memory_space<vmem>>, vector<16xf32>,
          %parallel_loop3A_359 = arith.mulf %parallel_loop3A_358, %parallel_loop3A_341 : vector<16xf32>
          %parallel_loop3A_360 = arith.index_cast %parallel_loop3A_339 : i32 to index
          %parallel_loop3A_361 = arith.constant 32 : index
          %parallel_loop3A_362 = tpu.vector_load %arg20[%parallel_loop3A_360, %parallel_loop3A_361] {strides = array<i32>} : memref<80x128xf32, #tpu.memory_space<vmem>>, vector<16xf32>,
          tpu.vector_store %arg20[%parallel_loop3A_360, %parallel_loop3A_361], %parallel_loop3A_359 {strides = array<i32>} : memref<80x128xf32, #tpu.memory_space<vmem>>, vector<16xf32>,
          %parallel_loop3A_363 = arith.index_cast %parallel_loop3A_339 : i32 to index
          %parallel_loop3A_364 = arith.constant 48 : index
          %parallel_loop3A_365 = tpu.vector_load %arg20[%parallel_loop3A_363, %parallel_loop3A_364] {strides = array<i32>} : memref<80x128xf32, #tpu.memory_space<vmem>>, vector<16xf32>,
          %parallel_loop3A_366 = arith.mulf %parallel_loop3A_365, %parallel_loop3A_341 : vector<16xf32>
          %parallel_loop3A_367 = arith.index_cast %parallel_loop3A_339 : i32 to index
          %parallel_loop3A_368 = arith.constant 48 : index
          %parallel_loop3A_369 = tpu.vector_load %arg20[%parallel_loop3A_367, %parallel_loop3A_368] {strides = array<i32>} : memref<80x128xf32, #tpu.memory_space<vmem>>, vector<16xf32>,
          tpu.vector_store %arg20[%parallel_loop3A_367, %parallel_loop3A_368], %parallel_loop3A_366 {strides = array<i32>} : memref<80x128xf32, #tpu.memory_space<vmem>>, vector<16xf32>,
          %parallel_loop3A_370 = arith.index_cast %parallel_loop3A_339 : i32 to index
          %parallel_loop3A_371 = arith.constant 64 : index
          %parallel_loop3A_372 = tpu.vector_load %arg20[%parallel_loop3A_370, %parallel_loop3A_371] {strides = array<i32>} : memref<80x128xf32, #tpu.memory_space<vmem>>, vector<16xf32>,
          %parallel_loop3A_373 = arith.mulf %parallel_loop3A_372, %parallel_loop3A_341 : vector<16xf32>
          %parallel_loop3A_374 = arith.index_cast %parallel_loop3A_339 : i32 to index
          %parallel_loop3A_375 = arith.constant 64 : index
          %parallel_loop3A_376 = tpu.vector_load %arg20[%parallel_loop3A_374, %parallel_loop3A_375] {strides = array<i32>} : memref<80x128xf32, #tpu.memory_space<vmem>>, vector<16xf32>,
          tpu.vector_store %arg20[%parallel_loop3A_374, %parallel_loop3A_375], %parallel_loop3A_373 {strides = array<i32>} : memref<80x128xf32, #tpu.memory_space<vmem>>, vector<16xf32>,
          %parallel_loop3A_377 = arith.index_cast %parallel_loop3A_339 : i32 to index
          %parallel_loop3A_378 = arith.constant 80 : index
          %parallel_loop3A_379 = tpu.vector_load %arg20[%parallel_loop3A_377, %parallel_loop3A_378] {strides = array<i32>} : memref<80x128xf32, #tpu.memory_space<vmem>>, vector<16xf32>,
          %parallel_loop3A_380 = arith.mulf %parallel_loop3A_379, %parallel_loop3A_341 : vector<16xf32>
          %parallel_loop3A_381 = arith.index_cast %parallel_loop3A_339 : i32 to index
          %parallel_loop3A_382 = arith.constant 80 : index
          %parallel_loop3A_383 = tpu.vector_load %arg20[%parallel_loop3A_381, %parallel_loop3A_382] {strides = array<i32>} : memref<80x128xf32, #tpu.memory_space<vmem>>, vector<16xf32>,
          tpu.vector_store %arg20[%parallel_loop3A_381, %parallel_loop3A_382], %parallel_loop3A_380 {strides = array<i32>} : memref<80x128xf32, #tpu.memory_space<vmem>>, vector<16xf32>,
          %parallel_loop3A_384 = arith.index_cast %parallel_loop3A_339 : i32 to index
          %parallel_loop3A_385 = arith.constant 96 : index
          %parallel_loop3A_386 = tpu.vector_load %arg20[%parallel_loop3A_384, %parallel_loop3A_385] {strides = array<i32>} : memref<80x128xf32, #tpu.memory_space<vmem>>, vector<16xf32>,
          %parallel_loop3A_387 = arith.mulf %parallel_loop3A_386, %parallel_loop3A_341 : vector<16xf32>
          %parallel_loop3A_388 = arith.index_cast %parallel_loop3A_339 : i32 to index
          %parallel_loop3A_389 = arith.constant 96 : index
          %parallel_loop3A_390 = tpu.vector_load %arg20[%parallel_loop3A_388, %parallel_loop3A_389] {strides = array<i32>} : memref<80x128xf32, #tpu.memory_space<vmem>>, vector<16xf32>,
          tpu.vector_store %arg20[%parallel_loop3A_388, %parallel_loop3A_389], %parallel_loop3A_387 {strides = array<i32>} : memref<80x128xf32, #tpu.memory_space<vmem>>, vector<16xf32>,
          %parallel_loop3A_391 = arith.index_cast %parallel_loop3A_339 : i32 to index
          %parallel_loop3A_392 = arith.constant 112 : index
          %parallel_loop3A_393 = tpu.vector_load %arg20[%parallel_loop3A_391, %parallel_loop3A_392] {strides = array<i32>} : memref<80x128xf32, #tpu.memory_space<vmem>>, vector<16xf32>,
          %parallel_loop3A_394 = arith.mulf %parallel_loop3A_393, %parallel_loop3A_341 : vector<16xf32>
          %parallel_loop3A_395 = arith.index_cast %parallel_loop3A_339 : i32 to index
          %parallel_loop3A_396 = arith.constant 112 : index
          %parallel_loop3A_397 = tpu.vector_load %arg20[%parallel_loop3A_395, %parallel_loop3A_396] {strides = array<i32>} : memref<80x128xf32, #tpu.memory_space<vmem>>, vector<16xf32>,
          tpu.vector_store %arg20[%parallel_loop3A_395, %parallel_loop3A_396], %parallel_loop3A_394 {strides = array<i32>} : memref<80x128xf32, #tpu.memory_space<vmem>>, vector<16xf32>,
        } {sc.loop_unroll_factor = 4 : i64, sc.parallel_access}
        %dma_start3A_336 = arith.constant 0 : i32
        %dma_start3A_337 = arith.constant 0 : i32
        %dma_start3A_338 = tpu.memref_slice %arg26[%dma_start3A_336, %dma_start3A_337] : memref<10000x128xf32, #tpu.memory_space<vmem_shared>> -> memref<10000x128xf32, #tpu.memory_space<vmem_shared>>
        tpu.enqueue_indirect_dma source(%arg20 : memref<80x128xf32, #tpu.memory_space<vmem>>) target(%dma_start3A_338 : memref<10000x128xf32, #tpu.memory_space<vmem_shared>>) offsets(%arg16 : memref<80xi32, #tpu.memory_space<vmem>>) semaphore(%arg38 : memref<!tpu.dma_semaphore, #tpu.memory_space<semaphore_mem>>) {add = true}
      }
      %scan3A_202 = arith.constant 31 : i32
      %dma_wait3A_203 = arith.constant 0 : i32
      %dma_wait3A_204 = arith.constant 0 : i32
      %dma_wait3A_205 = tpu.memref_slice %arg2[%dma_wait3A_203, %dma_wait3A_204] : memref<40000x128xf32, #tpu.memory_space<hbm>> -> memref<40000x128xf32, #tpu.memory_space<hbm>>
      tpu.wait_indirect_dma semaphore(%arg31 : memref<!tpu.dma_semaphore, #tpu.memory_space<semaphore_mem>>) src(%dma_wait3A_205 : memref<40000x128xf32, #tpu.memory_space<hbm>>) dst(%arg17 : memref<80x128xf32, #tpu.memory_space<vmem>>)
      %parallel_loop3A = arith.constant 0 : i32
      %parallel_loop3A_206 = arith.constant 80 : i32
      %parallel_loop3A_207 = arith.constant 1 : i32
      scf.for %parallel_loop3A_235 = %parallel_loop3A to %parallel_loop3A_206 step %parallel_loop3A_207  : i32 {
        %parallel_loop3A_236 = vector.broadcast %parallel_loop3A_235 : i32 to vector<16xi32>
        %parallel_loop3A_237 = tpu.vector_load_idx %arg21[%parallel_loop3A_236] : memref<80xf32, #tpu.memory_space<vmem>>[vector<16xi32>], vector<16xf32>,
        %parallel_loop3A_238 = arith.index_cast %parallel_loop3A_235 : i32 to index
        %parallel_loop3A_239 = arith.constant 0 : index
        %parallel_loop3A_240 = tpu.vector_load %arg17[%parallel_loop3A_238, %parallel_loop3A_239] {strides = array<i32>} : memref<80x128xf32, #tpu.memory_space<vmem>>, vector<16xf32>,
        %parallel_loop3A_241 = arith.mulf %parallel_loop3A_240, %parallel_loop3A_237 : vector<16xf32>
        %parallel_loop3A_242 = arith.index_cast %parallel_loop3A_235 : i32 to index
        %parallel_loop3A_243 = arith.constant 0 : index
        %parallel_loop3A_244 = tpu.vector_load %arg17[%parallel_loop3A_242, %parallel_loop3A_243] {strides = array<i32>} : memref<80x128xf32, #tpu.memory_space<vmem>>, vector<16xf32>,
        tpu.vector_store %arg17[%parallel_loop3A_242, %parallel_loop3A_243], %parallel_loop3A_241 {strides = array<i32>} : memref<80x128xf32, #tpu.memory_space<vmem>>, vector<16xf32>,
        %parallel_loop3A_245 = arith.index_cast %parallel_loop3A_235 : i32 to index
        %parallel_loop3A_246 = arith.constant 16 : index
        %parallel_loop3A_247 = tpu.vector_load %arg17[%parallel_loop3A_245, %parallel_loop3A_246] {strides = array<i32>} : memref<80x128xf32, #tpu.memory_space<vmem>>, vector<16xf32>,
        %parallel_loop3A_248 = arith.mulf %parallel_loop3A_247, %parallel_loop3A_237 : vector<16xf32>
        %parallel_loop3A_249 = arith.index_cast %parallel_loop3A_235 : i32 to index
        %parallel_loop3A_250 = arith.constant 16 : index
        %parallel_loop3A_251 = tpu.vector_load %arg17[%parallel_loop3A_249, %parallel_loop3A_250] {strides = array<i32>} : memref<80x128xf32, #tpu.memory_space<vmem>>, vector<16xf32>,
        tpu.vector_store %arg17[%parallel_loop3A_249, %parallel_loop3A_250], %parallel_loop3A_248 {strides = array<i32>} : memref<80x128xf32, #tpu.memory_space<vmem>>, vector<16xf32>,
        %parallel_loop3A_252 = arith.index_cast %parallel_loop3A_235 : i32 to index
        %parallel_loop3A_253 = arith.constant 32 : index
        %parallel_loop3A_254 = tpu.vector_load %arg17[%parallel_loop3A_252, %parallel_loop3A_253] {strides = array<i32>} : memref<80x128xf32, #tpu.memory_space<vmem>>, vector<16xf32>,
        %parallel_loop3A_255 = arith.mulf %parallel_loop3A_254, %parallel_loop3A_237 : vector<16xf32>
        %parallel_loop3A_256 = arith.index_cast %parallel_loop3A_235 : i32 to index
        %parallel_loop3A_257 = arith.constant 32 : index
        %parallel_loop3A_258 = tpu.vector_load %arg17[%parallel_loop3A_256, %parallel_loop3A_257] {strides = array<i32>} : memref<80x128xf32, #tpu.memory_space<vmem>>, vector<16xf32>,
        tpu.vector_store %arg17[%parallel_loop3A_256, %parallel_loop3A_257], %parallel_loop3A_255 {strides = array<i32>} : memref<80x128xf32, #tpu.memory_space<vmem>>, vector<16xf32>,
        %parallel_loop3A_259 = arith.index_cast %parallel_loop3A_235 : i32 to index
        %parallel_loop3A_260 = arith.constant 48 : index
        %parallel_loop3A_261 = tpu.vector_load %arg17[%parallel_loop3A_259, %parallel_loop3A_260] {strides = array<i32>} : memref<80x128xf32, #tpu.memory_space<vmem>>, vector<16xf32>,
        %parallel_loop3A_262 = arith.mulf %parallel_loop3A_261, %parallel_loop3A_237 : vector<16xf32>
        %parallel_loop3A_263 = arith.index_cast %parallel_loop3A_235 : i32 to index
        %parallel_loop3A_264 = arith.constant 48 : index
        %parallel_loop3A_265 = tpu.vector_load %arg17[%parallel_loop3A_263, %parallel_loop3A_264] {strides = array<i32>} : memref<80x128xf32, #tpu.memory_space<vmem>>, vector<16xf32>,
        tpu.vector_store %arg17[%parallel_loop3A_263, %parallel_loop3A_264], %parallel_loop3A_262 {strides = array<i32>} : memref<80x128xf32, #tpu.memory_space<vmem>>, vector<16xf32>,
        %parallel_loop3A_266 = arith.index_cast %parallel_loop3A_235 : i32 to index
        %parallel_loop3A_267 = arith.constant 64 : index
        %parallel_loop3A_268 = tpu.vector_load %arg17[%parallel_loop3A_266, %parallel_loop3A_267] {strides = array<i32>} : memref<80x128xf32, #tpu.memory_space<vmem>>, vector<16xf32>,
        %parallel_loop3A_269 = arith.mulf %parallel_loop3A_268, %parallel_loop3A_237 : vector<16xf32>
        %parallel_loop3A_270 = arith.index_cast %parallel_loop3A_235 : i32 to index
        %parallel_loop3A_271 = arith.constant 64 : index
        %parallel_loop3A_272 = tpu.vector_load %arg17[%parallel_loop3A_270, %parallel_loop3A_271] {strides = array<i32>} : memref<80x128xf32, #tpu.memory_space<vmem>>, vector<16xf32>,
        tpu.vector_store %arg17[%parallel_loop3A_270, %parallel_loop3A_271], %parallel_loop3A_269 {strides = array<i32>} : memref<80x128xf32, #tpu.memory_space<vmem>>, vector<16xf32>,
        %parallel_loop3A_273 = arith.index_cast %parallel_loop3A_235 : i32 to index
        %parallel_loop3A_274 = arith.constant 80 : index
        %parallel_loop3A_275 = tpu.vector_load %arg17[%parallel_loop3A_273, %parallel_loop3A_274] {strides = array<i32>} : memref<80x128xf32, #tpu.memory_space<vmem>>, vector<16xf32>,
        %parallel_loop3A_276 = arith.mulf %parallel_loop3A_275, %parallel_loop3A_237 : vector<16xf32>
        %parallel_loop3A_277 = arith.index_cast %parallel_loop3A_235 : i32 to index
        %parallel_loop3A_278 = arith.constant 80 : index
        %parallel_loop3A_279 = tpu.vector_load %arg17[%parallel_loop3A_277, %parallel_loop3A_278] {strides = array<i32>} : memref<80x128xf32, #tpu.memory_space<vmem>>, vector<16xf32>,
        tpu.vector_store %arg17[%parallel_loop3A_277, %parallel_loop3A_278], %parallel_loop3A_276 {strides = array<i32>} : memref<80x128xf32, #tpu.memory_space<vmem>>, vector<16xf32>,
        %parallel_loop3A_280 = arith.index_cast %parallel_loop3A_235 : i32 to index
        %parallel_loop3A_281 = arith.constant 96 : index
        %parallel_loop3A_282 = tpu.vector_load %arg17[%parallel_loop3A_280, %parallel_loop3A_281] {strides = array<i32>} : memref<80x128xf32, #tpu.memory_space<vmem>>, vector<16xf32>,
        %parallel_loop3A_283 = arith.mulf %parallel_loop3A_282, %parallel_loop3A_237 : vector<16xf32>
        %parallel_loop3A_284 = arith.index_cast %parallel_loop3A_235 : i32 to index
        %parallel_loop3A_285 = arith.constant 96 : index
        %parallel_loop3A_286 = tpu.vector_load %arg17[%parallel_loop3A_284, %parallel_loop3A_285] {strides = array<i32>} : memref<80x128xf32, #tpu.memory_space<vmem>>, vector<16xf32>,
        tpu.vector_store %arg17[%parallel_loop3A_284, %parallel_loop3A_285], %parallel_loop3A_283 {strides = array<i32>} : memref<80x128xf32, #tpu.memory_space<vmem>>, vector<16xf32>,
        %parallel_loop3A_287 = arith.index_cast %parallel_loop3A_235 : i32 to index
        %parallel_loop3A_288 = arith.constant 112 : index
        %parallel_loop3A_289 = tpu.vector_load %arg17[%parallel_loop3A_287, %parallel_loop3A_288] {strides = array<i32>} : memref<80x128xf32, #tpu.memory_space<vmem>>, vector<16xf32>,
        %parallel_loop3A_290 = arith.mulf %parallel_loop3A_289, %parallel_loop3A_237 : vector<16xf32>
        %parallel_loop3A_291 = arith.index_cast %parallel_loop3A_235 : i32 to index
        %parallel_loop3A_292 = arith.constant 112 : index
        %parallel_loop3A_293 = tpu.vector_load %arg17[%parallel_loop3A_291, %parallel_loop3A_292] {strides = array<i32>} : memref<80x128xf32, #tpu.memory_space<vmem>>, vector<16xf32>,
        tpu.vector_store %arg17[%parallel_loop3A_291, %parallel_loop3A_292], %parallel_loop3A_290 {strides = array<i32>} : memref<80x128xf32, #tpu.memory_space<vmem>>, vector<16xf32>,
      } {sc.loop_unroll_factor = 4 : i64, sc.parallel_access}
      %dma_start3A_208 = arith.constant 0 : i32
      %dma_start3A_209 = arith.constant 0 : i32
      %dma_start3A_210 = tpu.memref_slice %arg26[%dma_start3A_208, %dma_start3A_209] : memref<10000x128xf32, #tpu.memory_space<vmem_shared>> -> memref<10000x128xf32, #tpu.memory_space<vmem_shared>>
      tpu.enqueue_indirect_dma source(%arg17 : memref<80x128xf32, #tpu.memory_space<vmem>>) target(%dma_start3A_210 : memref<10000x128xf32, #tpu.memory_space<vmem_shared>>) offsets(%arg13 : memref<80xi32, #tpu.memory_space<vmem>>) semaphore(%arg35 : memref<!tpu.dma_semaphore, #tpu.memory_space<semaphore_mem>>) {add = true}
      %dma_wait3A_211 = arith.constant 0 : i32
      %dma_wait3A_212 = arith.constant 0 : i32
      %dma_wait3A_213 = tpu.memref_slice %arg26[%dma_wait3A_211, %dma_wait3A_212] : memref<10000x128xf32, #tpu.memory_space<vmem_shared>> -> memref<10000x128xf32, #tpu.memory_space<vmem_shared>>
      tpu.wait_indirect_dma semaphore(%arg35 : memref<!tpu.dma_semaphore, #tpu.memory_space<semaphore_mem>>) src(%arg17 : memref<80x128xf32, #tpu.memory_space<vmem>>) dst(%dma_wait3A_213 : memref<10000x128xf32, #tpu.memory_space<vmem_shared>>)
      %dma_wait3A_214 = arith.constant 0 : i32
      %dma_wait3A_215 = arith.constant 0 : i32
      %dma_wait3A_216 = tpu.memref_slice %arg26[%dma_wait3A_214, %dma_wait3A_215] : memref<10000x128xf32, #tpu.memory_space<vmem_shared>> -> memref<10000x128xf32, #tpu.memory_space<vmem_shared>>
      tpu.wait_indirect_dma semaphore(%arg36 : memref<!tpu.dma_semaphore, #tpu.memory_space<semaphore_mem>>) src(%arg18 : memref<80x128xf32, #tpu.memory_space<vmem>>) dst(%dma_wait3A_216 : memref<10000x128xf32, #tpu.memory_space<vmem_shared>>)
      %dma_wait3A_217 = arith.constant 0 : i32
      %dma_wait3A_218 = arith.constant 0 : i32
      %dma_wait3A_219 = tpu.memref_slice %arg26[%dma_wait3A_217, %dma_wait3A_218] : memref<10000x128xf32, #tpu.memory_space<vmem_shared>> -> memref<10000x128xf32, #tpu.memory_space<vmem_shared>>
      tpu.wait_indirect_dma semaphore(%arg37 : memref<!tpu.dma_semaphore, #tpu.memory_space<semaphore_mem>>) src(%arg19 : memref<80x128xf32, #tpu.memory_space<vmem>>) dst(%dma_wait3A_219 : memref<10000x128xf32, #tpu.memory_space<vmem_shared>>)
      %dma_wait3A_220 = arith.constant 0 : i32
      %dma_wait3A_221 = arith.constant 0 : i32
      %dma_wait3A_222 = tpu.memref_slice %arg26[%dma_wait3A_220, %dma_wait3A_221] : memref<10000x128xf32, #tpu.memory_space<vmem_shared>> -> memref<10000x128xf32, #tpu.memory_space<vmem_shared>>
      tpu.wait_indirect_dma semaphore(%arg38 : memref<!tpu.dma_semaphore, #tpu.memory_space<semaphore_mem>>) src(%arg20 : memref<80x128xf32, #tpu.memory_space<vmem>>) dst(%dma_wait3A_222 : memref<10000x128xf32, #tpu.memory_space<vmem_shared>>)
      %barrier3A_223 = arith.constant 0 : index
      tpu.barrier barrier_id(%barrier3A_223)
      %mul3A_224 = arith.constant 4 : i32
      %mul3A_225 = arith.muli %arg0, %mul3A_224 : i32
      %add3A_226 = arith.addi %mul3A_225, %add3A_16 : i32
      %mul3A_227 = arith.constant 10000 : i32
      %mul3A_228 = arith.muli %add3A_226, %mul3A_227 : i32
      %scan3A_229 = arith.constant 0 : i32
      %scan3A_230 = arith.constant 8 : i32
      %scan3A_231 = arith.addi %scan3A_229, %scan3A_230 : i32
      %scan3A_232 = arith.constant 1 : i32
      scf.for %scan3A_235 = %scan3A_229 to %scan3A_231 step %scan3A_232  : i32 {
        %mul3A_236 = arith.constant 1 : i32
        %mul3A_237 = arith.muli %scan3A_235, %mul3A_236 : i32
        %add3A_238 = arith.constant 0 : i32
        %add3A_239 = arith.addi %add3A_238, %mul3A_237 : i32
        %mul3A_240 = arith.constant 16 : i32
        %mul3A_241 = arith.muli %add3A_239, %mul3A_240 : i32
        %add3A_242 = arith.addi %arg1, %mul3A_241 : i32
        %lt3A = arith.constant 125 : i32
        %lt3A_243 = arith.cmpi slt, %add3A_242, %lt3A : i32
        %convert_element_type3A = arith.extui %lt3A_243 : i1 to i32
        %cond3A = arith.constant 0 : i32
        %cond3A_244 = arith.cmpi ne, %convert_element_type3A, %cond3A : i32
        scf.if %cond3A_244 {
          %mul3A_245 = arith.constant 80 : i32
          %mul3A_246 = arith.muli %add3A_242, %mul3A_245 : i32
          %mul3A_247 = arith.constant 80 : i32
          %mul3A_248 = arith.muli %add3A_242, %mul3A_247 : i32
          %add3A_249 = arith.addi %mul3A_228, %mul3A_248 : i32
          "tpu.region"() ({
            %run_scoped3A = tpu.sem_alloc : memref<!tpu.dma_semaphore, #tpu.memory_space<semaphore_mem>>
            %dma_start3A_250 = arith.constant 0 : i32
            %dma_start3A_251 = tpu.memref_slice %arg4[%add3A_249, %dma_start3A_250] : memref<80000x128xf32, #tpu.memory_space<hbm>> -> memref<80x128xf32, #tpu.memory_space<hbm>>
            %dma_start3A_252 = arith.constant 0 : i32
            %dma_start3A_253 = tpu.memref_slice %arg26[%mul3A_246, %dma_start3A_252] : memref<10000x128xf32, #tpu.memory_space<vmem_shared>> -> memref<80x128xf32, #tpu.memory_space<vmem_shared>>
            tpu.enqueue_dma source(%dma_start3A_253 : memref<80x128xf32, #tpu.memory_space<vmem_shared>>) target(%dma_start3A_251 : memref<80x128xf32, #tpu.memory_space<hbm>>) target_semaphore(%run_scoped3A : memref<!tpu.dma_semaphore, #tpu.memory_space<semaphore_mem>>)
            %dma_wait3A_254 = arith.constant 0 : i32
            %dma_wait3A_255 = tpu.memref_slice %arg4[%add3A_249, %dma_wait3A_254] : memref<80000x128xf32, #tpu.memory_space<hbm>> -> memref<80x128xf32, #tpu.memory_space<hbm>>
            %dma_wait3A_256 = arith.constant 0 : i32
            %dma_wait3A_257 = tpu.memref_slice %arg26[%mul3A_246, %dma_wait3A_256] : memref<10000x128xf32, #tpu.memory_space<vmem_shared>> -> memref<80x128xf32, #tpu.memory_space<vmem_shared>>
            tpu.wait_dma2 semaphore(%run_scoped3A : memref<!tpu.dma_semaphore, #tpu.memory_space<semaphore_mem>>) src(%dma_wait3A_257 : memref<80x128xf32, #tpu.memory_space<vmem_shared>>) dst(%dma_wait3A_255 : memref<80x128xf32, #tpu.memory_space<hbm>>)
            tpu.yield
          }) : () -> ()
        } else {
        }
      }
      %scan3A_233 = arith.constant 8 : i32
      %barrier3A_234 = arith.constant 0 : index
      tpu.barrier barrier_id(%barrier3A_234)
    }
    %scan3A_11 = arith.constant 4 : i32
    return
  }
}

module attributes {stable_mosaic.version = 14 : i64} {
  func.func @body(%arg0: i32, %arg1: i32, %arg2: memref<2x1x10000x128xf32, #tpu.memory_space<vmem>>, %arg3: memref<128x128xf32, #tpu.memory_space<vmem>>, %arg4: memref<1x128x128xf32, #tpu.memory_space<vmem>>, %arg5: memref<1x10000x128xf32, #tpu.memory_space<vmem>>) attributes {dimension_semantics = [#tpu.dimension_semantics<arbitrary>, #tpu.dimension_semantics<arbitrary>], iteration_bounds = array<i64: 1, 4>, scalar_prefetch = 0 : i64, scratch_operands = 0 : i64, tpu.core_type = #tpu.core_type<tc>, window_params = [{transform_indices = @transform_0, window_bounds = array<i64: 2, 1, 10000, 128>}, {pipeline_mode = #tpu.pipeline_mode<synchronous>, transform_indices = @transform_1, window_bounds = array<i64: 128, 128>}, {transform_indices = @transform_2, window_bounds = array<i64: 1, 128, 128>}, {transform_indices = @transform_3, window_bounds = array<i64: 1, 10000, 128>}]} {
    %get3A = arith.constant 0 : index
    %get3A_0 = arith.constant 0 : index
    %get3A_1 = arith.constant 0 : index
    %get3A_2 = arith.constant 0 : index
    %get3A_3 = vector.load %arg2[%get3A, %get3A_0, %get3A_1, %get3A_2] : memref<2x1x10000x128xf32, #tpu.memory_space<vmem>>, vector<1x1x10000x128xf32>
    %get3A_4 = vector.shape_cast %get3A_3 : vector<1x1x10000x128xf32> to vector<10000x128xf32>
    %get3A_5 = arith.constant 1 : index
    %get3A_6 = arith.constant 0 : index
    %get3A_7 = arith.constant 0 : index
    %get3A_8 = arith.constant 0 : index
    %get3A_9 = vector.load %arg2[%get3A_5, %get3A_6, %get3A_7, %get3A_8] : memref<2x1x10000x128xf32, #tpu.memory_space<vmem>>, vector<1x1x10000x128xf32>
    %get3A_10 = vector.shape_cast %get3A_9 : vector<1x1x10000x128xf32> to vector<10000x128xf32>
    %add3A = arith.addf %get3A_4, %get3A_10 : vector<10000x128xf32>
    %get3A_11 = arith.constant 0 : index
    %get3A_12 = arith.constant 0 : index
    %get3A_13 = vector.load %arg3[%get3A_11, %get3A_12] : memref<128x128xf32, #tpu.memory_space<vmem>>, vector<128x128xf32>
    %get3A_14 = arith.constant 0 : index
    %get3A_15 = arith.constant 0 : index
    %get3A_16 = arith.constant 0 : index
    %get3A_17 = vector.load %arg4[%get3A_14, %get3A_15, %get3A_16] : memref<1x128x128xf32, #tpu.memory_space<vmem>>, vector<1x128x128xf32>
    %get3A_18 = vector.shape_cast %get3A_17 : vector<1x128x128xf32> to vector<128x128xf32>
    %mul3A = arith.mulf %get3A_13, %get3A_18 : vector<128x128xf32>
    %dot_general3A = arith.constant dense<0.000000e+00> : vector<10000x128xf32>
    %dot_general3A_19 = tpu.matmul %add3A, %mul3A, %dot_general3A {dimension_numbers = #tpu.dot_dimension_numbers<[1], [0], [0], [1], [0, 0, 1, 1], [], []>, transpose_lhs_hint = false} : vector<10000x128xf32>, vector<128x128xf32>, vector<10000x128xf32> -> vector<10000x128xf32>
    %max3A = arith.constant 0.000000e+00 : f32
    %max3A_20 = vector.broadcast %max3A : f32 to vector<10000x128xf32>
    %max3A_21 = arith.maximumf %dot_general3A_19, %max3A_20 : vector<10000x128xf32>
    %swap3A = arith.constant 0 : index
    %swap3A_22 = arith.constant 0 : index
    %swap3A_23 = arith.constant 0 : index
    %swap3A_24 = vector.load %arg5[%swap3A, %swap3A_22, %swap3A_23] : memref<1x10000x128xf32, #tpu.memory_space<vmem>>, vector<1x10000x128xf32>
    %swap3A_25 = vector.shape_cast %swap3A_24 : vector<1x10000x128xf32> to vector<10000x128xf32>
    %swap3A_26 = vector.shape_cast %max3A_21 : vector<10000x128xf32> to vector<1x10000x128xf32>
    tpu.vector_store %arg5[%swap3A, %swap3A_22, %swap3A_23], %swap3A_26 {strides = array<i32>} : memref<1x10000x128xf32, #tpu.memory_space<vmem>>, vector<1x10000x128xf32>,
    return
  }
  func.func @transform_0(%arg0: i32, %arg1: i32) -> (i32, i32, i32, i32) {
    %c0_i32 = arith.constant 0 : i32
    %c0_i32_0 = arith.constant 0 : i32
    %c0_i32_1 = arith.constant 0 : i32
    %c0_i32_2 = arith.constant 0 : i32
    return %c0_i32, %c0_i32_0, %arg0, %c0_i32_1 : i32, i32, i32, i32
  }
  func.func @transform_1(%arg0: i32, %arg1: i32) -> (i32, i32) {
    %c0_i32 = arith.constant 0 : i32
    %c0_i32_0 = arith.constant 0 : i32
    %c0_i32_1 = arith.constant 0 : i32
    return %c0_i32, %c0_i32_0 : i32, i32
  }
  func.func @transform_2(%arg0: i32, %arg1: i32) -> (i32, i32, i32) {
    %c0_i32 = arith.constant 0 : i32
    %c0_i32_0 = arith.constant 0 : i32
    %c0_i32_1 = arith.constant 0 : i32
    return %arg1, %c0_i32, %c0_i32_0 : i32, i32, i32
  }
  func.func @transform_3(%arg0: i32, %arg1: i32) -> (i32, i32, i32) {
    %c0_i32 = arith.constant 0 : i32
    %c0_i32_0 = arith.constant 0 : i32
    return %arg1, %arg0, %c0_i32 : i32, i32, i32
  }
}

module attributes {stable_mosaic.version = 14 : i64} {
  func.func @body(%arg0: i32, %arg1: i32, %arg2: memref<2x1x10000x128xf32, #tpu.memory_space<vmem>>, %arg3: memref<128x128xf32, #tpu.memory_space<vmem>>, %arg4: memref<1x128x128xf32, #tpu.memory_space<vmem>>, %arg5: memref<1x10000x128xf32, #tpu.memory_space<vmem>>) attributes {dimension_semantics = [#tpu.dimension_semantics<arbitrary>, #tpu.dimension_semantics<arbitrary>], iteration_bounds = array<i64: 1, 4>, scalar_prefetch = 0 : i64, scratch_operands = 0 : i64, tpu.core_type = #tpu.core_type<tc>, window_params = [{transform_indices = @transform_0, window_bounds = array<i64: 2, 1, 10000, 128>}, {pipeline_mode = #tpu.pipeline_mode<synchronous>, transform_indices = @transform_1, window_bounds = array<i64: 128, 128>}, {transform_indices = @transform_2, window_bounds = array<i64: 1, 128, 128>}, {transform_indices = @transform_3, window_bounds = array<i64: 1, 10000, 128>}]} {
    %get3A = arith.constant 0 : index
    %get3A_0 = arith.constant 0 : index
    %get3A_1 = arith.constant 0 : index
    %get3A_2 = arith.constant 0 : index
    %get3A_3 = vector.load %arg2[%get3A, %get3A_0, %get3A_1, %get3A_2] : memref<2x1x10000x128xf32, #tpu.memory_space<vmem>>, vector<1x1x10000x128xf32>
    %get3A_4 = vector.shape_cast %get3A_3 : vector<1x1x10000x128xf32> to vector<10000x128xf32>
    %get3A_5 = arith.constant 1 : index
    %get3A_6 = arith.constant 0 : index
    %get3A_7 = arith.constant 0 : index
    %get3A_8 = arith.constant 0 : index
    %get3A_9 = vector.load %arg2[%get3A_5, %get3A_6, %get3A_7, %get3A_8] : memref<2x1x10000x128xf32, #tpu.memory_space<vmem>>, vector<1x1x10000x128xf32>
    %get3A_10 = vector.shape_cast %get3A_9 : vector<1x1x10000x128xf32> to vector<10000x128xf32>
    %add3A = arith.addf %get3A_4, %get3A_10 : vector<10000x128xf32>
    %get3A_11 = arith.constant 0 : index
    %get3A_12 = arith.constant 0 : index
    %get3A_13 = vector.load %arg3[%get3A_11, %get3A_12] : memref<128x128xf32, #tpu.memory_space<vmem>>, vector<128x128xf32>
    %get3A_14 = arith.constant 0 : index
    %get3A_15 = arith.constant 0 : index
    %get3A_16 = arith.constant 0 : index
    %get3A_17 = vector.load %arg4[%get3A_14, %get3A_15, %get3A_16] : memref<1x128x128xf32, #tpu.memory_space<vmem>>, vector<1x128x128xf32>
    %get3A_18 = vector.shape_cast %get3A_17 : vector<1x128x128xf32> to vector<128x128xf32>
    %mul3A = arith.mulf %get3A_13, %get3A_18 : vector<128x128xf32>
    %dot_general3A = arith.constant dense<0.000000e+00> : vector<10000x128xf32>
    %dot_general3A_19 = tpu.matmul %add3A, %mul3A, %dot_general3A {dimension_numbers = #tpu.dot_dimension_numbers<[1], [0], [0], [1], [0, 0, 1, 1], [], []>, transpose_lhs_hint = false} : vector<10000x128xf32>, vector<128x128xf32>, vector<10000x128xf32> -> vector<10000x128xf32>
    %swap3A = arith.constant 0 : index
    %swap3A_20 = arith.constant 0 : index
    %swap3A_21 = arith.constant 0 : index
    %swap3A_22 = vector.load %arg5[%swap3A, %swap3A_20, %swap3A_21] : memref<1x10000x128xf32, #tpu.memory_space<vmem>>, vector<1x10000x128xf32>
    %swap3A_23 = vector.shape_cast %swap3A_22 : vector<1x10000x128xf32> to vector<10000x128xf32>
    %swap3A_24 = vector.shape_cast %dot_general3A_19 : vector<10000x128xf32> to vector<1x10000x128xf32>
    tpu.vector_store %arg5[%swap3A, %swap3A_20, %swap3A_21], %swap3A_24 {strides = array<i32>} : memref<1x10000x128xf32, #tpu.memory_space<vmem>>, vector<1x10000x128xf32>,
    return
  }
  func.func @transform_0(%arg0: i32, %arg1: i32) -> (i32, i32, i32, i32) {
    %c0_i32 = arith.constant 0 : i32
    %c0_i32_0 = arith.constant 0 : i32
    %c0_i32_1 = arith.constant 0 : i32
    return %c0_i32, %arg1, %arg0, %c0_i32_0 : i32, i32, i32, i32
  }
  func.func @transform_1(%arg0: i32, %arg1: i32) -> (i32, i32) {
    %c0_i32 = arith.constant 0 : i32
    %c0_i32_0 = arith.constant 0 : i32
    %c0_i32_1 = arith.constant 0 : i32
    return %c0_i32, %c0_i32_0 : i32, i32
  }
  func.func @transform_2(%arg0: i32, %arg1: i32) -> (i32, i32, i32) {
    %c0_i32 = arith.constant 0 : i32
    %c0_i32_0 = arith.constant 0 : i32
    %c0_i32_1 = arith.constant 0 : i32
    return %arg1, %c0_i32, %c0_i32_0 : i32, i32, i32
  }
  func.func @transform_3(%arg0: i32, %arg1: i32) -> (i32, i32, i32) {
    %c0_i32 = arith.constant 0 : i32
    %c0_i32_0 = arith.constant 0 : i32
    return %arg1, %arg0, %c0_i32 : i32, i32, i32
  }
}

</mosaic_0001>

<sc_bundles>
// kernel: kernel.6.cloned.1.call-start
scs
__scs_entry_jumppad:
0x0: {  	(pc) =	sbr.rel $0x88, $3  }
0x1: {  	(tag) =	ssettag $0x0;
	lr =	simm.s32 $0x1  }
0x2: {  	[smem:$0x3F9A] =	sst lr;
	_ =	strace $0xD0000000  }
0x3: {  	_ = 	snop  }
0x4: {  	_ = 	snop  }
0x5: {  	_ = 	snop  }
0x6: {  	_ = 	snop  }
0x7: {  	_ = 	snop  }
__scs_overlays_trampoline_lowered:
0x8: {  	[smem:$0x3FA9] =	sst s0  }
0x9: {  	[smem:$0x3FAA] =	sst s1  }
0xa: {  	[smem:$0x3FAB] =	sst s2  }
0xb: {  	[smem:$0x3FAC] =	sst s3  }
0xc: {  	[smem:$0x3FAD] =	sst s4  }
0xd: {  	[smem:$0x3FAE] =	sst s5  }
0xe: {  	[smem:$0x3FAF] =	sst s6  }
0xf: {  	[smem:$0x3FB0] =	sst s7  }
0x10: {  	[smem:$0x3FB1] =	sst s8  }
0x11: {  	[smem:$0x3FB2] =	sst s9;
	s0 =	simm.s32 @!p0 $0x0  }
0x12: {  	s1 =	sld [smem:$0x3F98];
	s0 =	simm.s32 @p0 $0x1  }
0x13: {  	[smem:$0x3FB3] =	sst s0;
	s0 =	simm.s32 @!p1 $0x0  }
0x14: {  	s2 =	sld [smem:$0x3F97];
	s0 =	simm.s32 @p1 $0x1  }
0x15: {  	[smem:$0x3FB4] =	sst s0;
	s0 =	simm.s32 @!p2 $0x0  }
0x16: {  	s3 =	sld [smem:$0x3FDB];
	s0 =	simm.s32 @p2 $0x1  }
0x17: {  	s4 =	simm.s32 $0x1BF5;
	[smem:$0x3FB6] =	sst s0  }
0x18: {  	s0 =	sld [smem:$0x3F99];
	_ =	swait.ge [sflag:s4], $0x0  }
0x19: {  	s7 =	sld [smem:$0x3F9A]  }
0x1a: {  	s8 =	sadd.s32 $0xFFFFE003, lr  }
0x1b: {  	s9 =	sadd.s32 $0xFFFFFEF7, lr;
	s5 =	simm.s32 $0xFFFFFFFF;
	p2 =	slt.u32 s8, $0xFFFFF086  }
0x1c: {  	p1 =	slt.u32 s9, $0xF7A;
	s5 =	simm.s32 @!p2 $0x0  }
0x1d: {  	s5 =	simm.s32 @p1 $0x1;
	p0 =	seq.s32 s7, s2  }
0x1e: {  	s7 =	smul.u32 @!p0 $0xF7A, s2;
	p2 =	seq.s32 @!p0 s5, $0x0  }
0x1f: {  	s9 =	smul.u32 $0xF7A, s1;
	s8 =	simm.s32 @!p0 $0x1BF5;
	p2 =	por !p2, p0  }
0x20: {  	[sflag:s8] =	ssyncset.s32 @!p0 $0xFFFFF086;
	s6 =	sadd.s32 @!p0 s3, s7;
	s7 =	simm.s32 @!p0 $0x108  }
0x21: {  	s3 =	sadd.s32 s3, s9;
	s6 =	sadd.s32 @!p0 $0x88, s6;
	s7 =	simm.s32 @p2 $0x1082  }
0x22: {  	[simem:s7], [sflag:s8] =	dma.local @!p0 [hbm:s6], $0xF7A  }
0x23: {  	s9 =	sor.u32 $0xD0000000, s2;
	s6 =	simm.s32 $0x108;
	_ =	swait.ge @!p0 [sflag:s8], $0x0  }
0x24: {  	s3 =	sadd.s32 $0x88, s3;
	s6 =	simm.s32 @!p1 $0x1082;
	[sflag:s4] =	ssyncset.s32 $0xFFFFF086  }
0x25: {  	[simem:s6], [sflag:s4] =	dma.local [hbm:s3], $0xF7A  }
0x26: {  	[smem:$0x3F9A] =	sst s1;
	(tag) =	ssettag s2;
	_ =	strace s9  }
0x27: {  	s1 =	sld [smem:$0x3FAA]  }
0x28: {  	s2 =	sld [smem:$0x3FAB]  }
0x29: {  	s4 =	sld [smem:$0x3FAD]  }
0x2a: {  	p0 =	seq.s32 s5, $0x0;
	s5 =	sld [smem:$0x3FAE]  }
0x2b: {  	s6 =	sld [smem:$0x3FAF]  }
0x2c: {  	s7 =	sld [smem:$0x3FB0]  }
0x2d: {  	s3 =	simm.s32 $0x108;
	s8 =	sld [smem:$0x3FB1]  }
0x2e: {  	s3 =	simm.s32 @!p0 $0x1082;
	s9 =	sld [smem:$0x3FB2]  }
0x2f: {  	lr =	sadd.s32 s0, s3;
	s0 =	sld [smem:$0x3FA9]  }
0x30: {  	s3 =	sld [smem:$0x3FAC]  }
0x31: {  	[smem:$0x3FB5] =	sst s10  }
0x32: {  	s10 =	sld [smem:$0x3FB3];
	_ =	sdelay $0x3  }
0x33: {  	p0 =	seq.s32 s10, $0x1;
	s10 =	sld [smem:$0x3FB5];
	_ =	sdelay $0x3  }
0x34: {  	[smem:$0x3FB5] =	sst s10  }
0x35: {  	s10 =	sld [smem:$0x3FB4];
	_ =	sdelay $0x3  }
0x36: {  	p1 =	seq.s32 s10, $0x1;
	s10 =	sld [smem:$0x3FB5];
	_ =	sdelay $0x3  }
0x37: {  	[smem:$0x3FB5] =	sst s10  }
0x38: {  	s10 =	sld [smem:$0x3FB6]  }
0x39: {  	_ = 	snop;
	(pc) =	sbr.ind lr, $3  }
0x3a: {  	_ = 	snop  }
0x3b: {  	_ = 	snop  }
0x3c: {  	p2 =	seq.s32 s10, $0x1;
	s10 =	sld [smem:$0x3FB5]  }
0x3d: {  	_ =	shalt  }
0x3e: {  	_ =	shalt  }
0x3f: {  	_ =	shalt  }
0x40: {  	_ =	shalt  }
0x41: {  	_ =	shalt  }
0x42: {  	_ =	shalt  }
0x43: {  	_ =	shalt  }
0x44: {  	_ =	shalt  }
0x45: {  	_ =	shalt  }
0x46: {  	_ =	shalt  }
0x47: {  	_ =	shalt  }
0x48: {  	_ =	shalt  }
0x49: {  	_ =	shalt  }
0x4a: {  	_ =	shalt  }
0x4b: {  	_ =	shalt  }
0x4c: {  	_ =	shalt  }
0x4d: {  	_ =	shalt  }
0x4e: {  	_ =	shalt  }
0x4f: {  	_ =	shalt  }
0x50: {  	_ =	shalt  }
0x51: {  	_ =	shalt  }
0x52: {  	_ =	shalt  }
0x53: {  	_ =	shalt  }
0x54: {  	_ =	shalt  }
0x55: {  	_ =	shalt  }
0x56: {  	_ =	shalt  }
0x57: {  	_ =	shalt  }
0x58: {  	_ =	shalt  }
0x59: {  	_ =	shalt  }
0x5a: {  	_ =	shalt  }
0x5b: {  	_ =	shalt  }
0x5c: {  	_ =	shalt  }
0x5d: {  	_ =	shalt  }
0x5e: {  	_ =	shalt  }
0x5f: {  	_ =	shalt  }
0x60: {  	_ =	shalt  }
0x61: {  	_ =	shalt  }
0x62: {  	_ =	shalt  }
0x63: {  	_ =	shalt  }
0x64: {  	_ =	shalt  }
0x65: {  	_ =	shalt  }
0x66: {  	_ =	shalt  }
0x67: {  	_ =	shalt  }
0x68: {  	_ =	shalt  }
0x69: {  	_ =	shalt  }
0x6a: {  	_ =	shalt  }
0x6b: {  	_ =	shalt  }
0x6c: {  	_ =	shalt  }
0x6d: {  	_ =	shalt  }
0x6e: {  	_ =	shalt  }
0x6f: {  	_ =	shalt  }
0x70: {  	_ =	shalt  }
0x71: {  	_ =	shalt  }
0x72: {  	_ =	shalt  }
0x73: {  	_ =	shalt  }
0x74: {  	_ =	shalt  }
0x75: {  	_ =	shalt  }
0x76: {  	_ =	shalt  }
0x77: {  	_ =	shalt  }
0x78: {  	_ =	shalt  }
0x79: {  	_ =	shalt  }
0x7a: {  	_ =	shalt  }
0x7b: {  	_ =	shalt  }
0x7c: {  	_ =	shalt  }
0x7d: {  	_ =	shalt  }
0x7e: {  	_ =	shalt  }
0x7f: {  	_ =	shalt  }
0x80: {  	_ =	shalt  }
0x81: {  	_ =	shalt  }
0x82: {  	_ =	shalt  }
0x83: {  	_ =	shalt  }
0x84: {  	_ =	shalt  }
0x85: {  	_ =	shalt  }
0x86: {  	_ =	shalt  }
0x87: {  	_ =	shalt  }
.Lfunc_end0:
.L_simem_size_0:
called_computation_lowered:
.L_overlay_start_0:
0x88: {  	s2 =	sld [smem:$0x3FD9]  }
0x89: {  	s3 =	sld [smem:$0x3FFE];
	_ =	sdelay $0x1  }
0x8a: {  	s1 =	srdreg.scid  }
0x8b: {  	s0 =	sand.u32 $0x1, s1  }
0x8c: {  	s17 =	sshll.u32 s0, $0xA;
	s2 =	sadd.s32 s3, s2  }
0x8d: {  	s2 =	sadd.s32 s2, s17  }
0x8e: {  	[smem:$0x3FC1] =	sst s2  }
0x8f: {  	_ = 	snop  }
0x90: {  	s2 =	sld [smem:$0x3FC9]  }
0x91: {  	s18 =	sld [smem:$0x3FD0];
	(tm) =	ssettm $0x1  }
0x92: {  	s4 =	sld [smem:$0x3FFB];
	_ =	sdelay $0x3  }
0x93: {  	_ =	strace s4  }
0x94: {  	s4 =	sld [smem:$0x3FFC];
	_ =	sdelay $0x3  }
0x95: {  	_ =	strace s4  }
0x96: {  	s4 =	sld [smem:$0x3FFD];
	_ =	sdelay $0x3  }
0x97: {  	_ =	strace s4  }
0x98: {  	_ =	strace $0x8FFFFFFF  }
0x99: {  	s19 =	sld [smem:$0x3FDB];
	_ =	sdelay $0x1  }
0x9a: {  	s5 =	simm.s32 $_scs_section_size  }
0x9b: {  	s6 =	simm.s32 $_size__tile_overlayer_lowered;
	s7 =	simm.s32 $_tile_overlayer_lowered  }
0x9c: {  	s22 =	simm.s32 $0x1BFF;
	s21 =	sshll.u32 s7, $0x1;
	s4 =	sadd.s32 s5, s19  }
0x9d: {  	s8 =	simm.s32 $0x0;
	s20 =	sshll.u32 s6, $0x1;
	s6 =	sadd.s32 s21, s4  }
0x9e: {  	[timem:s8], [sflag:s22] =	dma.local [hbm:s6], s20  }
0x9f: {  	_ =	swait.ge [sflag:s22], s20  }
0xa0: {  	s5 =	ssub.s32 $0x0, s20;
	[sflag:s22] =	ssyncset.done $0x0  }
0xa1: {  	[sflag:s22] =	ssyncadd.s32 s5;
	_ =	sdelay $0x1  }
0xa2: {  	s23 =	simm.s32 $0x1B8B  }
0xa3: {  	_ =	swait.ge [sflag:s23], $0x1  }
0xa4: {  	[sflag:s23] =	ssyncset.done $0x0  }
0xa5: {  	s25 =	simm.s32 $0x1B8E;
	s24 =	sld [smem:$0x3FFE];
	[sflag:s23] =	ssyncadd.s32 $0xFFFFFFFF  }
0xa6: {  	s26 =	simm.s32 $execute0_lowered;
	[smem:$0x3FD2] =	sst s25  }
0xa7: {  	s6 =	sshll.u32 s26, $0x1;
	_ =	strace $0x80000046;
	[dreg:$0x1] =	wrdreg $0xFFFFFFFF  }
0xa8: {  	s28 =	simm.s32 $_size_execute0_lowered;
	s4 =	sadd.s32 s4, s6;
	[dreg:$0x0] =	wrdreg $0x0  }
0xa9: {  	s6 =	sshll.u32 s28, $0x1;
	[dreg:$0x2] =	wrdreg s4  }
0xaa: {  	[dreg:$0x3] =	wrdreg s6  }
0xab: {  	[dreg:$0x4] =	wrdreg $0xC0  }
0xac: {  	_ =	task [dreg:s8], $0x5FFFF  }
0xad: {  	[dreg:$0x1] =	wrdreg $0xFFFFFFFF  }
0xae: {  	[dreg:$0x0] =	wrdreg $0x60  }
0xaf: {  	[dreg:$0x2] =	wrdreg s2  }
0xb0: {  	[dreg:$0x3] =	wrdreg s24  }
0xb1: {  	[dreg:$0x4] =	wrdreg s18  }
0xb2: {  	[dreg:$0x5] =	wrdreg $0xBE000  }
0xb3: {  	[dreg:$0x6] =	wrdreg $0x9  }
0xb4: {  	_ =	task.clear_ibuf [dreg:s8], $0x7FFFF;
	_ =	strace $0x90000046  }
0xb5: {  	s29 =	simm.s32 $0x9;
	_ =	strace $0x80000048  }
0xb6: {  	_ =	swait.ge [sflag:s29], $0x1  }
0xb7: {  	[sflag:s29] =	ssyncadd.s32 $0xFFFFFFFF  }
0xb8: {  	_ =	strace $0x90000048  }
0xb9: {  	_ =	sfence  }
0xba: {  	s30 =	sld [smem:$0x0];
	_ =	sdelay $0x2  }
0xbb: {  	s31 =	sshll.u32 s1, $0xD;
	s1 =	sshrl.u32 s1, $0x2  }
0xbc: {  	s3 =	sand.u32 $0x4000, s31;
	s1 =	sadd.s32 s1, s30  }
0xbd: {  	s0 =	sor.u32 s3, s0;
	s1 =	sshll.u32 s1, $0x11  }
0xbe: {  	s0 =	sor.u32 s1, s0  }
0xbf: {  	s0 =	sadd.s32 $0x8F2B, s0  }
0xc0: {  	[sflag:s0] =	ssyncadd.remote.s32 $0x1  }
0xc1: {  	_ =	sfence.sel $0xFFFF  }
0xc2: {  	[dreg:$0x0] =	wrdreg $0xFFFFFFFF;
	(pc) =	sbr.abs _section_cstart, $3  }
0xc3: {  	[dreg:$0x1] =	wrdreg $0xFFFFFFFF  }
0xc4: {  	_ =	task.clear_ibuf [dreg:s8], $0x2FFFF;
	_ =	strace $0x9FFFFFFF  }
0xc5: {  	(tm) =	ssettm $0x7FFFFFFF  }
tec
execute0_lowered:
.L_overlay_start_1:
0x0: {  	(tag) =	ssettag $0x1  }
0x1: {  	s0 =	srdreg.scid  }
0x2: {  	s1 =	rddreg [dreg:$0x0];
	s2 =	sand.u32 $0x1, s0  }
0x3: {  	s0 =	stileid.u32;
	s9 =	smul.u32 $0x2710, s2  }
0x4: {  	s5 =	rddreg [dreg:$0x1];
	s10 =	smul.u32 $0x50, s0;
	s11 =	sor.u32 $0x10, s0  }
0x5: {  	s7 =	rddreg [dreg:$0x2];
	s13 =	sor.u32 $0x20, s0;
	s12 =	smul.u32 $0x50, s11  }
0x6: {  	s4 =	simm.s32 $0x0;
	s15 =	sor.u32 $0x30, s0;
	s14 =	smul.u32 $0x50, s13  }
0x7: {  	s28 =	simm.s32 $0xA880;
	s21 =	sor.u32 $0x40, s0;
	s16 =	smul.u32 $0x50, s15  }
0x8: {  	s30 =	simm.s32 $0x9;
	s22 =	sor.u32 $0x50, s0;
	s18 =	smul.u32 $0x50, s21  }
0x9: {  	s31 =	simm.s32 $0x7;
	s23 =	sor.u32 $0x60, s0;
	s25 =	smul.u32 $0x50, s22  }
0xa: {  	[smem:$0x7FF] =	sst s4;
	s24 =	sor.u32 $0x70, s0;
	s19 =	smul.u32 $0x50, s23  }
0xb: {  	s5 =	sadd.s32 $0x1400, s5;
	s3 =	sshll.u32 s2, $0x4;
	s20 =	smul.u32 $0x50, s24  }
0xc: {  	s2 =	ssub.s32 $0x2, s2;
	s6 =	sor.u32 s0, s3;
	s11 =	smul.u32 $0xA000, s11  }
0xd: {  	s3 =	rddreg [dreg:$0x3];
	s17 =	sshrl.u32 s2, $0x1;
	s4 =	smul.u32 $0xA000, s21  }
0xe: {  	_ =	strace $0x80000047;
	p0 =	sgt.u32 s24, $0x7C;
	s8 =	smul.u32 $0x7D00, s6  }
0xf: {  	s2 =	ssub.s32 s2, s17;
	s10 =	sadd.s32 s9, s10;
	s26 =	smul.u32 $0xFA0, s6  }
0x10: {  	s6 =	smul.u32 $0x7D, s6;
	s12 =	sadd.s32 s9, s12;
	s14 =	sadd.s32 s9, s14  }
0x11: {  	s16 =	sadd.s32 s9, s16;
	s18 =	sadd.s32 s9, s18;
	s17 =	sadd.s32 s9, s25  }
0x12: {  	s19 =	sadd.s32 s9, s19;
	s9 =	sadd.s32 s9, s20;
	s10 =	sshll.u32 s10, $0x4  }
0x13: {  	s2 =	smax.u32 s2, $0x1;
	s11 =	sshrl.u32 s11, $0x2;
	s8 =	sshrl.u32 s8, $0x3  }
0x14: {  	s29 =	sadd.s32 s5, s26;
	s12 =	sshll.u32 s12, $0x4;
	s10 =	sadd.s32 s7, s10  }
0x15: {  	s25 =	sshll.u32 s14, $0x4;
	s26 =	sshll.u32 s16, $0x4;
	[dreg:$0x10] =	wrdreg s2  }
0x16: {  	s9 =	sshll.u32 s9, $0x4;
	[dreg:$0x5] =	wrdreg s29;
	s8 =	sadd.s32 s5, s8  }
0x17: {  	[dreg:$0x6] =	wrdreg s10;
	s20 =	sadd.s32 s7, s12;
	s10 =	smul.u32 $0xA000, s13  }
0x18: {  	s29 =	sshll.u32 s18, $0x4;
	s12 =	sadd.s32 s7, s25;
	[dreg:$0x7] =	wrdreg s20  }
0x19: {  	s16 =	sadd.s32 s7, s26;
	s25 =	sshll.u32 s19, $0x4;
	[dreg:$0x8] =	wrdreg s12  }
0x1a: {  	s19 =	sadd.s32 $0x5, s6;
	[dreg:$0x9] =	wrdreg s16;
	s18 =	sadd.s32 s7, s29  }
0x1b: {  	s20 =	sshll.u32 s17, $0x4;
	s29 =	sadd.s32 s7, s25;
	[dreg:$0xa] =	wrdreg s18  }
0x1c: {  	s12 =	sadd.s32 s7, s9;
	s13 =	sadd.s32 $0x20, s8;
	[dreg:$0xc] =	wrdreg s29  }
0x1d: {  	s14 =	sadd.s32 $0x40, s8;
	s16 =	smul.u32 $0xA000, s0;
	[dreg:$0xd] =	wrdreg s12  }
0x1e: {  	s17 =	sadd.s32 $0x3, s6;
	s8 =	sadd.s32 s11, s3;
	[dreg:$0xe] =	wrdreg s13  }
0x1f: {  	s26 =	sadd.s32 s7, s20;
	[dreg:$0xf] =	wrdreg s14;
	s18 =	sadd.s32 $0x4, s6  }
0x20: {  	s20 =	sadd.s32 $0x6, s6;
	s12 =	sshrl.u32 s10, $0x2;
	s13 =	smul.u32 $0xA000, s22  }
0x21: {  	s14 =	smul.u32 $0xA000, s23;
	s6 =	sshrl.u32 s4, $0x2;
	s22 =	sshrl.u32 s8, $0x3  }
0x22: {  	s8 =	simm.s32 $0x800;
	[dreg:$0xb] =	wrdreg s26;
	s26 =	smul.u32 $0xA000, s15  }
0x23: {  	s25 =	sshrl.u32 s16, $0x2;
	s9 =	sadd.s32 s12, s3;
	s15 =	smul.u32 $0xA000, s24  }
0x24: {  	s16 =	smul.u32 $0x5000, s0;
	s6 =	sadd.s32 s6, s3;
	[dreg:$0x13] =	wrdreg s22  }
0x25: {  	s29 =	sadd.s32 s25, s3;
	s10 =	sshrl.u32 s13, $0x2;
	s11 =	sshrl.u32 s14, $0x2  }
0x26: {  	s23 =	sshrl.u32 s9, $0x3;
	s25 =	sshrl.u32 s6, $0x3;
	s6 =	simm.s32 $0x50  }
0x27: {  	s14 =	simm.s32 $0x5800;
	s9 =	simm.s32 $0xA900;
	s7 =	sshrl.u32 s26, $0x2  }
0x28: {  	s10 =	sadd.s32 s10, s3;
	s12 =	sshrl.u32 s15, $0x2;
	s13 =	sshrl.u32 s16, $0x2  }
0x29: {  	s11 =	sadd.s32 s11, s3;
	s2 =	sshrl.u32 s29, $0x3;
	[dreg:$0x14] =	wrdreg s23  }
0x2a: {  	[dreg:$0x16] =	wrdreg s25;
	s15 =	simm.s32 $0x5;
	s16 =	simm.s32 $0xA800  }
0x2b: {  	s23 =	simm.s32 $0x4;
	s25 =	simm.s32 $0x8000;
	s7 =	sadd.s32 s7, s3  }
0x2c: {  	s12 =	sadd.s32 s12, s3;
	s21 =	sadd.s32 s13, s3;
	[dreg:$0x12] =	wrdreg s2  }
0x2d: {  	s26 =	sshrl.u32 s10, $0x3;
	s29 =	sshrl.u32 s11, $0x3;
	[dreg:$0x11] =	wrdreg s21  }
0x2e: {  	s11 =	simm.s32 $0x8;
	s13 =	simm.s32 $0xA980;
	[dreg:$0x17] =	wrdreg s26  }
0x2f: {  	s24 =	sshrl.u32 s7, $0x3;
	[dreg:$0x18] =	wrdreg s29;
	s2 =	sshrl.u32 @!p0 s12, $0x3  }
0x30: {  	s12 =	simm.s32 $0x3;
	s26 =	simm.s32 $0x6;
	[dreg:$0x15] =	wrdreg s24  }
0x31: {  	v0 =	vimm.f32 $0.0e+00;
	s7 =	simm.s32 $0x0;
	[dreg:$0x19] =	wrdreg s2;
	s2 =	simm.s32 $0x1  }
.LBB2_1:
0x32: {  	[dreg:$0x1a] =	wrdreg s7;
	s7 =	simm.s32 $0x0;
	s10 =	simm.s32 $0x200  }
.LBB2_2:
0x33: {  	p1 =	sne.s32 s10, $0x4E00;
	[tilespmem:s7+$0xAA70] =	vst v0  }
0x34: {  	[tilespmem:s7+$0xAA00] =	vst v0  }
0x35: {  	[tilespmem:s7+$0xAA10] =	vst v0  }
.Ltmp0:
0x36: {  	[tilespmem:s7+$0xAA20] =	vst v0;
	(pc) =	sbr.rel @p1 .LBB2_2-.Ltmp0, $4  }
0x37: {  	[tilespmem:s7+$0xAA30] =	vst v0  }
0x38: {  	[tilespmem:s7+$0xAA40] =	vst v0  }
0x39: {  	[tilespmem:s7+$0xAA50] =	vst v0  }
0x3a: {  	[tilespmem:s7+$0xAA60] =	vst v0;
	s7 =	sshra.s32 s10, $0x2;
	s10 =	sadd.s32 $0x200, s10  }
0x3b: {  	[tilespmem:s7+$0xAA70] =	vst v0  }
0x3c: {  	[tilespmem:s7+$0xAA00] =	vst v0  }
0x3d: {  	[tilespmem:s7+$0xAA10] =	vst v0  }
0x3e: {  	[tilespmem:s7+$0xAA20] =	vst v0  }
0x3f: {  	[tilespmem:s7+$0xAA30] =	vst v0  }
0x40: {  	[tilespmem:s7+$0xAA40] =	vst v0  }
0x41: {  	[tilespmem:s7+$0xAA50] =	vst v0  }
0x42: {  	[tilespmem:s7+$0xAA60] =	vst v0;
	s21 =	simm.s32 $0x0;
	s4 =	rddreg [dreg:$0x5]  }
0x43: {  	[tilespmem:s21], [sflag:$0x1] =	stream.linear.gather [hbm4b:s4+s21], $0x100, $0x38;
	[tilespmem:$0x1F680] =	vst v63  }
0x44: {  	s22 =	rddreg [dreg:$0xe];
	s10 =	simm.s32 $0x100  }
0x45: {  	[tilespmem:s10], [sflag:$0x2] =	stream.linear.gather [hbm4b:s22+s21], $0x100, $0x38;
	[tilespmem:$0x1F680] =	vst v63  }
0x46: {  	s24 =	rddreg [dreg:$0xf];
	s29 =	simm.s32 $0x200  }
0x47: {  	[tilespmem:s29], [sflag:$0x3] =	stream.linear.gather [hbm4b:s24+s21], $0x100, $0x38;
	[tilespmem:$0x1F680] =	vst v63  }
0x48: {  	_ =	swait.ge [sflag:s2], $0x100  }
0x49: {  	[sflag:s2] =	ssyncset.done $0x0  }
0x4a: {  	[sflag:s2] =	ssyncadd.s32 $0xFFFFFF00  }
0x4b: {  	v1 =	vld [tilespmem:$0x0]  }
0x4c: {  	v2 =	vld [tilespmem:$0x50]  }
0x4d: {  	v3 =	vld [tilespmem:$0xA0]  }
0x4e: {  	v4 =	vld [tilespmem:$0x10]  }
0x4f: {  	v5 =	vld [tilespmem:$0x60]  }
0x50: {  	v54 =	vld [tilespmem:$0xC0];
	[tilespmem:$0x400] =	vst v1  }
0x51: {  	v55 =	vld [tilespmem:$0x30];
	[tilespmem:$0x600] =	vst v2  }
0x52: {  	v1 =	vld [tilespmem:$0xB0];
	[tilespmem:$0xA800] =	vst v3  }
0x53: {  	v2 =	vld [tilespmem:$0x20];
	[tilespmem:$0x410] =	vst v4  }
0x54: {  	v3 =	vld [tilespmem:$0x70];
	[tilespmem:$0x610] =	vst v5  }
0x55: {  	v56 =	vld [tilespmem:$0x90];
	[tilespmem:$0xA820] =	vst v54  }
0x56: {  	v57 =	vld [tilespmem:$0xE0];
	[tilespmem:$0x430] =	vst v55  }
0x57: {  	[tilespmem:$0xA810] =	vst v1;
	v1 =	vld [tilespmem:$0x80]  }
0x58: {  	[tilespmem:$0x420] =	vst v2;
	v2 =	vld [tilespmem:$0xD0]  }
0x59: {  	[tilespmem:$0x620] =	vst v3;
	v3 =	vld [tilespmem:$0x40]  }
0x5a: {  	[tilespmem:$0x640] =	vst v56  }
0x5b: {  	[tilespmem:$0xA840] =	vst v57  }
0x5c: {  	[tilespmem:$0x630] =	vst v1  }
0x5d: {  	[tilespmem:$0xA830] =	vst v2  }
0x5e: {  	s10 =	simm.s32 $0x400;
	s21 =	simm.s32 $0x2;
	[tilespmem:$0x440] =	vst v3  }
0x5f: {  	[tilespmem:s8], [sflag:$0x5] =	stream.indirect.gather [hbm4b:s1+s6], $0x80, s10, s6, $0xb8;
	[tilespmem:$0x1F680] =	vst v63  }
0x60: {  	_ =	swait.ge [sflag:s21], $0x100  }
0x61: {  	[sflag:s21] =	ssyncset.done $0x0  }
0x62: {  	[sflag:s21] =	ssyncadd.s32 $0xFFFFFF00  }
0x63: {  	v1 =	vld [tilespmem:$0x100]  }
0x64: {  	v2 =	vld [tilespmem:$0x150]  }
0x65: {  	v3 =	vld [tilespmem:$0x1A0]  }
0x66: {  	v58 =	vld [tilespmem:$0x110]  }
0x67: {  	v59 =	vld [tilespmem:$0x160]  }
0x68: {  	v60 =	vld [tilespmem:$0x1C0];
	[tilespmem:$0x480] =	vst v1  }
0x69: {  	v61 =	vld [tilespmem:$0x130];
	[tilespmem:$0x680] =	vst v2  }
0x6a: {  	v1 =	vld [tilespmem:$0x1B0];
	[tilespmem:$0xA880] =	vst v3  }
0x6b: {  	v2 =	vld [tilespmem:$0x120];
	[tilespmem:$0x490] =	vst v58  }
0x6c: {  	v3 =	vld [tilespmem:$0x170];
	[tilespmem:$0x690] =	vst v59  }
0x6d: {  	v62 =	vld [tilespmem:$0x190];
	[tilespmem:$0xA8A0] =	vst v60  }
0x6e: {  	v63 =	vld [tilespmem:$0x1E0];
	[tilespmem:$0x4B0] =	vst v61  }
0x6f: {  	[tilespmem:$0xA890] =	vst v1;
	v1 =	vld [tilespmem:$0x180]  }
0x70: {  	[tilespmem:$0x4A0] =	vst v2;
	v2 =	vld [tilespmem:$0x1D0]  }
0x71: {  	[tilespmem:$0x6A0] =	vst v3;
	v3 =	vld [tilespmem:$0x140]  }
0x72: {  	[tilespmem:$0x6C0] =	vst v62  }
0x73: {  	[tilespmem:$0xA8C0] =	vst v63  }
0x74: {  	[tilespmem:$0x6B0] =	vst v1  }
0x75: {  	s29 =	sadd.s32 $0x0, s0;
	[tilespmem:$0xA8B0] =	vst v2  }
0x76: {  	s22 =	simm.s32 $0x480;
	s24 =	simm.s32 $0x3000;
	p1 =	sgt.u32 s29, $0xF9;
	[tilespmem:$0x4C0] =	vst v3  }
0x77: {  	[tilespmem:s24], [sflag:$0x6] =	stream.indirect.gather [hbm4b:s1+s6], $0x80, s22, s6, $0xb8;
	[tilespmem:$0x1F680] =	vst v63  }
0x78: {  	s7 =	simm.s32 @!p1 $0xAA00;
	s4 =	rddreg [dreg:$0x11];
	s22 =	simm.s32 @!p1 $0xD  }
0x79: {  	[spmem:s4] =	stream.linear.scatter @!p1 [tilespmem:s7], [sflag:$0xD], $0x1400, $0x38;
	[tilespmem:$0x1F680] =	vst v63  }
0x7a: {  	s10 =	simm.s32 $0x10;
	_ =	swait.ge @!p1 [sflag:s22], $0x1400  }
0x7b: {  	s21 =	simm.s32 $0x20;
	s7 =	sadd.s32 $0x14000, s4;
	[sflag:s22] =	ssyncset.done @!p1 $0x0  }
.LBB2_4:
0x7c: {  	s24 =	sadd.s32 s10, s0;
	s10 =	smov.u32 s21;
	s21 =	sadd.s32 $0x10, s21  }
0x7d: {  	[sflag:s22] =	ssyncadd.s32 @!p1 $0xFFFFEC00;
	p2 =	sne.s32 s21, $0x100  }
.Ltmp1:
0x7e: {  	p1 =	sgt.u32 s24, $0xF9;
	(pc) =	sbr.rel @p2 .LBB2_4-.Ltmp1, $4  }
0x7f: {  	s24 =	simm.s32 @!p1 $0xAA00;
	s22 =	simm.s32 @!p1 $0xD  }
0x80: {  	[spmem:s7] =	stream.linear.scatter @!p1 [tilespmem:s24], [sflag:$0xD], $0x1400, $0x38;
	[tilespmem:$0x1F680] =	vst v63  }
0x81: {  	_ =	swait.ge @!p1 [sflag:s22], $0x1400  }
0x82: {  	s7 =	sadd.s32 $0x14000, s7;
	[sflag:s22] =	ssyncset.done @!p1 $0x0  }
0x83: {  	s10 =	sadd.s32 s10, s0  }
0x84: {  	p2 =	sgt.u32 s10, $0xF9  }
0x85: {  	[sflag:s22] =	ssyncadd.s32 @!p1 $0xFFFFEC00;
	s10 =	simm.s32 @!p2 $0xAA00;
	s21 =	simm.s32 @!p2 $0xD  }
0x86: {  	[spmem:s7] =	stream.linear.scatter @!p2 [tilespmem:s10], [sflag:$0xD], $0x1400, $0x38;
	[tilespmem:$0x1F680] =	vst v63  }
0x87: {  	_ =	swait.ge @!p2 [sflag:s21], $0x1400  }
0x88: {  	[sflag:s21] =	ssyncset.done @!p2 $0x0  }
0x89: {  	[sflag:s21] =	ssyncadd.s32 @!p2 $0xFFFFEC00  }
0x8a: {  	s22 =	simm.s32 $0x0;
	[bflag:$0x0] =	sbarrier.arrive $0xFFFF  }
.LBB2_6:
0x8b: {  	s24 =	sshll.u32 s22, $0x2  }
0x8c: {  	s7 =	sadd.s32 s24, s17  }
0x8d: {  	s7 =	sshll.u32 s7, $0x5  }
0x8e: {  	s7 =	sand.u32 $0x1FFFFFE0, s7  }
0x8f: {  	s4 =	simm.s32 $0x0;
	s10 =	simm.s32 $0x300;
	s7 =	sadd.s32 s5, s7  }
0x90: {  	[tilespmem:s10], [sflag:$0x4] =	stream.linear.gather [hbm4b:s7+s4], $0x100, $0x38;
	[tilespmem:$0x1F680] =	vst v63  }
0x91: {  	_ =	swait.ge [sflag:s12], $0x100  }
0x92: {  	p1 =	seq.s32 s22, $0x0;
	[sflag:s12] =	ssyncset.done $0x0  }
0x93: {  	s7 =	simm.s32 @!p1 $0xB;
	[sflag:s12] =	ssyncadd.s32 $0xFFFFFF00  }
0x94: {  	_ =	swait.ge @!p1 [sflag:s7], $0x2800  }
0x95: {  	[sflag:s7] =	ssyncset.done @!p1 $0x0  }
0x96: {  	[sflag:s7] =	ssyncadd.s32 @!p1 $0xFFFFD800  }
0x97: {  	v1 =	vld [tilespmem:$0x200]  }
0x98: {  	v2 =	vld [tilespmem:$0x250]  }
0x99: {  	v3 =	vld [tilespmem:$0x2A0]  }
0x9a: {  	v4 =	vld [tilespmem:$0x210]  }
0x9b: {  	v5 =	vld [tilespmem:$0x260]  }
0x9c: {  	[tilespmem:$0x500] =	vst v1;
	v1 =	vld [tilespmem:$0x2B0]  }
0x9d: {  	[tilespmem:$0x700] =	vst v2;
	v2 =	vld [tilespmem:$0x220]  }
0x9e: {  	[tilespmem:$0xA900] =	vst v3;
	v3 =	vld [tilespmem:$0x270]  }
0x9f: {  	[tilespmem:$0x510] =	vst v4;
	v4 =	vld [tilespmem:$0x2C0]  }
0xa0: {  	[tilespmem:$0x710] =	vst v5;
	v5 =	vld [tilespmem:$0x230]  }
0xa1: {  	[tilespmem:$0xA910] =	vst v1;
	v1 =	vld [tilespmem:$0x280]  }
0xa2: {  	[tilespmem:$0x520] =	vst v2;
	v2 =	vld [tilespmem:$0x2D0]  }
0xa3: {  	[tilespmem:$0x720] =	vst v3;
	v3 =	vld [tilespmem:$0x240]  }
0xa4: {  	[tilespmem:$0xA920] =	vst v4;
	v4 =	vld [tilespmem:$0x290]  }
0xa5: {  	[tilespmem:$0x530] =	vst v5;
	v5 =	vld [tilespmem:$0x2E0]  }
0xa6: {  	[tilespmem:$0x730] =	vst v1  }
0xa7: {  	[tilespmem:$0xA930] =	vst v2  }
0xa8: {  	[tilespmem:$0x540] =	vst v3  }
0xa9: {  	[tilespmem:$0x740] =	vst v4  }
0xaa: {  	s21 =	simm.s32 $0x0;
	s4 =	simm.s32 $0x2;
	s10 =	simm.s32 $0x500;
	[tilespmem:$0xA940] =	vst v5  }
0xab: {  	v1 =	vmov s21;
	[tilespmem:s14], [sflag:$0x7] =	stream.indirect.gather [hbm4b:s1+s6], $0x80, s10, s6, $0xb8;
	[tilespmem:$0x1F680] =	vst v63  }
0xac: {  	v2 =	vmov s4;
	v1 =	vand.u32 $0xFFFFFFFC, v1;
	_ =	swait.ge [sflag:s15], $0x2800  }
0xad: {  	v2 =	vand.u32 $0xFFFFFFFE, v2;
	v1 =	vbroadcast v1, $0x0;
	[sflag:s15] =	ssyncset.done $0x0  }
0xae: {  	s7 =	simm.s32 $0x900;
	v2 =	vbroadcast v2, $0x0;
	[sflag:s15] =	ssyncadd.s32 $0xFFFFD800  }
0xaf: {  	v4 =	vld [tilespmem:s7+$0x70]  }
0xb0: {  	v5 =	vld [tilespmem:s7+$0xFFFFFF00]  }
0xb1: {  	s21 =	simm.s32 $0x1;
	v6 =	vld [tilespmem:s7+$0xFFFFFF10]  }
0xb2: {  	v3 =	vmov s21;
	v7 =	vld [tilespmem:s7+$0xFFFFFF20]  }
0xb3: {  	v3 =	vand.u32 $0xFFFFFFFD, v3;
	v1 =	vld.idx.msk [tilespmem:v1+s16+$0x0], $0xffff  }
0xb4: {  	v3 =	vbroadcast v3, $0x0;
	v2 =	vld.idx.msk [tilespmem:v2+s16+$0x0], $0xffff  }
0xb5: {  	v8 =	vld [tilespmem:s7+$0xFFFFFF30]  }
0xb6: {  	v9 =	vld [tilespmem:s7+$0xFFFFFF40]  }
0xb7: {  	v10 =	vld [tilespmem:s7+$0xFFFFFF50]  }
0xb8: {  	v11 =	vld [tilespmem:s7+$0xFFFFFF60];
	v5 =	vmul.f32 v5, v1  }
0xb9: {  	v13 =	vld [tilespmem:s7+$0x40];
	v4 =	vmul.f32 v4, v2  }
0xba: {  	v3 =	vld.idx.msk [tilespmem:v3+s16+$0x0], $0xffff;
	[tilespmem:s7+$0xFFFFFF00] =	vst v5;
	v5 =	vmul.f32 v6, v1  }
0xbb: {  	v6 =	vld [tilespmem:s7+$0xFFFFFF70];
	[tilespmem:s7+$0x70] =	vst v4;
	v4 =	vmul.f32 v7, v1  }
0xbc: {  	v7 =	vld [tilespmem:s7+$0xFFFFFF80];
	[tilespmem:s7+$0xFFFFFF10] =	vst v5;
	v5 =	vmul.f32 v8, v1  }
0xbd: {  	v8 =	vld [tilespmem:s7+$0xFFFFFF90];
	[tilespmem:s7+$0xFFFFFF20] =	vst v4;
	v4 =	vmul.f32 v9, v1  }
0xbe: {  	v9 =	vld [tilespmem:s7+$0xFFFFFFA0];
	[tilespmem:s7+$0xFFFFFF30] =	vst v5;
	v5 =	vmul.f32 v10, v1  }
0xbf: {  	v10 =	vld [tilespmem:s7+$0xFFFFFFB0];
	[tilespmem:s7+$0xFFFFFF40] =	vst v4;
	v4 =	vmul.f32 v11, v1  }
0xc0: {  	v11 =	vld [tilespmem:s7+$0xFFFFFFC0];
	v6 =	vmul.f32 v6, v1;
	[tilespmem:s7+$0xFFFFFF50] =	vst v5  }
0xc1: {  	v5 =	vmul.f32 v7, v3;
	v7 =	vld [tilespmem:s7+$0xFFFFFFD0];
	[tilespmem:s7+$0xFFFFFF60] =	vst v4  }
0xc2: {  	s4 =	simm.s32 $0x3;
	v4 =	vld [tilespmem:s7+$0xFFFFFFE0];
	v8 =	vmul.f32 v8, v3;
	[tilespmem:s7+$0xFFFFFF70] =	vst v6  }
0xc3: {  	v12 =	vmov s4;
	v6 =	vld [tilespmem:s7+$0xFFFFFFF0];
	[tilespmem:s7+$0xFFFFFF80] =	vst v5;
	v5 =	vmul.f32 v9, v3  }
0xc4: {  	v9 =	vld [tilespmem:s7+$0x0];
	[tilespmem:s7+$0xFFFFFF90] =	vst v8;
	v8 =	vmul.f32 v10, v3  }
0xc5: {  	v10 =	vld [tilespmem:s7+$0x10];
	[tilespmem:s7+$0xFFFFFFA0] =	vst v5;
	v5 =	vmul.f32 v11, v3  }
0xc6: {  	[tilespmem:s7+$0xFFFFFFB0] =	vst v8;
	v7 =	vmul.f32 v7, v3;
	v8 =	vld [tilespmem:s7+$0x20]  }
0xc7: {  	v11 =	vld [tilespmem:s7+$0x30];
	v4 =	vmul.f32 v4, v3;
	[tilespmem:s7+$0xFFFFFFC0] =	vst v5  }
0xc8: {  	v1 =	vld.idx.msk [tilespmem:v12+s16+$0x0], $0xffff;
	v3 =	vmul.f32 v6, v3;
	[tilespmem:s7+$0xFFFFFFD0] =	vst v7  }
0xc9: {  	[tilespmem:s7+$0xFFFFFFE0] =	vst v4;
	v5 =	vmul.f32 v9, v2;
	v4 =	vld [tilespmem:s7+$0x50]  }
0xca: {  	s21 =	simm.s32 $0x4;
	[tilespmem:s7+$0xFFFFFFF0] =	vst v3;
	v6 =	vmul.f32 v10, v2;
	v3 =	vld [tilespmem:s7+$0x60]  }
0xcb: {  	s4 =	simm.s32 $0x7;
	v7 =	vmov s21;
	[tilespmem:s7+$0x0] =	vst v5;
	v9 =	vmul.f32 v8, v2;
	v8 =	vld [tilespmem:s7+$0x80]  }
0xcc: {  	s21 =	simm.s32 $0x5;
	v12 =	vand.u32 $0xFFFFFFFC, v7;
	v7 =	vld [tilespmem:s7+$0x90];
	v5 =	vmov s4;
	v10 =	vmul.f32 v11, v2;
	[tilespmem:s7+$0x10] =	vst v6  }
0xcd: {  	s29 =	simm.s32 $0x6;
	s10 =	simm.s32 $0x900;
	v11 =	vmul.f32 v13, v2;
	v6 =	vbroadcast v12, $0x0;
	v12 =	vmov s21;
	s21 =	simm.s32 $0x8;
	[tilespmem:s7+$0x20] =	vst v9;
	v9 =	vld [tilespmem:s7+$0xA0]  }
.LBB2_7:
0xce: {  	p2 =	slt.u32 s21, $0x4C;
	v12 =	vand.u32 $0xFFFFFFFD, v12;
	v13 =	vmov s29;
	[tilespmem:s7+$0x30] =	vst v10;
	v4 =	vmul.f32 v4, v2;
	v10 =	vld [tilespmem:s7+$0xB0]  }
0xcf: {  	v12 =	vbroadcast v12, $0x0;
	v13 =	vand.u32 $0xFFFFFFFE, v13;
	[tilespmem:s7+$0x40] =	vst v11;
	v2 =	vmul.f32 v3, v2;
	v3 =	vld [tilespmem:s7+$0xC0]  }
0xd0: {  	v11 =	vbroadcast v13, $0x0;
	[tilespmem:s7+$0x50] =	vst v4;
	v4 =	vmul.f32 v8, v1;
	v8 =	vld [tilespmem:s7+$0xD0]  }
0xd1: {  	[tilespmem:s7+$0x60] =	vst v2;
	v2 =	vmul.f32 v7, v1;
	v7 =	vld [tilespmem:s7+$0xE0]  }
0xd2: {  	[tilespmem:s7+$0x80] =	vst v4;
	v4 =	vmul.f32 v9, v1;
	v9 =	vld [tilespmem:s7+$0xF0]  }
0xd3: {  	v5 =	vld.idx.msk [tilespmem:v5+s16+$0x0], $0xffff;
	[tilespmem:s7+$0x90] =	vst v2;
	v2 =	vmul.f32 v10, v1  }
0xd4: {  	v6 =	vld.idx.msk [tilespmem:v6+s16+$0x0], $0xffff;
	[tilespmem:s7+$0xA0] =	vst v4;
	v3 =	vmul.f32 v3, v1  }
0xd5: {  	v4 =	vld.idx.msk [tilespmem:v12+s16+$0x0], $0xffff;
	[tilespmem:s7+$0xB0] =	vst v2;
	v8 =	vmul.f32 v8, v1  }
0xd6: {  	s7 =	sadd.s32 $0x200, s7;
	v2 =	vld.idx.msk [tilespmem:v11+s16+$0x0], $0xffff;
	[tilespmem:s10+$0xC0] =	vst v3;
	v3 =	vmul.f32 v7, v1  }
0xd7: {  	v7 =	vld [tilespmem:s7+$0x70];
	[tilespmem:s10+$0xD0] =	vst v8;
	v9 =	vmul.f32 v9, v1  }
0xd8: {  	v8 =	vld [tilespmem:s7+$0xFFFFFF00];
	[tilespmem:s10+$0xE0] =	vst v3  }
0xd9: {  	v1 =	vmov v5;
	v3 =	vld [tilespmem:s7+$0xFFFFFF10];
	[tilespmem:s10+$0xF0] =	vst v9;
	s10 =	smov.u32 s7  }
0xda: {  	v5 =	vld [tilespmem:s7+$0xFFFFFF20]  }
0xdb: {  	v9 =	vld [tilespmem:s7+$0xFFFFFF30]  }
0xdc: {  	v10 =	vld [tilespmem:s7+$0xFFFFFF40];
	v7 =	vmul.f32 v7, v2  }
0xdd: {  	v8 =	vmul.f32 v8, v6;
	v11 =	vld [tilespmem:s7+$0xFFFFFF50]  }
0xde: {  	v3 =	vmul.f32 v3, v6;
	v12 =	vld [tilespmem:s7+$0xFFFFFF60];
	[tilespmem:s7+$0x70] =	vst v7  }
0xdf: {  	[tilespmem:s7+$0xFFFFFF00] =	vst v8;
	v5 =	vmul.f32 v5, v6;
	v7 =	vld [tilespmem:s7+$0xFFFFFF70]  }
0xe0: {  	[tilespmem:s7+$0xFFFFFF10] =	vst v3;
	v3 =	vmul.f32 v9, v6;
	v8 =	vld [tilespmem:s7+$0xFFFFFF80]  }
0xe1: {  	[tilespmem:s7+$0xFFFFFF20] =	vst v5;
	v5 =	vmul.f32 v10, v6;
	v9 =	vld [tilespmem:s7+$0xFFFFFF90]  }
0xe2: {  	[tilespmem:s7+$0xFFFFFF30] =	vst v3;
	v3 =	vmul.f32 v11, v6;
	v10 =	vld [tilespmem:s7+$0xFFFFFFA0]  }
0xe3: {  	[tilespmem:s7+$0xFFFFFF40] =	vst v5;
	v5 =	vmul.f32 v12, v6;
	v11 =	vld [tilespmem:s7+$0xFFFFFFB0]  }
0xe4: {  	[tilespmem:s7+$0xFFFFFF50] =	vst v3;
	v3 =	vmul.f32 v7, v6;
	v6 =	vld [tilespmem:s7+$0xFFFFFFC0]  }
0xe5: {  	[tilespmem:s7+$0xFFFFFF60] =	vst v5;
	v5 =	vmul.f32 v8, v4;
	v7 =	vld [tilespmem:s7+$0xFFFFFFD0]  }
0xe6: {  	[tilespmem:s7+$0xFFFFFF70] =	vst v3;
	v3 =	vmul.f32 v9, v4;
	v8 =	vld [tilespmem:s7+$0xFFFFFFE0]  }
0xe7: {  	[tilespmem:s7+$0xFFFFFF80] =	vst v5;
	v5 =	vmul.f32 v10, v4;
	v9 =	vld [tilespmem:s7+$0xFFFFFFF0]  }
0xe8: {  	[tilespmem:s7+$0xFFFFFF90] =	vst v3;
	v3 =	vmul.f32 v11, v4;
	v10 =	vld [tilespmem:s7+$0x0]  }
0xe9: {  	[tilespmem:s7+$0xFFFFFFA0] =	vst v5;
	v5 =	vmul.f32 v6, v4;
	v6 =	vld [tilespmem:s7+$0x10]  }
0xea: {  	[tilespmem:s7+$0xFFFFFFB0] =	vst v3;
	v3 =	vmul.f32 v7, v4;
	v7 =	vld [tilespmem:s7+$0x20]  }
0xeb: {  	[tilespmem:s7+$0xFFFFFFC0] =	vst v5;
	v5 =	vmul.f32 v8, v4;
	v11 =	vld [tilespmem:s7+$0x30]  }
0xec: {  	[tilespmem:s7+$0xFFFFFFD0] =	vst v3;
	v3 =	vmul.f32 v9, v4;
	v9 =	vld [tilespmem:s7+$0x40]  }
.Ltmp2:
0xed: {  	[tilespmem:s7+$0xFFFFFFE0] =	vst v5;
	v5 =	vmul.f32 v10, v2;
	v4 =	vld [tilespmem:s7+$0x50];
	(pc) =	sbr.rel @p2 .LBB2_7-.Ltmp2, $4  }
0xee: {  	[tilespmem:s7+$0xFFFFFFF0] =	vst v3;
	v6 =	vmul.f32 v6, v2;
	v3 =	vld [tilespmem:s7+$0x60]  }
0xef: {  	s29 =	sadd.s32 $0x3, s21;
	v10 =	vmov s21;
	[tilespmem:s7+$0x0] =	vst v5;
	v13 =	vmul.f32 v7, v2;
	v8 =	vld [tilespmem:s7+$0x80]  }
0xf0: {  	s4 =	sadd.s32 $0x1, s21;
	v12 =	vand.u32 $0xFFFFFFFC, v10;
	v5 =	vmov s29;
	[tilespmem:s7+$0x10] =	vst v6;
	v10 =	vmul.f32 v11, v2;
	v7 =	vld [tilespmem:s7+$0x90]  }
0xf1: {  	s29 =	sadd.s32 $0x2, s21;
	s21 =	sadd.s32 $0x4, s21;
	v6 =	vbroadcast v12, $0x0;
	v12 =	vmov s4;
	[tilespmem:s7+$0x20] =	vst v13;
	v11 =	vmul.f32 v9, v2;
	v9 =	vld [tilespmem:s7+$0xA0]  }
0xf2: {  	v13 =	vld [tilespmem:s7+$0xB0]  }
0xf3: {  	v15 =	vld [tilespmem:s7+$0xC0]  }
0xf4: {  	v14 =	vmov s29;
	v16 =	vld [tilespmem:s7+$0xD0]  }
0xf5: {  	v17 =	vld [tilespmem:s7+$0xE0];
	[tilespmem:s7+$0x30] =	vst v10;
	v4 =	vmul.f32 v4, v2;
	v14 =	vand.u32 $0xFFFFFFFE, v14  }
0xf6: {  	v12 =	vand.u32 $0xFFFFFFFD, v12;
	v5 =	vld.idx.msk [tilespmem:v5+s16+$0x0], $0xffff;
	[tilespmem:s7+$0x40] =	vst v11;
	v2 =	vmul.f32 v3, v2;
	v14 =	vbroadcast v14, $0x0  }
0xf7: {  	s21 =	sadd.s32 $0x200, s7;
	v12 =	vbroadcast v12, $0x0;
	v3 =	vld.idx.msk [tilespmem:v6+s16+$0x0], $0xffff;
	v8 =	vmul.f32 v8, v1;
	[tilespmem:s7+$0x50] =	vst v4  }
0xf8: {  	v10 =	vld [tilespmem:s21+$0xFFFFFF00];
	v4 =	vmul.f32 v7, v1;
	[tilespmem:s7+$0x60] =	vst v2  }
0xf9: {  	[tilespmem:s7+$0x80] =	vst v8;
	v8 =	vld [tilespmem:s7+$0xF0];
	v2 =	vmul.f32 v9, v1  }
0xfa: {  	v11 =	vld [tilespmem:s21+$0xFFFFFF10];
	[tilespmem:s7+$0x90] =	vst v4;
	v4 =	vmul.f32 v13, v1  }
0xfb: {  	v9 =	vld [tilespmem:s21+$0x70];
	[tilespmem:s7+$0xA0] =	vst v2;
	v2 =	vmul.f32 v15, v1  }
0xfc: {  	[tilespmem:s7+$0xB0] =	vst v4;
	v4 =	vmul.f32 v16, v1;
	v7 =	vld.idx.msk [tilespmem:v14+s16+$0x0], $0xffff  }
0xfd: {  	v6 =	vld.idx.msk [tilespmem:v12+s16+$0x0], $0xffff;
	[tilespmem:s10+$0xC0] =	vst v2;
	v2 =	vmul.f32 v17, v1  }
0xfe: {  	v12 =	vld [tilespmem:s21+$0xFFFFFF20];
	[tilespmem:s10+$0xD0] =	vst v4;
	v1 =	vmul.f32 v8, v1  }
0xff: {  	v4 =	vld [tilespmem:s21+$0xFFFFFF30];
	[tilespmem:s10+$0xE0] =	vst v2  }
0x100: {  	v2 =	vld [tilespmem:s21+$0xFFFFFF40];
	[tilespmem:s10+$0xF0] =	vst v1;
	v1 =	vmul.f32 v10, v3  }
0x101: {  	v8 =	vmul.f32 v9, v7;
	v9 =	vld [tilespmem:s21+$0xFFFFFF50]  }
0x102: {  	v10 =	vmul.f32 v11, v3;
	v11 =	vld [tilespmem:s21+$0xFFFFFF60];
	[tilespmem:s21+$0xFFFFFF00] =	vst v1  }
0x103: {  	v1 =	vmul.f32 v12, v3;
	[tilespmem:s21+$0x70] =	vst v8;
	v8 =	vld [tilespmem:s21+$0xFFFFFF70]  }
0x104: {  	[tilespmem:s21+$0xFFFFFF10] =	vst v10;
	v10 =	vld [tilespmem:s21+$0xFFFFFF80];
	v4 =	vmul.f32 v4, v3  }
0x105: {  	[tilespmem:s21+$0xFFFFFF20] =	vst v1;
	v1 =	vmul.f32 v2, v3;
	v2 =	vld [tilespmem:s21+$0xFFFFFF90]  }
0x106: {  	[tilespmem:s21+$0xFFFFFF30] =	vst v4;
	v4 =	vmul.f32 v9, v3;
	v9 =	vld [tilespmem:s21+$0xFFFFFFA0]  }
0x107: {  	[tilespmem:s21+$0xFFFFFF40] =	vst v1;
	v1 =	vmul.f32 v11, v3;
	v11 =	vld [tilespmem:s21+$0xFFFFFFB0]  }
0x108: {  	[tilespmem:s21+$0xFFFFFF50] =	vst v4;
	v3 =	vmul.f32 v8, v3;
	v4 =	vld [tilespmem:s21+$0xFFFFFFC0]  }
0x109: {  	[tilespmem:s21+$0xFFFFFF60] =	vst v1;
	v1 =	vmul.f32 v10, v6;
	v8 =	vld [tilespmem:s21+$0xFFFFFFD0]  }
0x10a: {  	v2 =	vmul.f32 v2, v6;
	[tilespmem:s21+$0xFFFFFF70] =	vst v3;
	v3 =	vld [tilespmem:s21+$0xFFFFFFE0]  }
0x10b: {  	[tilespmem:s21+$0xFFFFFF80] =	vst v1;
	v1 =	vmul.f32 v9, v6;
	v9 =	vld [tilespmem:s21+$0xFFFFFFF0]  }
0x10c: {  	v10 =	vld [tilespmem:s21+$0x0];
	[tilespmem:s21+$0xFFFFFF90] =	vst v2;
	v2 =	vmul.f32 v11, v6  }
0x10d: {  	[tilespmem:s21+$0xFFFFFFA0] =	vst v1;
	v1 =	vmul.f32 v4, v6;
	v4 =	vld [tilespmem:s21+$0x10]  }
0x10e: {  	[tilespmem:s21+$0xFFFFFFB0] =	vst v2;
	v2 =	vmul.f32 v8, v6;
	v8 =	vld [tilespmem:s21+$0x20]  }
0x10f: {  	[tilespmem:s21+$0xFFFFFFC0] =	vst v1;
	v1 =	vmul.f32 v3, v6;
	v3 =	vld [tilespmem:s21+$0x30]  }
0x110: {  	[tilespmem:s21+$0xFFFFFFD0] =	vst v2;
	v2 =	vmul.f32 v9, v6;
	v6 =	vld [tilespmem:s21+$0x40]  }
0x111: {  	v9 =	vld [tilespmem:s21+$0x50];
	[tilespmem:s21+$0xFFFFFFE0] =	vst v1;
	v1 =	vmul.f32 v10, v7  }
0x112: {  	[tilespmem:s21+$0xFFFFFFF0] =	vst v2;
	v2 =	vmul.f32 v4, v7;
	v4 =	vld [tilespmem:s21+$0x60]  }
0x113: {  	[tilespmem:s21+$0x0] =	vst v1;
	v1 =	vmul.f32 v8, v7;
	v8 =	vld [tilespmem:s21+$0x80]  }
0x114: {  	[tilespmem:s21+$0x10] =	vst v2;
	v2 =	vmul.f32 v3, v7;
	v3 =	vld [tilespmem:s21+$0x90]  }
0x115: {  	[tilespmem:s21+$0x20] =	vst v1;
	v1 =	vmul.f32 v6, v7;
	v6 =	vld [tilespmem:s21+$0xA0]  }
0x116: {  	[tilespmem:s21+$0x30] =	vst v2;
	v2 =	vmul.f32 v9, v7;
	v9 =	vld [tilespmem:s21+$0xB0]  }
0x117: {  	[tilespmem:s21+$0x40] =	vst v1;
	v1 =	vmul.f32 v4, v7;
	v4 =	vld [tilespmem:s21+$0xC0]  }
0x118: {  	v7 =	vld [tilespmem:s21+$0xD0];
	[tilespmem:s21+$0x50] =	vst v2;
	v2 =	vmul.f32 v8, v5  }
0x119: {  	[tilespmem:s21+$0x60] =	vst v1;
	v1 =	vmul.f32 v3, v5;
	v3 =	vld [tilespmem:s21+$0xE0]  }
0x11a: {  	[tilespmem:s21+$0x80] =	vst v2;
	v2 =	vmul.f32 v6, v5;
	v6 =	vld [tilespmem:s21+$0xF0]  }
0x11b: {  	[tilespmem:s21+$0x90] =	vst v1;
	v1 =	vmul.f32 v9, v5  }
0x11c: {  	[tilespmem:s21+$0xA0] =	vst v2;
	v2 =	vmul.f32 v4, v5  }
0x11d: {  	[tilespmem:s21+$0xB0] =	vst v1;
	v1 =	vmul.f32 v7, v5  }
0x11e: {  	[tilespmem:s21+$0xC0] =	vst v2;
	v2 =	vmul.f32 v3, v5  }
0x11f: {  	[tilespmem:s21+$0xD0] =	vst v1;
	v1 =	vmul.f32 v6, v5  }
0x120: {  	[tilespmem:s21+$0xE0] =	vst v2  }
0x121: {  	s4 =	simm.s32 $0x600;
	s7 =	sadd.s32 s24, s18;
	[tilespmem:s21+$0xF0] =	vst v1  }
0x122: {  	[spmem:s3] =	stream.indirect.scatter.add.f32 [tilespmem:s8], [sflag:$0x9], $0x80, s4, s6, $0xb8;
	[tilespmem:$0x1F680] =	vst v63  }
0x123: {  	s4 =	sshll.u32 s7, $0x5  }
0x124: {  	s4 =	sand.u32 $0x1FFFFFE0, s4  }
0x125: {  	s10 =	simm.s32 $0x0;
	s4 =	sadd.s32 s5, s4  }
0x126: {  	[tilespmem:s10], [sflag:$0x1] =	stream.linear.gather [hbm4b:s4+s10], $0x100, $0x38;
	[tilespmem:$0x1F680] =	vst v63  }
0x127: {  	_ =	swait.ge [sflag:s23], $0x100  }
0x128: {  	[sflag:s23] =	ssyncset.done $0x0  }
0x129: {  	s4 =	simm.s32 @!p1 $0xC;
	[sflag:s23] =	ssyncadd.s32 $0xFFFFFF00  }
0x12a: {  	_ =	swait.ge @!p1 [sflag:s4], $0x2800  }
0x12b: {  	[sflag:s4] =	ssyncset.done @!p1 $0x0  }
0x12c: {  	[sflag:s4] =	ssyncadd.s32 @!p1 $0xFFFFD800  }
0x12d: {  	v1 =	vld [tilespmem:$0x300]  }
0x12e: {  	v2 =	vld [tilespmem:$0x350]  }
0x12f: {  	v3 =	vld [tilespmem:$0x3A0]  }
0x130: {  	v4 =	vld [tilespmem:$0x310]  }
0x131: {  	v5 =	vld [tilespmem:$0x360]  }
0x132: {  	[tilespmem:$0x580] =	vst v1;
	v1 =	vld [tilespmem:$0x3B0]  }
0x133: {  	[tilespmem:$0x780] =	vst v2;
	v2 =	vld [tilespmem:$0x320]  }
0x134: {  	[tilespmem:$0xA980] =	vst v3;
	v3 =	vld [tilespmem:$0x370]  }
0x135: {  	[tilespmem:$0x590] =	vst v4;
	v4 =	vld [tilespmem:$0x3C0]  }
0x136: {  	[tilespmem:$0x790] =	vst v5;
	v5 =	vld [tilespmem:$0x330]  }
0x137: {  	[tilespmem:$0xA990] =	vst v1;
	v1 =	vld [tilespmem:$0x380]  }
0x138: {  	[tilespmem:$0x5A0] =	vst v2;
	v2 =	vld [tilespmem:$0x3D0]  }
0x139: {  	[tilespmem:$0x7A0] =	vst v3;
	v3 =	vld [tilespmem:$0x340]  }
0x13a: {  	[tilespmem:$0xA9A0] =	vst v4;
	v4 =	vld [tilespmem:$0x390]  }
0x13b: {  	[tilespmem:$0x5B0] =	vst v5;
	v5 =	vld [tilespmem:$0x3E0]  }
0x13c: {  	[tilespmem:$0x7B0] =	vst v1  }
0x13d: {  	[tilespmem:$0xA9B0] =	vst v2  }
0x13e: {  	[tilespmem:$0x5C0] =	vst v3  }
0x13f: {  	[tilespmem:$0x7C0] =	vst v4  }
0x140: {  	s21 =	simm.s32 $0x0;
	s7 =	simm.s32 $0x2;
	s10 =	simm.s32 $0x580;
	[tilespmem:$0xA9C0] =	vst v5  }
0x141: {  	v1 =	vmov s21;
	[tilespmem:s25], [sflag:$0x8] =	stream.indirect.gather [hbm4b:s1+s6], $0x80, s10, s6, $0xb8;
	[tilespmem:$0x1F680] =	vst v63  }
0x142: {  	v2 =	vmov s7;
	v1 =	vand.u32 $0xFFFFFFFC, v1;
	_ =	swait.ge [sflag:s26], $0x2800  }
0x143: {  	v2 =	vand.u32 $0xFFFFFFFE, v2;
	v1 =	vbroadcast v1, $0x0;
	[sflag:s26] =	ssyncset.done $0x0  }
0x144: {  	s7 =	simm.s32 $0x3100;
	v2 =	vbroadcast v2, $0x0;
	[sflag:s26] =	ssyncadd.s32 $0xFFFFD800  }
0x145: {  	v4 =	vld [tilespmem:s7+$0x70]  }
0x146: {  	v5 =	vld [tilespmem:s7+$0xFFFFFF00]  }
0x147: {  	s21 =	simm.s32 $0x1;
	v6 =	vld [tilespmem:s7+$0xFFFFFF10]  }
0x148: {  	v3 =	vmov s21;
	v7 =	vld [tilespmem:s7+$0xFFFFFF20]  }
0x149: {  	v3 =	vand.u32 $0xFFFFFFFD, v3;
	v1 =	vld.idx.msk [tilespmem:v1+s28+$0x0], $0xffff  }
0x14a: {  	v3 =	vbroadcast v3, $0x0;
	v2 =	vld.idx.msk [tilespmem:v2+s28+$0x0], $0xffff  }
0x14b: {  	v8 =	vld [tilespmem:s7+$0xFFFFFF30]  }
0x14c: {  	v9 =	vld [tilespmem:s7+$0xFFFFFF40]  }
0x14d: {  	v10 =	vld [tilespmem:s7+$0xFFFFFF50]  }
0x14e: {  	v11 =	vld [tilespmem:s7+$0xFFFFFF60];
	v5 =	vmul.f32 v5, v1  }
0x14f: {  	v13 =	vld [tilespmem:s7+$0x40];
	v4 =	vmul.f32 v4, v2  }
0x150: {  	v3 =	vld.idx.msk [tilespmem:v3+s28+$0x0], $0xffff;
	[tilespmem:s7+$0xFFFFFF00] =	vst v5;
	v5 =	vmul.f32 v6, v1  }
0x151: {  	v6 =	vld [tilespmem:s7+$0xFFFFFF70];
	[tilespmem:s7+$0x70] =	vst v4;
	v4 =	vmul.f32 v7, v1  }
0x152: {  	v7 =	vld [tilespmem:s7+$0xFFFFFF80];
	[tilespmem:s7+$0xFFFFFF10] =	vst v5;
	v5 =	vmul.f32 v8, v1  }
0x153: {  	v8 =	vld [tilespmem:s7+$0xFFFFFF90];
	[tilespmem:s7+$0xFFFFFF20] =	vst v4;
	v4 =	vmul.f32 v9, v1  }
0x154: {  	v9 =	vld [tilespmem:s7+$0xFFFFFFA0];
	[tilespmem:s7+$0xFFFFFF30] =	vst v5;
	v5 =	vmul.f32 v10, v1  }
0x155: {  	v10 =	vld [tilespmem:s7+$0xFFFFFFB0];
	[tilespmem:s7+$0xFFFFFF40] =	vst v4;
	v4 =	vmul.f32 v11, v1  }
0x156: {  	v11 =	vld [tilespmem:s7+$0xFFFFFFC0];
	v6 =	vmul.f32 v6, v1;
	[tilespmem:s7+$0xFFFFFF50] =	vst v5  }
0x157: {  	v5 =	vmul.f32 v7, v3;
	v7 =	vld [tilespmem:s7+$0xFFFFFFD0];
	[tilespmem:s7+$0xFFFFFF60] =	vst v4  }
0x158: {  	s10 =	simm.s32 $0x3;
	v4 =	vld [tilespmem:s7+$0xFFFFFFE0];
	v8 =	vmul.f32 v8, v3;
	[tilespmem:s7+$0xFFFFFF70] =	vst v6  }
0x159: {  	v12 =	vmov s10;
	v6 =	vld [tilespmem:s7+$0xFFFFFFF0];
	[tilespmem:s7+$0xFFFFFF80] =	vst v5;
	v5 =	vmul.f32 v9, v3  }
0x15a: {  	v9 =	vld [tilespmem:s7+$0x0];
	[tilespmem:s7+$0xFFFFFF90] =	vst v8;
	v8 =	vmul.f32 v10, v3  }
0x15b: {  	v10 =	vld [tilespmem:s7+$0x10];
	[tilespmem:s7+$0xFFFFFFA0] =	vst v5;
	v5 =	vmul.f32 v11, v3  }
0x15c: {  	[tilespmem:s7+$0xFFFFFFB0] =	vst v8;
	v7 =	vmul.f32 v7, v3;
	v8 =	vld [tilespmem:s7+$0x20]  }
0x15d: {  	v11 =	vld [tilespmem:s7+$0x30];
	v4 =	vmul.f32 v4, v3;
	[tilespmem:s7+$0xFFFFFFC0] =	vst v5  }
0x15e: {  	v1 =	vld.idx.msk [tilespmem:v12+s28+$0x0], $0xffff;
	v3 =	vmul.f32 v6, v3;
	[tilespmem:s7+$0xFFFFFFD0] =	vst v7  }
0x15f: {  	[tilespmem:s7+$0xFFFFFFE0] =	vst v4;
	v5 =	vmul.f32 v9, v2;
	v4 =	vld [tilespmem:s7+$0x50]  }
0x160: {  	s21 =	simm.s32 $0x4;
	[tilespmem:s7+$0xFFFFFFF0] =	vst v3;
	v6 =	vmul.f32 v10, v2;
	v3 =	vld [tilespmem:s7+$0x60]  }
0x161: {  	s10 =	simm.s32 $0x7;
	v7 =	vmov s21;
	[tilespmem:s7+$0x0] =	vst v5;
	v9 =	vmul.f32 v8, v2;
	v8 =	vld [tilespmem:s7+$0x80]  }
0x162: {  	s21 =	simm.s32 $0x5;
	v12 =	vand.u32 $0xFFFFFFFC, v7;
	v7 =	vld [tilespmem:s7+$0x90];
	v5 =	vmov s10;
	v10 =	vmul.f32 v11, v2;
	[tilespmem:s7+$0x10] =	vst v6  }
0x163: {  	s29 =	simm.s32 $0x6;
	v11 =	vmul.f32 v13, v2;
	s10 =	simm.s32 $0x3100;
	v6 =	vbroadcast v12, $0x0;
	v12 =	vmov s21;
	s21 =	simm.s32 $0x8;
	[tilespmem:s7+$0x20] =	vst v9;
	v9 =	vld [tilespmem:s7+$0xA0]  }
.LBB2_9:
0x164: {  	p1 =	slt.u32 s21, $0x4C;
	v12 =	vand.u32 $0xFFFFFFFD, v12;
	v13 =	vmov s29;
	[tilespmem:s7+$0x30] =	vst v10;
	v4 =	vmul.f32 v4, v2;
	v10 =	vld [tilespmem:s7+$0xB0]  }
0x165: {  	v12 =	vbroadcast v12, $0x0;
	v13 =	vand.u32 $0xFFFFFFFE, v13;
	[tilespmem:s7+$0x40] =	vst v11;
	v2 =	vmul.f32 v3, v2;
	v3 =	vld [tilespmem:s7+$0xC0]  }
0x166: {  	v11 =	vbroadcast v13, $0x0;
	[tilespmem:s7+$0x50] =	vst v4;
	v4 =	vmul.f32 v8, v1;
	v8 =	vld [tilespmem:s7+$0xD0]  }
0x167: {  	[tilespmem:s7+$0x60] =	vst v2;
	v2 =	vmul.f32 v7, v1;
	v7 =	vld [tilespmem:s7+$0xE0]  }
0x168: {  	[tilespmem:s7+$0x80] =	vst v4;
	v4 =	vmul.f32 v9, v1;
	v9 =	vld [tilespmem:s7+$0xF0]  }
0x169: {  	v5 =	vld.idx.msk [tilespmem:v5+s28+$0x0], $0xffff;
	[tilespmem:s7+$0x90] =	vst v2;
	v2 =	vmul.f32 v10, v1  }
0x16a: {  	v6 =	vld.idx.msk [tilespmem:v6+s28+$0x0], $0xffff;
	[tilespmem:s7+$0xA0] =	vst v4;
	v3 =	vmul.f32 v3, v1  }
0x16b: {  	v4 =	vld.idx.msk [tilespmem:v12+s28+$0x0], $0xffff;
	[tilespmem:s7+$0xB0] =	vst v2;
	v8 =	vmul.f32 v8, v1  }
0x16c: {  	s7 =	sadd.s32 $0x200, s7;
	v2 =	vld.idx.msk [tilespmem:v11+s28+$0x0], $0xffff;
	[tilespmem:s10+$0xC0] =	vst v3;
	v3 =	vmul.f32 v7, v1  }
0x16d: {  	v7 =	vld [tilespmem:s7+$0x70];
	[tilespmem:s10+$0xD0] =	vst v8;
	v9 =	vmul.f32 v9, v1  }
0x16e: {  	v8 =	vld [tilespmem:s7+$0xFFFFFF00];
	[tilespmem:s10+$0xE0] =	vst v3  }
0x16f: {  	v1 =	vmov v5;
	v3 =	vld [tilespmem:s7+$0xFFFFFF10];
	[tilespmem:s10+$0xF0] =	vst v9;
	s10 =	smov.u32 s7  }
0x170: {  	v5 =	vld [tilespmem:s7+$0xFFFFFF20]  }
0x171: {  	v9 =	vld [tilespmem:s7+$0xFFFFFF30]  }
0x172: {  	v10 =	vld [tilespmem:s7+$0xFFFFFF40];
	v7 =	vmul.f32 v7, v2  }
0x173: {  	v8 =	vmul.f32 v8, v6;
	v11 =	vld [tilespmem:s7+$0xFFFFFF50]  }
0x174: {  	v3 =	vmul.f32 v3, v6;
	v12 =	vld [tilespmem:s7+$0xFFFFFF60];
	[tilespmem:s7+$0x70] =	vst v7  }
0x175: {  	[tilespmem:s7+$0xFFFFFF00] =	vst v8;
	v5 =	vmul.f32 v5, v6;
	v7 =	vld [tilespmem:s7+$0xFFFFFF70]  }
0x176: {  	[tilespmem:s7+$0xFFFFFF10] =	vst v3;
	v3 =	vmul.f32 v9, v6;
	v8 =	vld [tilespmem:s7+$0xFFFFFF80]  }
0x177: {  	[tilespmem:s7+$0xFFFFFF20] =	vst v5;
	v5 =	vmul.f32 v10, v6;
	v9 =	vld [tilespmem:s7+$0xFFFFFF90]  }
0x178: {  	[tilespmem:s7+$0xFFFFFF30] =	vst v3;
	v3 =	vmul.f32 v11, v6;
	v10 =	vld [tilespmem:s7+$0xFFFFFFA0]  }
0x179: {  	[tilespmem:s7+$0xFFFFFF40] =	vst v5;
	v5 =	vmul.f32 v12, v6;
	v11 =	vld [tilespmem:s7+$0xFFFFFFB0]  }
0x17a: {  	[tilespmem:s7+$0xFFFFFF50] =	vst v3;
	v3 =	vmul.f32 v7, v6;
	v6 =	vld [tilespmem:s7+$0xFFFFFFC0]  }
0x17b: {  	[tilespmem:s7+$0xFFFFFF60] =	vst v5;
	v5 =	vmul.f32 v8, v4;
	v7 =	vld [tilespmem:s7+$0xFFFFFFD0]  }
0x17c: {  	[tilespmem:s7+$0xFFFFFF70] =	vst v3;
	v3 =	vmul.f32 v9, v4;
	v8 =	vld [tilespmem:s7+$0xFFFFFFE0]  }
0x17d: {  	[tilespmem:s7+$0xFFFFFF80] =	vst v5;
	v5 =	vmul.f32 v10, v4;
	v9 =	vld [tilespmem:s7+$0xFFFFFFF0]  }
0x17e: {  	[tilespmem:s7+$0xFFFFFF90] =	vst v3;
	v3 =	vmul.f32 v11, v4;
	v10 =	vld [tilespmem:s7+$0x0]  }
0x17f: {  	[tilespmem:s7+$0xFFFFFFA0] =	vst v5;
	v5 =	vmul.f32 v6, v4;
	v6 =	vld [tilespmem:s7+$0x10]  }
0x180: {  	[tilespmem:s7+$0xFFFFFFB0] =	vst v3;
	v3 =	vmul.f32 v7, v4;
	v7 =	vld [tilespmem:s7+$0x20]  }
0x181: {  	[tilespmem:s7+$0xFFFFFFC0] =	vst v5;
	v5 =	vmul.f32 v8, v4;
	v11 =	vld [tilespmem:s7+$0x30]  }
0x182: {  	[tilespmem:s7+$0xFFFFFFD0] =	vst v3;
	v3 =	vmul.f32 v9, v4;
	v9 =	vld [tilespmem:s7+$0x40]  }
.Ltmp3:
0x183: {  	[tilespmem:s7+$0xFFFFFFE0] =	vst v5;
	v5 =	vmul.f32 v10, v2;
	v4 =	vld [tilespmem:s7+$0x50];
	(pc) =	sbr.rel @p1 .LBB2_9-.Ltmp3, $4  }
0x184: {  	[tilespmem:s7+$0xFFFFFFF0] =	vst v3;
	v6 =	vmul.f32 v6, v2;
	v3 =	vld [tilespmem:s7+$0x60]  }
0x185: {  	s4 =	sadd.s32 $0x3, s21;
	v10 =	vmov s21;
	[tilespmem:s7+$0x0] =	vst v5;
	v13 =	vmul.f32 v7, v2;
	v8 =	vld [tilespmem:s7+$0x80]  }
0x186: {  	s29 =	sadd.s32 $0x1, s21;
	v12 =	vand.u32 $0xFFFFFFFC, v10;
	v5 =	vmov s4;
	[tilespmem:s7+$0x10] =	vst v6;
	v10 =	vmul.f32 v11, v2;
	v7 =	vld [tilespmem:s7+$0x90]  }
0x187: {  	v6 =	vbroadcast v12, $0x0;
	v12 =	vmov s29;
	s29 =	sadd.s32 $0x2, s21;
	s21 =	sadd.s32 $0x4, s21;
	[tilespmem:s7+$0x20] =	vst v13;
	v11 =	vmul.f32 v9, v2;
	v9 =	vld [tilespmem:s7+$0xA0]  }
0x188: {  	v13 =	vld [tilespmem:s7+$0xB0]  }
0x189: {  	v15 =	vld [tilespmem:s7+$0xC0]  }
0x18a: {  	v14 =	vmov s29;
	v16 =	vld [tilespmem:s7+$0xD0]  }
0x18b: {  	v17 =	vld [tilespmem:s7+$0xE0];
	[tilespmem:s7+$0x30] =	vst v10;
	v4 =	vmul.f32 v4, v2;
	v14 =	vand.u32 $0xFFFFFFFE, v14  }
0x18c: {  	v12 =	vand.u32 $0xFFFFFFFD, v12;
	v5 =	vld.idx.msk [tilespmem:v5+s28+$0x0], $0xffff;
	[tilespmem:s7+$0x40] =	vst v11;
	v2 =	vmul.f32 v3, v2;
	v14 =	vbroadcast v14, $0x0  }
0x18d: {  	s21 =	sadd.s32 $0x200, s7;
	v12 =	vbroadcast v12, $0x0;
	v3 =	vld.idx.msk [tilespmem:v6+s28+$0x0], $0xffff;
	v8 =	vmul.f32 v8, v1;
	[tilespmem:s7+$0x50] =	vst v4  }
0x18e: {  	v10 =	vld [tilespmem:s21+$0xFFFFFF00];
	v4 =	vmul.f32 v7, v1;
	[tilespmem:s7+$0x60] =	vst v2  }
0x18f: {  	[tilespmem:s7+$0x80] =	vst v8;
	v8 =	vld [tilespmem:s7+$0xF0];
	v2 =	vmul.f32 v9, v1  }
0x190: {  	v11 =	vld [tilespmem:s21+$0xFFFFFF10];
	[tilespmem:s7+$0x90] =	vst v4;
	v4 =	vmul.f32 v13, v1  }
0x191: {  	v9 =	vld [tilespmem:s21+$0x70];
	[tilespmem:s7+$0xA0] =	vst v2;
	v2 =	vmul.f32 v15, v1  }
0x192: {  	[tilespmem:s7+$0xB0] =	vst v4;
	v4 =	vmul.f32 v16, v1;
	v7 =	vld.idx.msk [tilespmem:v14+s28+$0x0], $0xffff  }
0x193: {  	v6 =	vld.idx.msk [tilespmem:v12+s28+$0x0], $0xffff;
	[tilespmem:s10+$0xC0] =	vst v2;
	v2 =	vmul.f32 v17, v1  }
0x194: {  	v12 =	vld [tilespmem:s21+$0xFFFFFF20];
	[tilespmem:s10+$0xD0] =	vst v4;
	v1 =	vmul.f32 v8, v1  }
0x195: {  	v4 =	vld [tilespmem:s21+$0xFFFFFF30];
	[tilespmem:s10+$0xE0] =	vst v2  }
0x196: {  	v2 =	vld [tilespmem:s21+$0xFFFFFF40];
	[tilespmem:s10+$0xF0] =	vst v1;
	v1 =	vmul.f32 v10, v3  }
0x197: {  	v8 =	vmul.f32 v9, v7;
	v9 =	vld [tilespmem:s21+$0xFFFFFF50]  }
0x198: {  	v10 =	vmul.f32 v11, v3;
	v11 =	vld [tilespmem:s21+$0xFFFFFF60];
	[tilespmem:s21+$0xFFFFFF00] =	vst v1  }
0x199: {  	v1 =	vmul.f32 v12, v3;
	[tilespmem:s21+$0x70] =	vst v8;
	v8 =	vld [tilespmem:s21+$0xFFFFFF70]  }
0x19a: {  	[tilespmem:s21+$0xFFFFFF10] =	vst v10;
	v10 =	vld [tilespmem:s21+$0xFFFFFF80];
	v4 =	vmul.f32 v4, v3  }
0x19b: {  	[tilespmem:s21+$0xFFFFFF20] =	vst v1;
	v1 =	vmul.f32 v2, v3;
	v2 =	vld [tilespmem:s21+$0xFFFFFF90]  }
0x19c: {  	[tilespmem:s21+$0xFFFFFF30] =	vst v4;
	v4 =	vmul.f32 v9, v3;
	v9 =	vld [tilespmem:s21+$0xFFFFFFA0]  }
0x19d: {  	[tilespmem:s21+$0xFFFFFF40] =	vst v1;
	v1 =	vmul.f32 v11, v3;
	v11 =	vld [tilespmem:s21+$0xFFFFFFB0]  }
0x19e: {  	[tilespmem:s21+$0xFFFFFF50] =	vst v4;
	v3 =	vmul.f32 v8, v3;
	v4 =	vld [tilespmem:s21+$0xFFFFFFC0]  }
0x19f: {  	[tilespmem:s21+$0xFFFFFF60] =	vst v1;
	v1 =	vmul.f32 v10, v6;
	v8 =	vld [tilespmem:s21+$0xFFFFFFD0]  }
0x1a0: {  	v2 =	vmul.f32 v2, v6;
	[tilespmem:s21+$0xFFFFFF70] =	vst v3;
	v3 =	vld [tilespmem:s21+$0xFFFFFFE0]  }
0x1a1: {  	[tilespmem:s21+$0xFFFFFF80] =	vst v1;
	v1 =	vmul.f32 v9, v6;
	v9 =	vld [tilespmem:s21+$0xFFFFFFF0]  }
0x1a2: {  	v10 =	vld [tilespmem:s21+$0x0];
	[tilespmem:s21+$0xFFFFFF90] =	vst v2;
	v2 =	vmul.f32 v11, v6  }
0x1a3: {  	[tilespmem:s21+$0xFFFFFFA0] =	vst v1;
	v1 =	vmul.f32 v4, v6;
	v4 =	vld [tilespmem:s21+$0x10]  }
0x1a4: {  	[tilespmem:s21+$0xFFFFFFB0] =	vst v2;
	v2 =	vmul.f32 v8, v6;
	v8 =	vld [tilespmem:s21+$0x20]  }
0x1a5: {  	[tilespmem:s21+$0xFFFFFFC0] =	vst v1;
	v1 =	vmul.f32 v3, v6;
	v3 =	vld [tilespmem:s21+$0x30]  }
0x1a6: {  	[tilespmem:s21+$0xFFFFFFD0] =	vst v2;
	v2 =	vmul.f32 v9, v6;
	v6 =	vld [tilespmem:s21+$0x40]  }
0x1a7: {  	v9 =	vld [tilespmem:s21+$0x50];
	[tilespmem:s21+$0xFFFFFFE0] =	vst v1;
	v1 =	vmul.f32 v10, v7  }
0x1a8: {  	[tilespmem:s21+$0xFFFFFFF0] =	vst v2;
	v2 =	vmul.f32 v4, v7;
	v4 =	vld [tilespmem:s21+$0x60]  }
0x1a9: {  	[tilespmem:s21+$0x0] =	vst v1;
	v1 =	vmul.f32 v8, v7;
	v8 =	vld [tilespmem:s21+$0x80]  }
0x1aa: {  	[tilespmem:s21+$0x10] =	vst v2;
	v2 =	vmul.f32 v3, v7;
	v3 =	vld [tilespmem:s21+$0x90]  }
0x1ab: {  	[tilespmem:s21+$0x20] =	vst v1;
	v1 =	vmul.f32 v6, v7;
	v6 =	vld [tilespmem:s21+$0xA0]  }
0x1ac: {  	[tilespmem:s21+$0x30] =	vst v2;
	v2 =	vmul.f32 v9, v7;
	v9 =	vld [tilespmem:s21+$0xB0]  }
0x1ad: {  	[tilespmem:s21+$0x40] =	vst v1;
	v1 =	vmul.f32 v4, v7;
	v4 =	vld [tilespmem:s21+$0xC0]  }
0x1ae: {  	v7 =	vld [tilespmem:s21+$0xD0];
	[tilespmem:s21+$0x50] =	vst v2;
	v2 =	vmul.f32 v8, v5  }
0x1af: {  	[tilespmem:s21+$0x60] =	vst v1;
	v1 =	vmul.f32 v3, v5;
	v3 =	vld [tilespmem:s21+$0xE0]  }
0x1b0: {  	[tilespmem:s21+$0x80] =	vst v2;
	v2 =	vmul.f32 v6, v5;
	v6 =	vld [tilespmem:s21+$0xF0]  }
0x1b1: {  	[tilespmem:s21+$0x90] =	vst v1;
	v1 =	vmul.f32 v9, v5  }
0x1b2: {  	[tilespmem:s21+$0xA0] =	vst v2;
	v2 =	vmul.f32 v4, v5  }
0x1b3: {  	[tilespmem:s21+$0xB0] =	vst v1;
	v1 =	vmul.f32 v7, v5  }
0x1b4: {  	[tilespmem:s21+$0xC0] =	vst v2;
	v2 =	vmul.f32 v3, v5  }
0x1b5: {  	[tilespmem:s21+$0xD0] =	vst v1;
	v1 =	vmul.f32 v6, v5  }
0x1b6: {  	[tilespmem:s21+$0xE0] =	vst v2  }
0x1b7: {  	s4 =	simm.s32 $0x3000;
	p1 =	seq.s32 s22, $0x1E;
	s10 =	simm.s32 $0x680;
	[tilespmem:s21+$0xF0] =	vst v1  }
0x1b8: {  	[spmem:s3] =	stream.indirect.scatter.add.f32 [tilespmem:s4], [sflag:$0xA], $0x80, s10, s6, $0xb8;
	[tilespmem:$0x1F680] =	vst v63  }
0x1b9: {  	s4 =	sadd.s32 @!p1 s24, s19  }
0x1ba: {  	s4 =	sshll.u32 @!p1 s4, $0x5  }
0x1bb: {  	s4 =	sand.u32 @!p1 $0x1FFFFFE0, s4  }
0x1bc: {  	s7 =	simm.s32 @!p1 $0x0;
	s10 =	simm.s32 @!p1 $0x100;
	s4 =	sadd.s32 @!p1 s5, s4  }
0x1bd: {  	[tilespmem:s10], [sflag:$0x2] =	stream.linear.gather @!p1 [hbm4b:s4+s7], $0x100, $0x38;
	[tilespmem:$0x1F680] =	vst v63  }
0x1be: {  	_ =	swait.ge [sflag:s2], $0x100  }
0x1bf: {  	[sflag:s2] =	ssyncset.done $0x0  }
0x1c0: {  	[sflag:s2] =	ssyncadd.s32 $0xFFFFFF00  }
0x1c1: {  	_ =	swait.ge [sflag:s30], $0x2800  }
0x1c2: {  	[sflag:s30] =	ssyncset.done $0x0  }
0x1c3: {  	[sflag:s30] =	ssyncadd.s32 $0xFFFFD800  }
0x1c4: {  	v1 =	vld [tilespmem:$0x0]  }
0x1c5: {  	v2 =	vld [tilespmem:$0x50]  }
0x1c6: {  	v3 =	vld [tilespmem:$0xA0]  }
0x1c7: {  	v4 =	vld [tilespmem:$0x10]  }
0x1c8: {  	v5 =	vld [tilespmem:$0x60]  }
0x1c9: {  	[tilespmem:$0x400] =	vst v1;
	v1 =	vld [tilespmem:$0xB0]  }
0x1ca: {  	[tilespmem:$0x600] =	vst v2;
	v2 =	vld [tilespmem:$0x20]  }
0x1cb: {  	[tilespmem:$0xA800] =	vst v3;
	v3 =	vld [tilespmem:$0x70]  }
0x1cc: {  	[tilespmem:$0x410] =	vst v4;
	v4 =	vld [tilespmem:$0xC0]  }
0x1cd: {  	[tilespmem:$0x610] =	vst v5;
	v5 =	vld [tilespmem:$0x30]  }
0x1ce: {  	[tilespmem:$0xA810] =	vst v1;
	v1 =	vld [tilespmem:$0x80]  }
0x1cf: {  	[tilespmem:$0x420] =	vst v2;
	v2 =	vld [tilespmem:$0xD0]  }
0x1d0: {  	[tilespmem:$0x620] =	vst v3;
	v3 =	vld [tilespmem:$0x40]  }
0x1d1: {  	[tilespmem:$0xA820] =	vst v4;
	v4 =	vld [tilespmem:$0x90]  }
0x1d2: {  	[tilespmem:$0x430] =	vst v5;
	v5 =	vld [tilespmem:$0xE0]  }
0x1d3: {  	[tilespmem:$0x630] =	vst v1  }
0x1d4: {  	[tilespmem:$0xA830] =	vst v2  }
0x1d5: {  	[tilespmem:$0x440] =	vst v3  }
0x1d6: {  	[tilespmem:$0x640] =	vst v4  }
0x1d7: {  	s21 =	simm.s32 $0x0;
	s7 =	simm.s32 $0x2;
	s10 =	simm.s32 $0x400;
	[tilespmem:$0xA840] =	vst v5  }
0x1d8: {  	v1 =	vmov s21;
	[tilespmem:s8], [sflag:$0x5] =	stream.indirect.gather [hbm4b:s1+s6], $0x80, s10, s6, $0xb8;
	[tilespmem:$0x1F680] =	vst v63  }
0x1d9: {  	v2 =	vmov s7;
	v1 =	vand.u32 $0xFFFFFFFC, v1;
	_ =	swait.ge [sflag:s31], $0x2800  }
0x1da: {  	v2 =	vand.u32 $0xFFFFFFFE, v2;
	v1 =	vbroadcast v1, $0x0;
	[sflag:s31] =	ssyncset.done $0x0  }
0x1db: {  	s7 =	simm.s32 $0x5900;
	v2 =	vbroadcast v2, $0x0;
	[sflag:s31] =	ssyncadd.s32 $0xFFFFD800  }
0x1dc: {  	v4 =	vld [tilespmem:s7+$0x70]  }
0x1dd: {  	v5 =	vld [tilespmem:s7+$0xFFFFFF00]  }
0x1de: {  	s21 =	simm.s32 $0x1;
	v6 =	vld [tilespmem:s7+$0xFFFFFF10]  }
0x1df: {  	v3 =	vmov s21;
	v7 =	vld [tilespmem:s7+$0xFFFFFF20]  }
0x1e0: {  	v3 =	vand.u32 $0xFFFFFFFD, v3;
	v1 =	vld.idx.msk [tilespmem:v1+s9+$0x0], $0xffff  }
0x1e1: {  	v3 =	vbroadcast v3, $0x0;
	v2 =	vld.idx.msk [tilespmem:v2+s9+$0x0], $0xffff  }
0x1e2: {  	v8 =	vld [tilespmem:s7+$0xFFFFFF30]  }
0x1e3: {  	v9 =	vld [tilespmem:s7+$0xFFFFFF40]  }
0x1e4: {  	v10 =	vld [tilespmem:s7+$0xFFFFFF50]  }
0x1e5: {  	v11 =	vld [tilespmem:s7+$0xFFFFFF60];
	v5 =	vmul.f32 v5, v1  }
0x1e6: {  	v13 =	vld [tilespmem:s7+$0x40];
	v4 =	vmul.f32 v4, v2  }
0x1e7: {  	v3 =	vld.idx.msk [tilespmem:v3+s9+$0x0], $0xffff;
	[tilespmem:s7+$0xFFFFFF00] =	vst v5;
	v5 =	vmul.f32 v6, v1  }
0x1e8: {  	v6 =	vld [tilespmem:s7+$0xFFFFFF70];
	[tilespmem:s7+$0x70] =	vst v4;
	v4 =	vmul.f32 v7, v1  }
0x1e9: {  	v7 =	vld [tilespmem:s7+$0xFFFFFF80];
	[tilespmem:s7+$0xFFFFFF10] =	vst v5;
	v5 =	vmul.f32 v8, v1  }
0x1ea: {  	v8 =	vld [tilespmem:s7+$0xFFFFFF90];
	[tilespmem:s7+$0xFFFFFF20] =	vst v4;
	v4 =	vmul.f32 v9, v1  }
0x1eb: {  	v9 =	vld [tilespmem:s7+$0xFFFFFFA0];
	[tilespmem:s7+$0xFFFFFF30] =	vst v5;
	v5 =	vmul.f32 v10, v1  }
0x1ec: {  	v10 =	vld [tilespmem:s7+$0xFFFFFFB0];
	[tilespmem:s7+$0xFFFFFF40] =	vst v4;
	v4 =	vmul.f32 v11, v1  }
0x1ed: {  	v11 =	vld [tilespmem:s7+$0xFFFFFFC0];
	v6 =	vmul.f32 v6, v1;
	[tilespmem:s7+$0xFFFFFF50] =	vst v5  }
0x1ee: {  	v5 =	vmul.f32 v7, v3;
	v7 =	vld [tilespmem:s7+$0xFFFFFFD0];
	[tilespmem:s7+$0xFFFFFF60] =	vst v4  }
0x1ef: {  	s10 =	simm.s32 $0x3;
	v4 =	vld [tilespmem:s7+$0xFFFFFFE0];
	v8 =	vmul.f32 v8, v3;
	[tilespmem:s7+$0xFFFFFF70] =	vst v6  }
0x1f0: {  	v12 =	vmov s10;
	v6 =	vld [tilespmem:s7+$0xFFFFFFF0];
	[tilespmem:s7+$0xFFFFFF80] =	vst v5;
	v5 =	vmul.f32 v9, v3  }
0x1f1: {  	v9 =	vld [tilespmem:s7+$0x0];
	[tilespmem:s7+$0xFFFFFF90] =	vst v8;
	v8 =	vmul.f32 v10, v3  }
0x1f2: {  	v10 =	vld [tilespmem:s7+$0x10];
	[tilespmem:s7+$0xFFFFFFA0] =	vst v5;
	v5 =	vmul.f32 v11, v3  }
0x1f3: {  	[tilespmem:s7+$0xFFFFFFB0] =	vst v8;
	v7 =	vmul.f32 v7, v3;
	v8 =	vld [tilespmem:s7+$0x20]  }
0x1f4: {  	v11 =	vld [tilespmem:s7+$0x30];
	v4 =	vmul.f32 v4, v3;
	[tilespmem:s7+$0xFFFFFFC0] =	vst v5  }
0x1f5: {  	v1 =	vld.idx.msk [tilespmem:v12+s9+$0x0], $0xffff;
	v3 =	vmul.f32 v6, v3;
	[tilespmem:s7+$0xFFFFFFD0] =	vst v7  }
0x1f6: {  	[tilespmem:s7+$0xFFFFFFE0] =	vst v4;
	v5 =	vmul.f32 v9, v2;
	v4 =	vld [tilespmem:s7+$0x50]  }
0x1f7: {  	s21 =	simm.s32 $0x4;
	[tilespmem:s7+$0xFFFFFFF0] =	vst v3;
	v6 =	vmul.f32 v10, v2;
	v3 =	vld [tilespmem:s7+$0x60]  }
0x1f8: {  	s10 =	simm.s32 $0x7;
	v7 =	vmov s21;
	[tilespmem:s7+$0x0] =	vst v5;
	v9 =	vmul.f32 v8, v2;
	v8 =	vld [tilespmem:s7+$0x80]  }
0x1f9: {  	s21 =	simm.s32 $0x5;
	v12 =	vand.u32 $0xFFFFFFFC, v7;
	v7 =	vld [tilespmem:s7+$0x90];
	v5 =	vmov s10;
	v10 =	vmul.f32 v11, v2;
	[tilespmem:s7+$0x10] =	vst v6  }
0x1fa: {  	s29 =	simm.s32 $0x6;
	v11 =	vmul.f32 v13, v2;
	s10 =	simm.s32 $0x5900;
	v6 =	vbroadcast v12, $0x0;
	v12 =	vmov s21;
	s21 =	simm.s32 $0x8;
	[tilespmem:s7+$0x20] =	vst v9;
	v9 =	vld [tilespmem:s7+$0xA0]  }
.LBB2_11:
0x1fb: {  	p2 =	slt.u32 s21, $0x4C;
	v12 =	vand.u32 $0xFFFFFFFD, v12;
	v13 =	vmov s29;
	[tilespmem:s7+$0x30] =	vst v10;
	v4 =	vmul.f32 v4, v2;
	v10 =	vld [tilespmem:s7+$0xB0]  }
0x1fc: {  	v12 =	vbroadcast v12, $0x0;
	v13 =	vand.u32 $0xFFFFFFFE, v13;
	[tilespmem:s7+$0x40] =	vst v11;
	v2 =	vmul.f32 v3, v2;
	v3 =	vld [tilespmem:s7+$0xC0]  }
0x1fd: {  	v11 =	vbroadcast v13, $0x0;
	[tilespmem:s7+$0x50] =	vst v4;
	v4 =	vmul.f32 v8, v1;
	v8 =	vld [tilespmem:s7+$0xD0]  }
0x1fe: {  	[tilespmem:s7+$0x60] =	vst v2;
	v2 =	vmul.f32 v7, v1;
	v7 =	vld [tilespmem:s7+$0xE0]  }
0x1ff: {  	[tilespmem:s7+$0x80] =	vst v4;
	v4 =	vmul.f32 v9, v1;
	v9 =	vld [tilespmem:s7+$0xF0]  }
0x200: {  	v5 =	vld.idx.msk [tilespmem:v5+s9+$0x0], $0xffff;
	[tilespmem:s7+$0x90] =	vst v2;
	v2 =	vmul.f32 v10, v1  }
0x201: {  	v6 =	vld.idx.msk [tilespmem:v6+s9+$0x0], $0xffff;
	[tilespmem:s7+$0xA0] =	vst v4;
	v3 =	vmul.f32 v3, v1  }
0x202: {  	v4 =	vld.idx.msk [tilespmem:v12+s9+$0x0], $0xffff;
	[tilespmem:s7+$0xB0] =	vst v2;
	v8 =	vmul.f32 v8, v1  }
0x203: {  	s7 =	sadd.s32 $0x200, s7;
	v2 =	vld.idx.msk [tilespmem:v11+s9+$0x0], $0xffff;
	[tilespmem:s10+$0xC0] =	vst v3;
	v3 =	vmul.f32 v7, v1  }
0x204: {  	v7 =	vld [tilespmem:s7+$0x70];
	[tilespmem:s10+$0xD0] =	vst v8;
	v9 =	vmul.f32 v9, v1  }
0x205: {  	v8 =	vld [tilespmem:s7+$0xFFFFFF00];
	[tilespmem:s10+$0xE0] =	vst v3  }
0x206: {  	v1 =	vmov v5;
	v3 =	vld [tilespmem:s7+$0xFFFFFF10];
	[tilespmem:s10+$0xF0] =	vst v9;
	s10 =	smov.u32 s7  }
0x207: {  	v5 =	vld [tilespmem:s7+$0xFFFFFF20]  }
0x208: {  	v9 =	vld [tilespmem:s7+$0xFFFFFF30]  }
0x209: {  	v10 =	vld [tilespmem:s7+$0xFFFFFF40];
	v7 =	vmul.f32 v7, v2  }
0x20a: {  	v8 =	vmul.f32 v8, v6;
	v11 =	vld [tilespmem:s7+$0xFFFFFF50]  }
0x20b: {  	v3 =	vmul.f32 v3, v6;
	v12 =	vld [tilespmem:s7+$0xFFFFFF60];
	[tilespmem:s7+$0x70] =	vst v7  }
0x20c: {  	[tilespmem:s7+$0xFFFFFF00] =	vst v8;
	v5 =	vmul.f32 v5, v6;
	v7 =	vld [tilespmem:s7+$0xFFFFFF70]  }
0x20d: {  	[tilespmem:s7+$0xFFFFFF10] =	vst v3;
	v3 =	vmul.f32 v9, v6;
	v8 =	vld [tilespmem:s7+$0xFFFFFF80]  }
0x20e: {  	[tilespmem:s7+$0xFFFFFF20] =	vst v5;
	v5 =	vmul.f32 v10, v6;
	v9 =	vld [tilespmem:s7+$0xFFFFFF90]  }
0x20f: {  	[tilespmem:s7+$0xFFFFFF30] =	vst v3;
	v3 =	vmul.f32 v11, v6;
	v10 =	vld [tilespmem:s7+$0xFFFFFFA0]  }
0x210: {  	[tilespmem:s7+$0xFFFFFF40] =	vst v5;
	v5 =	vmul.f32 v12, v6;
	v11 =	vld [tilespmem:s7+$0xFFFFFFB0]  }
0x211: {  	[tilespmem:s7+$0xFFFFFF50] =	vst v3;
	v3 =	vmul.f32 v7, v6;
	v6 =	vld [tilespmem:s7+$0xFFFFFFC0]  }
0x212: {  	[tilespmem:s7+$0xFFFFFF60] =	vst v5;
	v5 =	vmul.f32 v8, v4;
	v7 =	vld [tilespmem:s7+$0xFFFFFFD0]  }
0x213: {  	[tilespmem:s7+$0xFFFFFF70] =	vst v3;
	v3 =	vmul.f32 v9, v4;
	v8 =	vld [tilespmem:s7+$0xFFFFFFE0]  }
0x214: {  	[tilespmem:s7+$0xFFFFFF80] =	vst v5;
	v5 =	vmul.f32 v10, v4;
	v9 =	vld [tilespmem:s7+$0xFFFFFFF0]  }
0x215: {  	[tilespmem:s7+$0xFFFFFF90] =	vst v3;
	v3 =	vmul.f32 v11, v4;
	v10 =	vld [tilespmem:s7+$0x0]  }
0x216: {  	[tilespmem:s7+$0xFFFFFFA0] =	vst v5;
	v5 =	vmul.f32 v6, v4;
	v6 =	vld [tilespmem:s7+$0x10]  }
0x217: {  	[tilespmem:s7+$0xFFFFFFB0] =	vst v3;
	v3 =	vmul.f32 v7, v4;
	v7 =	vld [tilespmem:s7+$0x20]  }
0x218: {  	[tilespmem:s7+$0xFFFFFFC0] =	vst v5;
	v5 =	vmul.f32 v8, v4;
	v11 =	vld [tilespmem:s7+$0x30]  }
0x219: {  	[tilespmem:s7+$0xFFFFFFD0] =	vst v3;
	v3 =	vmul.f32 v9, v4;
	v9 =	vld [tilespmem:s7+$0x40]  }
.Ltmp4:
0x21a: {  	[tilespmem:s7+$0xFFFFFFE0] =	vst v5;
	v5 =	vmul.f32 v10, v2;
	v4 =	vld [tilespmem:s7+$0x50];
	(pc) =	sbr.rel @p2 .LBB2_11-.Ltmp4, $4  }
0x21b: {  	[tilespmem:s7+$0xFFFFFFF0] =	vst v3;
	v6 =	vmul.f32 v6, v2;
	v3 =	vld [tilespmem:s7+$0x60]  }
0x21c: {  	s4 =	sadd.s32 $0x3, s21;
	v10 =	vmov s21;
	[tilespmem:s7+$0x0] =	vst v5;
	v13 =	vmul.f32 v7, v2;
	v8 =	vld [tilespmem:s7+$0x80]  }
0x21d: {  	s29 =	sadd.s32 $0x1, s21;
	v12 =	vand.u32 $0xFFFFFFFC, v10;
	v5 =	vmov s4;
	[tilespmem:s7+$0x10] =	vst v6;
	v10 =	vmul.f32 v11, v2;
	v7 =	vld [tilespmem:s7+$0x90]  }
0x21e: {  	v6 =	vbroadcast v12, $0x0;
	v12 =	vmov s29;
	s29 =	sadd.s32 $0x2, s21;
	s21 =	sadd.s32 $0x4, s21;
	[tilespmem:s7+$0x20] =	vst v13;
	v11 =	vmul.f32 v9, v2;
	v9 =	vld [tilespmem:s7+$0xA0]  }
0x21f: {  	v13 =	vld [tilespmem:s7+$0xB0]  }
0x220: {  	v15 =	vld [tilespmem:s7+$0xC0]  }
0x221: {  	v14 =	vmov s29;
	v16 =	vld [tilespmem:s7+$0xD0]  }
0x222: {  	v17 =	vld [tilespmem:s7+$0xE0];
	[tilespmem:s7+$0x30] =	vst v10;
	v4 =	vmul.f32 v4, v2;
	v14 =	vand.u32 $0xFFFFFFFE, v14  }
0x223: {  	v12 =	vand.u32 $0xFFFFFFFD, v12;
	v5 =	vld.idx.msk [tilespmem:v5+s9+$0x0], $0xffff;
	[tilespmem:s7+$0x40] =	vst v11;
	v2 =	vmul.f32 v3, v2;
	v14 =	vbroadcast v14, $0x0  }
0x224: {  	s21 =	sadd.s32 $0x200, s7;
	v12 =	vbroadcast v12, $0x0;
	v3 =	vld.idx.msk [tilespmem:v6+s9+$0x0], $0xffff;
	v8 =	vmul.f32 v8, v1;
	[tilespmem:s7+$0x50] =	vst v4  }
0x225: {  	v10 =	vld [tilespmem:s21+$0xFFFFFF00];
	v4 =	vmul.f32 v7, v1;
	[tilespmem:s7+$0x60] =	vst v2  }
0x226: {  	[tilespmem:s7+$0x80] =	vst v8;
	v8 =	vld [tilespmem:s7+$0xF0];
	v2 =	vmul.f32 v9, v1  }
0x227: {  	v11 =	vld [tilespmem:s21+$0xFFFFFF10];
	[tilespmem:s7+$0x90] =	vst v4;
	v4 =	vmul.f32 v13, v1  }
0x228: {  	v9 =	vld [tilespmem:s21+$0x70];
	[tilespmem:s7+$0xA0] =	vst v2;
	v2 =	vmul.f32 v15, v1  }
0x229: {  	[tilespmem:s7+$0xB0] =	vst v4;
	v4 =	vmul.f32 v16, v1;
	v7 =	vld.idx.msk [tilespmem:v14+s9+$0x0], $0xffff  }
0x22a: {  	v6 =	vld.idx.msk [tilespmem:v12+s9+$0x0], $0xffff;
	[tilespmem:s10+$0xC0] =	vst v2;
	v2 =	vmul.f32 v17, v1  }
0x22b: {  	v12 =	vld [tilespmem:s21+$0xFFFFFF20];
	[tilespmem:s10+$0xD0] =	vst v4;
	v1 =	vmul.f32 v8, v1  }
0x22c: {  	v4 =	vld [tilespmem:s21+$0xFFFFFF30];
	[tilespmem:s10+$0xE0] =	vst v2  }
0x22d: {  	v2 =	vld [tilespmem:s21+$0xFFFFFF40];
	[tilespmem:s10+$0xF0] =	vst v1;
	v1 =	vmul.f32 v10, v3  }
0x22e: {  	v8 =	vmul.f32 v9, v7;
	v9 =	vld [tilespmem:s21+$0xFFFFFF50]  }
0x22f: {  	v10 =	vmul.f32 v11, v3;
	v11 =	vld [tilespmem:s21+$0xFFFFFF60];
	[tilespmem:s21+$0xFFFFFF00] =	vst v1  }
0x230: {  	v1 =	vmul.f32 v12, v3;
	[tilespmem:s21+$0x70] =	vst v8;
	v8 =	vld [tilespmem:s21+$0xFFFFFF70]  }
0x231: {  	[tilespmem:s21+$0xFFFFFF10] =	vst v10;
	v10 =	vld [tilespmem:s21+$0xFFFFFF80];
	v4 =	vmul.f32 v4, v3  }
0x232: {  	[tilespmem:s21+$0xFFFFFF20] =	vst v1;
	v1 =	vmul.f32 v2, v3;
	v2 =	vld [tilespmem:s21+$0xFFFFFF90]  }
0x233: {  	[tilespmem:s21+$0xFFFFFF30] =	vst v4;
	v4 =	vmul.f32 v9, v3;
	v9 =	vld [tilespmem:s21+$0xFFFFFFA0]  }
0x234: {  	[tilespmem:s21+$0xFFFFFF40] =	vst v1;
	v1 =	vmul.f32 v11, v3;
	v11 =	vld [tilespmem:s21+$0xFFFFFFB0]  }
0x235: {  	[tilespmem:s21+$0xFFFFFF50] =	vst v4;
	v3 =	vmul.f32 v8, v3;
	v4 =	vld [tilespmem:s21+$0xFFFFFFC0]  }
0x236: {  	[tilespmem:s21+$0xFFFFFF60] =	vst v1;
	v1 =	vmul.f32 v10, v6;
	v8 =	vld [tilespmem:s21+$0xFFFFFFD0]  }
0x237: {  	v2 =	vmul.f32 v2, v6;
	[tilespmem:s21+$0xFFFFFF70] =	vst v3;
	v3 =	vld [tilespmem:s21+$0xFFFFFFE0]  }
0x238: {  	[tilespmem:s21+$0xFFFFFF80] =	vst v1;
	v1 =	vmul.f32 v9, v6;
	v9 =	vld [tilespmem:s21+$0xFFFFFFF0]  }
0x239: {  	v10 =	vld [tilespmem:s21+$0x0];
	[tilespmem:s21+$0xFFFFFF90] =	vst v2;
	v2 =	vmul.f32 v11, v6  }
0x23a: {  	[tilespmem:s21+$0xFFFFFFA0] =	vst v1;
	v1 =	vmul.f32 v4, v6;
	v4 =	vld [tilespmem:s21+$0x10]  }
0x23b: {  	[tilespmem:s21+$0xFFFFFFB0] =	vst v2;
	v2 =	vmul.f32 v8, v6;
	v8 =	vld [tilespmem:s21+$0x20]  }
0x23c: {  	[tilespmem:s21+$0xFFFFFFC0] =	vst v1;
	v1 =	vmul.f32 v3, v6;
	v3 =	vld [tilespmem:s21+$0x30]  }
0x23d: {  	[tilespmem:s21+$0xFFFFFFD0] =	vst v2;
	v2 =	vmul.f32 v9, v6;
	v6 =	vld [tilespmem:s21+$0x40]  }
0x23e: {  	v9 =	vld [tilespmem:s21+$0x50];
	[tilespmem:s21+$0xFFFFFFE0] =	vst v1;
	v1 =	vmul.f32 v10, v7  }
0x23f: {  	[tilespmem:s21+$0xFFFFFFF0] =	vst v2;
	v2 =	vmul.f32 v4, v7;
	v4 =	vld [tilespmem:s21+$0x60]  }
0x240: {  	[tilespmem:s21+$0x0] =	vst v1;
	v1 =	vmul.f32 v8, v7;
	v8 =	vld [tilespmem:s21+$0x80]  }
0x241: {  	[tilespmem:s21+$0x10] =	vst v2;
	v2 =	vmul.f32 v3, v7;
	v3 =	vld [tilespmem:s21+$0x90]  }
0x242: {  	[tilespmem:s21+$0x20] =	vst v1;
	v1 =	vmul.f32 v6, v7;
	v6 =	vld [tilespmem:s21+$0xA0]  }
0x243: {  	[tilespmem:s21+$0x30] =	vst v2;
	v2 =	vmul.f32 v9, v7;
	v9 =	vld [tilespmem:s21+$0xB0]  }
0x244: {  	[tilespmem:s21+$0x40] =	vst v1;
	v1 =	vmul.f32 v4, v7;
	v4 =	vld [tilespmem:s21+$0xC0]  }
0x245: {  	v7 =	vld [tilespmem:s21+$0xD0];
	[tilespmem:s21+$0x50] =	vst v2;
	v2 =	vmul.f32 v8, v5  }
0x246: {  	[tilespmem:s21+$0x60] =	vst v1;
	v1 =	vmul.f32 v3, v5;
	v3 =	vld [tilespmem:s21+$0xE0]  }
0x247: {  	[tilespmem:s21+$0x80] =	vst v2;
	v2 =	vmul.f32 v6, v5;
	v6 =	vld [tilespmem:s21+$0xF0]  }
0x248: {  	[tilespmem:s21+$0x90] =	vst v1;
	v1 =	vmul.f32 v9, v5  }
0x249: {  	[tilespmem:s21+$0xA0] =	vst v2;
	v2 =	vmul.f32 v4, v5  }
0x24a: {  	[tilespmem:s21+$0xB0] =	vst v1;
	v1 =	vmul.f32 v7, v5  }
0x24b: {  	[tilespmem:s21+$0xC0] =	vst v2;
	v2 =	vmul.f32 v3, v5  }
0x24c: {  	[tilespmem:s21+$0xD0] =	vst v1;
	v1 =	vmul.f32 v6, v5  }
0x24d: {  	[tilespmem:s21+$0xE0] =	vst v2  }
0x24e: {  	s4 =	simm.s32 $0x700;
	[tilespmem:s21+$0xF0] =	vst v1  }
0x24f: {  	[spmem:s3] =	stream.indirect.scatter.add.f32 [tilespmem:s14], [sflag:$0xB], $0x80, s4, s6, $0xb8;
	[tilespmem:$0x1F680] =	vst v63  }
0x250: {  	s4 =	sadd.s32 @!p1 s24, s20  }
0x251: {  	s4 =	sshll.u32 @!p1 s4, $0x5  }
0x252: {  	s4 =	sand.u32 @!p1 $0x1FFFFFE0, s4  }
0x253: {  	s7 =	simm.s32 @!p1 $0x0;
	s10 =	simm.s32 @!p1 $0x200;
	s4 =	sadd.s32 @!p1 s5, s4  }
0x254: {  	[tilespmem:s10], [sflag:$0x3] =	stream.linear.gather @!p1 [hbm4b:s4+s7], $0x100, $0x38;
	[tilespmem:$0x1F680] =	vst v63  }
0x255: {  	s4 =	simm.s32 @!p1 $0x2  }
0x256: {  	_ =	swait.ge @!p1 [sflag:s4], $0x100  }
0x257: {  	[sflag:s4] =	ssyncset.done @!p1 $0x0  }
0x258: {  	[sflag:s4] =	ssyncadd.s32 @!p1 $0xFFFFFF00;
	s4 =	simm.s32 @!p1 $0xA  }
0x259: {  	_ =	swait.ge @!p1 [sflag:s4], $0x2800  }
0x25a: {  	[sflag:s4] =	ssyncset.done @!p1 $0x0  }
0x25b: {  	[sflag:s4] =	ssyncadd.s32 @!p1 $0xFFFFD800  }
0x25c: {  	v1 =	vld @!p1 [tilespmem:$0x100]  }
0x25d: {  	v2 =	vld @!p1 [tilespmem:$0x150]  }
0x25e: {  	v3 =	vld @!p1 [tilespmem:$0x1A0]  }
0x25f: {  	v4 =	vld @!p1 [tilespmem:$0x110]  }
0x260: {  	v5 =	vld @!p1 [tilespmem:$0x160]  }
0x261: {  	[tilespmem:$0x480] =	vst @!p1 v1;
	v1 =	vld @!p1 [tilespmem:$0x1B0]  }
0x262: {  	[tilespmem:$0x680] =	vst @!p1 v2;
	v2 =	vld @!p1 [tilespmem:$0x120]  }
0x263: {  	[tilespmem:$0xA880] =	vst @!p1 v3;
	v3 =	vld @!p1 [tilespmem:$0x170]  }
0x264: {  	[tilespmem:$0x490] =	vst @!p1 v4;
	v4 =	vld @!p1 [tilespmem:$0x1C0]  }
0x265: {  	[tilespmem:$0x690] =	vst @!p1 v5;
	v5 =	vld @!p1 [tilespmem:$0x130]  }
0x266: {  	[tilespmem:$0xA890] =	vst @!p1 v1;
	v1 =	vld @!p1 [tilespmem:$0x180]  }
0x267: {  	[tilespmem:$0x4A0] =	vst @!p1 v2;
	v2 =	vld @!p1 [tilespmem:$0x1D0]  }
0x268: {  	[tilespmem:$0x6A0] =	vst @!p1 v3;
	v3 =	vld @!p1 [tilespmem:$0x140]  }
0x269: {  	[tilespmem:$0xA8A0] =	vst @!p1 v4;
	v4 =	vld @!p1 [tilespmem:$0x190]  }
0x26a: {  	[tilespmem:$0x4B0] =	vst @!p1 v5;
	v5 =	vld @!p1 [tilespmem:$0x1E0]  }
0x26b: {  	[tilespmem:$0x6B0] =	vst @!p1 v1  }
0x26c: {  	[tilespmem:$0xA8B0] =	vst @!p1 v2  }
0x26d: {  	[tilespmem:$0x4C0] =	vst @!p1 v3  }
0x26e: {  	s21 =	simm.s32 $0x0;
	s24 =	simm.s32 $0x2;
	[tilespmem:$0x6C0] =	vst @!p1 v4  }
0x26f: {  	s7 =	simm.s32 @!p1 $0x480;
	s10 =	simm.s32 @!p1 $0x3000;
	s4 =	simm.s32 @!p1 $0x50;
	[tilespmem:$0xA8C0] =	vst @!p1 v5  }
0x270: {  	v1 =	vmov s21;
	[tilespmem:s10], [sflag:$0x6] =	stream.indirect.gather @!p1 [hbm4b:s1+s4], $0x80, s7, s4, $0xb8;
	[tilespmem:$0x1F680] =	vst v63  }
0x271: {  	v2 =	vmov s24;
	v1 =	vand.u32 $0xFFFFFFFC, v1;
	_ =	swait.ge [sflag:s11], $0x2800  }
0x272: {  	v2 =	vand.u32 $0xFFFFFFFE, v2;
	v1 =	vbroadcast v1, $0x0;
	[sflag:s11] =	ssyncset.done $0x0  }
0x273: {  	s7 =	simm.s32 $0x8100;
	v2 =	vbroadcast v2, $0x0;
	[sflag:s11] =	ssyncadd.s32 $0xFFFFD800  }
0x274: {  	v4 =	vld [tilespmem:s7+$0x70]  }
0x275: {  	v5 =	vld [tilespmem:s7+$0xFFFFFF00]  }
0x276: {  	s29 =	simm.s32 $0x1;
	v6 =	vld [tilespmem:s7+$0xFFFFFF10]  }
0x277: {  	v3 =	vmov s29;
	v7 =	vld [tilespmem:s7+$0xFFFFFF20]  }
0x278: {  	v3 =	vand.u32 $0xFFFFFFFD, v3;
	v1 =	vld.idx.msk [tilespmem:v1+s13+$0x0], $0xffff  }
0x279: {  	v3 =	vbroadcast v3, $0x0;
	v2 =	vld.idx.msk [tilespmem:v2+s13+$0x0], $0xffff  }
0x27a: {  	v8 =	vld [tilespmem:s7+$0xFFFFFF30]  }
0x27b: {  	v9 =	vld [tilespmem:s7+$0xFFFFFF40]  }
0x27c: {  	v10 =	vld [tilespmem:s7+$0xFFFFFF50]  }
0x27d: {  	v11 =	vld [tilespmem:s7+$0xFFFFFF60];
	v5 =	vmul.f32 v5, v1  }
0x27e: {  	v13 =	vld [tilespmem:s7+$0x40];
	v4 =	vmul.f32 v4, v2  }
0x27f: {  	v3 =	vld.idx.msk [tilespmem:v3+s13+$0x0], $0xffff;
	[tilespmem:s7+$0xFFFFFF00] =	vst v5;
	v5 =	vmul.f32 v6, v1  }
0x280: {  	v6 =	vld [tilespmem:s7+$0xFFFFFF70];
	[tilespmem:s7+$0x70] =	vst v4;
	v4 =	vmul.f32 v7, v1  }
0x281: {  	v7 =	vld [tilespmem:s7+$0xFFFFFF80];
	[tilespmem:s7+$0xFFFFFF10] =	vst v5;
	v5 =	vmul.f32 v8, v1  }
0x282: {  	v8 =	vld [tilespmem:s7+$0xFFFFFF90];
	[tilespmem:s7+$0xFFFFFF20] =	vst v4;
	v4 =	vmul.f32 v9, v1  }
0x283: {  	v9 =	vld [tilespmem:s7+$0xFFFFFFA0];
	[tilespmem:s7+$0xFFFFFF30] =	vst v5;
	v5 =	vmul.f32 v10, v1  }
0x284: {  	v10 =	vld [tilespmem:s7+$0xFFFFFFB0];
	[tilespmem:s7+$0xFFFFFF40] =	vst v4;
	v4 =	vmul.f32 v11, v1  }
0x285: {  	v11 =	vld [tilespmem:s7+$0xFFFFFFC0];
	v6 =	vmul.f32 v6, v1;
	[tilespmem:s7+$0xFFFFFF50] =	vst v5  }
0x286: {  	v5 =	vmul.f32 v7, v3;
	v7 =	vld [tilespmem:s7+$0xFFFFFFD0];
	[tilespmem:s7+$0xFFFFFF60] =	vst v4  }
0x287: {  	s10 =	simm.s32 $0x3;
	v4 =	vld [tilespmem:s7+$0xFFFFFFE0];
	v8 =	vmul.f32 v8, v3;
	[tilespmem:s7+$0xFFFFFF70] =	vst v6  }
0x288: {  	v12 =	vmov s10;
	v6 =	vld [tilespmem:s7+$0xFFFFFFF0];
	[tilespmem:s7+$0xFFFFFF80] =	vst v5;
	v5 =	vmul.f32 v9, v3  }
0x289: {  	v9 =	vld [tilespmem:s7+$0x0];
	[tilespmem:s7+$0xFFFFFF90] =	vst v8;
	v8 =	vmul.f32 v10, v3  }
0x28a: {  	v10 =	vld [tilespmem:s7+$0x10];
	[tilespmem:s7+$0xFFFFFFA0] =	vst v5;
	v5 =	vmul.f32 v11, v3  }
0x28b: {  	[tilespmem:s7+$0xFFFFFFB0] =	vst v8;
	v7 =	vmul.f32 v7, v3;
	v8 =	vld [tilespmem:s7+$0x20]  }
0x28c: {  	v11 =	vld [tilespmem:s7+$0x30];
	v4 =	vmul.f32 v4, v3;
	[tilespmem:s7+$0xFFFFFFC0] =	vst v5  }
0x28d: {  	v1 =	vld.idx.msk [tilespmem:v12+s13+$0x0], $0xffff;
	v3 =	vmul.f32 v6, v3;
	[tilespmem:s7+$0xFFFFFFD0] =	vst v7  }
0x28e: {  	[tilespmem:s7+$0xFFFFFFE0] =	vst v4;
	v5 =	vmul.f32 v9, v2;
	v4 =	vld [tilespmem:s7+$0x50]  }
0x28f: {  	s21 =	simm.s32 $0x4;
	[tilespmem:s7+$0xFFFFFFF0] =	vst v3;
	v6 =	vmul.f32 v10, v2;
	v3 =	vld [tilespmem:s7+$0x60]  }
0x290: {  	s24 =	simm.s32 $0x7;
	v7 =	vmov s21;
	[tilespmem:s7+$0x0] =	vst v5;
	v9 =	vmul.f32 v8, v2;
	v8 =	vld [tilespmem:s7+$0x80]  }
0x291: {  	s29 =	simm.s32 $0x5;
	v12 =	vand.u32 $0xFFFFFFFC, v7;
	v7 =	vld [tilespmem:s7+$0x90];
	v5 =	vmov s24;
	v10 =	vmul.f32 v11, v2;
	[tilespmem:s7+$0x10] =	vst v6  }
0x292: {  	s10 =	simm.s32 $0x8100;
	s21 =	simm.s32 $0x8;
	s24 =	simm.s32 $0x6;
	v11 =	vmul.f32 v13, v2;
	v6 =	vbroadcast v12, $0x0;
	v12 =	vmov s29;
	[tilespmem:s7+$0x20] =	vst v9;
	v9 =	vld [tilespmem:s7+$0xA0]  }
.LBB2_13:
0x293: {  	p1 =	slt.u32 s21, $0x4C;
	v12 =	vand.u32 $0xFFFFFFFD, v12;
	v13 =	vmov s24;
	[tilespmem:s7+$0x30] =	vst v10;
	v4 =	vmul.f32 v4, v2;
	v10 =	vld [tilespmem:s7+$0xB0]  }
0x294: {  	v12 =	vbroadcast v12, $0x0;
	v13 =	vand.u32 $0xFFFFFFFE, v13;
	[tilespmem:s7+$0x40] =	vst v11;
	v2 =	vmul.f32 v3, v2;
	v3 =	vld [tilespmem:s7+$0xC0]  }
0x295: {  	v11 =	vbroadcast v13, $0x0;
	[tilespmem:s7+$0x50] =	vst v4;
	v4 =	vmul.f32 v8, v1;
	v8 =	vld [tilespmem:s7+$0xD0]  }
0x296: {  	[tilespmem:s7+$0x60] =	vst v2;
	v2 =	vmul.f32 v7, v1;
	v7 =	vld [tilespmem:s7+$0xE0]  }
0x297: {  	[tilespmem:s7+$0x80] =	vst v4;
	v4 =	vmul.f32 v9, v1;
	v9 =	vld [tilespmem:s7+$0xF0]  }
0x298: {  	v5 =	vld.idx.msk [tilespmem:v5+s13+$0x0], $0xffff;
	[tilespmem:s7+$0x90] =	vst v2;
	v2 =	vmul.f32 v10, v1  }
0x299: {  	v6 =	vld.idx.msk [tilespmem:v6+s13+$0x0], $0xffff;
	[tilespmem:s7+$0xA0] =	vst v4;
	v3 =	vmul.f32 v3, v1  }
0x29a: {  	v4 =	vld.idx.msk [tilespmem:v12+s13+$0x0], $0xffff;
	[tilespmem:s7+$0xB0] =	vst v2;
	v8 =	vmul.f32 v8, v1  }
0x29b: {  	s7 =	sadd.s32 $0x200, s7;
	v2 =	vld.idx.msk [tilespmem:v11+s13+$0x0], $0xffff;
	[tilespmem:s10+$0xC0] =	vst v3;
	v3 =	vmul.f32 v7, v1  }
0x29c: {  	v7 =	vld [tilespmem:s7+$0x70];
	[tilespmem:s10+$0xD0] =	vst v8;
	v9 =	vmul.f32 v9, v1  }
0x29d: {  	v8 =	vld [tilespmem:s7+$0xFFFFFF00];
	[tilespmem:s10+$0xE0] =	vst v3  }
0x29e: {  	v1 =	vmov v5;
	v3 =	vld [tilespmem:s7+$0xFFFFFF10];
	[tilespmem:s10+$0xF0] =	vst v9;
	s10 =	smov.u32 s7  }
0x29f: {  	v5 =	vld [tilespmem:s7+$0xFFFFFF20]  }
0x2a0: {  	v9 =	vld [tilespmem:s7+$0xFFFFFF30]  }
0x2a1: {  	v10 =	vld [tilespmem:s7+$0xFFFFFF40];
	v7 =	vmul.f32 v7, v2  }
0x2a2: {  	v8 =	vmul.f32 v8, v6;
	v11 =	vld [tilespmem:s7+$0xFFFFFF50]  }
0x2a3: {  	v3 =	vmul.f32 v3, v6;
	v12 =	vld [tilespmem:s7+$0xFFFFFF60];
	[tilespmem:s7+$0x70] =	vst v7  }
0x2a4: {  	[tilespmem:s7+$0xFFFFFF00] =	vst v8;
	v5 =	vmul.f32 v5, v6;
	v7 =	vld [tilespmem:s7+$0xFFFFFF70]  }
0x2a5: {  	[tilespmem:s7+$0xFFFFFF10] =	vst v3;
	v3 =	vmul.f32 v9, v6;
	v8 =	vld [tilespmem:s7+$0xFFFFFF80]  }
0x2a6: {  	[tilespmem:s7+$0xFFFFFF20] =	vst v5;
	v5 =	vmul.f32 v10, v6;
	v9 =	vld [tilespmem:s7+$0xFFFFFF90]  }
0x2a7: {  	[tilespmem:s7+$0xFFFFFF30] =	vst v3;
	v3 =	vmul.f32 v11, v6;
	v10 =	vld [tilespmem:s7+$0xFFFFFFA0]  }
0x2a8: {  	[tilespmem:s7+$0xFFFFFF40] =	vst v5;
	v5 =	vmul.f32 v12, v6;
	v11 =	vld [tilespmem:s7+$0xFFFFFFB0]  }
0x2a9: {  	[tilespmem:s7+$0xFFFFFF50] =	vst v3;
	v3 =	vmul.f32 v7, v6;
	v6 =	vld [tilespmem:s7+$0xFFFFFFC0]  }
0x2aa: {  	[tilespmem:s7+$0xFFFFFF60] =	vst v5;
	v5 =	vmul.f32 v8, v4;
	v7 =	vld [tilespmem:s7+$0xFFFFFFD0]  }
0x2ab: {  	[tilespmem:s7+$0xFFFFFF70] =	vst v3;
	v3 =	vmul.f32 v9, v4;
	v8 =	vld [tilespmem:s7+$0xFFFFFFE0]  }
0x2ac: {  	[tilespmem:s7+$0xFFFFFF80] =	vst v5;
	v5 =	vmul.f32 v10, v4;
	v9 =	vld [tilespmem:s7+$0xFFFFFFF0]  }
0x2ad: {  	[tilespmem:s7+$0xFFFFFF90] =	vst v3;
	v3 =	vmul.f32 v11, v4;
	v10 =	vld [tilespmem:s7+$0x0]  }
0x2ae: {  	[tilespmem:s7+$0xFFFFFFA0] =	vst v5;
	v5 =	vmul.f32 v6, v4;
	v6 =	vld [tilespmem:s7+$0x10]  }
0x2af: {  	[tilespmem:s7+$0xFFFFFFB0] =	vst v3;
	v3 =	vmul.f32 v7, v4;
	v7 =	vld [tilespmem:s7+$0x20]  }
0x2b0: {  	[tilespmem:s7+$0xFFFFFFC0] =	vst v5;
	v5 =	vmul.f32 v8, v4;
	v11 =	vld [tilespmem:s7+$0x30]  }
0x2b1: {  	[tilespmem:s7+$0xFFFFFFD0] =	vst v3;
	v3 =	vmul.f32 v9, v4;
	v9 =	vld [tilespmem:s7+$0x40]  }
.Ltmp5:
0x2b2: {  	[tilespmem:s7+$0xFFFFFFE0] =	vst v5;
	v5 =	vmul.f32 v10, v2;
	v4 =	vld [tilespmem:s7+$0x50];
	(pc) =	sbr.rel @p1 .LBB2_13-.Ltmp5, $4  }
0x2b3: {  	[tilespmem:s7+$0xFFFFFFF0] =	vst v3;
	v6 =	vmul.f32 v6, v2;
	v3 =	vld [tilespmem:s7+$0x60]  }
0x2b4: {  	s4 =	sadd.s32 $0x3, s21;
	v10 =	vmov s21;
	[tilespmem:s7+$0x0] =	vst v5;
	v13 =	vmul.f32 v7, v2;
	v8 =	vld [tilespmem:s7+$0x80]  }
0x2b5: {  	s24 =	sadd.s32 $0x1, s21;
	v12 =	vand.u32 $0xFFFFFFFC, v10;
	v5 =	vmov s4;
	[tilespmem:s7+$0x10] =	vst v6;
	v10 =	vmul.f32 v11, v2;
	v7 =	vld [tilespmem:s7+$0x90]  }
0x2b6: {  	v6 =	vbroadcast v12, $0x0;
	v12 =	vmov s24;
	s24 =	sadd.s32 $0x2, s21;
	s21 =	sadd.s32 $0x4, s21;
	[tilespmem:s7+$0x20] =	vst v13;
	v11 =	vmul.f32 v9, v2;
	v9 =	vld [tilespmem:s7+$0xA0]  }
0x2b7: {  	v13 =	vld [tilespmem:s7+$0xB0]  }
0x2b8: {  	v15 =	vld [tilespmem:s7+$0xC0]  }
0x2b9: {  	v16 =	vld [tilespmem:s7+$0xD0]  }
0x2ba: {  	v17 =	vld [tilespmem:s7+$0xE0]  }
0x2bb: {  	v29 =	vld [tilespmem:s7+$0xF0];
	[tilespmem:s7+$0x30] =	vst v10;
	v4 =	vmul.f32 v4, v2  }
0x2bc: {  	v5 =	vld.idx.msk [tilespmem:v5+s13+$0x0], $0xffff;
	[tilespmem:s7+$0x40] =	vst v11;
	v2 =	vmul.f32 v3, v2  }
0x2bd: {  	s21 =	sadd.s32 $0x200, s7;
	v3 =	vld.idx.msk [tilespmem:v6+s13+$0x0], $0xffff;
	v8 =	vmul.f32 v8, v1;
	[tilespmem:s7+$0x50] =	vst v4  }
0x2be: {  	v14 =	vmov s24;
	v34 =	vld [tilespmem:s21+$0x70];
	v30 =	vmul.f32 v7, v1;
	[tilespmem:s7+$0x60] =	vst v2  }
0x2bf: {  	v14 =	vand.u32 $0xFFFFFFFE, v14;
	v35 =	vld [tilespmem:s21+$0xFFFFFF00];
	[tilespmem:s7+$0x80] =	vst v8;
	v2 =	vmul.f32 v9, v1  }
0x2c0: {  	v37 =	vld [tilespmem:s21+$0xFFFFFF10];
	v14 =	vbroadcast v14, $0x0;
	[tilespmem:s7+$0x90] =	vst v30;
	v33 =	vmul.f32 v13, v1  }
0x2c1: {  	v38 =	vld [tilespmem:s21+$0xFFFFFF20];
	[tilespmem:s7+$0xA0] =	vst v2;
	v2 =	vmul.f32 v15, v1  }
0x2c2: {  	v12 =	vand.u32 $0xFFFFFFFD, v12;
	v39 =	vld [tilespmem:s21+$0xFFFFFF30];
	v36 =	vmul.f32 v16, v1;
	[tilespmem:s7+$0xB0] =	vst v33  }
0x2c3: {  	v12 =	vbroadcast v12, $0x0;
	v41 =	vld [tilespmem:s21+$0xFFFFFF50];
	[tilespmem:s10+$0xC0] =	vst v2;
	v2 =	vmul.f32 v17, v1  }
0x2c4: {  	v43 =	vld [tilespmem:s21+$0xFFFFFF60];
	[tilespmem:s10+$0xD0] =	vst v36;
	v1 =	vmul.f32 v29, v1  }
0x2c5: {  	v42 =	vmul.f32 v37, v3;
	[tilespmem:s10+$0xE0] =	vst v2;
	v2 =	vld [tilespmem:s21+$0xFFFFFF40]  }
0x2c6: {  	v32 =	vld.idx.msk [tilespmem:v14+s13+$0x0], $0xffff;
	[tilespmem:s10+$0xF0] =	vst v1;
	v1 =	vmul.f32 v35, v3  }
0x2c7: {  	v44 =	vld [tilespmem:s21+$0xFFFFFF70];
	v4 =	vmul.f32 v39, v3;
	[tilespmem:s21+$0xFFFFFF10] =	vst v42  }
0x2c8: {  	v45 =	vld [tilespmem:s21+$0xFFFFFF80];
	[tilespmem:s21+$0xFFFFFF00] =	vst v1;
	v1 =	vmul.f32 v38, v3  }
0x2c9: {  	v46 =	vmul.f32 v41, v3;
	v31 =	vld.idx.msk [tilespmem:v12+s13+$0x0], $0xffff;
	[tilespmem:s21+$0xFFFFFF30] =	vst v4  }
0x2ca: {  	[tilespmem:s21+$0xFFFFFF20] =	vst v1;
	v1 =	vmul.f32 v2, v3;
	v2 =	vld [tilespmem:s21+$0xFFFFFF90]  }
0x2cb: {  	v47 =	vld [tilespmem:s21+$0xFFFFFFA0];
	[tilespmem:s21+$0xFFFFFF50] =	vst v46;
	v40 =	vmul.f32 v34, v32  }
0x2cc: {  	v48 =	vld [tilespmem:s21+$0xFFFFFFB0];
	[tilespmem:s21+$0xFFFFFF40] =	vst v1;
	v1 =	vmul.f32 v43, v3  }
0x2cd: {  	v49 =	vld [tilespmem:s21+$0xFFFFFFC0];
	[tilespmem:s21+$0x70] =	vst v40;
	v3 =	vmul.f32 v44, v3  }
0x2ce: {  	v50 =	vld [tilespmem:s21+$0xFFFFFFD0];
	[tilespmem:s21+$0xFFFFFF60] =	vst v1;
	v1 =	vmul.f32 v45, v31  }
0x2cf: {  	[tilespmem:s21+$0xFFFFFF70] =	vst v3;
	v3 =	vld [tilespmem:s21+$0xFFFFFFE0];
	v2 =	vmul.f32 v2, v31  }
0x2d0: {  	v51 =	vld [tilespmem:s21+$0xFFFFFFF0];
	[tilespmem:s21+$0xFFFFFF80] =	vst v1;
	v1 =	vmul.f32 v47, v31  }
0x2d1: {  	v52 =	vld [tilespmem:s21+$0x0];
	[tilespmem:s21+$0xFFFFFF90] =	vst v2;
	v2 =	vmul.f32 v48, v31  }
0x2d2: {  	v53 =	vld [tilespmem:s21+$0x10];
	[tilespmem:s21+$0xFFFFFFA0] =	vst v1;
	v1 =	vmul.f32 v49, v31  }
0x2d3: {  	v54 =	vld [tilespmem:s21+$0x20];
	[tilespmem:s21+$0xFFFFFFB0] =	vst v2;
	v2 =	vmul.f32 v50, v31  }
0x2d4: {  	[tilespmem:s21+$0xFFFFFFC0] =	vst v1;
	v1 =	vmul.f32 v3, v31;
	v3 =	vld [tilespmem:s21+$0x30]  }
0x2d5: {  	v55 =	vld [tilespmem:s21+$0x40];
	[tilespmem:s21+$0xFFFFFFD0] =	vst v2;
	v2 =	vmul.f32 v51, v31  }
0x2d6: {  	v56 =	vld [tilespmem:s21+$0x50];
	[tilespmem:s21+$0xFFFFFFE0] =	vst v1;
	v1 =	vmul.f32 v52, v32  }
0x2d7: {  	v57 =	vld [tilespmem:s21+$0x60];
	[tilespmem:s21+$0xFFFFFFF0] =	vst v2;
	v2 =	vmul.f32 v53, v32  }
0x2d8: {  	v58 =	vld [tilespmem:s21+$0x80];
	[tilespmem:s21+$0x0] =	vst v1;
	v1 =	vmul.f32 v54, v32  }
0x2d9: {  	[tilespmem:s21+$0x10] =	vst v2;
	v2 =	vmul.f32 v3, v32;
	v3 =	vld [tilespmem:s21+$0x90]  }
0x2da: {  	v59 =	vld [tilespmem:s21+$0xA0];
	[tilespmem:s21+$0x20] =	vst v1;
	v1 =	vmul.f32 v55, v32  }
0x2db: {  	v60 =	vld [tilespmem:s21+$0xB0];
	[tilespmem:s21+$0x30] =	vst v2;
	v2 =	vmul.f32 v56, v32  }
0x2dc: {  	v61 =	vld [tilespmem:s21+$0xC0];
	[tilespmem:s21+$0x40] =	vst v1;
	v1 =	vmul.f32 v57, v32  }
0x2dd: {  	v62 =	vld [tilespmem:s21+$0xD0];
	[tilespmem:s21+$0x50] =	vst v2;
	v2 =	vmul.f32 v58, v5  }
0x2de: {  	[tilespmem:s21+$0x60] =	vst v1;
	v1 =	vmul.f32 v3, v5;
	v3 =	vld [tilespmem:s21+$0xE0]  }
0x2df: {  	v63 =	vld [tilespmem:s21+$0xF0];
	[tilespmem:s21+$0x80] =	vst v2;
	v2 =	vmul.f32 v59, v5  }
0x2e0: {  	[tilespmem:s21+$0x90] =	vst v1;
	v1 =	vmul.f32 v60, v5  }
0x2e1: {  	s22 =	sadd.s32 $0x1, s22;
	[tilespmem:s21+$0xA0] =	vst v2;
	v2 =	vmul.f32 v61, v5  }
0x2e2: {  	p1 =	sne.s32 s22, $0x1F;
	[tilespmem:s21+$0xB0] =	vst v1;
	v1 =	vmul.f32 v62, v5  }
.Ltmp6:
0x2e3: {  	[tilespmem:s21+$0xC0] =	vst v2;
	v2 =	vmul.f32 v3, v5;
	(pc) =	sbr.rel @p1 .LBB2_6-.Ltmp6, $4  }
0x2e4: {  	[tilespmem:s21+$0xD0] =	vst v1;
	v1 =	vmul.f32 v63, v5  }
0x2e5: {  	[tilespmem:s21+$0xE0] =	vst v2  }
0x2e6: {  	s4 =	simm.s32 $0x780;
	[tilespmem:s21+$0xF0] =	vst v1  }
0x2e7: {  	[spmem:s3] =	stream.indirect.scatter.add.f32 [tilespmem:s25], [sflag:$0xC], $0x80, s4, s6, $0xb8;
	[tilespmem:$0x1F680] =	vst v63  }
0x2e8: {  	s4 =	simm.s32 $0x0  }
0x2e9: {  	s10 =	simm.s32 $0x2;
	v1 =	vmov s4  }
0x2ea: {  	_ =	swait.ge [sflag:s15], $0x2800;
	v2 =	vmov s10;
	v1 =	vand.u32 $0xFFFFFFFC, v1  }
0x2eb: {  	[sflag:s15] =	ssyncset.done $0x0;
	v2 =	vand.u32 $0xFFFFFFFE, v2;
	v1 =	vbroadcast v1, $0x0  }
0x2ec: {  	s7 =	simm.s32 $0x900;
	[sflag:s15] =	ssyncadd.s32 $0xFFFFD800;
	v2 =	vbroadcast v2, $0x0  }
0x2ed: {  	v4 =	vld [tilespmem:s7+$0x70]  }
0x2ee: {  	v5 =	vld [tilespmem:s7+$0xFFFFFF00]  }
0x2ef: {  	s21 =	simm.s32 $0x1;
	v6 =	vld [tilespmem:s7+$0xFFFFFF10]  }
0x2f0: {  	v3 =	vmov s21;
	v7 =	vld [tilespmem:s7+$0xFFFFFF20]  }
0x2f1: {  	v3 =	vand.u32 $0xFFFFFFFD, v3;
	v1 =	vld.idx.msk [tilespmem:v1+s16+$0x0], $0xffff  }
0x2f2: {  	v3 =	vbroadcast v3, $0x0;
	v2 =	vld.idx.msk [tilespmem:v2+s16+$0x0], $0xffff  }
0x2f3: {  	v8 =	vld [tilespmem:s7+$0xFFFFFF30]  }
0x2f4: {  	v9 =	vld [tilespmem:s7+$0xFFFFFF40]  }
0x2f5: {  	v10 =	vld [tilespmem:s7+$0xFFFFFF50]  }
0x2f6: {  	v11 =	vld [tilespmem:s7+$0xFFFFFF60];
	v5 =	vmul.f32 v5, v1  }
0x2f7: {  	v13 =	vld [tilespmem:s7+$0x40];
	v4 =	vmul.f32 v4, v2  }
0x2f8: {  	v3 =	vld.idx.msk [tilespmem:v3+s16+$0x0], $0xffff;
	[tilespmem:s7+$0xFFFFFF00] =	vst v5;
	v5 =	vmul.f32 v6, v1  }
0x2f9: {  	v6 =	vld [tilespmem:s7+$0xFFFFFF70];
	[tilespmem:s7+$0x70] =	vst v4;
	v4 =	vmul.f32 v7, v1  }
0x2fa: {  	v7 =	vld [tilespmem:s7+$0xFFFFFF80];
	[tilespmem:s7+$0xFFFFFF10] =	vst v5;
	v5 =	vmul.f32 v8, v1  }
0x2fb: {  	v8 =	vld [tilespmem:s7+$0xFFFFFF90];
	[tilespmem:s7+$0xFFFFFF20] =	vst v4;
	v4 =	vmul.f32 v9, v1  }
0x2fc: {  	v9 =	vld [tilespmem:s7+$0xFFFFFFA0];
	[tilespmem:s7+$0xFFFFFF30] =	vst v5;
	v5 =	vmul.f32 v10, v1  }
0x2fd: {  	v10 =	vld [tilespmem:s7+$0xFFFFFFB0];
	[tilespmem:s7+$0xFFFFFF40] =	vst v4;
	v4 =	vmul.f32 v11, v1  }
0x2fe: {  	v11 =	vld [tilespmem:s7+$0xFFFFFFC0];
	v6 =	vmul.f32 v6, v1;
	[tilespmem:s7+$0xFFFFFF50] =	vst v5  }
0x2ff: {  	v5 =	vmul.f32 v7, v3;
	v7 =	vld [tilespmem:s7+$0xFFFFFFD0];
	[tilespmem:s7+$0xFFFFFF60] =	vst v4  }
0x300: {  	s22 =	simm.s32 $0x3;
	v4 =	vld [tilespmem:s7+$0xFFFFFFE0];
	v8 =	vmul.f32 v8, v3;
	[tilespmem:s7+$0xFFFFFF70] =	vst v6  }
0x301: {  	v12 =	vmov s22;
	v6 =	vld [tilespmem:s7+$0xFFFFFFF0];
	[tilespmem:s7+$0xFFFFFF80] =	vst v5;
	v5 =	vmul.f32 v9, v3  }
0x302: {  	v9 =	vld [tilespmem:s7+$0x0];
	[tilespmem:s7+$0xFFFFFF90] =	vst v8;
	v8 =	vmul.f32 v10, v3  }
0x303: {  	v10 =	vld [tilespmem:s7+$0x10];
	[tilespmem:s7+$0xFFFFFFA0] =	vst v5;
	v5 =	vmul.f32 v11, v3  }
0x304: {  	[tilespmem:s7+$0xFFFFFFB0] =	vst v8;
	v7 =	vmul.f32 v7, v3;
	v8 =	vld [tilespmem:s7+$0x20]  }
0x305: {  	v11 =	vld [tilespmem:s7+$0x30];
	v4 =	vmul.f32 v4, v3;
	[tilespmem:s7+$0xFFFFFFC0] =	vst v5  }
0x306: {  	v1 =	vld.idx.msk [tilespmem:v12+s16+$0x0], $0xffff;
	v3 =	vmul.f32 v6, v3;
	[tilespmem:s7+$0xFFFFFFD0] =	vst v7  }
0x307: {  	[tilespmem:s7+$0xFFFFFFE0] =	vst v4;
	v5 =	vmul.f32 v9, v2;
	v4 =	vld [tilespmem:s7+$0x50]  }
0x308: {  	s24 =	simm.s32 $0x4;
	[tilespmem:s7+$0xFFFFFFF0] =	vst v3;
	v6 =	vmul.f32 v10, v2;
	v3 =	vld [tilespmem:s7+$0x60]  }
0x309: {  	s29 =	simm.s32 $0x7;
	v7 =	vmov s24;
	[tilespmem:s7+$0x0] =	vst v5;
	v9 =	vmul.f32 v8, v2;
	v8 =	vld [tilespmem:s7+$0x80]  }
0x30a: {  	s10 =	simm.s32 $0x5;
	v12 =	vand.u32 $0xFFFFFFFC, v7;
	v7 =	vld [tilespmem:s7+$0x90];
	v5 =	vmov s29;
	v10 =	vmul.f32 v11, v2;
	[tilespmem:s7+$0x10] =	vst v6  }
0x30b: {  	s22 =	simm.s32 $0x6;
	s21 =	simm.s32 $0x8;
	v11 =	vmul.f32 v13, v2;
	v6 =	vbroadcast v12, $0x0;
	v12 =	vmov s10;
	s10 =	simm.s32 $0x900;
	[tilespmem:s7+$0x20] =	vst v9;
	v9 =	vld [tilespmem:s7+$0xA0]  }
.LBB2_16:
0x30c: {  	p1 =	slt.u32 s21, $0x4C;
	v12 =	vand.u32 $0xFFFFFFFD, v12;
	v13 =	vmov s22;
	[tilespmem:s7+$0x30] =	vst v10;
	v4 =	vmul.f32 v4, v2;
	v10 =	vld [tilespmem:s7+$0xB0]  }
0x30d: {  	v12 =	vbroadcast v12, $0x0;
	v13 =	vand.u32 $0xFFFFFFFE, v13;
	[tilespmem:s7+$0x40] =	vst v11;
	v2 =	vmul.f32 v3, v2;
	v3 =	vld [tilespmem:s7+$0xC0]  }
0x30e: {  	v11 =	vbroadcast v13, $0x0;
	[tilespmem:s7+$0x50] =	vst v4;
	v4 =	vmul.f32 v8, v1;
	v8 =	vld [tilespmem:s7+$0xD0]  }
0x30f: {  	[tilespmem:s7+$0x60] =	vst v2;
	v2 =	vmul.f32 v7, v1;
	v7 =	vld [tilespmem:s7+$0xE0]  }
0x310: {  	[tilespmem:s7+$0x80] =	vst v4;
	v4 =	vmul.f32 v9, v1;
	v9 =	vld [tilespmem:s7+$0xF0]  }
0x311: {  	v5 =	vld.idx.msk [tilespmem:v5+s16+$0x0], $0xffff;
	[tilespmem:s7+$0x90] =	vst v2;
	v2 =	vmul.f32 v10, v1  }
0x312: {  	v6 =	vld.idx.msk [tilespmem:v6+s16+$0x0], $0xffff;
	[tilespmem:s7+$0xA0] =	vst v4;
	v3 =	vmul.f32 v3, v1  }
0x313: {  	v4 =	vld.idx.msk [tilespmem:v12+s16+$0x0], $0xffff;
	[tilespmem:s7+$0xB0] =	vst v2;
	v8 =	vmul.f32 v8, v1  }
0x314: {  	s7 =	sadd.s32 $0x200, s7;
	v2 =	vld.idx.msk [tilespmem:v11+s16+$0x0], $0xffff;
	[tilespmem:s10+$0xC0] =	vst v3;
	v3 =	vmul.f32 v7, v1  }
0x315: {  	v7 =	vld [tilespmem:s7+$0x70];
	[tilespmem:s10+$0xD0] =	vst v8;
	v9 =	vmul.f32 v9, v1  }
0x316: {  	v8 =	vld [tilespmem:s7+$0xFFFFFF00];
	[tilespmem:s10+$0xE0] =	vst v3  }
0x317: {  	v1 =	vmov v5;
	v3 =	vld [tilespmem:s7+$0xFFFFFF10];
	[tilespmem:s10+$0xF0] =	vst v9;
	s10 =	smov.u32 s7  }
0x318: {  	v5 =	vld [tilespmem:s7+$0xFFFFFF20]  }
0x319: {  	v9 =	vld [tilespmem:s7+$0xFFFFFF30]  }
0x31a: {  	v10 =	vld [tilespmem:s7+$0xFFFFFF40];
	v7 =	vmul.f32 v7, v2  }
0x31b: {  	v8 =	vmul.f32 v8, v6;
	v11 =	vld [tilespmem:s7+$0xFFFFFF50]  }
0x31c: {  	v3 =	vmul.f32 v3, v6;
	v12 =	vld [tilespmem:s7+$0xFFFFFF60];
	[tilespmem:s7+$0x70] =	vst v7  }
0x31d: {  	[tilespmem:s7+$0xFFFFFF00] =	vst v8;
	v5 =	vmul.f32 v5, v6;
	v7 =	vld [tilespmem:s7+$0xFFFFFF70]  }
0x31e: {  	[tilespmem:s7+$0xFFFFFF10] =	vst v3;
	v3 =	vmul.f32 v9, v6;
	v8 =	vld [tilespmem:s7+$0xFFFFFF80]  }
0x31f: {  	[tilespmem:s7+$0xFFFFFF20] =	vst v5;
	v5 =	vmul.f32 v10, v6;
	v9 =	vld [tilespmem:s7+$0xFFFFFF90]  }
0x320: {  	[tilespmem:s7+$0xFFFFFF30] =	vst v3;
	v3 =	vmul.f32 v11, v6;
	v10 =	vld [tilespmem:s7+$0xFFFFFFA0]  }
0x321: {  	[tilespmem:s7+$0xFFFFFF40] =	vst v5;
	v5 =	vmul.f32 v12, v6;
	v11 =	vld [tilespmem:s7+$0xFFFFFFB0]  }
0x322: {  	[tilespmem:s7+$0xFFFFFF50] =	vst v3;
	v3 =	vmul.f32 v7, v6;
	v6 =	vld [tilespmem:s7+$0xFFFFFFC0]  }
0x323: {  	[tilespmem:s7+$0xFFFFFF60] =	vst v5;
	v5 =	vmul.f32 v8, v4;
	v7 =	vld [tilespmem:s7+$0xFFFFFFD0]  }
0x324: {  	[tilespmem:s7+$0xFFFFFF70] =	vst v3;
	v3 =	vmul.f32 v9, v4;
	v8 =	vld [tilespmem:s7+$0xFFFFFFE0]  }
0x325: {  	[tilespmem:s7+$0xFFFFFF80] =	vst v5;
	v5 =	vmul.f32 v10, v4;
	v9 =	vld [tilespmem:s7+$0xFFFFFFF0]  }
0x326: {  	[tilespmem:s7+$0xFFFFFF90] =	vst v3;
	v3 =	vmul.f32 v11, v4;
	v10 =	vld [tilespmem:s7+$0x0]  }
0x327: {  	[tilespmem:s7+$0xFFFFFFA0] =	vst v5;
	v5 =	vmul.f32 v6, v4;
	v6 =	vld [tilespmem:s7+$0x10]  }
0x328: {  	[tilespmem:s7+$0xFFFFFFB0] =	vst v3;
	v3 =	vmul.f32 v7, v4;
	v7 =	vld [tilespmem:s7+$0x20]  }
0x329: {  	[tilespmem:s7+$0xFFFFFFC0] =	vst v5;
	v5 =	vmul.f32 v8, v4;
	v11 =	vld [tilespmem:s7+$0x30]  }
0x32a: {  	[tilespmem:s7+$0xFFFFFFD0] =	vst v3;
	v3 =	vmul.f32 v9, v4;
	v9 =	vld [tilespmem:s7+$0x40]  }
.Ltmp7:
0x32b: {  	[tilespmem:s7+$0xFFFFFFE0] =	vst v5;
	v5 =	vmul.f32 v10, v2;
	v4 =	vld [tilespmem:s7+$0x50];
	(pc) =	sbr.rel @p1 .LBB2_16-.Ltmp7, $4  }
0x32c: {  	[tilespmem:s7+$0xFFFFFFF0] =	vst v3;
	v6 =	vmul.f32 v6, v2;
	v3 =	vld [tilespmem:s7+$0x60]  }
0x32d: {  	s4 =	sadd.s32 $0x3, s21;
	v10 =	vmov s21;
	[tilespmem:s7+$0x0] =	vst v5;
	v13 =	vmul.f32 v7, v2;
	v8 =	vld [tilespmem:s7+$0x80]  }
0x32e: {  	s22 =	sadd.s32 $0x1, s21;
	v12 =	vand.u32 $0xFFFFFFFC, v10;
	v5 =	vmov s4;
	[tilespmem:s7+$0x10] =	vst v6;
	v10 =	vmul.f32 v11, v2;
	v7 =	vld [tilespmem:s7+$0x90]  }
0x32f: {  	v6 =	vbroadcast v12, $0x0;
	v12 =	vmov s22;
	s22 =	sadd.s32 $0x2, s21;
	s21 =	sadd.s32 $0x4, s21;
	[tilespmem:s7+$0x20] =	vst v13;
	v11 =	vmul.f32 v9, v2;
	v9 =	vld [tilespmem:s7+$0xA0]  }
0x330: {  	v13 =	vld [tilespmem:s7+$0xB0]  }
0x331: {  	v15 =	vld [tilespmem:s7+$0xC0]  }
0x332: {  	v16 =	vld [tilespmem:s7+$0xD0]  }
0x333: {  	v17 =	vld [tilespmem:s7+$0xE0]  }
0x334: {  	v29 =	vld [tilespmem:s7+$0xF0];
	[tilespmem:s7+$0x30] =	vst v10;
	v4 =	vmul.f32 v4, v2  }
0x335: {  	v5 =	vld.idx.msk [tilespmem:v5+s16+$0x0], $0xffff;
	[tilespmem:s7+$0x40] =	vst v11;
	v2 =	vmul.f32 v3, v2  }
0x336: {  	s21 =	sadd.s32 $0x200, s7;
	v3 =	vld.idx.msk [tilespmem:v6+s16+$0x0], $0xffff;
	v8 =	vmul.f32 v8, v1;
	[tilespmem:s7+$0x50] =	vst v4  }
0x337: {  	v14 =	vmov s22;
	v34 =	vld [tilespmem:s21+$0x70];
	v30 =	vmul.f32 v7, v1;
	[tilespmem:s7+$0x60] =	vst v2  }
0x338: {  	v14 =	vand.u32 $0xFFFFFFFE, v14;
	v35 =	vld [tilespmem:s21+$0xFFFFFF00];
	[tilespmem:s7+$0x80] =	vst v8;
	v2 =	vmul.f32 v9, v1  }
0x339: {  	v37 =	vld [tilespmem:s21+$0xFFFFFF10];
	v14 =	vbroadcast v14, $0x0;
	[tilespmem:s7+$0x90] =	vst v30;
	v33 =	vmul.f32 v13, v1  }
0x33a: {  	v38 =	vld [tilespmem:s21+$0xFFFFFF20];
	[tilespmem:s7+$0xA0] =	vst v2;
	v2 =	vmul.f32 v15, v1  }
0x33b: {  	v12 =	vand.u32 $0xFFFFFFFD, v12;
	v39 =	vld [tilespmem:s21+$0xFFFFFF30];
	v36 =	vmul.f32 v16, v1;
	[tilespmem:s7+$0xB0] =	vst v33  }
0x33c: {  	v12 =	vbroadcast v12, $0x0;
	v41 =	vld [tilespmem:s21+$0xFFFFFF50];
	[tilespmem:s10+$0xC0] =	vst v2;
	v2 =	vmul.f32 v17, v1  }
0x33d: {  	v43 =	vld [tilespmem:s21+$0xFFFFFF60];
	[tilespmem:s10+$0xD0] =	vst v36;
	v1 =	vmul.f32 v29, v1  }
0x33e: {  	v42 =	vmul.f32 v37, v3;
	[tilespmem:s10+$0xE0] =	vst v2;
	v2 =	vld [tilespmem:s21+$0xFFFFFF40]  }
0x33f: {  	v32 =	vld.idx.msk [tilespmem:v14+s16+$0x0], $0xffff;
	[tilespmem:s10+$0xF0] =	vst v1;
	v1 =	vmul.f32 v35, v3  }
0x340: {  	v44 =	vld [tilespmem:s21+$0xFFFFFF70];
	v4 =	vmul.f32 v39, v3;
	[tilespmem:s21+$0xFFFFFF10] =	vst v42  }
0x341: {  	v45 =	vld [tilespmem:s21+$0xFFFFFF80];
	[tilespmem:s21+$0xFFFFFF00] =	vst v1;
	v1 =	vmul.f32 v38, v3  }
0x342: {  	v46 =	vmul.f32 v41, v3;
	v31 =	vld.idx.msk [tilespmem:v12+s16+$0x0], $0xffff;
	[tilespmem:s21+$0xFFFFFF30] =	vst v4  }
0x343: {  	[tilespmem:s21+$0xFFFFFF20] =	vst v1;
	v1 =	vmul.f32 v2, v3;
	v2 =	vld [tilespmem:s21+$0xFFFFFF90]  }
0x344: {  	v47 =	vld [tilespmem:s21+$0xFFFFFFA0];
	[tilespmem:s21+$0xFFFFFF50] =	vst v46;
	v40 =	vmul.f32 v34, v32  }
0x345: {  	v48 =	vld [tilespmem:s21+$0xFFFFFFB0];
	[tilespmem:s21+$0xFFFFFF40] =	vst v1;
	v1 =	vmul.f32 v43, v3  }
0x346: {  	v49 =	vld [tilespmem:s21+$0xFFFFFFC0];
	[tilespmem:s21+$0x70] =	vst v40;
	v3 =	vmul.f32 v44, v3  }
0x347: {  	v50 =	vld [tilespmem:s21+$0xFFFFFFD0];
	[tilespmem:s21+$0xFFFFFF60] =	vst v1;
	v1 =	vmul.f32 v45, v31  }
0x348: {  	[tilespmem:s21+$0xFFFFFF70] =	vst v3;
	v3 =	vld [tilespmem:s21+$0xFFFFFFE0];
	v2 =	vmul.f32 v2, v31  }
0x349: {  	v51 =	vld [tilespmem:s21+$0xFFFFFFF0];
	[tilespmem:s21+$0xFFFFFF80] =	vst v1;
	v1 =	vmul.f32 v47, v31  }
0x34a: {  	v52 =	vld [tilespmem:s21+$0x0];
	[tilespmem:s21+$0xFFFFFF90] =	vst v2;
	v2 =	vmul.f32 v48, v31  }
0x34b: {  	v53 =	vld [tilespmem:s21+$0x10];
	[tilespmem:s21+$0xFFFFFFA0] =	vst v1;
	v1 =	vmul.f32 v49, v31  }
0x34c: {  	v54 =	vld [tilespmem:s21+$0x20];
	[tilespmem:s21+$0xFFFFFFB0] =	vst v2;
	v2 =	vmul.f32 v50, v31  }
0x34d: {  	[tilespmem:s21+$0xFFFFFFC0] =	vst v1;
	v1 =	vmul.f32 v3, v31;
	v3 =	vld [tilespmem:s21+$0x30]  }
0x34e: {  	v55 =	vld [tilespmem:s21+$0x40];
	[tilespmem:s21+$0xFFFFFFD0] =	vst v2;
	v2 =	vmul.f32 v51, v31  }
0x34f: {  	v56 =	vld [tilespmem:s21+$0x50];
	[tilespmem:s21+$0xFFFFFFE0] =	vst v1;
	v1 =	vmul.f32 v52, v32  }
0x350: {  	v57 =	vld [tilespmem:s21+$0x60];
	[tilespmem:s21+$0xFFFFFFF0] =	vst v2;
	v2 =	vmul.f32 v53, v32  }
0x351: {  	v58 =	vld [tilespmem:s21+$0x80];
	[tilespmem:s21+$0x0] =	vst v1;
	v1 =	vmul.f32 v54, v32  }
0x352: {  	[tilespmem:s21+$0x10] =	vst v2;
	v2 =	vmul.f32 v3, v32;
	v3 =	vld [tilespmem:s21+$0x90]  }
0x353: {  	v59 =	vld [tilespmem:s21+$0xA0];
	[tilespmem:s21+$0x20] =	vst v1;
	v1 =	vmul.f32 v55, v32  }
0x354: {  	v60 =	vld [tilespmem:s21+$0xB0];
	[tilespmem:s21+$0x30] =	vst v2;
	v2 =	vmul.f32 v56, v32  }
0x355: {  	v61 =	vld [tilespmem:s21+$0xC0];
	[tilespmem:s21+$0x40] =	vst v1;
	v1 =	vmul.f32 v57, v32  }
0x356: {  	v62 =	vld [tilespmem:s21+$0xD0];
	[tilespmem:s21+$0x50] =	vst v2;
	v2 =	vmul.f32 v58, v5  }
0x357: {  	[tilespmem:s21+$0x60] =	vst v1;
	v1 =	vmul.f32 v3, v5;
	v3 =	vld [tilespmem:s21+$0xE0]  }
0x358: {  	v63 =	vld [tilespmem:s21+$0xF0];
	[tilespmem:s21+$0x80] =	vst v2;
	v2 =	vmul.f32 v59, v5  }
0x359: {  	[tilespmem:s21+$0x90] =	vst v1;
	v1 =	vmul.f32 v60, v5  }
0x35a: {  	[tilespmem:s21+$0xA0] =	vst v2;
	v2 =	vmul.f32 v61, v5  }
0x35b: {  	[tilespmem:s21+$0xB0] =	vst v1;
	v1 =	vmul.f32 v62, v5  }
0x35c: {  	[tilespmem:s21+$0xC0] =	vst v2;
	v2 =	vmul.f32 v3, v5  }
0x35d: {  	[tilespmem:s21+$0xD0] =	vst v1;
	v1 =	vmul.f32 v63, v5  }
0x35e: {  	[tilespmem:s21+$0xE0] =	vst v2  }
0x35f: {  	s4 =	simm.s32 $0x600;
	[tilespmem:s21+$0xF0] =	vst v1  }
0x360: {  	[spmem:s3] =	stream.indirect.scatter.add.f32 [tilespmem:s8], [sflag:$0x9], $0x80, s4, s6, $0xb8;
	[tilespmem:$0x1F680] =	vst v63  }
0x361: {  	_ =	swait.ge [sflag:s30], $0x2800  }
0x362: {  	[sflag:s30] =	ssyncset.done $0x0  }
0x363: {  	s24 =	simm.s32 $0xA;
	[sflag:s30] =	ssyncadd.s32 $0xFFFFD800  }
0x364: {  	_ =	swait.ge [sflag:s24], $0x2800  }
0x365: {  	[sflag:s24] =	ssyncset.done $0x0  }
0x366: {  	s29 =	simm.s32 $0xB;
	[sflag:s24] =	ssyncadd.s32 $0xFFFFD800  }
0x367: {  	_ =	swait.ge [sflag:s29], $0x2800  }
0x368: {  	[sflag:s29] =	ssyncset.done $0x0  }
0x369: {  	s7 =	simm.s32 $0xC;
	[sflag:s29] =	ssyncadd.s32 $0xFFFFD800  }
0x36a: {  	_ =	swait.ge [sflag:s7], $0x2800  }
0x36b: {  	[sflag:s7] =	ssyncset.done $0x0  }
0x36c: {  	[sflag:s7] =	ssyncadd.s32 $0xFFFFD800  }
0x36d: {  	[bflag:$0x0] =	sbarrier.arrive $0xFFFF  }
0x36e: {  	s10 =	sshll.u32 s0, $0x6;
	s21 =	rddreg [dreg:$0x6]  }
0x36f: {  	s4 =	sor.u32 $0x1C0D, s10;
	s22 =	rddreg [dreg:$0x12]  }
0x370: {  	[hbm:s21], [sflag:s4] =	dma.local [spmem:s22], $0x500  }
0x371: {  	s21 =	simm.s32 $0xD  }
0x372: {  	_ =	swait.ge [sflag:s21], $0x500  }
0x373: {  	[sflag:s21] =	ssyncset.done $0x0;
	s24 =	rddreg [dreg:$0x7]  }
0x374: {  	s29 =	rddreg [dreg:$0x13];
	[sflag:s21] =	ssyncadd.s32 $0xFFFFFB00  }
0x375: {  	[hbm:s24], [sflag:s4] =	dma.local [spmem:s29], $0x500  }
0x376: {  	_ =	swait.ge [sflag:s21], $0x500  }
0x377: {  	[sflag:s21] =	ssyncset.done $0x0;
	s10 =	rddreg [dreg:$0x8]  }
0x378: {  	s22 =	rddreg [dreg:$0x14];
	[sflag:s21] =	ssyncadd.s32 $0xFFFFFB00  }
0x379: {  	[hbm:s10], [sflag:s4] =	dma.local [spmem:s22], $0x500  }
0x37a: {  	_ =	swait.ge [sflag:s21], $0x500  }
0x37b: {  	[sflag:s21] =	ssyncset.done $0x0;
	s24 =	rddreg [dreg:$0x9]  }
0x37c: {  	s29 =	rddreg [dreg:$0x15];
	[sflag:s21] =	ssyncadd.s32 $0xFFFFFB00  }
0x37d: {  	[hbm:s24], [sflag:s4] =	dma.local [spmem:s29], $0x500  }
0x37e: {  	_ =	swait.ge [sflag:s21], $0x500  }
0x37f: {  	[sflag:s21] =	ssyncset.done $0x0;
	s10 =	rddreg [dreg:$0xa]  }
0x380: {  	s22 =	rddreg [dreg:$0x16];
	[sflag:s21] =	ssyncadd.s32 $0xFFFFFB00  }
0x381: {  	[hbm:s10], [sflag:s4] =	dma.local [spmem:s22], $0x500  }
0x382: {  	_ =	swait.ge [sflag:s21], $0x500  }
0x383: {  	[sflag:s21] =	ssyncset.done $0x0;
	s24 =	rddreg [dreg:$0xb]  }
0x384: {  	s29 =	rddreg [dreg:$0x17];
	[sflag:s21] =	ssyncadd.s32 $0xFFFFFB00  }
0x385: {  	[hbm:s24], [sflag:s4] =	dma.local [spmem:s29], $0x500  }
0x386: {  	_ =	swait.ge [sflag:s21], $0x500  }
0x387: {  	[sflag:s21] =	ssyncset.done $0x0;
	s10 =	rddreg [dreg:$0xc]  }
0x388: {  	s22 =	rddreg [dreg:$0x18];
	[sflag:s21] =	ssyncadd.s32 $0xFFFFFB00  }
0x389: {  	[hbm:s10], [sflag:s4] =	dma.local [spmem:s22], $0x500  }
0x38a: {  	_ =	swait.ge [sflag:s21], $0x500  }
0x38b: {  	[sflag:s21] =	ssyncset.done $0x0;
	s7 =	rddreg [dreg:$0xd]  }
0x38c: {  	s10 =	rddreg [dreg:$0x19];
	[sflag:s21] =	ssyncadd.s32 $0xFFFFFB00  }
0x38d: {  	[hbm:s7], [sflag:s4] =	dma.local @!p0 [spmem:s10], $0x500  }
0x38e: {  	s4 =	simm.s32 @!p0 $0xD  }
0x38f: {  	_ =	swait.ge @!p0 [sflag:s4], $0x500  }
0x390: {  	s24 =	rddreg [dreg:$0x1a]  }
0x391: {  	s29 =	rddreg [dreg:$0x10];
	s7 =	sadd.s32 $0x1, s24  }
0x392: {  	p1 =	sne.s32 s7, s29  }
.Ltmp8:
0x393: {  	_ = 	snop;
	(pc) =	sbr.rel @p1 .LBB2_1-.Ltmp8, $3  }
0x394: {  	[sflag:s4] =	ssyncset.done @!p0 $0x0  }
0x395: {  	[sflag:s4] =	ssyncadd.s32 @!p0 $0xFFFFFB00  }
0x396: {  	[bflag:$0x0] =	sbarrier.arrive $0xFFFF;
	_ =	sdelay $0x1  }
0x397: {  	_ =	sfence.sel $0x180000  }
0x398: {  	[bflag:$0x0] =	sbarrier.arrive $0xFFFF  }
0x399: {  	_ =	strace $0x90000047  }
0x39a: {  	[bflag:$0x2] =	sbarrier.arrive $0xFFFF  }
0x39b: {  	p0 =	sne.s32 s0, $0x0;
	s0 =	rddreg [dreg:$0x4]  }
0x39c: {  	s0 =	sadd.s32 @!p0 $0x100000, s0  }
0x39d: {  	[sflag:s0] =	ssyncadd.tile.s32 @!p0 $0x1;
	_ =	shalt  }
.Lfunc_end2:
_tile_overlayer_lowered:
.L_overlay_start_2:
0x39e: {  	(tag) =	ssettag $0x2  }
0x39f: {  	s0 =	rddreg [dreg:$0x0];
	s2 =	stileid.u32  }
0x3a0: {  	s1 =	rddreg [dreg:$0x1];
	p0 =	sne.s32 s2, $0x0  }
0x3a1: {  	s3 =	rddreg [dreg:$0x2];
	[bflag:$0x3] =	sbarrier.arrive $0xFFFF;
	s2 =	simm.s32 @!p0 $0x1C0D  }
0x3a2: {  	[timem:s3], [sflag:s2] =	dma.local @!p0 [hbm:s0], s1  }
0x3a3: {  	s0 =	simm.s32 @!p0 $0xD  }
0x3a4: {  	_ =	swait.ge @!p0 [sflag:s0], s1  }
0x3a5: {  	s1 =	ssub.s32 @!p0 $0x0, s1;
	[sflag:s0] =	ssyncset.done @!p0 $0x0  }
0x3a6: {  	[sflag:s0] =	ssyncadd.s32 @!p0 s1  }
0x3a7: {  	[bflag:$0x3] =	sbarrier.arrive $0xFFFF  }
0x3a8: {  	_ =	shalt  }

// kernel: kernel.9.cloned.1.call-start
scs
__scs_entry_jumppad:
0x0: {  	(pc) =	sbr.rel $0x88, $3  }
0x1: {  	(tag) =	ssettag $0x0;
	lr =	simm.s32 $0x1  }
0x2: {  	[smem:$0x3F9A] =	sst lr;
	_ =	strace $0xD0000000  }
0x3: {  	_ = 	snop  }
0x4: {  	_ = 	snop  }
0x5: {  	_ = 	snop  }
0x6: {  	_ = 	snop  }
0x7: {  	_ = 	snop  }
__scs_overlays_trampoline_lowered:
0x8: {  	[smem:$0x3FA9] =	sst s0  }
0x9: {  	[smem:$0x3FAA] =	sst s1  }
0xa: {  	[smem:$0x3FAB] =	sst s2  }
0xb: {  	[smem:$0x3FAC] =	sst s3  }
0xc: {  	[smem:$0x3FAD] =	sst s4  }
0xd: {  	[smem:$0x3FAE] =	sst s5  }
0xe: {  	[smem:$0x3FAF] =	sst s6  }
0xf: {  	[smem:$0x3FB0] =	sst s7  }
0x10: {  	[smem:$0x3FB1] =	sst s8  }
0x11: {  	[smem:$0x3FB2] =	sst s9;
	s0 =	simm.s32 @!p0 $0x0  }
0x12: {  	s1 =	sld [smem:$0x3F98];
	s0 =	simm.s32 @p0 $0x1  }
0x13: {  	[smem:$0x3FB3] =	sst s0;
	s0 =	simm.s32 @!p1 $0x0  }
0x14: {  	s2 =	sld [smem:$0x3F97];
	s0 =	simm.s32 @p1 $0x1  }
0x15: {  	[smem:$0x3FB4] =	sst s0;
	s0 =	simm.s32 @!p2 $0x0  }
0x16: {  	s3 =	sld [smem:$0x3FDB];
	s0 =	simm.s32 @p2 $0x1  }
0x17: {  	s4 =	simm.s32 $0x1BF5;
	[smem:$0x3FB6] =	sst s0  }
0x18: {  	s0 =	sld [smem:$0x3F99];
	_ =	swait.ge [sflag:s4], $0x0  }
0x19: {  	s7 =	sld [smem:$0x3F9A]  }
0x1a: {  	s8 =	sadd.s32 $0xFFFFE003, lr  }
0x1b: {  	s9 =	sadd.s32 $0xFFFFFEF7, lr;
	s5 =	simm.s32 $0xFFFFFFFF;
	p2 =	slt.u32 s8, $0xFFFFF086  }
0x1c: {  	p1 =	slt.u32 s9, $0xF7A;
	s5 =	simm.s32 @!p2 $0x0  }
0x1d: {  	s5 =	simm.s32 @p1 $0x1;
	p0 =	seq.s32 s7, s2  }
0x1e: {  	s7 =	smul.u32 @!p0 $0xF7A, s2;
	p2 =	seq.s32 @!p0 s5, $0x0  }
0x1f: {  	s9 =	smul.u32 $0xF7A, s1;
	s8 =	simm.s32 @!p0 $0x1BF5;
	p2 =	por !p2, p0  }
0x20: {  	[sflag:s8] =	ssyncset.s32 @!p0 $0xFFFFF086;
	s6 =	sadd.s32 @!p0 s3, s7;
	s7 =	simm.s32 @!p0 $0x108  }
0x21: {  	s3 =	sadd.s32 s3, s9;
	s6 =	sadd.s32 @!p0 $0x88, s6;
	s7 =	simm.s32 @p2 $0x1082  }
0x22: {  	[simem:s7], [sflag:s8] =	dma.local @!p0 [hbm:s6], $0xF7A  }
0x23: {  	s9 =	sor.u32 $0xD0000000, s2;
	s6 =	simm.s32 $0x108;
	_ =	swait.ge @!p0 [sflag:s8], $0x0  }
0x24: {  	s3 =	sadd.s32 $0x88, s3;
	s6 =	simm.s32 @!p1 $0x1082;
	[sflag:s4] =	ssyncset.s32 $0xFFFFF086  }
0x25: {  	[simem:s6], [sflag:s4] =	dma.local [hbm:s3], $0xF7A  }
0x26: {  	[smem:$0x3F9A] =	sst s1;
	(tag) =	ssettag s2;
	_ =	strace s9  }
0x27: {  	s1 =	sld [smem:$0x3FAA]  }
0x28: {  	s2 =	sld [smem:$0x3FAB]  }
0x29: {  	s4 =	sld [smem:$0x3FAD]  }
0x2a: {  	p0 =	seq.s32 s5, $0x0;
	s5 =	sld [smem:$0x3FAE]  }
0x2b: {  	s6 =	sld [smem:$0x3FAF]  }
0x2c: {  	s7 =	sld [smem:$0x3FB0]  }
0x2d: {  	s3 =	simm.s32 $0x108;
	s8 =	sld [smem:$0x3FB1]  }
0x2e: {  	s3 =	simm.s32 @!p0 $0x1082;
	s9 =	sld [smem:$0x3FB2]  }
0x2f: {  	lr =	sadd.s32 s0, s3;
	s0 =	sld [smem:$0x3FA9]  }
0x30: {  	s3 =	sld [smem:$0x3FAC]  }
0x31: {  	[smem:$0x3FB5] =	sst s10  }
0x32: {  	s10 =	sld [smem:$0x3FB3];
	_ =	sdelay $0x3  }
0x33: {  	p0 =	seq.s32 s10, $0x1;
	s10 =	sld [smem:$0x3FB5];
	_ =	sdelay $0x3  }
0x34: {  	[smem:$0x3FB5] =	sst s10  }
0x35: {  	s10 =	sld [smem:$0x3FB4];
	_ =	sdelay $0x3  }
0x36: {  	p1 =	seq.s32 s10, $0x1;
	s10 =	sld [smem:$0x3FB5];
	_ =	sdelay $0x3  }
0x37: {  	[smem:$0x3FB5] =	sst s10  }
0x38: {  	s10 =	sld [smem:$0x3FB6]  }
0x39: {  	_ = 	snop;
	(pc) =	sbr.ind lr, $3  }
0x3a: {  	_ = 	snop  }
0x3b: {  	_ = 	snop  }
0x3c: {  	p2 =	seq.s32 s10, $0x1;
	s10 =	sld [smem:$0x3FB5]  }
0x3d: {  	_ =	shalt  }
0x3e: {  	_ =	shalt  }
0x3f: {  	_ =	shalt  }
0x40: {  	_ =	shalt  }
0x41: {  	_ =	shalt  }
0x42: {  	_ =	shalt  }
0x43: {  	_ =	shalt  }
0x44: {  	_ =	shalt  }
0x45: {  	_ =	shalt  }
0x46: {  	_ =	shalt  }
0x47: {  	_ =	shalt  }
0x48: {  	_ =	shalt  }
0x49: {  	_ =	shalt  }
0x4a: {  	_ =	shalt  }
0x4b: {  	_ =	shalt  }
0x4c: {  	_ =	shalt  }
0x4d: {  	_ =	shalt  }
0x4e: {  	_ =	shalt  }
0x4f: {  	_ =	shalt  }
0x50: {  	_ =	shalt  }
0x51: {  	_ =	shalt  }
0x52: {  	_ =	shalt  }
0x53: {  	_ =	shalt  }
0x54: {  	_ =	shalt  }
0x55: {  	_ =	shalt  }
0x56: {  	_ =	shalt  }
0x57: {  	_ =	shalt  }
0x58: {  	_ =	shalt  }
0x59: {  	_ =	shalt  }
0x5a: {  	_ =	shalt  }
0x5b: {  	_ =	shalt  }
0x5c: {  	_ =	shalt  }
0x5d: {  	_ =	shalt  }
0x5e: {  	_ =	shalt  }
0x5f: {  	_ =	shalt  }
0x60: {  	_ =	shalt  }
0x61: {  	_ =	shalt  }
0x62: {  	_ =	shalt  }
0x63: {  	_ =	shalt  }
0x64: {  	_ =	shalt  }
0x65: {  	_ =	shalt  }
0x66: {  	_ =	shalt  }
0x67: {  	_ =	shalt  }
0x68: {  	_ =	shalt  }
0x69: {  	_ =	shalt  }
0x6a: {  	_ =	shalt  }
0x6b: {  	_ =	shalt  }
0x6c: {  	_ =	shalt  }
0x6d: {  	_ =	shalt  }
0x6e: {  	_ =	shalt  }
0x6f: {  	_ =	shalt  }
0x70: {  	_ =	shalt  }
0x71: {  	_ =	shalt  }
0x72: {  	_ =	shalt  }
0x73: {  	_ =	shalt  }
0x74: {  	_ =	shalt  }
0x75: {  	_ =	shalt  }
0x76: {  	_ =	shalt  }
0x77: {  	_ =	shalt  }
0x78: {  	_ =	shalt  }
0x79: {  	_ =	shalt  }
0x7a: {  	_ =	shalt  }
0x7b: {  	_ =	shalt  }
0x7c: {  	_ =	shalt  }
0x7d: {  	_ =	shalt  }
0x7e: {  	_ =	shalt  }
0x7f: {  	_ =	shalt  }
0x80: {  	_ =	shalt  }
0x81: {  	_ =	shalt  }
0x82: {  	_ =	shalt  }
0x83: {  	_ =	shalt  }
0x84: {  	_ =	shalt  }
0x85: {  	_ =	shalt  }
0x86: {  	_ =	shalt  }
0x87: {  	_ =	shalt  }
.Lfunc_end0:
.L_simem_size_0:
called_computation.1_lowered:
.L_overlay_start_0:
0x88: {  	s2 =	sld [smem:$0x3FD9]  }
0x89: {  	s3 =	sld [smem:$0x3FFE];
	_ =	sdelay $0x1  }
0x8a: {  	s1 =	srdreg.scid  }
0x8b: {  	s0 =	sand.u32 $0x1, s1  }
0x8c: {  	s17 =	sshll.u32 s0, $0xA;
	s2 =	sadd.s32 s3, s2  }
0x8d: {  	s2 =	sadd.s32 s2, s17  }
0x8e: {  	[smem:$0x3FC1] =	sst s2  }
0x8f: {  	_ = 	snop  }
0x90: {  	s2 =	sld [smem:$0x3FD0];
	(tm) =	ssettm $0x1  }
0x91: {  	s18 =	sld [smem:$0x3FFB];
	_ =	sdelay $0x3  }
0x92: {  	_ =	strace s18  }
0x93: {  	s3 =	sld [smem:$0x3FFC];
	_ =	sdelay $0x3  }
0x94: {  	_ =	strace s3  }
0x95: {  	s3 =	sld [smem:$0x3FFD];
	_ =	sdelay $0x3  }
0x96: {  	_ =	strace s3  }
0x97: {  	_ =	strace $0x8FFFFFFF  }
0x98: {  	s19 =	sld [smem:$0x3FDB];
	_ =	sdelay $0x1  }
0x99: {  	s4 =	simm.s32 $_scs_section_size  }
0x9a: {  	s5 =	simm.s32 $_size__tile_overlayer_lowered;
	s6 =	simm.s32 $_tile_overlayer_lowered  }
0x9b: {  	s22 =	simm.s32 $0x1BFF;
	s21 =	sshll.u32 s6, $0x1;
	s3 =	sadd.s32 s4, s19  }
0x9c: {  	s7 =	simm.s32 $0x0;
	s20 =	sshll.u32 s5, $0x1;
	s5 =	sadd.s32 s21, s3  }
0x9d: {  	[timem:s7], [sflag:s22] =	dma.local [hbm:s5], s20  }
0x9e: {  	_ =	swait.ge [sflag:s22], s20  }
0x9f: {  	s4 =	ssub.s32 $0x0, s20;
	[sflag:s22] =	ssyncset.done $0x0  }
0xa0: {  	[sflag:s22] =	ssyncadd.s32 s4;
	_ =	sdelay $0x1  }
0xa1: {  	s23 =	simm.s32 $0x1B8B  }
0xa2: {  	_ =	swait.ge [sflag:s23], $0x1  }
0xa3: {  	[sflag:s23] =	ssyncset.done $0x0  }
0xa4: {  	s25 =	simm.s32 $0x1B8E;
	s24 =	sld [smem:$0x3FFE];
	[sflag:s23] =	ssyncadd.s32 $0xFFFFFFFF  }
0xa5: {  	s26 =	simm.s32 $execute0_lowered;
	[smem:$0x3FD2] =	sst s25  }
0xa6: {  	s5 =	sshll.u32 s26, $0x1;
	_ =	strace $0x80000049;
	[dreg:$0x1] =	wrdreg $0xFFFFFFFF  }
0xa7: {  	s28 =	simm.s32 $_size_execute0_lowered;
	s3 =	sadd.s32 s3, s5;
	[dreg:$0x0] =	wrdreg $0x0  }
0xa8: {  	s5 =	sshll.u32 s28, $0x1;
	[dreg:$0x2] =	wrdreg s3  }
0xa9: {  	[dreg:$0x3] =	wrdreg s5  }
0xaa: {  	[dreg:$0x4] =	wrdreg $0xC0  }
0xab: {  	_ =	task [dreg:s7], $0x5FFFF  }
0xac: {  	[dreg:$0x1] =	wrdreg $0xFFFFFFFF  }
0xad: {  	[dreg:$0x0] =	wrdreg $0x60  }
0xae: {  	[dreg:$0x2] =	wrdreg s2  }
0xaf: {  	[dreg:$0x3] =	wrdreg s24  }
0xb0: {  	[dreg:$0x4] =	wrdreg $0xBE000  }
0xb1: {  	[dreg:$0x5] =	wrdreg $0x9  }
0xb2: {  	_ =	task.clear_ibuf [dreg:s7], $0x6FFFF;
	_ =	strace $0x90000049  }
0xb3: {  	s29 =	simm.s32 $0x9;
	_ =	strace $0x8000004B  }
0xb4: {  	_ =	swait.ge [sflag:s29], $0x1  }
0xb5: {  	[sflag:s29] =	ssyncadd.s32 $0xFFFFFFFF  }
0xb6: {  	_ =	strace $0x9000004B  }
0xb7: {  	_ =	sfence  }
0xb8: {  	s30 =	sld [smem:$0x0];
	_ =	sdelay $0x2  }
0xb9: {  	s31 =	sshll.u32 s1, $0xD;
	s1 =	sshrl.u32 s1, $0x2  }
0xba: {  	s3 =	sand.u32 $0x4000, s31;
	s1 =	sadd.s32 s1, s30  }
0xbb: {  	s0 =	sor.u32 s3, s0;
	s1 =	sshll.u32 s1, $0x11  }
0xbc: {  	s0 =	sor.u32 s1, s0  }
0xbd: {  	s0 =	sadd.s32 $0x8F2B, s0  }
0xbe: {  	[sflag:s0] =	ssyncadd.remote.s32 $0x1  }
0xbf: {  	_ =	sfence.sel $0xFFFF  }
0xc0: {  	[dreg:$0x0] =	wrdreg $0xFFFFFFFF;
	(pc) =	sbr.abs _section_cstart, $3  }
0xc1: {  	[dreg:$0x1] =	wrdreg $0xFFFFFFFF  }
0xc2: {  	_ =	task.clear_ibuf [dreg:s7], $0x2FFFF;
	_ =	strace $0x9FFFFFFF  }
0xc3: {  	(tm) =	ssettm $0x7FFFFFFF  }
tec
execute0_lowered:
.L_overlay_start_1:
0x0: {  	(tag) =	ssettag $0x1  }
0x1: {  	s1 =	rddreg [dreg:$0x0]  }
0x2: {  	s0 =	rddreg [dreg:$0x1]  }
0x3: {  	s2 =	rddreg [dreg:$0x2];
	s3 =	srdreg.scid  }
0x4: {  	s4 =	simm.s32 $0x0;
	s29 =	simm.s32 $0x8000;
	s30 =	simm.s32 $0x6  }
0x5: {  	s31 =	simm.s32 $0xA880;
	s6 =	sand.u32 $0x1, s3;
	s3 =	stileid.u32  }
0x6: {  	[smem:$0x7FF] =	sst s4;
	s22 =	smul.u32 $0xA000, s3;
	s12 =	sor.u32 $0x10, s3  }
0x7: {  	s4 =	simm.s32 $0x0;
	s5 =	sshll.u32 s6, $0x4;
	s24 =	smul.u32 $0xA000, s12  }
0x8: {  	_ =	strace $0x8000004A;
	s26 =	sor.u32 $0x20, s3;
	s25 =	smul.u32 $0x50, s12  }
0x9: {  	s8 =	ssub.s32 $0x2, s6;
	s6 =	sshll.u32 s6, $0x2;
	s28 =	smul.u32 $0xA000, s26  }
0xa: {  	s15 =	sor.u32 $0x30, s3;
	s7 =	sor.u32 s3, s5;
	s12 =	smul.u32 $0x50, s26  }
0xb: {  	s5 =	sadd.s32 $0x1400, s0;
	s10 =	sshrl.u32 s8, $0x1;
	s17 =	smul.u32 $0xA000, s15  }
0xc: {  	s0 =	sadd.s32 $0x20800, s0;
	[dreg:$0x9] =	wrdreg s6;
	s9 =	smul.u32 $0x7D00, s7  }
0xd: {  	s11 =	smul.u32 $0xFA0, s7;
	[dreg:$0x4] =	wrdreg s0;
	s18 =	ssub.s32 s8, s10  }
0xe: {  	s7 =	smul.u32 $0x7D, s7;
	s16 =	sshrl.u32 s22, $0x2;
	s22 =	sor.u32 $0x50, s3  }
0xf: {  	[dreg:$0x8] =	wrdreg s25;
	s0 =	smax.u32 s18, $0x1;
	s18 =	smul.u32 $0x50, s15  }
0x10: {  	[dreg:$0xa] =	wrdreg s12;
	s15 =	smul.u32 $0xA000, s22;
	s19 =	sshrl.u32 s9, $0x3  }
0x11: {  	s20 =	sadd.s32 s5, s11;
	s10 =	sadd.s32 $0x3, s7;
	s11 =	sadd.s32 $0x4, s7  }
0x12: {  	s13 =	sadd.s32 $0x5, s7;
	s14 =	sadd.s32 $0x6, s7;
	[dreg:$0xb] =	wrdreg s0  }
0x13: {  	s0 =	sadd.s32 s16, s2;
	s7 =	sshrl.u32 s28, $0x2;
	s9 =	sshrl.u32 s17, $0x2  }
0x14: {  	s17 =	sor.u32 $0x70, s3;
	[dreg:$0x5] =	wrdreg s20;
	s8 =	sadd.s32 s5, s19  }
0x15: {  	[dreg:$0xc] =	wrdreg s18;
	s19 =	sor.u32 $0x40, s3;
	s7 =	sadd.s32 s7, s2  }
0x16: {  	s9 =	sadd.s32 s9, s2;
	s15 =	sshrl.u32 s15, $0x2;
	s18 =	smul.u32 $0xA000, s17  }
0x17: {  	s21 =	sadd.s32 $0x20, s8;
	s23 =	sadd.s32 $0x40, s8;
	s20 =	smul.u32 $0xA000, s19  }
0x18: {  	s8 =	sshrl.u32 s24, $0x2;
	[dreg:$0x6] =	wrdreg s21;
	s21 =	smul.u32 $0x50, s19  }
0x19: {  	s24 =	sor.u32 $0x60, s3;
	[dreg:$0x7] =	wrdreg s23;
	s23 =	smul.u32 $0x50, s22  }
0x1a: {  	p0 =	sgt.u32 s17, $0x7C;
	s0 =	sshrl.u32 s0, $0x3;
	s16 =	smul.u32 $0xA000, s24  }
0x1b: {  	s15 =	sadd.s32 s15, s2;
	[dreg:$0x12] =	wrdreg s0;
	s19 =	smul.u32 $0x5000, s3  }
0x1c: {  	s8 =	sadd.s32 s8, s2;
	s25 =	smul.u32 $0x50, s24;
	s22 =	sshrl.u32 s7, $0x3  }
0x1d: {  	s26 =	sshrl.u32 s18, $0x2;
	s7 =	simm.s32 $0x1;
	[dreg:$0x14] =	wrdreg s22  }
0x1e: {  	s18 =	simm.s32 $0x8;
	s12 =	sshrl.u32 s20, $0x2;
	[dreg:$0xd] =	wrdreg s21  }
0x1f: {  	s6 =	sadd.s32 s26, s2;
	s22 =	simm.s32 $0x5;
	[dreg:$0xe] =	wrdreg s23  }
0x20: {  	s12 =	sadd.s32 s12, s2;
	s16 =	sshrl.u32 s16, $0x2;
	[dreg:$0xf] =	wrdreg s25  }
0x21: {  	s28 =	sshrl.u32 s19, $0x2;
	s19 =	smul.u32 $0x50, s17;
	s21 =	sshrl.u32 s8, $0x3  }
0x22: {  	s23 =	sshrl.u32 s9, $0x3;
	s25 =	sshrl.u32 s15, $0x3;
	[dreg:$0x13] =	wrdreg s21  }
0x23: {  	s0 =	sshrl.u32 @!p0 s6, $0x3;
	s8 =	simm.s32 $0x50;
	[dreg:$0x15] =	wrdreg s23  }
0x24: {  	s17 =	simm.s32 $0x9;
	s15 =	simm.s32 $0x7;
	[dreg:$0x17] =	wrdreg s25  }
0x25: {  	s16 =	sadd.s32 s16, s2;
	s20 =	sadd.s32 s28, s2;
	[dreg:$0x19] =	wrdreg s0  }
0x26: {  	s24 =	sshrl.u32 s12, $0x3;
	s28 =	smul.u32 $0x50, s3;
	[dreg:$0x10] =	wrdreg s19  }
0x27: {  	s12 =	simm.s32 $0x800;
	s21 =	simm.s32 $0x5800;
	[dreg:$0x11] =	wrdreg s20  }
0x28: {  	s23 =	simm.s32 $0xA900;
	[dreg:$0x16] =	wrdreg s24;
	s26 =	sshrl.u32 s16, $0x3  }
0x29: {  	s19 =	simm.s32 $0x3;
	s24 =	simm.s32 $0xA800;
	[dreg:$0x18] =	wrdreg s26  }
0x2a: {  	v0 =	vimm.f32 $0.0e+00;
	s20 =	simm.s32 $0xA980;
	[dreg:$0x1a] =	wrdreg s28;
	s26 =	simm.s32 $0x4  }
.LBB2_1:
0x2b: {  	[dreg:$0x1b] =	wrdreg s4;
	s0 =	simm.s32 $0x0;
	s6 =	simm.s32 $0x200  }
.LBB2_2:
0x2c: {  	p1 =	sne.s32 s6, $0x4E00;
	[tilespmem:s0+$0xAA70] =	vst v0  }
0x2d: {  	[tilespmem:s0+$0xAA00] =	vst v0  }
0x2e: {  	[tilespmem:s0+$0xAA10] =	vst v0  }
.Ltmp0:
0x2f: {  	[tilespmem:s0+$0xAA20] =	vst v0;
	(pc) =	sbr.rel @p1 .LBB2_2-.Ltmp0, $4  }
0x30: {  	[tilespmem:s0+$0xAA30] =	vst v0  }
0x31: {  	[tilespmem:s0+$0xAA40] =	vst v0  }
0x32: {  	[tilespmem:s0+$0xAA50] =	vst v0  }
0x33: {  	[tilespmem:s0+$0xAA60] =	vst v0;
	s0 =	sshra.s32 s6, $0x2;
	s6 =	sadd.s32 $0x200, s6  }
0x34: {  	[tilespmem:s0+$0xAA70] =	vst v0  }
0x35: {  	[tilespmem:s0+$0xAA00] =	vst v0  }
0x36: {  	[tilespmem:s0+$0xAA10] =	vst v0  }
0x37: {  	[tilespmem:s0+$0xAA20] =	vst v0  }
0x38: {  	[tilespmem:s0+$0xAA30] =	vst v0  }
0x39: {  	[tilespmem:s0+$0xAA40] =	vst v0  }
0x3a: {  	[tilespmem:s0+$0xAA50] =	vst v0  }
0x3b: {  	[tilespmem:s0+$0xAA60] =	vst v0;
	s28 =	simm.s32 $0x0  }
.LBB2_4:
0x3c: {  	s0 =	rddreg [dreg:$0x5];
	s6 =	simm.s32 $0x0  }
0x3d: {  	[tilespmem:s6], [sflag:$0x1] =	stream.linear.gather [hbm4b:s0+s6], $0x100, $0x38;
	[tilespmem:$0x1F680] =	vst v63  }
0x3e: {  	s9 =	rddreg [dreg:$0x6];
	s4 =	simm.s32 $0x100  }
0x3f: {  	[tilespmem:s4], [sflag:$0x2] =	stream.linear.gather [hbm4b:s9+s6], $0x100, $0x38;
	[tilespmem:$0x1F680] =	vst v63  }
0x40: {  	s16 =	rddreg [dreg:$0x7];
	s25 =	simm.s32 $0x200  }
0x41: {  	[tilespmem:s25], [sflag:$0x3] =	stream.linear.gather [hbm4b:s16+s6], $0x100, $0x38;
	[tilespmem:$0x1F680] =	vst v63  }
0x42: {  	_ =	swait.ge [sflag:s7], $0x100  }
0x43: {  	[sflag:s7] =	ssyncset.done $0x0  }
0x44: {  	[sflag:s7] =	ssyncadd.s32 $0xFFFFFF00  }
0x45: {  	v1 =	vld [tilespmem:$0x0]  }
0x46: {  	v2 =	vld [tilespmem:$0x50]  }
0x47: {  	v3 =	vld [tilespmem:$0xA0]  }
0x48: {  	v4 =	vld [tilespmem:$0x10];
	_ =	sdelay $0x1  }
0x49: {  	s0 =	smul.u32 $0x2710, s28;
	v5 =	vld [tilespmem:$0x60]  }
0x4a: {  	v6 =	vld [tilespmem:$0xB0];
	[tilespmem:$0x600] =	vst v2  }
0x4b: {  	v1 =	vadd.s32 s0, v1;
	v2 =	vld [tilespmem:$0x70];
	[tilespmem:$0xA800] =	vst v3  }
0x4c: {  	v3 =	vadd.s32 s0, v4;
	[tilespmem:$0x400] =	vst v1;
	v1 =	vld [tilespmem:$0x20]  }
0x4d: {  	[tilespmem:$0x410] =	vst v3;
	v3 =	vld [tilespmem:$0x30];
	_ =	sdelay $0x1  }
0x4e: {  	v55 =	vld [tilespmem:$0xC0]  }
0x4f: {  	v56 =	vld [tilespmem:$0x80];
	[tilespmem:$0x610] =	vst v5  }
0x50: {  	v57 =	vld [tilespmem:$0xD0];
	[tilespmem:$0xA810] =	vst v6  }
0x51: {  	[tilespmem:$0x620] =	vst v2;
	v1 =	vadd.s32 s0, v1;
	v2 =	vadd.s32 s0, v3;
	v3 =	vld [tilespmem:$0x90]  }
0x52: {  	[tilespmem:$0x420] =	vst v1;
	v1 =	vld [tilespmem:$0x40]  }
0x53: {  	[tilespmem:$0x430] =	vst v2;
	v2 =	vld [tilespmem:$0xE0]  }
0x54: {  	[tilespmem:$0xA820] =	vst v55  }
0x55: {  	[tilespmem:$0x630] =	vst v56  }
0x56: {  	[tilespmem:$0xA830] =	vst v57  }
0x57: {  	[tilespmem:$0x640] =	vst v3  }
0x58: {  	v1 =	vadd.s32 s0, v1;
	[tilespmem:$0xA840] =	vst v2  }
0x59: {  	s9 =	simm.s32 $0x2;
	s6 =	simm.s32 $0x400;
	[dreg:$0x1c] =	wrdreg s28;
	[tilespmem:$0x440] =	vst v1  }
0x5a: {  	[tilespmem:s12], [sflag:$0x5] =	stream.indirect.gather [hbm4b:s1+s8], $0x80, s6, s8, $0xb8;
	[tilespmem:$0x1F680] =	vst v63  }
0x5b: {  	_ =	swait.ge [sflag:s9], $0x100  }
0x5c: {  	[sflag:s9] =	ssyncset.done $0x0  }
0x5d: {  	[sflag:s9] =	ssyncadd.s32 $0xFFFFFF00  }
0x5e: {  	v1 =	vld [tilespmem:$0x100]  }
0x5f: {  	v2 =	vld [tilespmem:$0x150]  }
0x60: {  	v3 =	vld [tilespmem:$0x1A0]  }
0x61: {  	v58 =	vld [tilespmem:$0x110];
	_ =	sdelay $0x1  }
0x62: {  	v59 =	vld [tilespmem:$0x160]  }
0x63: {  	v60 =	vld [tilespmem:$0x1B0];
	[tilespmem:$0x680] =	vst v2  }
0x64: {  	v1 =	vadd.s32 s0, v1;
	v2 =	vld [tilespmem:$0x170];
	[tilespmem:$0xA880] =	vst v3  }
0x65: {  	v3 =	vadd.s32 s0, v58;
	[tilespmem:$0x480] =	vst v1;
	v1 =	vld [tilespmem:$0x120]  }
0x66: {  	[tilespmem:$0x490] =	vst v3;
	v3 =	vld [tilespmem:$0x130];
	_ =	sdelay $0x1  }
0x67: {  	v61 =	vld [tilespmem:$0x1C0]  }
0x68: {  	v62 =	vld [tilespmem:$0x180];
	[tilespmem:$0x690] =	vst v59  }
0x69: {  	v63 =	vld [tilespmem:$0x1D0];
	[tilespmem:$0xA890] =	vst v60  }
0x6a: {  	[tilespmem:$0x6A0] =	vst v2;
	v1 =	vadd.s32 s0, v1;
	v2 =	vadd.s32 s0, v3;
	v3 =	vld [tilespmem:$0x190]  }
0x6b: {  	[tilespmem:$0x4A0] =	vst v1;
	v1 =	vld [tilespmem:$0x140]  }
0x6c: {  	[tilespmem:$0x4B0] =	vst v2;
	v2 =	vld [tilespmem:$0x1E0]  }
0x6d: {  	[tilespmem:$0xA8A0] =	vst v61  }
0x6e: {  	[tilespmem:$0x6B0] =	vst v62  }
0x6f: {  	[tilespmem:$0xA8B0] =	vst v63  }
0x70: {  	[tilespmem:$0x6C0] =	vst v3  }
0x71: {  	s28 =	sadd.s32 $0x0, s3;
	v1 =	vadd.s32 s0, v1;
	[tilespmem:$0xA8C0] =	vst v2  }
0x72: {  	s16 =	simm.s32 $0x480;
	s25 =	simm.s32 $0x3000;
	p1 =	sgt.u32 s28, $0xF9;
	[tilespmem:$0x4C0] =	vst v1  }
0x73: {  	[tilespmem:s25], [sflag:$0x6] =	stream.indirect.gather [hbm4b:s1+s8], $0x80, s16, s8, $0xb8;
	[tilespmem:$0x1F680] =	vst v63  }
0x74: {  	s6 =	simm.s32 @!p1 $0xAA00;
	s4 =	rddreg [dreg:$0x11];
	s9 =	simm.s32 @!p1 $0xD  }
0x75: {  	[spmem:s4] =	stream.linear.scatter @!p1 [tilespmem:s6], [sflag:$0xD], $0x1400, $0x38;
	[tilespmem:$0x1F680] =	vst v63  }
0x76: {  	v1 =	vmov s0;
	s0 =	sadd.s32 $0x14000, s4;
	_ =	swait.ge @!p1 [sflag:s9], $0x1400  }
0x77: {  	s16 =	simm.s32 $0x20;
	s6 =	simm.s32 $0x10;
	[sflag:s9] =	ssyncset.done @!p1 $0x0  }
.LBB2_5:
0x78: {  	s25 =	sadd.s32 s6, s3;
	s6 =	smov.u32 s16;
	s16 =	sadd.s32 $0x10, s16  }
0x79: {  	[sflag:s9] =	ssyncadd.s32 @!p1 $0xFFFFEC00;
	p2 =	sne.s32 s16, $0x100  }
.Ltmp1:
0x7a: {  	p1 =	sgt.u32 s25, $0xF9;
	(pc) =	sbr.rel @p2 .LBB2_5-.Ltmp1, $4  }
0x7b: {  	s25 =	simm.s32 @!p1 $0xAA00;
	s9 =	simm.s32 @!p1 $0xD  }
0x7c: {  	[spmem:s0] =	stream.linear.scatter @!p1 [tilespmem:s25], [sflag:$0xD], $0x1400, $0x38;
	[tilespmem:$0x1F680] =	vst v63  }
0x7d: {  	_ =	swait.ge @!p1 [sflag:s9], $0x1400  }
0x7e: {  	s0 =	sadd.s32 $0x14000, s0;
	[sflag:s9] =	ssyncset.done @!p1 $0x0  }
0x7f: {  	s6 =	sadd.s32 s6, s3  }
0x80: {  	p2 =	sgt.u32 s6, $0xF9  }
0x81: {  	[sflag:s9] =	ssyncadd.s32 @!p1 $0xFFFFEC00;
	s6 =	simm.s32 @!p2 $0xAA00;
	s9 =	simm.s32 @!p2 $0xD  }
0x82: {  	[spmem:s0] =	stream.linear.scatter @!p2 [tilespmem:s6], [sflag:$0xD], $0x1400, $0x38;
	[tilespmem:$0x1F680] =	vst v63  }
0x83: {  	_ =	swait.ge @!p2 [sflag:s9], $0x1400  }
0x84: {  	[sflag:s9] =	ssyncset.done @!p2 $0x0  }
0x85: {  	[sflag:s9] =	ssyncadd.s32 @!p2 $0xFFFFEC00  }
0x86: {  	s6 =	simm.s32 $0x0;
	[bflag:$0x0] =	sbarrier.arrive $0xFFFF  }
.LBB2_7:
0x87: {  	s28 =	sshll.u32 s6, $0x2  }
0x88: {  	s0 =	sadd.s32 s28, s10  }
0x89: {  	s0 =	sshll.u32 s0, $0x5  }
0x8a: {  	s0 =	sand.u32 $0x1FFFFFE0, s0  }
0x8b: {  	s4 =	simm.s32 $0x0;
	s9 =	simm.s32 $0x300;
	s0 =	sadd.s32 s5, s0  }
0x8c: {  	[tilespmem:s9], [sflag:$0x4] =	stream.linear.gather [hbm4b:s0+s4], $0x100, $0x38;
	[tilespmem:$0x1F680] =	vst v63  }
0x8d: {  	_ =	swait.ge [sflag:s19], $0x100  }
0x8e: {  	p1 =	seq.s32 s6, $0x0;
	[sflag:s19] =	ssyncset.done $0x0  }
0x8f: {  	s0 =	simm.s32 @!p1 $0xB;
	[sflag:s19] =	ssyncadd.s32 $0xFFFFFF00  }
0x90: {  	_ =	swait.ge @!p1 [sflag:s0], $0x2800  }
0x91: {  	[sflag:s0] =	ssyncset.done @!p1 $0x0  }
0x92: {  	[sflag:s0] =	ssyncadd.s32 @!p1 $0xFFFFD800  }
0x93: {  	v2 =	vld [tilespmem:$0x200]  }
0x94: {  	v3 =	vld [tilespmem:$0x250]  }
0x95: {  	v4 =	vld [tilespmem:$0x2A0]  }
0x96: {  	v5 =	vld [tilespmem:$0x210];
	_ =	sdelay $0x1  }
0x97: {  	v6 =	vld [tilespmem:$0x260]  }
0x98: {  	v7 =	vld [tilespmem:$0x2B0];
	[tilespmem:$0x700] =	vst v3  }
0x99: {  	v2 =	vadd.s32 v1, v2;
	v3 =	vld [tilespmem:$0x270];
	[tilespmem:$0xA900] =	vst v4  }
0x9a: {  	v4 =	vadd.s32 v1, v5;
	[tilespmem:$0x500] =	vst v2;
	v2 =	vld [tilespmem:$0x220]  }
0x9b: {  	[tilespmem:$0x510] =	vst v4;
	v4 =	vld [tilespmem:$0x230];
	_ =	sdelay $0x1  }
0x9c: {  	v5 =	vld [tilespmem:$0x2C0]  }
0x9d: {  	[tilespmem:$0x710] =	vst v6;
	v6 =	vld [tilespmem:$0x280]  }
0x9e: {  	[tilespmem:$0xA910] =	vst v7;
	v7 =	vld [tilespmem:$0x2D0]  }
0x9f: {  	[tilespmem:$0x720] =	vst v3;
	v2 =	vadd.s32 v1, v2;
	v3 =	vadd.s32 v1, v4;
	v4 =	vld [tilespmem:$0x290]  }
0xa0: {  	[tilespmem:$0x520] =	vst v2;
	v2 =	vld [tilespmem:$0x240]  }
0xa1: {  	[tilespmem:$0x530] =	vst v3;
	v3 =	vld [tilespmem:$0x2E0]  }
0xa2: {  	[tilespmem:$0xA920] =	vst v5  }
0xa3: {  	[tilespmem:$0x730] =	vst v6  }
0xa4: {  	[tilespmem:$0xA930] =	vst v7  }
0xa5: {  	[tilespmem:$0x740] =	vst v4  }
0xa6: {  	v2 =	vadd.s32 v1, v2;
	[tilespmem:$0xA940] =	vst v3  }
0xa7: {  	s16 =	simm.s32 $0x500;
	s4 =	simm.s32 $0x0;
	s9 =	simm.s32 $0x2;
	[tilespmem:$0x540] =	vst v2  }
0xa8: {  	v5 =	vmov s4;
	[tilespmem:s21], [sflag:$0x7] =	stream.indirect.gather [hbm4b:s1+s8], $0x80, s16, s8, $0xb8;
	[tilespmem:$0x1F680] =	vst v63  }
0xa9: {  	v2 =	vand.u32 $0xFFFFFFFC, v5;
	v5 =	vmov s9;
	_ =	swait.ge [sflag:s22], $0x2800  }
0xaa: {  	v2 =	vbroadcast v2, $0x0;
	v4 =	vand.u32 $0xFFFFFFFE, v5;
	[sflag:s22] =	ssyncset.done $0x0  }
0xab: {  	s9 =	simm.s32 $0x900;
	v3 =	vbroadcast v4, $0x0;
	[sflag:s22] =	ssyncadd.s32 $0xFFFFD800  }
0xac: {  	v5 =	vld [tilespmem:s9+$0x70]  }
0xad: {  	v6 =	vld [tilespmem:s9+$0xFFFFFF00]  }
0xae: {  	s25 =	simm.s32 $0x1;
	v7 =	vld [tilespmem:s9+$0xFFFFFF10]  }
0xaf: {  	v4 =	vmov s25;
	v8 =	vld [tilespmem:s9+$0xFFFFFF20]  }
0xb0: {  	v4 =	vand.u32 $0xFFFFFFFD, v4;
	v2 =	vld.idx.msk [tilespmem:v2+s24+$0x0], $0xffff  }
0xb1: {  	v4 =	vbroadcast v4, $0x0;
	v3 =	vld.idx.msk [tilespmem:v3+s24+$0x0], $0xffff  }
0xb2: {  	v9 =	vld [tilespmem:s9+$0xFFFFFF30]  }
0xb3: {  	v10 =	vld [tilespmem:s9+$0xFFFFFF40]  }
0xb4: {  	v11 =	vld [tilespmem:s9+$0xFFFFFF50]  }
0xb5: {  	v12 =	vld [tilespmem:s9+$0xFFFFFF60];
	v6 =	vmul.f32 v6, v2  }
0xb6: {  	v14 =	vld [tilespmem:s9+$0x40];
	v5 =	vmul.f32 v5, v3  }
0xb7: {  	v4 =	vld.idx.msk [tilespmem:v4+s24+$0x0], $0xffff;
	[tilespmem:s9+$0xFFFFFF00] =	vst v6;
	v6 =	vmul.f32 v7, v2  }
0xb8: {  	v7 =	vld [tilespmem:s9+$0xFFFFFF70];
	[tilespmem:s9+$0x70] =	vst v5;
	v5 =	vmul.f32 v8, v2  }
0xb9: {  	v8 =	vld [tilespmem:s9+$0xFFFFFF80];
	[tilespmem:s9+$0xFFFFFF10] =	vst v6;
	v6 =	vmul.f32 v9, v2  }
0xba: {  	v9 =	vld [tilespmem:s9+$0xFFFFFF90];
	[tilespmem:s9+$0xFFFFFF20] =	vst v5;
	v5 =	vmul.f32 v10, v2  }
0xbb: {  	v10 =	vld [tilespmem:s9+$0xFFFFFFA0];
	[tilespmem:s9+$0xFFFFFF30] =	vst v6;
	v6 =	vmul.f32 v11, v2  }
0xbc: {  	v11 =	vld [tilespmem:s9+$0xFFFFFFB0];
	[tilespmem:s9+$0xFFFFFF40] =	vst v5;
	v5 =	vmul.f32 v12, v2  }
0xbd: {  	v12 =	vld [tilespmem:s9+$0xFFFFFFC0];
	v7 =	vmul.f32 v7, v2;
	[tilespmem:s9+$0xFFFFFF50] =	vst v6  }
0xbe: {  	v6 =	vmul.f32 v8, v4;
	v8 =	vld [tilespmem:s9+$0xFFFFFFD0];
	[tilespmem:s9+$0xFFFFFF60] =	vst v5  }
0xbf: {  	s4 =	simm.s32 $0x3;
	v5 =	vld [tilespmem:s9+$0xFFFFFFE0];
	v9 =	vmul.f32 v9, v4;
	[tilespmem:s9+$0xFFFFFF70] =	vst v7  }
0xc0: {  	v13 =	vmov s4;
	v7 =	vld [tilespmem:s9+$0xFFFFFFF0];
	[tilespmem:s9+$0xFFFFFF80] =	vst v6;
	v6 =	vmul.f32 v10, v4  }
0xc1: {  	v10 =	vld [tilespmem:s9+$0x0];
	[tilespmem:s9+$0xFFFFFF90] =	vst v9;
	v9 =	vmul.f32 v11, v4  }
0xc2: {  	v11 =	vld [tilespmem:s9+$0x10];
	[tilespmem:s9+$0xFFFFFFA0] =	vst v6;
	v6 =	vmul.f32 v12, v4  }
0xc3: {  	[tilespmem:s9+$0xFFFFFFB0] =	vst v9;
	v8 =	vmul.f32 v8, v4;
	v9 =	vld [tilespmem:s9+$0x20]  }
0xc4: {  	v12 =	vld [tilespmem:s9+$0x30];
	[tilespmem:s9+$0xFFFFFFC0] =	vst v6;
	v5 =	vmul.f32 v5, v4  }
0xc5: {  	v2 =	vld.idx.msk [tilespmem:v13+s24+$0x0], $0xffff;
	v4 =	vmul.f32 v7, v4;
	[tilespmem:s9+$0xFFFFFFD0] =	vst v8  }
0xc6: {  	v6 =	vmul.f32 v10, v3;
	[tilespmem:s9+$0xFFFFFFE0] =	vst v5;
	v5 =	vld [tilespmem:s9+$0x50]  }
0xc7: {  	s16 =	simm.s32 $0x4;
	[tilespmem:s9+$0xFFFFFFF0] =	vst v4;
	v7 =	vmul.f32 v11, v3;
	v4 =	vld [tilespmem:s9+$0x60]  }
0xc8: {  	s25 =	simm.s32 $0x7;
	v8 =	vmov s16;
	[tilespmem:s9+$0x0] =	vst v6;
	v10 =	vmul.f32 v9, v3;
	v9 =	vld [tilespmem:s9+$0x80]  }
0xc9: {  	s16 =	simm.s32 $0x5;
	v13 =	vand.u32 $0xFFFFFFFC, v8;
	v8 =	vld [tilespmem:s9+$0x90];
	v6 =	vmov s25;
	v11 =	vmul.f32 v12, v3;
	[tilespmem:s9+$0x10] =	vst v7  }
0xca: {  	s0 =	simm.s32 $0x6;
	s25 =	simm.s32 $0x8;
	v12 =	vmul.f32 v14, v3;
	v7 =	vbroadcast v13, $0x0;
	v13 =	vmov s16;
	s16 =	simm.s32 $0x900;
	[tilespmem:s9+$0x20] =	vst v10;
	v10 =	vld [tilespmem:s9+$0xA0]  }
.LBB2_8:
0xcb: {  	p2 =	slt.u32 s25, $0x4C;
	v13 =	vand.u32 $0xFFFFFFFD, v13;
	v14 =	vmov s0;
	[tilespmem:s9+$0x30] =	vst v11;
	v5 =	vmul.f32 v5, v3;
	v11 =	vld [tilespmem:s9+$0xB0]  }
0xcc: {  	v13 =	vbroadcast v13, $0x0;
	v14 =	vand.u32 $0xFFFFFFFE, v14;
	[tilespmem:s9+$0x40] =	vst v12;
	v3 =	vmul.f32 v4, v3;
	v4 =	vld [tilespmem:s9+$0xC0]  }
0xcd: {  	v12 =	vbroadcast v14, $0x0;
	[tilespmem:s9+$0x50] =	vst v5;
	v5 =	vmul.f32 v9, v2;
	v9 =	vld [tilespmem:s9+$0xD0]  }
0xce: {  	[tilespmem:s9+$0x60] =	vst v3;
	v3 =	vmul.f32 v8, v2;
	v8 =	vld [tilespmem:s9+$0xE0]  }
0xcf: {  	[tilespmem:s9+$0x80] =	vst v5;
	v5 =	vmul.f32 v10, v2;
	v10 =	vld [tilespmem:s9+$0xF0]  }
0xd0: {  	v6 =	vld.idx.msk [tilespmem:v6+s24+$0x0], $0xffff;
	[tilespmem:s9+$0x90] =	vst v3;
	v3 =	vmul.f32 v11, v2  }
0xd1: {  	v7 =	vld.idx.msk [tilespmem:v7+s24+$0x0], $0xffff;
	[tilespmem:s9+$0xA0] =	vst v5;
	v4 =	vmul.f32 v4, v2  }
0xd2: {  	v5 =	vld.idx.msk [tilespmem:v13+s24+$0x0], $0xffff;
	[tilespmem:s9+$0xB0] =	vst v3;
	v9 =	vmul.f32 v9, v2  }
0xd3: {  	s9 =	sadd.s32 $0x200, s9;
	v3 =	vld.idx.msk [tilespmem:v12+s24+$0x0], $0xffff;
	[tilespmem:s16+$0xC0] =	vst v4;
	v4 =	vmul.f32 v8, v2  }
0xd4: {  	v8 =	vld [tilespmem:s9+$0x70];
	[tilespmem:s16+$0xD0] =	vst v9;
	v10 =	vmul.f32 v10, v2  }
0xd5: {  	v9 =	vld [tilespmem:s9+$0xFFFFFF00];
	[tilespmem:s16+$0xE0] =	vst v4  }
0xd6: {  	v2 =	vmov v6;
	v4 =	vld [tilespmem:s9+$0xFFFFFF10];
	[tilespmem:s16+$0xF0] =	vst v10;
	s16 =	smov.u32 s9  }
0xd7: {  	v6 =	vld [tilespmem:s9+$0xFFFFFF20]  }
0xd8: {  	v10 =	vld [tilespmem:s9+$0xFFFFFF30]  }
0xd9: {  	v11 =	vld [tilespmem:s9+$0xFFFFFF40];
	v8 =	vmul.f32 v8, v3  }
0xda: {  	v9 =	vmul.f32 v9, v7;
	v12 =	vld [tilespmem:s9+$0xFFFFFF50]  }
0xdb: {  	v4 =	vmul.f32 v4, v7;
	v13 =	vld [tilespmem:s9+$0xFFFFFF60];
	[tilespmem:s9+$0x70] =	vst v8  }
0xdc: {  	[tilespmem:s9+$0xFFFFFF00] =	vst v9;
	v6 =	vmul.f32 v6, v7;
	v8 =	vld [tilespmem:s9+$0xFFFFFF70]  }
0xdd: {  	[tilespmem:s9+$0xFFFFFF10] =	vst v4;
	v4 =	vmul.f32 v10, v7;
	v9 =	vld [tilespmem:s9+$0xFFFFFF80]  }
0xde: {  	[tilespmem:s9+$0xFFFFFF20] =	vst v6;
	v6 =	vmul.f32 v11, v7;
	v10 =	vld [tilespmem:s9+$0xFFFFFF90]  }
0xdf: {  	[tilespmem:s9+$0xFFFFFF30] =	vst v4;
	v4 =	vmul.f32 v12, v7;
	v11 =	vld [tilespmem:s9+$0xFFFFFFA0]  }
0xe0: {  	[tilespmem:s9+$0xFFFFFF40] =	vst v6;
	v6 =	vmul.f32 v13, v7;
	v12 =	vld [tilespmem:s9+$0xFFFFFFB0]  }
0xe1: {  	[tilespmem:s9+$0xFFFFFF50] =	vst v4;
	v4 =	vmul.f32 v8, v7;
	v7 =	vld [tilespmem:s9+$0xFFFFFFC0]  }
0xe2: {  	[tilespmem:s9+$0xFFFFFF60] =	vst v6;
	v6 =	vmul.f32 v9, v5;
	v8 =	vld [tilespmem:s9+$0xFFFFFFD0]  }
0xe3: {  	[tilespmem:s9+$0xFFFFFF70] =	vst v4;
	v4 =	vmul.f32 v10, v5;
	v9 =	vld [tilespmem:s9+$0xFFFFFFE0]  }
0xe4: {  	[tilespmem:s9+$0xFFFFFF80] =	vst v6;
	v6 =	vmul.f32 v11, v5;
	v10 =	vld [tilespmem:s9+$0xFFFFFFF0]  }
0xe5: {  	[tilespmem:s9+$0xFFFFFF90] =	vst v4;
	v4 =	vmul.f32 v12, v5;
	v11 =	vld [tilespmem:s9+$0x0]  }
0xe6: {  	[tilespmem:s9+$0xFFFFFFA0] =	vst v6;
	v6 =	vmul.f32 v7, v5;
	v7 =	vld [tilespmem:s9+$0x10]  }
0xe7: {  	[tilespmem:s9+$0xFFFFFFB0] =	vst v4;
	v4 =	vmul.f32 v8, v5;
	v8 =	vld [tilespmem:s9+$0x20]  }
0xe8: {  	[tilespmem:s9+$0xFFFFFFC0] =	vst v6;
	v6 =	vmul.f32 v9, v5;
	v12 =	vld [tilespmem:s9+$0x30]  }
0xe9: {  	[tilespmem:s9+$0xFFFFFFD0] =	vst v4;
	v4 =	vmul.f32 v10, v5;
	v10 =	vld [tilespmem:s9+$0x40]  }
.Ltmp2:
0xea: {  	[tilespmem:s9+$0xFFFFFFE0] =	vst v6;
	v6 =	vmul.f32 v11, v3;
	v5 =	vld [tilespmem:s9+$0x50];
	(pc) =	sbr.rel @p2 .LBB2_8-.Ltmp2, $4  }
0xeb: {  	[tilespmem:s9+$0xFFFFFFF0] =	vst v4;
	v7 =	vmul.f32 v7, v3;
	v4 =	vld [tilespmem:s9+$0x60]  }
0xec: {  	s0 =	sadd.s32 $0x3, s25;
	v11 =	vmov s25;
	[tilespmem:s9+$0x0] =	vst v6;
	v14 =	vmul.f32 v8, v3;
	v9 =	vld [tilespmem:s9+$0x80]  }
0xed: {  	s4 =	sadd.s32 $0x1, s25;
	v13 =	vand.u32 $0xFFFFFFFC, v11;
	v6 =	vmov s0;
	[tilespmem:s9+$0x10] =	vst v7;
	v11 =	vmul.f32 v12, v3;
	v8 =	vld [tilespmem:s9+$0x90]  }
0xee: {  	s0 =	sadd.s32 $0x2, s25;
	s25 =	sadd.s32 $0x4, s25;
	v7 =	vbroadcast v13, $0x0;
	v13 =	vmov s4;
	[tilespmem:s9+$0x20] =	vst v14;
	v12 =	vmul.f32 v10, v3;
	v10 =	vld [tilespmem:s9+$0xA0]  }
0xef: {  	v14 =	vld [tilespmem:s9+$0xB0]  }
0xf0: {  	v16 =	vld [tilespmem:s9+$0xC0]  }
0xf1: {  	v15 =	vmov s0;
	v17 =	vld [tilespmem:s9+$0xD0]  }
0xf2: {  	v18 =	vld [tilespmem:s9+$0xE0];
	[tilespmem:s9+$0x30] =	vst v11;
	v5 =	vmul.f32 v5, v3;
	v15 =	vand.u32 $0xFFFFFFFE, v15  }
0xf3: {  	v13 =	vand.u32 $0xFFFFFFFD, v13;
	v6 =	vld.idx.msk [tilespmem:v6+s24+$0x0], $0xffff;
	[tilespmem:s9+$0x40] =	vst v12;
	v3 =	vmul.f32 v4, v3;
	v15 =	vbroadcast v15, $0x0  }
0xf4: {  	s25 =	sadd.s32 $0x200, s9;
	v13 =	vbroadcast v13, $0x0;
	v4 =	vld.idx.msk [tilespmem:v7+s24+$0x0], $0xffff;
	v9 =	vmul.f32 v9, v2;
	[tilespmem:s9+$0x50] =	vst v5  }
0xf5: {  	v11 =	vld [tilespmem:s25+$0xFFFFFF00];
	v5 =	vmul.f32 v8, v2;
	[tilespmem:s9+$0x60] =	vst v3  }
0xf6: {  	[tilespmem:s9+$0x80] =	vst v9;
	v9 =	vld [tilespmem:s9+$0xF0];
	v3 =	vmul.f32 v10, v2  }
0xf7: {  	v12 =	vld [tilespmem:s25+$0xFFFFFF10];
	[tilespmem:s9+$0x90] =	vst v5;
	v5 =	vmul.f32 v14, v2  }
0xf8: {  	v10 =	vld [tilespmem:s25+$0x70];
	[tilespmem:s9+$0xA0] =	vst v3;
	v3 =	vmul.f32 v16, v2  }
0xf9: {  	[tilespmem:s9+$0xB0] =	vst v5;
	v5 =	vmul.f32 v17, v2;
	v8 =	vld.idx.msk [tilespmem:v15+s24+$0x0], $0xffff  }
0xfa: {  	v7 =	vld.idx.msk [tilespmem:v13+s24+$0x0], $0xffff;
	[tilespmem:s16+$0xC0] =	vst v3;
	v3 =	vmul.f32 v18, v2  }
0xfb: {  	v13 =	vld [tilespmem:s25+$0xFFFFFF20];
	[tilespmem:s16+$0xD0] =	vst v5;
	v2 =	vmul.f32 v9, v2  }
0xfc: {  	v5 =	vld [tilespmem:s25+$0xFFFFFF30];
	[tilespmem:s16+$0xE0] =	vst v3  }
0xfd: {  	v3 =	vld [tilespmem:s25+$0xFFFFFF40];
	[tilespmem:s16+$0xF0] =	vst v2;
	v2 =	vmul.f32 v11, v4  }
0xfe: {  	v9 =	vmul.f32 v10, v8;
	v10 =	vld [tilespmem:s25+$0xFFFFFF50]  }
0xff: {  	v11 =	vmul.f32 v12, v4;
	v12 =	vld [tilespmem:s25+$0xFFFFFF60];
	[tilespmem:s25+$0xFFFFFF00] =	vst v2  }
0x100: {  	v2 =	vmul.f32 v13, v4;
	[tilespmem:s25+$0x70] =	vst v9;
	v9 =	vld [tilespmem:s25+$0xFFFFFF70]  }
0x101: {  	[tilespmem:s25+$0xFFFFFF10] =	vst v11;
	v11 =	vld [tilespmem:s25+$0xFFFFFF80];
	v5 =	vmul.f32 v5, v4  }
0x102: {  	[tilespmem:s25+$0xFFFFFF20] =	vst v2;
	v2 =	vmul.f32 v3, v4;
	v3 =	vld [tilespmem:s25+$0xFFFFFF90]  }
0x103: {  	[tilespmem:s25+$0xFFFFFF30] =	vst v5;
	v5 =	vmul.f32 v10, v4;
	v10 =	vld [tilespmem:s25+$0xFFFFFFA0]  }
0x104: {  	[tilespmem:s25+$0xFFFFFF40] =	vst v2;
	v2 =	vmul.f32 v12, v4;
	v12 =	vld [tilespmem:s25+$0xFFFFFFB0]  }
0x105: {  	[tilespmem:s25+$0xFFFFFF50] =	vst v5;
	v4 =	vmul.f32 v9, v4;
	v5 =	vld [tilespmem:s25+$0xFFFFFFC0]  }
0x106: {  	[tilespmem:s25+$0xFFFFFF60] =	vst v2;
	v2 =	vmul.f32 v11, v7;
	v9 =	vld [tilespmem:s25+$0xFFFFFFD0]  }
0x107: {  	v3 =	vmul.f32 v3, v7;
	[tilespmem:s25+$0xFFFFFF70] =	vst v4;
	v4 =	vld [tilespmem:s25+$0xFFFFFFE0]  }
0x108: {  	[tilespmem:s25+$0xFFFFFF80] =	vst v2;
	v2 =	vmul.f32 v10, v7;
	v10 =	vld [tilespmem:s25+$0xFFFFFFF0]  }
0x109: {  	v11 =	vld [tilespmem:s25+$0x0];
	[tilespmem:s25+$0xFFFFFF90] =	vst v3;
	v3 =	vmul.f32 v12, v7  }
0x10a: {  	[tilespmem:s25+$0xFFFFFFA0] =	vst v2;
	v2 =	vmul.f32 v5, v7;
	v5 =	vld [tilespmem:s25+$0x10]  }
0x10b: {  	[tilespmem:s25+$0xFFFFFFB0] =	vst v3;
	v3 =	vmul.f32 v9, v7;
	v9 =	vld [tilespmem:s25+$0x20]  }
0x10c: {  	[tilespmem:s25+$0xFFFFFFC0] =	vst v2;
	v2 =	vmul.f32 v4, v7;
	v4 =	vld [tilespmem:s25+$0x30]  }
0x10d: {  	[tilespmem:s25+$0xFFFFFFD0] =	vst v3;
	v3 =	vmul.f32 v10, v7;
	v7 =	vld [tilespmem:s25+$0x40]  }
0x10e: {  	v10 =	vld [tilespmem:s25+$0x50];
	[tilespmem:s25+$0xFFFFFFE0] =	vst v2;
	v2 =	vmul.f32 v11, v8  }
0x10f: {  	[tilespmem:s25+$0xFFFFFFF0] =	vst v3;
	v3 =	vmul.f32 v5, v8;
	v5 =	vld [tilespmem:s25+$0x60]  }
0x110: {  	[tilespmem:s25+$0x0] =	vst v2;
	v2 =	vmul.f32 v9, v8;
	v9 =	vld [tilespmem:s25+$0x80]  }
0x111: {  	[tilespmem:s25+$0x10] =	vst v3;
	v3 =	vmul.f32 v4, v8;
	v4 =	vld [tilespmem:s25+$0x90]  }
0x112: {  	[tilespmem:s25+$0x20] =	vst v2;
	v2 =	vmul.f32 v7, v8;
	v7 =	vld [tilespmem:s25+$0xA0]  }
0x113: {  	[tilespmem:s25+$0x30] =	vst v3;
	v3 =	vmul.f32 v10, v8;
	v10 =	vld [tilespmem:s25+$0xB0]  }
0x114: {  	[tilespmem:s25+$0x40] =	vst v2;
	v2 =	vmul.f32 v5, v8;
	v5 =	vld [tilespmem:s25+$0xC0]  }
0x115: {  	v8 =	vld [tilespmem:s25+$0xD0];
	[tilespmem:s25+$0x50] =	vst v3;
	v3 =	vmul.f32 v9, v6  }
0x116: {  	[tilespmem:s25+$0x60] =	vst v2;
	v2 =	vmul.f32 v4, v6;
	v4 =	vld [tilespmem:s25+$0xE0]  }
0x117: {  	[tilespmem:s25+$0x80] =	vst v3;
	v3 =	vmul.f32 v7, v6;
	v7 =	vld [tilespmem:s25+$0xF0]  }
0x118: {  	[tilespmem:s25+$0x90] =	vst v2;
	v2 =	vmul.f32 v10, v6  }
0x119: {  	[tilespmem:s25+$0xA0] =	vst v3;
	v3 =	vmul.f32 v5, v6  }
0x11a: {  	[tilespmem:s25+$0xB0] =	vst v2;
	v2 =	vmul.f32 v8, v6  }
0x11b: {  	[tilespmem:s25+$0xC0] =	vst v3;
	v3 =	vmul.f32 v4, v6  }
0x11c: {  	s16 =	sadd.s32 s28, s11;
	[tilespmem:s25+$0xD0] =	vst v2;
	v2 =	vmul.f32 v7, v6  }
0x11d: {  	s0 =	sshll.u32 s16, $0x5;
	[tilespmem:s25+$0xE0] =	vst v3  }
0x11e: {  	s9 =	simm.s32 $0x600;
	s0 =	sand.u32 $0x1FFFFFE0, s0;
	[tilespmem:s25+$0xF0] =	vst v2  }
0x11f: {  	[spmem:s2] =	stream.indirect.scatter.add.f32 [tilespmem:s12], [sflag:$0x9], $0x80, s9, s8, $0xb8;
	[tilespmem:$0x1F680] =	vst v63  }
0x120: {  	s4 =	simm.s32 $0x0;
	s0 =	sadd.s32 s5, s0  }
0x121: {  	[tilespmem:s4], [sflag:$0x1] =	stream.linear.gather [hbm4b:s0+s4], $0x100, $0x38;
	[tilespmem:$0x1F680] =	vst v63  }
0x122: {  	_ =	swait.ge [sflag:s26], $0x100  }
0x123: {  	[sflag:s26] =	ssyncset.done $0x0  }
0x124: {  	s0 =	simm.s32 @!p1 $0xC;
	[sflag:s26] =	ssyncadd.s32 $0xFFFFFF00  }
0x125: {  	_ =	swait.ge @!p1 [sflag:s0], $0x2800  }
0x126: {  	[sflag:s0] =	ssyncset.done @!p1 $0x0  }
0x127: {  	[sflag:s0] =	ssyncadd.s32 @!p1 $0xFFFFD800  }
0x128: {  	v2 =	vld [tilespmem:$0x300]  }
0x129: {  	v3 =	vld [tilespmem:$0x350]  }
0x12a: {  	v4 =	vld [tilespmem:$0x3A0]  }
0x12b: {  	v5 =	vld [tilespmem:$0x310];
	_ =	sdelay $0x1  }
0x12c: {  	v6 =	vld [tilespmem:$0x360]  }
0x12d: {  	v7 =	vld [tilespmem:$0x3B0];
	[tilespmem:$0x780] =	vst v3  }
0x12e: {  	v2 =	vadd.s32 v1, v2;
	v3 =	vld [tilespmem:$0x370];
	[tilespmem:$0xA980] =	vst v4  }
0x12f: {  	v4 =	vadd.s32 v1, v5;
	[tilespmem:$0x580] =	vst v2;
	v2 =	vld [tilespmem:$0x320]  }
0x130: {  	[tilespmem:$0x590] =	vst v4;
	v4 =	vld [tilespmem:$0x330];
	_ =	sdelay $0x1  }
0x131: {  	v5 =	vld [tilespmem:$0x3C0]  }
0x132: {  	[tilespmem:$0x790] =	vst v6;
	v6 =	vld [tilespmem:$0x380]  }
0x133: {  	[tilespmem:$0xA990] =	vst v7;
	v7 =	vld [tilespmem:$0x3D0]  }
0x134: {  	[tilespmem:$0x7A0] =	vst v3;
	v2 =	vadd.s32 v1, v2;
	v3 =	vadd.s32 v1, v4;
	v4 =	vld [tilespmem:$0x390]  }
0x135: {  	[tilespmem:$0x5A0] =	vst v2;
	v2 =	vld [tilespmem:$0x340]  }
0x136: {  	[tilespmem:$0x5B0] =	vst v3;
	v3 =	vld [tilespmem:$0x3E0]  }
0x137: {  	[tilespmem:$0xA9A0] =	vst v5  }
0x138: {  	[tilespmem:$0x7B0] =	vst v6  }
0x139: {  	[tilespmem:$0xA9B0] =	vst v7  }
0x13a: {  	[tilespmem:$0x7C0] =	vst v4  }
0x13b: {  	v2 =	vadd.s32 v1, v2;
	[tilespmem:$0xA9C0] =	vst v3  }
0x13c: {  	s25 =	simm.s32 $0x0;
	s9 =	simm.s32 $0x580;
	s4 =	simm.s32 $0x2;
	[tilespmem:$0x5C0] =	vst v2  }
0x13d: {  	v5 =	vmov s25;
	[tilespmem:s29], [sflag:$0x8] =	stream.indirect.gather [hbm4b:s1+s8], $0x80, s9, s8, $0xb8;
	[tilespmem:$0x1F680] =	vst v63  }
0x13e: {  	v2 =	vand.u32 $0xFFFFFFFC, v5;
	v5 =	vmov s4;
	_ =	swait.ge [sflag:s30], $0x2800  }
0x13f: {  	v2 =	vbroadcast v2, $0x0;
	v4 =	vand.u32 $0xFFFFFFFE, v5;
	[sflag:s30] =	ssyncset.done $0x0  }
0x140: {  	s9 =	simm.s32 $0x3100;
	v3 =	vbroadcast v4, $0x0;
	[sflag:s30] =	ssyncadd.s32 $0xFFFFD800  }
0x141: {  	v5 =	vld [tilespmem:s9+$0x70]  }
0x142: {  	v6 =	vld [tilespmem:s9+$0xFFFFFF00]  }
0x143: {  	s16 =	simm.s32 $0x1;
	v7 =	vld [tilespmem:s9+$0xFFFFFF10]  }
0x144: {  	v4 =	vmov s16;
	v8 =	vld [tilespmem:s9+$0xFFFFFF20]  }
0x145: {  	v4 =	vand.u32 $0xFFFFFFFD, v4;
	v2 =	vld.idx.msk [tilespmem:v2+s31+$0x0], $0xffff  }
0x146: {  	v4 =	vbroadcast v4, $0x0;
	v3 =	vld.idx.msk [tilespmem:v3+s31+$0x0], $0xffff  }
0x147: {  	v9 =	vld [tilespmem:s9+$0xFFFFFF30]  }
0x148: {  	v10 =	vld [tilespmem:s9+$0xFFFFFF40]  }
0x149: {  	v11 =	vld [tilespmem:s9+$0xFFFFFF50]  }
0x14a: {  	v12 =	vld [tilespmem:s9+$0xFFFFFF60];
	v6 =	vmul.f32 v6, v2  }
0x14b: {  	v14 =	vld [tilespmem:s9+$0x40];
	v5 =	vmul.f32 v5, v3  }
0x14c: {  	v4 =	vld.idx.msk [tilespmem:v4+s31+$0x0], $0xffff;
	[tilespmem:s9+$0xFFFFFF00] =	vst v6;
	v6 =	vmul.f32 v7, v2  }
0x14d: {  	v7 =	vld [tilespmem:s9+$0xFFFFFF70];
	[tilespmem:s9+$0x70] =	vst v5;
	v5 =	vmul.f32 v8, v2  }
0x14e: {  	v8 =	vld [tilespmem:s9+$0xFFFFFF80];
	[tilespmem:s9+$0xFFFFFF10] =	vst v6;
	v6 =	vmul.f32 v9, v2  }
0x14f: {  	v9 =	vld [tilespmem:s9+$0xFFFFFF90];
	[tilespmem:s9+$0xFFFFFF20] =	vst v5;
	v5 =	vmul.f32 v10, v2  }
0x150: {  	v10 =	vld [tilespmem:s9+$0xFFFFFFA0];
	[tilespmem:s9+$0xFFFFFF30] =	vst v6;
	v6 =	vmul.f32 v11, v2  }
0x151: {  	v11 =	vld [tilespmem:s9+$0xFFFFFFB0];
	[tilespmem:s9+$0xFFFFFF40] =	vst v5;
	v5 =	vmul.f32 v12, v2  }
0x152: {  	v12 =	vld [tilespmem:s9+$0xFFFFFFC0];
	v7 =	vmul.f32 v7, v2;
	[tilespmem:s9+$0xFFFFFF50] =	vst v6  }
0x153: {  	v6 =	vmul.f32 v8, v4;
	v8 =	vld [tilespmem:s9+$0xFFFFFFD0];
	[tilespmem:s9+$0xFFFFFF60] =	vst v5  }
0x154: {  	s25 =	simm.s32 $0x3;
	v5 =	vld [tilespmem:s9+$0xFFFFFFE0];
	v9 =	vmul.f32 v9, v4;
	[tilespmem:s9+$0xFFFFFF70] =	vst v7  }
0x155: {  	v13 =	vmov s25;
	v7 =	vld [tilespmem:s9+$0xFFFFFFF0];
	[tilespmem:s9+$0xFFFFFF80] =	vst v6;
	v6 =	vmul.f32 v10, v4  }
0x156: {  	v10 =	vld [tilespmem:s9+$0x0];
	[tilespmem:s9+$0xFFFFFF90] =	vst v9;
	v9 =	vmul.f32 v11, v4  }
0x157: {  	v11 =	vld [tilespmem:s9+$0x10];
	[tilespmem:s9+$0xFFFFFFA0] =	vst v6;
	v6 =	vmul.f32 v12, v4  }
0x158: {  	[tilespmem:s9+$0xFFFFFFB0] =	vst v9;
	v8 =	vmul.f32 v8, v4;
	v9 =	vld [tilespmem:s9+$0x20]  }
0x159: {  	v12 =	vld [tilespmem:s9+$0x30];
	[tilespmem:s9+$0xFFFFFFC0] =	vst v6;
	v5 =	vmul.f32 v5, v4  }
0x15a: {  	v2 =	vld.idx.msk [tilespmem:v13+s31+$0x0], $0xffff;
	v4 =	vmul.f32 v7, v4;
	[tilespmem:s9+$0xFFFFFFD0] =	vst v8  }
0x15b: {  	v6 =	vmul.f32 v10, v3;
	[tilespmem:s9+$0xFFFFFFE0] =	vst v5;
	v5 =	vld [tilespmem:s9+$0x50]  }
0x15c: {  	s4 =	simm.s32 $0x4;
	[tilespmem:s9+$0xFFFFFFF0] =	vst v4;
	v7 =	vmul.f32 v11, v3;
	v4 =	vld [tilespmem:s9+$0x60]  }
0x15d: {  	s16 =	simm.s32 $0x7;
	v8 =	vmov s4;
	[tilespmem:s9+$0x0] =	vst v6;
	v10 =	vmul.f32 v9, v3;
	v9 =	vld [tilespmem:s9+$0x80]  }
0x15e: {  	s25 =	simm.s32 $0x5;
	v13 =	vand.u32 $0xFFFFFFFC, v8;
	v8 =	vld [tilespmem:s9+$0x90];
	v6 =	vmov s16;
	v11 =	vmul.f32 v12, v3;
	[tilespmem:s9+$0x10] =	vst v7  }
0x15f: {  	s0 =	simm.s32 $0x6;
	v12 =	vmul.f32 v14, v3;
	s16 =	simm.s32 $0x3100;
	v7 =	vbroadcast v13, $0x0;
	v13 =	vmov s25;
	s25 =	simm.s32 $0x8;
	[tilespmem:s9+$0x20] =	vst v10;
	v10 =	vld [tilespmem:s9+$0xA0]  }
.LBB2_10:
0x160: {  	p1 =	slt.u32 s25, $0x4C;
	v13 =	vand.u32 $0xFFFFFFFD, v13;
	v14 =	vmov s0;
	[tilespmem:s9+$0x30] =	vst v11;
	v5 =	vmul.f32 v5, v3;
	v11 =	vld [tilespmem:s9+$0xB0]  }
0x161: {  	v13 =	vbroadcast v13, $0x0;
	v14 =	vand.u32 $0xFFFFFFFE, v14;
	[tilespmem:s9+$0x40] =	vst v12;
	v3 =	vmul.f32 v4, v3;
	v4 =	vld [tilespmem:s9+$0xC0]  }
0x162: {  	v12 =	vbroadcast v14, $0x0;
	[tilespmem:s9+$0x50] =	vst v5;
	v5 =	vmul.f32 v9, v2;
	v9 =	vld [tilespmem:s9+$0xD0]  }
0x163: {  	[tilespmem:s9+$0x60] =	vst v3;
	v3 =	vmul.f32 v8, v2;
	v8 =	vld [tilespmem:s9+$0xE0]  }
0x164: {  	[tilespmem:s9+$0x80] =	vst v5;
	v5 =	vmul.f32 v10, v2;
	v10 =	vld [tilespmem:s9+$0xF0]  }
0x165: {  	v6 =	vld.idx.msk [tilespmem:v6+s31+$0x0], $0xffff;
	[tilespmem:s9+$0x90] =	vst v3;
	v3 =	vmul.f32 v11, v2  }
0x166: {  	v7 =	vld.idx.msk [tilespmem:v7+s31+$0x0], $0xffff;
	[tilespmem:s9+$0xA0] =	vst v5;
	v4 =	vmul.f32 v4, v2  }
0x167: {  	v5 =	vld.idx.msk [tilespmem:v13+s31+$0x0], $0xffff;
	[tilespmem:s9+$0xB0] =	vst v3;
	v9 =	vmul.f32 v9, v2  }
0x168: {  	s9 =	sadd.s32 $0x200, s9;
	v3 =	vld.idx.msk [tilespmem:v12+s31+$0x0], $0xffff;
	[tilespmem:s16+$0xC0] =	vst v4;
	v4 =	vmul.f32 v8, v2  }
0x169: {  	v8 =	vld [tilespmem:s9+$0x70];
	[tilespmem:s16+$0xD0] =	vst v9;
	v10 =	vmul.f32 v10, v2  }
0x16a: {  	v9 =	vld [tilespmem:s9+$0xFFFFFF00];
	[tilespmem:s16+$0xE0] =	vst v4  }
0x16b: {  	v2 =	vmov v6;
	v4 =	vld [tilespmem:s9+$0xFFFFFF10];
	[tilespmem:s16+$0xF0] =	vst v10;
	s16 =	smov.u32 s9  }
0x16c: {  	v6 =	vld [tilespmem:s9+$0xFFFFFF20]  }
0x16d: {  	v10 =	vld [tilespmem:s9+$0xFFFFFF30]  }
0x16e: {  	v11 =	vld [tilespmem:s9+$0xFFFFFF40];
	v8 =	vmul.f32 v8, v3  }
0x16f: {  	v9 =	vmul.f32 v9, v7;
	v12 =	vld [tilespmem:s9+$0xFFFFFF50]  }
0x170: {  	v4 =	vmul.f32 v4, v7;
	v13 =	vld [tilespmem:s9+$0xFFFFFF60];
	[tilespmem:s9+$0x70] =	vst v8  }
0x171: {  	[tilespmem:s9+$0xFFFFFF00] =	vst v9;
	v6 =	vmul.f32 v6, v7;
	v8 =	vld [tilespmem:s9+$0xFFFFFF70]  }
0x172: {  	[tilespmem:s9+$0xFFFFFF10] =	vst v4;
	v4 =	vmul.f32 v10, v7;
	v9 =	vld [tilespmem:s9+$0xFFFFFF80]  }
0x173: {  	[tilespmem:s9+$0xFFFFFF20] =	vst v6;
	v6 =	vmul.f32 v11, v7;
	v10 =	vld [tilespmem:s9+$0xFFFFFF90]  }
0x174: {  	[tilespmem:s9+$0xFFFFFF30] =	vst v4;
	v4 =	vmul.f32 v12, v7;
	v11 =	vld [tilespmem:s9+$0xFFFFFFA0]  }
0x175: {  	[tilespmem:s9+$0xFFFFFF40] =	vst v6;
	v6 =	vmul.f32 v13, v7;
	v12 =	vld [tilespmem:s9+$0xFFFFFFB0]  }
0x176: {  	[tilespmem:s9+$0xFFFFFF50] =	vst v4;
	v4 =	vmul.f32 v8, v7;
	v7 =	vld [tilespmem:s9+$0xFFFFFFC0]  }
0x177: {  	[tilespmem:s9+$0xFFFFFF60] =	vst v6;
	v6 =	vmul.f32 v9, v5;
	v8 =	vld [tilespmem:s9+$0xFFFFFFD0]  }
0x178: {  	[tilespmem:s9+$0xFFFFFF70] =	vst v4;
	v4 =	vmul.f32 v10, v5;
	v9 =	vld [tilespmem:s9+$0xFFFFFFE0]  }
0x179: {  	[tilespmem:s9+$0xFFFFFF80] =	vst v6;
	v6 =	vmul.f32 v11, v5;
	v10 =	vld [tilespmem:s9+$0xFFFFFFF0]  }
0x17a: {  	[tilespmem:s9+$0xFFFFFF90] =	vst v4;
	v4 =	vmul.f32 v12, v5;
	v11 =	vld [tilespmem:s9+$0x0]  }
0x17b: {  	[tilespmem:s9+$0xFFFFFFA0] =	vst v6;
	v6 =	vmul.f32 v7, v5;
	v7 =	vld [tilespmem:s9+$0x10]  }
0x17c: {  	[tilespmem:s9+$0xFFFFFFB0] =	vst v4;
	v4 =	vmul.f32 v8, v5;
	v8 =	vld [tilespmem:s9+$0x20]  }
0x17d: {  	[tilespmem:s9+$0xFFFFFFC0] =	vst v6;
	v6 =	vmul.f32 v9, v5;
	v12 =	vld [tilespmem:s9+$0x30]  }
0x17e: {  	[tilespmem:s9+$0xFFFFFFD0] =	vst v4;
	v4 =	vmul.f32 v10, v5;
	v10 =	vld [tilespmem:s9+$0x40]  }
.Ltmp3:
0x17f: {  	[tilespmem:s9+$0xFFFFFFE0] =	vst v6;
	v6 =	vmul.f32 v11, v3;
	v5 =	vld [tilespmem:s9+$0x50];
	(pc) =	sbr.rel @p1 .LBB2_10-.Ltmp3, $4  }
0x180: {  	[tilespmem:s9+$0xFFFFFFF0] =	vst v4;
	v7 =	vmul.f32 v7, v3;
	v4 =	vld [tilespmem:s9+$0x60]  }
0x181: {  	s0 =	sadd.s32 $0x3, s25;
	v11 =	vmov s25;
	[tilespmem:s9+$0x0] =	vst v6;
	v14 =	vmul.f32 v8, v3;
	v9 =	vld [tilespmem:s9+$0x80]  }
0x182: {  	s4 =	sadd.s32 $0x1, s25;
	v13 =	vand.u32 $0xFFFFFFFC, v11;
	v6 =	vmov s0;
	[tilespmem:s9+$0x10] =	vst v7;
	v11 =	vmul.f32 v12, v3;
	v8 =	vld [tilespmem:s9+$0x90]  }
0x183: {  	s0 =	sadd.s32 $0x2, s25;
	s25 =	sadd.s32 $0x4, s25;
	v7 =	vbroadcast v13, $0x0;
	v13 =	vmov s4;
	[tilespmem:s9+$0x20] =	vst v14;
	v12 =	vmul.f32 v10, v3;
	v10 =	vld [tilespmem:s9+$0xA0]  }
0x184: {  	v14 =	vld [tilespmem:s9+$0xB0]  }
0x185: {  	v16 =	vld [tilespmem:s9+$0xC0]  }
0x186: {  	v15 =	vmov s0;
	v17 =	vld [tilespmem:s9+$0xD0]  }
0x187: {  	v18 =	vld [tilespmem:s9+$0xE0];
	[tilespmem:s9+$0x30] =	vst v11;
	v5 =	vmul.f32 v5, v3;
	v15 =	vand.u32 $0xFFFFFFFE, v15  }
0x188: {  	v13 =	vand.u32 $0xFFFFFFFD, v13;
	v6 =	vld.idx.msk [tilespmem:v6+s31+$0x0], $0xffff;
	[tilespmem:s9+$0x40] =	vst v12;
	v3 =	vmul.f32 v4, v3;
	v15 =	vbroadcast v15, $0x0  }
0x189: {  	s25 =	sadd.s32 $0x200, s9;
	v13 =	vbroadcast v13, $0x0;
	v4 =	vld.idx.msk [tilespmem:v7+s31+$0x0], $0xffff;
	v9 =	vmul.f32 v9, v2;
	[tilespmem:s9+$0x50] =	vst v5  }
0x18a: {  	v11 =	vld [tilespmem:s25+$0xFFFFFF00];
	v5 =	vmul.f32 v8, v2;
	[tilespmem:s9+$0x60] =	vst v3  }
0x18b: {  	[tilespmem:s9+$0x80] =	vst v9;
	v9 =	vld [tilespmem:s9+$0xF0];
	v3 =	vmul.f32 v10, v2  }
0x18c: {  	v12 =	vld [tilespmem:s25+$0xFFFFFF10];
	[tilespmem:s9+$0x90] =	vst v5;
	v5 =	vmul.f32 v14, v2  }
0x18d: {  	v10 =	vld [tilespmem:s25+$0x70];
	[tilespmem:s9+$0xA0] =	vst v3;
	v3 =	vmul.f32 v16, v2  }
0x18e: {  	[tilespmem:s9+$0xB0] =	vst v5;
	v5 =	vmul.f32 v17, v2;
	v8 =	vld.idx.msk [tilespmem:v15+s31+$0x0], $0xffff  }
0x18f: {  	v7 =	vld.idx.msk [tilespmem:v13+s31+$0x0], $0xffff;
	[tilespmem:s16+$0xC0] =	vst v3;
	v3 =	vmul.f32 v18, v2  }
0x190: {  	v13 =	vld [tilespmem:s25+$0xFFFFFF20];
	[tilespmem:s16+$0xD0] =	vst v5;
	v2 =	vmul.f32 v9, v2  }
0x191: {  	v5 =	vld [tilespmem:s25+$0xFFFFFF30];
	[tilespmem:s16+$0xE0] =	vst v3  }
0x192: {  	v3 =	vld [tilespmem:s25+$0xFFFFFF40];
	[tilespmem:s16+$0xF0] =	vst v2;
	v2 =	vmul.f32 v11, v4  }
0x193: {  	v9 =	vmul.f32 v10, v8;
	v10 =	vld [tilespmem:s25+$0xFFFFFF50]  }
0x194: {  	v11 =	vmul.f32 v12, v4;
	v12 =	vld [tilespmem:s25+$0xFFFFFF60];
	[tilespmem:s25+$0xFFFFFF00] =	vst v2  }
0x195: {  	v2 =	vmul.f32 v13, v4;
	[tilespmem:s25+$0x70] =	vst v9;
	v9 =	vld [tilespmem:s25+$0xFFFFFF70]  }
0x196: {  	[tilespmem:s25+$0xFFFFFF10] =	vst v11;
	v11 =	vld [tilespmem:s25+$0xFFFFFF80];
	v5 =	vmul.f32 v5, v4  }
0x197: {  	[tilespmem:s25+$0xFFFFFF20] =	vst v2;
	v2 =	vmul.f32 v3, v4;
	v3 =	vld [tilespmem:s25+$0xFFFFFF90]  }
0x198: {  	[tilespmem:s25+$0xFFFFFF30] =	vst v5;
	v5 =	vmul.f32 v10, v4;
	v10 =	vld [tilespmem:s25+$0xFFFFFFA0]  }
0x199: {  	[tilespmem:s25+$0xFFFFFF40] =	vst v2;
	v2 =	vmul.f32 v12, v4;
	v12 =	vld [tilespmem:s25+$0xFFFFFFB0]  }
0x19a: {  	[tilespmem:s25+$0xFFFFFF50] =	vst v5;
	v4 =	vmul.f32 v9, v4;
	v5 =	vld [tilespmem:s25+$0xFFFFFFC0]  }
0x19b: {  	[tilespmem:s25+$0xFFFFFF60] =	vst v2;
	v2 =	vmul.f32 v11, v7;
	v9 =	vld [tilespmem:s25+$0xFFFFFFD0]  }
0x19c: {  	v3 =	vmul.f32 v3, v7;
	[tilespmem:s25+$0xFFFFFF70] =	vst v4;
	v4 =	vld [tilespmem:s25+$0xFFFFFFE0]  }
0x19d: {  	[tilespmem:s25+$0xFFFFFF80] =	vst v2;
	v2 =	vmul.f32 v10, v7;
	v10 =	vld [tilespmem:s25+$0xFFFFFFF0]  }
0x19e: {  	v11 =	vld [tilespmem:s25+$0x0];
	[tilespmem:s25+$0xFFFFFF90] =	vst v3;
	v3 =	vmul.f32 v12, v7  }
0x19f: {  	[tilespmem:s25+$0xFFFFFFA0] =	vst v2;
	v2 =	vmul.f32 v5, v7;
	v5 =	vld [tilespmem:s25+$0x10]  }
0x1a0: {  	[tilespmem:s25+$0xFFFFFFB0] =	vst v3;
	v3 =	vmul.f32 v9, v7;
	v9 =	vld [tilespmem:s25+$0x20]  }
0x1a1: {  	[tilespmem:s25+$0xFFFFFFC0] =	vst v2;
	v2 =	vmul.f32 v4, v7;
	v4 =	vld [tilespmem:s25+$0x30]  }
0x1a2: {  	[tilespmem:s25+$0xFFFFFFD0] =	vst v3;
	v3 =	vmul.f32 v10, v7;
	v7 =	vld [tilespmem:s25+$0x40]  }
0x1a3: {  	v10 =	vld [tilespmem:s25+$0x50];
	[tilespmem:s25+$0xFFFFFFE0] =	vst v2;
	v2 =	vmul.f32 v11, v8  }
0x1a4: {  	[tilespmem:s25+$0xFFFFFFF0] =	vst v3;
	v3 =	vmul.f32 v5, v8;
	v5 =	vld [tilespmem:s25+$0x60]  }
0x1a5: {  	[tilespmem:s25+$0x0] =	vst v2;
	v2 =	vmul.f32 v9, v8;
	v9 =	vld [tilespmem:s25+$0x80]  }
0x1a6: {  	[tilespmem:s25+$0x10] =	vst v3;
	v3 =	vmul.f32 v4, v8;
	v4 =	vld [tilespmem:s25+$0x90]  }
0x1a7: {  	[tilespmem:s25+$0x20] =	vst v2;
	v2 =	vmul.f32 v7, v8;
	v7 =	vld [tilespmem:s25+$0xA0]  }
0x1a8: {  	[tilespmem:s25+$0x30] =	vst v3;
	v3 =	vmul.f32 v10, v8;
	v10 =	vld [tilespmem:s25+$0xB0]  }
0x1a9: {  	[tilespmem:s25+$0x40] =	vst v2;
	v2 =	vmul.f32 v5, v8;
	v5 =	vld [tilespmem:s25+$0xC0]  }
0x1aa: {  	v8 =	vld [tilespmem:s25+$0xD0];
	[tilespmem:s25+$0x50] =	vst v3;
	v3 =	vmul.f32 v9, v6  }
0x1ab: {  	[tilespmem:s25+$0x60] =	vst v2;
	v2 =	vmul.f32 v4, v6;
	v4 =	vld [tilespmem:s25+$0xE0]  }
0x1ac: {  	[tilespmem:s25+$0x80] =	vst v3;
	v3 =	vmul.f32 v7, v6;
	v7 =	vld [tilespmem:s25+$0xF0]  }
0x1ad: {  	[tilespmem:s25+$0x90] =	vst v2;
	v2 =	vmul.f32 v10, v6  }
0x1ae: {  	[tilespmem:s25+$0xA0] =	vst v3;
	v3 =	vmul.f32 v5, v6  }
0x1af: {  	[tilespmem:s25+$0xB0] =	vst v2;
	v2 =	vmul.f32 v8, v6  }
0x1b0: {  	p1 =	seq.s32 s6, $0x1E;
	[tilespmem:s25+$0xC0] =	vst v3;
	v3 =	vmul.f32 v4, v6  }
0x1b1: {  	s0 =	sadd.s32 @!p1 s28, s13;
	[tilespmem:s25+$0xD0] =	vst v2;
	v2 =	vmul.f32 v7, v6  }
0x1b2: {  	s0 =	sshll.u32 @!p1 s0, $0x5;
	[tilespmem:s25+$0xE0] =	vst v3  }
0x1b3: {  	s4 =	simm.s32 $0x680;
	s0 =	sand.u32 @!p1 $0x1FFFFFE0, s0;
	s16 =	simm.s32 $0x3000;
	[tilespmem:s25+$0xF0] =	vst v2  }
0x1b4: {  	[spmem:s2] =	stream.indirect.scatter.add.f32 [tilespmem:s16], [sflag:$0xA], $0x80, s4, s8, $0xb8;
	[tilespmem:$0x1F680] =	vst v63  }
0x1b5: {  	s0 =	sadd.s32 @!p1 s5, s0;
	s9 =	simm.s32 @!p1 $0x100;
	s4 =	simm.s32 @!p1 $0x0  }
0x1b6: {  	[tilespmem:s9], [sflag:$0x2] =	stream.linear.gather @!p1 [hbm4b:s0+s4], $0x100, $0x38;
	[tilespmem:$0x1F680] =	vst v63  }
0x1b7: {  	_ =	swait.ge [sflag:s7], $0x100  }
0x1b8: {  	[sflag:s7] =	ssyncset.done $0x0  }
0x1b9: {  	[sflag:s7] =	ssyncadd.s32 $0xFFFFFF00  }
0x1ba: {  	_ =	swait.ge [sflag:s17], $0x2800  }
0x1bb: {  	[sflag:s17] =	ssyncset.done $0x0  }
0x1bc: {  	[sflag:s17] =	ssyncadd.s32 $0xFFFFD800  }
0x1bd: {  	v2 =	vld [tilespmem:$0x0]  }
0x1be: {  	v3 =	vld [tilespmem:$0x50]  }
0x1bf: {  	v4 =	vld [tilespmem:$0xA0]  }
0x1c0: {  	v5 =	vld [tilespmem:$0x10];
	_ =	sdelay $0x1  }
0x1c1: {  	v6 =	vld [tilespmem:$0x60]  }
0x1c2: {  	v7 =	vld [tilespmem:$0xB0];
	[tilespmem:$0x600] =	vst v3  }
0x1c3: {  	v2 =	vadd.s32 v1, v2;
	v3 =	vld [tilespmem:$0x70];
	[tilespmem:$0xA800] =	vst v4  }
0x1c4: {  	v4 =	vadd.s32 v1, v5;
	[tilespmem:$0x400] =	vst v2;
	v2 =	vld [tilespmem:$0x20]  }
0x1c5: {  	[tilespmem:$0x410] =	vst v4;
	v4 =	vld [tilespmem:$0x30];
	_ =	sdelay $0x1  }
0x1c6: {  	v5 =	vld [tilespmem:$0xC0]  }
0x1c7: {  	[tilespmem:$0x610] =	vst v6;
	v6 =	vld [tilespmem:$0x80]  }
0x1c8: {  	[tilespmem:$0xA810] =	vst v7;
	v7 =	vld [tilespmem:$0xD0]  }
0x1c9: {  	[tilespmem:$0x620] =	vst v3;
	v2 =	vadd.s32 v1, v2;
	v3 =	vadd.s32 v1, v4;
	v4 =	vld [tilespmem:$0x90]  }
0x1ca: {  	[tilespmem:$0x420] =	vst v2;
	v2 =	vld [tilespmem:$0x40]  }
0x1cb: {  	[tilespmem:$0x430] =	vst v3;
	v3 =	vld [tilespmem:$0xE0]  }
0x1cc: {  	[tilespmem:$0xA820] =	vst v5  }
0x1cd: {  	[tilespmem:$0x630] =	vst v6  }
0x1ce: {  	[tilespmem:$0xA830] =	vst v7  }
0x1cf: {  	[tilespmem:$0x640] =	vst v4  }
0x1d0: {  	v2 =	vadd.s32 v1, v2;
	[tilespmem:$0xA840] =	vst v3  }
0x1d1: {  	s25 =	simm.s32 $0x0;
	s4 =	simm.s32 $0x2;
	s9 =	simm.s32 $0x400;
	[tilespmem:$0x440] =	vst v2  }
0x1d2: {  	v5 =	vmov s25;
	[tilespmem:s12], [sflag:$0x5] =	stream.indirect.gather [hbm4b:s1+s8], $0x80, s9, s8, $0xb8;
	[tilespmem:$0x1F680] =	vst v63  }
0x1d3: {  	v2 =	vand.u32 $0xFFFFFFFC, v5;
	v5 =	vmov s4;
	_ =	swait.ge [sflag:s15], $0x2800  }
0x1d4: {  	v2 =	vbroadcast v2, $0x0;
	v4 =	vand.u32 $0xFFFFFFFE, v5;
	[sflag:s15] =	ssyncset.done $0x0  }
0x1d5: {  	s9 =	simm.s32 $0x5900;
	v3 =	vbroadcast v4, $0x0;
	[sflag:s15] =	ssyncadd.s32 $0xFFFFD800  }
0x1d6: {  	v5 =	vld [tilespmem:s9+$0x70]  }
0x1d7: {  	v6 =	vld [tilespmem:s9+$0xFFFFFF00]  }
0x1d8: {  	s16 =	simm.s32 $0x1;
	v7 =	vld [tilespmem:s9+$0xFFFFFF10]  }
0x1d9: {  	v4 =	vmov s16;
	v8 =	vld [tilespmem:s9+$0xFFFFFF20]  }
0x1da: {  	v4 =	vand.u32 $0xFFFFFFFD, v4;
	v2 =	vld.idx.msk [tilespmem:v2+s23+$0x0], $0xffff  }
0x1db: {  	v4 =	vbroadcast v4, $0x0;
	v3 =	vld.idx.msk [tilespmem:v3+s23+$0x0], $0xffff  }
0x1dc: {  	v9 =	vld [tilespmem:s9+$0xFFFFFF30]  }
0x1dd: {  	v10 =	vld [tilespmem:s9+$0xFFFFFF40]  }
0x1de: {  	v11 =	vld [tilespmem:s9+$0xFFFFFF50]  }
0x1df: {  	v12 =	vld [tilespmem:s9+$0xFFFFFF60];
	v6 =	vmul.f32 v6, v2  }
0x1e0: {  	v14 =	vld [tilespmem:s9+$0x40];
	v5 =	vmul.f32 v5, v3  }
0x1e1: {  	v4 =	vld.idx.msk [tilespmem:v4+s23+$0x0], $0xffff;
	[tilespmem:s9+$0xFFFFFF00] =	vst v6;
	v6 =	vmul.f32 v7, v2  }
0x1e2: {  	v7 =	vld [tilespmem:s9+$0xFFFFFF70];
	[tilespmem:s9+$0x70] =	vst v5;
	v5 =	vmul.f32 v8, v2  }
0x1e3: {  	v8 =	vld [tilespmem:s9+$0xFFFFFF80];
	[tilespmem:s9+$0xFFFFFF10] =	vst v6;
	v6 =	vmul.f32 v9, v2  }
0x1e4: {  	v9 =	vld [tilespmem:s9+$0xFFFFFF90];
	[tilespmem:s9+$0xFFFFFF20] =	vst v5;
	v5 =	vmul.f32 v10, v2  }
0x1e5: {  	v10 =	vld [tilespmem:s9+$0xFFFFFFA0];
	[tilespmem:s9+$0xFFFFFF30] =	vst v6;
	v6 =	vmul.f32 v11, v2  }
0x1e6: {  	v11 =	vld [tilespmem:s9+$0xFFFFFFB0];
	[tilespmem:s9+$0xFFFFFF40] =	vst v5;
	v5 =	vmul.f32 v12, v2  }
0x1e7: {  	v12 =	vld [tilespmem:s9+$0xFFFFFFC0];
	v7 =	vmul.f32 v7, v2;
	[tilespmem:s9+$0xFFFFFF50] =	vst v6  }
0x1e8: {  	v6 =	vmul.f32 v8, v4;
	v8 =	vld [tilespmem:s9+$0xFFFFFFD0];
	[tilespmem:s9+$0xFFFFFF60] =	vst v5  }
0x1e9: {  	s25 =	simm.s32 $0x3;
	v5 =	vld [tilespmem:s9+$0xFFFFFFE0];
	v9 =	vmul.f32 v9, v4;
	[tilespmem:s9+$0xFFFFFF70] =	vst v7  }
0x1ea: {  	v13 =	vmov s25;
	v7 =	vld [tilespmem:s9+$0xFFFFFFF0];
	[tilespmem:s9+$0xFFFFFF80] =	vst v6;
	v6 =	vmul.f32 v10, v4  }
0x1eb: {  	v10 =	vld [tilespmem:s9+$0x0];
	[tilespmem:s9+$0xFFFFFF90] =	vst v9;
	v9 =	vmul.f32 v11, v4  }
0x1ec: {  	v11 =	vld [tilespmem:s9+$0x10];
	[tilespmem:s9+$0xFFFFFFA0] =	vst v6;
	v6 =	vmul.f32 v12, v4  }
0x1ed: {  	[tilespmem:s9+$0xFFFFFFB0] =	vst v9;
	v8 =	vmul.f32 v8, v4;
	v9 =	vld [tilespmem:s9+$0x20]  }
0x1ee: {  	v12 =	vld [tilespmem:s9+$0x30];
	[tilespmem:s9+$0xFFFFFFC0] =	vst v6;
	v5 =	vmul.f32 v5, v4  }
0x1ef: {  	v2 =	vld.idx.msk [tilespmem:v13+s23+$0x0], $0xffff;
	v4 =	vmul.f32 v7, v4;
	[tilespmem:s9+$0xFFFFFFD0] =	vst v8  }
0x1f0: {  	v6 =	vmul.f32 v10, v3;
	[tilespmem:s9+$0xFFFFFFE0] =	vst v5;
	v5 =	vld [tilespmem:s9+$0x50]  }
0x1f1: {  	s4 =	simm.s32 $0x4;
	[tilespmem:s9+$0xFFFFFFF0] =	vst v4;
	v7 =	vmul.f32 v11, v3;
	v4 =	vld [tilespmem:s9+$0x60]  }
0x1f2: {  	s16 =	simm.s32 $0x7;
	v8 =	vmov s4;
	[tilespmem:s9+$0x0] =	vst v6;
	v10 =	vmul.f32 v9, v3;
	v9 =	vld [tilespmem:s9+$0x80]  }
0x1f3: {  	s25 =	simm.s32 $0x5;
	v13 =	vand.u32 $0xFFFFFFFC, v8;
	v8 =	vld [tilespmem:s9+$0x90];
	v6 =	vmov s16;
	v11 =	vmul.f32 v12, v3;
	[tilespmem:s9+$0x10] =	vst v7  }
0x1f4: {  	s0 =	simm.s32 $0x6;
	v12 =	vmul.f32 v14, v3;
	s16 =	simm.s32 $0x5900;
	v7 =	vbroadcast v13, $0x0;
	v13 =	vmov s25;
	s25 =	simm.s32 $0x8;
	[tilespmem:s9+$0x20] =	vst v10;
	v10 =	vld [tilespmem:s9+$0xA0]  }
.LBB2_12:
0x1f5: {  	p2 =	slt.u32 s25, $0x4C;
	v13 =	vand.u32 $0xFFFFFFFD, v13;
	v14 =	vmov s0;
	[tilespmem:s9+$0x30] =	vst v11;
	v5 =	vmul.f32 v5, v3;
	v11 =	vld [tilespmem:s9+$0xB0]  }
0x1f6: {  	v13 =	vbroadcast v13, $0x0;
	v14 =	vand.u32 $0xFFFFFFFE, v14;
	[tilespmem:s9+$0x40] =	vst v12;
	v3 =	vmul.f32 v4, v3;
	v4 =	vld [tilespmem:s9+$0xC0]  }
0x1f7: {  	v12 =	vbroadcast v14, $0x0;
	[tilespmem:s9+$0x50] =	vst v5;
	v5 =	vmul.f32 v9, v2;
	v9 =	vld [tilespmem:s9+$0xD0]  }
0x1f8: {  	[tilespmem:s9+$0x60] =	vst v3;
	v3 =	vmul.f32 v8, v2;
	v8 =	vld [tilespmem:s9+$0xE0]  }
0x1f9: {  	[tilespmem:s9+$0x80] =	vst v5;
	v5 =	vmul.f32 v10, v2;
	v10 =	vld [tilespmem:s9+$0xF0]  }
0x1fa: {  	v6 =	vld.idx.msk [tilespmem:v6+s23+$0x0], $0xffff;
	[tilespmem:s9+$0x90] =	vst v3;
	v3 =	vmul.f32 v11, v2  }
0x1fb: {  	v7 =	vld.idx.msk [tilespmem:v7+s23+$0x0], $0xffff;
	[tilespmem:s9+$0xA0] =	vst v5;
	v4 =	vmul.f32 v4, v2  }
0x1fc: {  	v5 =	vld.idx.msk [tilespmem:v13+s23+$0x0], $0xffff;
	[tilespmem:s9+$0xB0] =	vst v3;
	v9 =	vmul.f32 v9, v2  }
0x1fd: {  	s9 =	sadd.s32 $0x200, s9;
	v3 =	vld.idx.msk [tilespmem:v12+s23+$0x0], $0xffff;
	[tilespmem:s16+$0xC0] =	vst v4;
	v4 =	vmul.f32 v8, v2  }
0x1fe: {  	v8 =	vld [tilespmem:s9+$0x70];
	[tilespmem:s16+$0xD0] =	vst v9;
	v10 =	vmul.f32 v10, v2  }
0x1ff: {  	v9 =	vld [tilespmem:s9+$0xFFFFFF00];
	[tilespmem:s16+$0xE0] =	vst v4  }
0x200: {  	v2 =	vmov v6;
	v4 =	vld [tilespmem:s9+$0xFFFFFF10];
	[tilespmem:s16+$0xF0] =	vst v10;
	s16 =	smov.u32 s9  }
0x201: {  	v6 =	vld [tilespmem:s9+$0xFFFFFF20]  }
0x202: {  	v10 =	vld [tilespmem:s9+$0xFFFFFF30]  }
0x203: {  	v11 =	vld [tilespmem:s9+$0xFFFFFF40];
	v8 =	vmul.f32 v8, v3  }
0x204: {  	v9 =	vmul.f32 v9, v7;
	v12 =	vld [tilespmem:s9+$0xFFFFFF50]  }
0x205: {  	v4 =	vmul.f32 v4, v7;
	v13 =	vld [tilespmem:s9+$0xFFFFFF60];
	[tilespmem:s9+$0x70] =	vst v8  }
0x206: {  	[tilespmem:s9+$0xFFFFFF00] =	vst v9;
	v6 =	vmul.f32 v6, v7;
	v8 =	vld [tilespmem:s9+$0xFFFFFF70]  }
0x207: {  	[tilespmem:s9+$0xFFFFFF10] =	vst v4;
	v4 =	vmul.f32 v10, v7;
	v9 =	vld [tilespmem:s9+$0xFFFFFF80]  }
0x208: {  	[tilespmem:s9+$0xFFFFFF20] =	vst v6;
	v6 =	vmul.f32 v11, v7;
	v10 =	vld [tilespmem:s9+$0xFFFFFF90]  }
0x209: {  	[tilespmem:s9+$0xFFFFFF30] =	vst v4;
	v4 =	vmul.f32 v12, v7;
	v11 =	vld [tilespmem:s9+$0xFFFFFFA0]  }
0x20a: {  	[tilespmem:s9+$0xFFFFFF40] =	vst v6;
	v6 =	vmul.f32 v13, v7;
	v12 =	vld [tilespmem:s9+$0xFFFFFFB0]  }
0x20b: {  	[tilespmem:s9+$0xFFFFFF50] =	vst v4;
	v4 =	vmul.f32 v8, v7;
	v7 =	vld [tilespmem:s9+$0xFFFFFFC0]  }
0x20c: {  	[tilespmem:s9+$0xFFFFFF60] =	vst v6;
	v6 =	vmul.f32 v9, v5;
	v8 =	vld [tilespmem:s9+$0xFFFFFFD0]  }
0x20d: {  	[tilespmem:s9+$0xFFFFFF70] =	vst v4;
	v4 =	vmul.f32 v10, v5;
	v9 =	vld [tilespmem:s9+$0xFFFFFFE0]  }
0x20e: {  	[tilespmem:s9+$0xFFFFFF80] =	vst v6;
	v6 =	vmul.f32 v11, v5;
	v10 =	vld [tilespmem:s9+$0xFFFFFFF0]  }
0x20f: {  	[tilespmem:s9+$0xFFFFFF90] =	vst v4;
	v4 =	vmul.f32 v12, v5;
	v11 =	vld [tilespmem:s9+$0x0]  }
0x210: {  	[tilespmem:s9+$0xFFFFFFA0] =	vst v6;
	v6 =	vmul.f32 v7, v5;
	v7 =	vld [tilespmem:s9+$0x10]  }
0x211: {  	[tilespmem:s9+$0xFFFFFFB0] =	vst v4;
	v4 =	vmul.f32 v8, v5;
	v8 =	vld [tilespmem:s9+$0x20]  }
0x212: {  	[tilespmem:s9+$0xFFFFFFC0] =	vst v6;
	v6 =	vmul.f32 v9, v5;
	v12 =	vld [tilespmem:s9+$0x30]  }
0x213: {  	[tilespmem:s9+$0xFFFFFFD0] =	vst v4;
	v4 =	vmul.f32 v10, v5;
	v10 =	vld [tilespmem:s9+$0x40]  }
.Ltmp4:
0x214: {  	[tilespmem:s9+$0xFFFFFFE0] =	vst v6;
	v6 =	vmul.f32 v11, v3;
	v5 =	vld [tilespmem:s9+$0x50];
	(pc) =	sbr.rel @p2 .LBB2_12-.Ltmp4, $4  }
0x215: {  	[tilespmem:s9+$0xFFFFFFF0] =	vst v4;
	v7 =	vmul.f32 v7, v3;
	v4 =	vld [tilespmem:s9+$0x60]  }
0x216: {  	s0 =	sadd.s32 $0x3, s25;
	v11 =	vmov s25;
	[tilespmem:s9+$0x0] =	vst v6;
	v14 =	vmul.f32 v8, v3;
	v9 =	vld [tilespmem:s9+$0x80]  }
0x217: {  	s4 =	sadd.s32 $0x1, s25;
	v13 =	vand.u32 $0xFFFFFFFC, v11;
	v6 =	vmov s0;
	[tilespmem:s9+$0x10] =	vst v7;
	v11 =	vmul.f32 v12, v3;
	v8 =	vld [tilespmem:s9+$0x90]  }
0x218: {  	s0 =	sadd.s32 $0x2, s25;
	s25 =	sadd.s32 $0x4, s25;
	v7 =	vbroadcast v13, $0x0;
	v13 =	vmov s4;
	[tilespmem:s9+$0x20] =	vst v14;
	v12 =	vmul.f32 v10, v3;
	v10 =	vld [tilespmem:s9+$0xA0]  }
0x219: {  	v14 =	vld [tilespmem:s9+$0xB0]  }
0x21a: {  	v16 =	vld [tilespmem:s9+$0xC0]  }
0x21b: {  	v15 =	vmov s0;
	v17 =	vld [tilespmem:s9+$0xD0]  }
0x21c: {  	v18 =	vld [tilespmem:s9+$0xE0];
	[tilespmem:s9+$0x30] =	vst v11;
	v5 =	vmul.f32 v5, v3;
	v15 =	vand.u32 $0xFFFFFFFE, v15  }
0x21d: {  	v13 =	vand.u32 $0xFFFFFFFD, v13;
	v6 =	vld.idx.msk [tilespmem:v6+s23+$0x0], $0xffff;
	[tilespmem:s9+$0x40] =	vst v12;
	v3 =	vmul.f32 v4, v3;
	v15 =	vbroadcast v15, $0x0  }
0x21e: {  	s25 =	sadd.s32 $0x200, s9;
	v13 =	vbroadcast v13, $0x0;
	v4 =	vld.idx.msk [tilespmem:v7+s23+$0x0], $0xffff;
	v9 =	vmul.f32 v9, v2;
	[tilespmem:s9+$0x50] =	vst v5  }
0x21f: {  	v11 =	vld [tilespmem:s25+$0xFFFFFF00];
	v5 =	vmul.f32 v8, v2;
	[tilespmem:s9+$0x60] =	vst v3  }
0x220: {  	[tilespmem:s9+$0x80] =	vst v9;
	v9 =	vld [tilespmem:s9+$0xF0];
	v3 =	vmul.f32 v10, v2  }
0x221: {  	v12 =	vld [tilespmem:s25+$0xFFFFFF10];
	[tilespmem:s9+$0x90] =	vst v5;
	v5 =	vmul.f32 v14, v2  }
0x222: {  	v10 =	vld [tilespmem:s25+$0x70];
	[tilespmem:s9+$0xA0] =	vst v3;
	v3 =	vmul.f32 v16, v2  }
0x223: {  	[tilespmem:s9+$0xB0] =	vst v5;
	v5 =	vmul.f32 v17, v2;
	v8 =	vld.idx.msk [tilespmem:v15+s23+$0x0], $0xffff  }
0x224: {  	v7 =	vld.idx.msk [tilespmem:v13+s23+$0x0], $0xffff;
	[tilespmem:s16+$0xC0] =	vst v3;
	v3 =	vmul.f32 v18, v2  }
0x225: {  	v13 =	vld [tilespmem:s25+$0xFFFFFF20];
	[tilespmem:s16+$0xD0] =	vst v5;
	v2 =	vmul.f32 v9, v2  }
0x226: {  	v5 =	vld [tilespmem:s25+$0xFFFFFF30];
	[tilespmem:s16+$0xE0] =	vst v3  }
0x227: {  	v3 =	vld [tilespmem:s25+$0xFFFFFF40];
	[tilespmem:s16+$0xF0] =	vst v2;
	v2 =	vmul.f32 v11, v4  }
0x228: {  	v9 =	vmul.f32 v10, v8;
	v10 =	vld [tilespmem:s25+$0xFFFFFF50]  }
0x229: {  	v11 =	vmul.f32 v12, v4;
	v12 =	vld [tilespmem:s25+$0xFFFFFF60];
	[tilespmem:s25+$0xFFFFFF00] =	vst v2  }
0x22a: {  	v2 =	vmul.f32 v13, v4;
	[tilespmem:s25+$0x70] =	vst v9;
	v9 =	vld [tilespmem:s25+$0xFFFFFF70]  }
0x22b: {  	[tilespmem:s25+$0xFFFFFF10] =	vst v11;
	v11 =	vld [tilespmem:s25+$0xFFFFFF80];
	v5 =	vmul.f32 v5, v4  }
0x22c: {  	[tilespmem:s25+$0xFFFFFF20] =	vst v2;
	v2 =	vmul.f32 v3, v4;
	v3 =	vld [tilespmem:s25+$0xFFFFFF90]  }
0x22d: {  	[tilespmem:s25+$0xFFFFFF30] =	vst v5;
	v5 =	vmul.f32 v10, v4;
	v10 =	vld [tilespmem:s25+$0xFFFFFFA0]  }
0x22e: {  	[tilespmem:s25+$0xFFFFFF40] =	vst v2;
	v2 =	vmul.f32 v12, v4;
	v12 =	vld [tilespmem:s25+$0xFFFFFFB0]  }
0x22f: {  	[tilespmem:s25+$0xFFFFFF50] =	vst v5;
	v4 =	vmul.f32 v9, v4;
	v5 =	vld [tilespmem:s25+$0xFFFFFFC0]  }
0x230: {  	[tilespmem:s25+$0xFFFFFF60] =	vst v2;
	v2 =	vmul.f32 v11, v7;
	v9 =	vld [tilespmem:s25+$0xFFFFFFD0]  }
0x231: {  	v3 =	vmul.f32 v3, v7;
	[tilespmem:s25+$0xFFFFFF70] =	vst v4;
	v4 =	vld [tilespmem:s25+$0xFFFFFFE0]  }
0x232: {  	[tilespmem:s25+$0xFFFFFF80] =	vst v2;
	v2 =	vmul.f32 v10, v7;
	v10 =	vld [tilespmem:s25+$0xFFFFFFF0]  }
0x233: {  	v11 =	vld [tilespmem:s25+$0x0];
	[tilespmem:s25+$0xFFFFFF90] =	vst v3;
	v3 =	vmul.f32 v12, v7  }
0x234: {  	[tilespmem:s25+$0xFFFFFFA0] =	vst v2;
	v2 =	vmul.f32 v5, v7;
	v5 =	vld [tilespmem:s25+$0x10]  }
0x235: {  	[tilespmem:s25+$0xFFFFFFB0] =	vst v3;
	v3 =	vmul.f32 v9, v7;
	v9 =	vld [tilespmem:s25+$0x20]  }
0x236: {  	[tilespmem:s25+$0xFFFFFFC0] =	vst v2;
	v2 =	vmul.f32 v4, v7;
	v4 =	vld [tilespmem:s25+$0x30]  }
0x237: {  	[tilespmem:s25+$0xFFFFFFD0] =	vst v3;
	v3 =	vmul.f32 v10, v7;
	v7 =	vld [tilespmem:s25+$0x40]  }
0x238: {  	v10 =	vld [tilespmem:s25+$0x50];
	[tilespmem:s25+$0xFFFFFFE0] =	vst v2;
	v2 =	vmul.f32 v11, v8  }
0x239: {  	[tilespmem:s25+$0xFFFFFFF0] =	vst v3;
	v3 =	vmul.f32 v5, v8;
	v5 =	vld [tilespmem:s25+$0x60]  }
0x23a: {  	[tilespmem:s25+$0x0] =	vst v2;
	v2 =	vmul.f32 v9, v8;
	v9 =	vld [tilespmem:s25+$0x80]  }
0x23b: {  	[tilespmem:s25+$0x10] =	vst v3;
	v3 =	vmul.f32 v4, v8;
	v4 =	vld [tilespmem:s25+$0x90]  }
0x23c: {  	[tilespmem:s25+$0x20] =	vst v2;
	v2 =	vmul.f32 v7, v8;
	v7 =	vld [tilespmem:s25+$0xA0]  }
0x23d: {  	[tilespmem:s25+$0x30] =	vst v3;
	v3 =	vmul.f32 v10, v8;
	v10 =	vld [tilespmem:s25+$0xB0]  }
0x23e: {  	[tilespmem:s25+$0x40] =	vst v2;
	v2 =	vmul.f32 v5, v8;
	v5 =	vld [tilespmem:s25+$0xC0]  }
0x23f: {  	v8 =	vld [tilespmem:s25+$0xD0];
	[tilespmem:s25+$0x50] =	vst v3;
	v3 =	vmul.f32 v9, v6  }
0x240: {  	[tilespmem:s25+$0x60] =	vst v2;
	v2 =	vmul.f32 v4, v6;
	v4 =	vld [tilespmem:s25+$0xE0]  }
0x241: {  	[tilespmem:s25+$0x80] =	vst v3;
	v3 =	vmul.f32 v7, v6;
	v7 =	vld [tilespmem:s25+$0xF0]  }
0x242: {  	[tilespmem:s25+$0x90] =	vst v2;
	v2 =	vmul.f32 v10, v6  }
0x243: {  	[tilespmem:s25+$0xA0] =	vst v3;
	v3 =	vmul.f32 v5, v6  }
0x244: {  	[tilespmem:s25+$0xB0] =	vst v2;
	v2 =	vmul.f32 v8, v6  }
0x245: {  	[tilespmem:s25+$0xC0] =	vst v3;
	v3 =	vmul.f32 v4, v6  }
0x246: {  	s0 =	sadd.s32 @!p1 s28, s14;
	[tilespmem:s25+$0xD0] =	vst v2;
	v2 =	vmul.f32 v7, v6  }
0x247: {  	s0 =	sshll.u32 @!p1 s0, $0x5;
	[tilespmem:s25+$0xE0] =	vst v3  }
0x248: {  	s0 =	sand.u32 @!p1 $0x1FFFFFE0, s0;
	s9 =	simm.s32 $0x700;
	[tilespmem:s25+$0xF0] =	vst v2  }
0x249: {  	[spmem:s2] =	stream.indirect.scatter.add.f32 [tilespmem:s21], [sflag:$0xB], $0x80, s9, s8, $0xb8;
	[tilespmem:$0x1F680] =	vst v63  }
0x24a: {  	s4 =	simm.s32 @!p1 $0x0;
	s0 =	sadd.s32 @!p1 s5, s0;
	s9 =	simm.s32 @!p1 $0x200  }
0x24b: {  	[tilespmem:s9], [sflag:$0x3] =	stream.linear.gather @!p1 [hbm4b:s0+s4], $0x100, $0x38;
	[tilespmem:$0x1F680] =	vst v63  }
0x24c: {  	s0 =	simm.s32 @!p1 $0x2  }
0x24d: {  	_ =	swait.ge @!p1 [sflag:s0], $0x100  }
0x24e: {  	[sflag:s0] =	ssyncset.done @!p1 $0x0  }
0x24f: {  	[sflag:s0] =	ssyncadd.s32 @!p1 $0xFFFFFF00;
	s0 =	simm.s32 @!p1 $0xA  }
0x250: {  	_ =	swait.ge @!p1 [sflag:s0], $0x2800  }
0x251: {  	[sflag:s0] =	ssyncset.done @!p1 $0x0  }
0x252: {  	[sflag:s0] =	ssyncadd.s32 @!p1 $0xFFFFD800  }
0x253: {  	v2 =	vld @!p1 [tilespmem:$0x100]  }
0x254: {  	v3 =	vld @!p1 [tilespmem:$0x150]  }
0x255: {  	v4 =	vld @!p1 [tilespmem:$0x1A0]  }
0x256: {  	v5 =	vld @!p1 [tilespmem:$0x110];
	_ =	sdelay $0x1  }
0x257: {  	v6 =	vld @!p1 [tilespmem:$0x160]  }
0x258: {  	v7 =	vld @!p1 [tilespmem:$0x1B0];
	[tilespmem:$0x680] =	vst @!p1 v3  }
0x259: {  	v2 =	vadd.s32 @!p1 v1, v2;
	v3 =	vld @!p1 [tilespmem:$0x170];
	[tilespmem:$0xA880] =	vst @!p1 v4  }
0x25a: {  	v4 =	vadd.s32 @!p1 v1, v5;
	[tilespmem:$0x480] =	vst @!p1 v2;
	v2 =	vld @!p1 [tilespmem:$0x120]  }
0x25b: {  	[tilespmem:$0x490] =	vst @!p1 v4;
	v4 =	vld @!p1 [tilespmem:$0x130];
	_ =	sdelay $0x1  }
0x25c: {  	v5 =	vld @!p1 [tilespmem:$0x1C0]  }
0x25d: {  	[tilespmem:$0x690] =	vst @!p1 v6;
	v6 =	vld @!p1 [tilespmem:$0x180]  }
0x25e: {  	[tilespmem:$0xA890] =	vst @!p1 v7;
	v7 =	vld @!p1 [tilespmem:$0x1D0]  }
0x25f: {  	[tilespmem:$0x6A0] =	vst @!p1 v3;
	v2 =	vadd.s32 @!p1 v1, v2;
	v3 =	vadd.s32 @!p1 v1, v4;
	v4 =	vld @!p1 [tilespmem:$0x190]  }
0x260: {  	[tilespmem:$0x4A0] =	vst @!p1 v2;
	v2 =	vld @!p1 [tilespmem:$0x140]  }
0x261: {  	[tilespmem:$0x4B0] =	vst @!p1 v3;
	v3 =	vld @!p1 [tilespmem:$0x1E0]  }
0x262: {  	[tilespmem:$0xA8A0] =	vst @!p1 v5  }
0x263: {  	[tilespmem:$0x6B0] =	vst @!p1 v6  }
0x264: {  	[tilespmem:$0xA8B0] =	vst @!p1 v7  }
0x265: {  	[tilespmem:$0x6C0] =	vst @!p1 v4  }
0x266: {  	s16 =	simm.s32 $0x0;
	s25 =	simm.s32 $0x2;
	v2 =	vadd.s32 @!p1 v1, v2;
	[tilespmem:$0xA8C0] =	vst @!p1 v3  }
0x267: {  	s4 =	simm.s32 @!p1 $0x480;
	s9 =	simm.s32 @!p1 $0x3000;
	s0 =	simm.s32 @!p1 $0x50;
	[tilespmem:$0x4C0] =	vst @!p1 v2  }
0x268: {  	v5 =	vmov s16;
	[tilespmem:s9], [sflag:$0x6] =	stream.indirect.gather @!p1 [hbm4b:s1+s0], $0x80, s4, s0, $0xb8;
	[tilespmem:$0x1F680] =	vst v63  }
0x269: {  	v2 =	vand.u32 $0xFFFFFFFC, v5;
	v5 =	vmov s25;
	_ =	swait.ge [sflag:s18], $0x2800  }
0x26a: {  	v2 =	vbroadcast v2, $0x0;
	v4 =	vand.u32 $0xFFFFFFFE, v5;
	[sflag:s18] =	ssyncset.done $0x0  }
0x26b: {  	s9 =	simm.s32 $0x8100;
	v3 =	vbroadcast v4, $0x0;
	[sflag:s18] =	ssyncadd.s32 $0xFFFFD800  }
0x26c: {  	v5 =	vld [tilespmem:s9+$0x70]  }
0x26d: {  	v6 =	vld [tilespmem:s9+$0xFFFFFF00]  }
0x26e: {  	s28 =	simm.s32 $0x1;
	v7 =	vld [tilespmem:s9+$0xFFFFFF10]  }
0x26f: {  	v4 =	vmov s28;
	v8 =	vld [tilespmem:s9+$0xFFFFFF20]  }
0x270: {  	v4 =	vand.u32 $0xFFFFFFFD, v4;
	v2 =	vld.idx.msk [tilespmem:v2+s20+$0x0], $0xffff  }
0x271: {  	v4 =	vbroadcast v4, $0x0;
	v3 =	vld.idx.msk [tilespmem:v3+s20+$0x0], $0xffff  }
0x272: {  	v9 =	vld [tilespmem:s9+$0xFFFFFF30]  }
0x273: {  	v10 =	vld [tilespmem:s9+$0xFFFFFF40]  }
0x274: {  	v11 =	vld [tilespmem:s9+$0xFFFFFF50]  }
0x275: {  	v12 =	vld [tilespmem:s9+$0xFFFFFF60];
	v6 =	vmul.f32 v6, v2  }
0x276: {  	v14 =	vld [tilespmem:s9+$0x40];
	v5 =	vmul.f32 v5, v3  }
0x277: {  	v4 =	vld.idx.msk [tilespmem:v4+s20+$0x0], $0xffff;
	[tilespmem:s9+$0xFFFFFF00] =	vst v6;
	v6 =	vmul.f32 v7, v2  }
0x278: {  	v7 =	vld [tilespmem:s9+$0xFFFFFF70];
	[tilespmem:s9+$0x70] =	vst v5;
	v5 =	vmul.f32 v8, v2  }
0x279: {  	v8 =	vld [tilespmem:s9+$0xFFFFFF80];
	[tilespmem:s9+$0xFFFFFF10] =	vst v6;
	v6 =	vmul.f32 v9, v2  }
0x27a: {  	v9 =	vld [tilespmem:s9+$0xFFFFFF90];
	[tilespmem:s9+$0xFFFFFF20] =	vst v5;
	v5 =	vmul.f32 v10, v2  }
0x27b: {  	v10 =	vld [tilespmem:s9+$0xFFFFFFA0];
	[tilespmem:s9+$0xFFFFFF30] =	vst v6;
	v6 =	vmul.f32 v11, v2  }
0x27c: {  	v11 =	vld [tilespmem:s9+$0xFFFFFFB0];
	[tilespmem:s9+$0xFFFFFF40] =	vst v5;
	v5 =	vmul.f32 v12, v2  }
0x27d: {  	v12 =	vld [tilespmem:s9+$0xFFFFFFC0];
	v7 =	vmul.f32 v7, v2;
	[tilespmem:s9+$0xFFFFFF50] =	vst v6  }
0x27e: {  	v6 =	vmul.f32 v8, v4;
	v8 =	vld [tilespmem:s9+$0xFFFFFFD0];
	[tilespmem:s9+$0xFFFFFF60] =	vst v5  }
0x27f: {  	s4 =	simm.s32 $0x3;
	v5 =	vld [tilespmem:s9+$0xFFFFFFE0];
	v9 =	vmul.f32 v9, v4;
	[tilespmem:s9+$0xFFFFFF70] =	vst v7  }
0x280: {  	v13 =	vmov s4;
	v7 =	vld [tilespmem:s9+$0xFFFFFFF0];
	[tilespmem:s9+$0xFFFFFF80] =	vst v6;
	v6 =	vmul.f32 v10, v4  }
0x281: {  	v10 =	vld [tilespmem:s9+$0x0];
	[tilespmem:s9+$0xFFFFFF90] =	vst v9;
	v9 =	vmul.f32 v11, v4  }
0x282: {  	v11 =	vld [tilespmem:s9+$0x10];
	[tilespmem:s9+$0xFFFFFFA0] =	vst v6;
	v6 =	vmul.f32 v12, v4  }
0x283: {  	[tilespmem:s9+$0xFFFFFFB0] =	vst v9;
	v8 =	vmul.f32 v8, v4;
	v9 =	vld [tilespmem:s9+$0x20]  }
0x284: {  	v12 =	vld [tilespmem:s9+$0x30];
	[tilespmem:s9+$0xFFFFFFC0] =	vst v6;
	v5 =	vmul.f32 v5, v4  }
0x285: {  	v2 =	vld.idx.msk [tilespmem:v13+s20+$0x0], $0xffff;
	v4 =	vmul.f32 v7, v4;
	[tilespmem:s9+$0xFFFFFFD0] =	vst v8  }
0x286: {  	v6 =	vmul.f32 v10, v3;
	[tilespmem:s9+$0xFFFFFFE0] =	vst v5;
	v5 =	vld [tilespmem:s9+$0x50]  }
0x287: {  	s16 =	simm.s32 $0x4;
	[tilespmem:s9+$0xFFFFFFF0] =	vst v4;
	v7 =	vmul.f32 v11, v3;
	v4 =	vld [tilespmem:s9+$0x60]  }
0x288: {  	s25 =	simm.s32 $0x7;
	v8 =	vmov s16;
	[tilespmem:s9+$0x0] =	vst v6;
	v10 =	vmul.f32 v9, v3;
	v9 =	vld [tilespmem:s9+$0x80]  }
0x289: {  	s28 =	simm.s32 $0x5;
	v13 =	vand.u32 $0xFFFFFFFC, v8;
	v8 =	vld [tilespmem:s9+$0x90];
	v6 =	vmov s25;
	v11 =	vmul.f32 v12, v3;
	[tilespmem:s9+$0x10] =	vst v7  }
0x28a: {  	s0 =	simm.s32 $0x6;
	s16 =	simm.s32 $0x8100;
	s25 =	simm.s32 $0x8;
	v12 =	vmul.f32 v14, v3;
	v7 =	vbroadcast v13, $0x0;
	v13 =	vmov s28;
	[tilespmem:s9+$0x20] =	vst v10;
	v10 =	vld [tilespmem:s9+$0xA0]  }
.LBB2_14:
0x28b: {  	p1 =	slt.u32 s25, $0x4C;
	v13 =	vand.u32 $0xFFFFFFFD, v13;
	v14 =	vmov s0;
	[tilespmem:s9+$0x30] =	vst v11;
	v5 =	vmul.f32 v5, v3;
	v11 =	vld [tilespmem:s9+$0xB0]  }
0x28c: {  	v13 =	vbroadcast v13, $0x0;
	v14 =	vand.u32 $0xFFFFFFFE, v14;
	[tilespmem:s9+$0x40] =	vst v12;
	v3 =	vmul.f32 v4, v3;
	v4 =	vld [tilespmem:s9+$0xC0]  }
0x28d: {  	v12 =	vbroadcast v14, $0x0;
	[tilespmem:s9+$0x50] =	vst v5;
	v5 =	vmul.f32 v9, v2;
	v9 =	vld [tilespmem:s9+$0xD0]  }
0x28e: {  	[tilespmem:s9+$0x60] =	vst v3;
	v3 =	vmul.f32 v8, v2;
	v8 =	vld [tilespmem:s9+$0xE0]  }
0x28f: {  	[tilespmem:s9+$0x80] =	vst v5;
	v5 =	vmul.f32 v10, v2;
	v10 =	vld [tilespmem:s9+$0xF0]  }
0x290: {  	v6 =	vld.idx.msk [tilespmem:v6+s20+$0x0], $0xffff;
	[tilespmem:s9+$0x90] =	vst v3;
	v3 =	vmul.f32 v11, v2  }
0x291: {  	v7 =	vld.idx.msk [tilespmem:v7+s20+$0x0], $0xffff;
	[tilespmem:s9+$0xA0] =	vst v5;
	v4 =	vmul.f32 v4, v2  }
0x292: {  	v5 =	vld.idx.msk [tilespmem:v13+s20+$0x0], $0xffff;
	[tilespmem:s9+$0xB0] =	vst v3;
	v9 =	vmul.f32 v9, v2  }
0x293: {  	s9 =	sadd.s32 $0x200, s9;
	v3 =	vld.idx.msk [tilespmem:v12+s20+$0x0], $0xffff;
	[tilespmem:s16+$0xC0] =	vst v4;
	v4 =	vmul.f32 v8, v2  }
0x294: {  	v8 =	vld [tilespmem:s9+$0x70];
	[tilespmem:s16+$0xD0] =	vst v9;
	v10 =	vmul.f32 v10, v2  }
0x295: {  	v9 =	vld [tilespmem:s9+$0xFFFFFF00];
	[tilespmem:s16+$0xE0] =	vst v4  }
0x296: {  	v2 =	vmov v6;
	v4 =	vld [tilespmem:s9+$0xFFFFFF10];
	[tilespmem:s16+$0xF0] =	vst v10;
	s16 =	smov.u32 s9  }
0x297: {  	v6 =	vld [tilespmem:s9+$0xFFFFFF20]  }
0x298: {  	v10 =	vld [tilespmem:s9+$0xFFFFFF30]  }
0x299: {  	v11 =	vld [tilespmem:s9+$0xFFFFFF40];
	v8 =	vmul.f32 v8, v3  }
0x29a: {  	v9 =	vmul.f32 v9, v7;
	v12 =	vld [tilespmem:s9+$0xFFFFFF50]  }
0x29b: {  	v4 =	vmul.f32 v4, v7;
	v13 =	vld [tilespmem:s9+$0xFFFFFF60];
	[tilespmem:s9+$0x70] =	vst v8  }
0x29c: {  	[tilespmem:s9+$0xFFFFFF00] =	vst v9;
	v6 =	vmul.f32 v6, v7;
	v8 =	vld [tilespmem:s9+$0xFFFFFF70]  }
0x29d: {  	[tilespmem:s9+$0xFFFFFF10] =	vst v4;
	v4 =	vmul.f32 v10, v7;
	v9 =	vld [tilespmem:s9+$0xFFFFFF80]  }
0x29e: {  	[tilespmem:s9+$0xFFFFFF20] =	vst v6;
	v6 =	vmul.f32 v11, v7;
	v10 =	vld [tilespmem:s9+$0xFFFFFF90]  }
0x29f: {  	[tilespmem:s9+$0xFFFFFF30] =	vst v4;
	v4 =	vmul.f32 v12, v7;
	v11 =	vld [tilespmem:s9+$0xFFFFFFA0]  }
0x2a0: {  	[tilespmem:s9+$0xFFFFFF40] =	vst v6;
	v6 =	vmul.f32 v13, v7;
	v12 =	vld [tilespmem:s9+$0xFFFFFFB0]  }
0x2a1: {  	[tilespmem:s9+$0xFFFFFF50] =	vst v4;
	v4 =	vmul.f32 v8, v7;
	v7 =	vld [tilespmem:s9+$0xFFFFFFC0]  }
0x2a2: {  	[tilespmem:s9+$0xFFFFFF60] =	vst v6;
	v6 =	vmul.f32 v9, v5;
	v8 =	vld [tilespmem:s9+$0xFFFFFFD0]  }
0x2a3: {  	[tilespmem:s9+$0xFFFFFF70] =	vst v4;
	v4 =	vmul.f32 v10, v5;
	v9 =	vld [tilespmem:s9+$0xFFFFFFE0]  }
0x2a4: {  	[tilespmem:s9+$0xFFFFFF80] =	vst v6;
	v6 =	vmul.f32 v11, v5;
	v10 =	vld [tilespmem:s9+$0xFFFFFFF0]  }
0x2a5: {  	[tilespmem:s9+$0xFFFFFF90] =	vst v4;
	v4 =	vmul.f32 v12, v5;
	v11 =	vld [tilespmem:s9+$0x0]  }
0x2a6: {  	[tilespmem:s9+$0xFFFFFFA0] =	vst v6;
	v6 =	vmul.f32 v7, v5;
	v7 =	vld [tilespmem:s9+$0x10]  }
0x2a7: {  	[tilespmem:s9+$0xFFFFFFB0] =	vst v4;
	v4 =	vmul.f32 v8, v5;
	v8 =	vld [tilespmem:s9+$0x20]  }
0x2a8: {  	[tilespmem:s9+$0xFFFFFFC0] =	vst v6;
	v6 =	vmul.f32 v9, v5;
	v12 =	vld [tilespmem:s9+$0x30]  }
0x2a9: {  	[tilespmem:s9+$0xFFFFFFD0] =	vst v4;
	v4 =	vmul.f32 v10, v5;
	v10 =	vld [tilespmem:s9+$0x40]  }
.Ltmp5:
0x2aa: {  	[tilespmem:s9+$0xFFFFFFE0] =	vst v6;
	v6 =	vmul.f32 v11, v3;
	v5 =	vld [tilespmem:s9+$0x50];
	(pc) =	sbr.rel @p1 .LBB2_14-.Ltmp5, $4  }
0x2ab: {  	[tilespmem:s9+$0xFFFFFFF0] =	vst v4;
	v7 =	vmul.f32 v7, v3;
	v4 =	vld [tilespmem:s9+$0x60]  }
0x2ac: {  	s0 =	sadd.s32 $0x3, s25;
	v11 =	vmov s25;
	[tilespmem:s9+$0x0] =	vst v6;
	v14 =	vmul.f32 v8, v3;
	v9 =	vld [tilespmem:s9+$0x80]  }
0x2ad: {  	s4 =	sadd.s32 $0x1, s25;
	v13 =	vand.u32 $0xFFFFFFFC, v11;
	v6 =	vmov s0;
	[tilespmem:s9+$0x10] =	vst v7;
	v11 =	vmul.f32 v12, v3;
	v8 =	vld [tilespmem:s9+$0x90]  }
0x2ae: {  	s0 =	sadd.s32 $0x2, s25;
	s25 =	sadd.s32 $0x4, s25;
	v7 =	vbroadcast v13, $0x0;
	v13 =	vmov s4;
	[tilespmem:s9+$0x20] =	vst v14;
	v12 =	vmul.f32 v10, v3;
	v10 =	vld [tilespmem:s9+$0xA0]  }
0x2af: {  	v14 =	vld [tilespmem:s9+$0xB0]  }
0x2b0: {  	v16 =	vld [tilespmem:s9+$0xC0]  }
0x2b1: {  	v17 =	vld [tilespmem:s9+$0xD0]  }
0x2b2: {  	v18 =	vld [tilespmem:s9+$0xE0]  }
0x2b3: {  	v24 =	vld [tilespmem:s9+$0xF0];
	[tilespmem:s9+$0x30] =	vst v11;
	v5 =	vmul.f32 v5, v3  }
0x2b4: {  	v6 =	vld.idx.msk [tilespmem:v6+s20+$0x0], $0xffff;
	[tilespmem:s9+$0x40] =	vst v12;
	v3 =	vmul.f32 v4, v3  }
0x2b5: {  	s25 =	sadd.s32 $0x200, s9;
	v25 =	vld.idx.msk [tilespmem:v7+s20+$0x0], $0xffff;
	v9 =	vmul.f32 v9, v2;
	[tilespmem:s9+$0x50] =	vst v5  }
0x2b6: {  	v30 =	vld [tilespmem:s25+$0x70];
	v26 =	vmul.f32 v8, v2;
	[tilespmem:s9+$0x60] =	vst v3  }
0x2b7: {  	v31 =	vld [tilespmem:s25+$0xFFFFFF00];
	[tilespmem:s9+$0x80] =	vst v9;
	v3 =	vmul.f32 v10, v2  }
0x2b8: {  	v15 =	vmov s0;
	v33 =	vld [tilespmem:s25+$0xFFFFFF10];
	[tilespmem:s9+$0x90] =	vst v26;
	v29 =	vmul.f32 v14, v2  }
0x2b9: {  	v15 =	vand.u32 $0xFFFFFFFE, v15;
	v34 =	vld [tilespmem:s25+$0xFFFFFF20];
	[tilespmem:s9+$0xA0] =	vst v3;
	v3 =	vmul.f32 v16, v2  }
0x2ba: {  	v13 =	vand.u32 $0xFFFFFFFD, v13;
	v35 =	vld [tilespmem:s25+$0xFFFFFF30];
	v15 =	vbroadcast v15, $0x0;
	v32 =	vmul.f32 v17, v2;
	[tilespmem:s9+$0xB0] =	vst v29  }
0x2bb: {  	v13 =	vbroadcast v13, $0x0;
	v37 =	vld [tilespmem:s25+$0xFFFFFF50];
	[tilespmem:s16+$0xC0] =	vst v3;
	v3 =	vmul.f32 v18, v2  }
0x2bc: {  	v39 =	vld [tilespmem:s25+$0xFFFFFF60];
	[tilespmem:s16+$0xD0] =	vst v32;
	v2 =	vmul.f32 v24, v2  }
0x2bd: {  	v38 =	vmul.f32 v33, v25;
	[tilespmem:s16+$0xE0] =	vst v3;
	v3 =	vld [tilespmem:s25+$0xFFFFFF40]  }
0x2be: {  	v40 =	vld [tilespmem:s25+$0xFFFFFF70];
	[tilespmem:s16+$0xF0] =	vst v2;
	v2 =	vmul.f32 v31, v25  }
0x2bf: {  	v41 =	vld [tilespmem:s25+$0xFFFFFF80];
	v5 =	vmul.f32 v35, v25;
	[tilespmem:s25+$0xFFFFFF10] =	vst v38  }
0x2c0: {  	v28 =	vld.idx.msk [tilespmem:v15+s20+$0x0], $0xffff;
	[tilespmem:s25+$0xFFFFFF00] =	vst v2;
	v2 =	vmul.f32 v34, v25  }
0x2c1: {  	v42 =	vmul.f32 v37, v25;
	v27 =	vld.idx.msk [tilespmem:v13+s20+$0x0], $0xffff;
	[tilespmem:s25+$0xFFFFFF30] =	vst v5  }
0x2c2: {  	[tilespmem:s25+$0xFFFFFF20] =	vst v2;
	v2 =	vmul.f32 v3, v25;
	v3 =	vld [tilespmem:s25+$0xFFFFFF90]  }
0x2c3: {  	v43 =	vld [tilespmem:s25+$0xFFFFFFA0];
	v4 =	vmul.f32 v40, v25;
	[tilespmem:s25+$0xFFFFFF50] =	vst v42  }
0x2c4: {  	v44 =	vld [tilespmem:s25+$0xFFFFFFB0];
	[tilespmem:s25+$0xFFFFFF40] =	vst v2;
	v2 =	vmul.f32 v39, v25  }
0x2c5: {  	v45 =	vld [tilespmem:s25+$0xFFFFFFC0];
	[tilespmem:s25+$0xFFFFFF70] =	vst v4;
	v36 =	vmul.f32 v30, v28  }
0x2c6: {  	v46 =	vld [tilespmem:s25+$0xFFFFFFD0];
	[tilespmem:s25+$0xFFFFFF60] =	vst v2;
	v2 =	vmul.f32 v41, v27  }
0x2c7: {  	v47 =	vld [tilespmem:s25+$0xFFFFFFE0];
	[tilespmem:s25+$0x70] =	vst v36;
	v3 =	vmul.f32 v3, v27  }
0x2c8: {  	v48 =	vld [tilespmem:s25+$0xFFFFFFF0];
	[tilespmem:s25+$0xFFFFFF80] =	vst v2;
	v2 =	vmul.f32 v43, v27  }
0x2c9: {  	v49 =	vld [tilespmem:s25+$0x0];
	[tilespmem:s25+$0xFFFFFF90] =	vst v3;
	v3 =	vmul.f32 v44, v27  }
0x2ca: {  	v50 =	vld [tilespmem:s25+$0x10];
	[tilespmem:s25+$0xFFFFFFA0] =	vst v2;
	v2 =	vmul.f32 v45, v27  }
0x2cb: {  	v51 =	vld [tilespmem:s25+$0x20];
	[tilespmem:s25+$0xFFFFFFB0] =	vst v3;
	v3 =	vmul.f32 v46, v27  }
0x2cc: {  	v52 =	vld [tilespmem:s25+$0x30];
	[tilespmem:s25+$0xFFFFFFC0] =	vst v2;
	v2 =	vmul.f32 v47, v27  }
0x2cd: {  	v53 =	vld [tilespmem:s25+$0x40];
	[tilespmem:s25+$0xFFFFFFD0] =	vst v3;
	v3 =	vmul.f32 v48, v27  }
0x2ce: {  	v54 =	vld [tilespmem:s25+$0x50];
	[tilespmem:s25+$0xFFFFFFE0] =	vst v2;
	v2 =	vmul.f32 v49, v28  }
0x2cf: {  	v55 =	vld [tilespmem:s25+$0x60];
	[tilespmem:s25+$0xFFFFFFF0] =	vst v3;
	v3 =	vmul.f32 v50, v28  }
0x2d0: {  	v56 =	vld [tilespmem:s25+$0x80];
	[tilespmem:s25+$0x0] =	vst v2;
	v2 =	vmul.f32 v51, v28  }
0x2d1: {  	v57 =	vld [tilespmem:s25+$0x90];
	[tilespmem:s25+$0x10] =	vst v3;
	v3 =	vmul.f32 v52, v28  }
0x2d2: {  	v58 =	vld [tilespmem:s25+$0xA0];
	[tilespmem:s25+$0x20] =	vst v2;
	v2 =	vmul.f32 v53, v28  }
0x2d3: {  	v59 =	vld [tilespmem:s25+$0xB0];
	[tilespmem:s25+$0x30] =	vst v3;
	v3 =	vmul.f32 v54, v28  }
0x2d4: {  	v60 =	vld [tilespmem:s25+$0xC0];
	[tilespmem:s25+$0x40] =	vst v2;
	v2 =	vmul.f32 v55, v28  }
0x2d5: {  	v61 =	vld [tilespmem:s25+$0xD0];
	[tilespmem:s25+$0x50] =	vst v3;
	v3 =	vmul.f32 v56, v6  }
0x2d6: {  	v62 =	vld [tilespmem:s25+$0xE0];
	[tilespmem:s25+$0x60] =	vst v2;
	v2 =	vmul.f32 v57, v6  }
0x2d7: {  	v63 =	vld [tilespmem:s25+$0xF0];
	[tilespmem:s25+$0x80] =	vst v3;
	v3 =	vmul.f32 v58, v6  }
0x2d8: {  	[tilespmem:s25+$0x90] =	vst v2;
	v2 =	vmul.f32 v59, v6  }
0x2d9: {  	s6 =	sadd.s32 $0x1, s6;
	[tilespmem:s25+$0xA0] =	vst v3;
	v3 =	vmul.f32 v60, v6  }
0x2da: {  	p1 =	sne.s32 s6, $0x1F;
	[tilespmem:s25+$0xB0] =	vst v2;
	v2 =	vmul.f32 v61, v6  }
.Ltmp6:
0x2db: {  	[tilespmem:s25+$0xC0] =	vst v3;
	v3 =	vmul.f32 v62, v6;
	(pc) =	sbr.rel @p1 .LBB2_7-.Ltmp6, $4  }
0x2dc: {  	[tilespmem:s25+$0xD0] =	vst v2;
	v2 =	vmul.f32 v63, v6  }
0x2dd: {  	[tilespmem:s25+$0xE0] =	vst v3  }
0x2de: {  	s28 =	simm.s32 $0x780;
	[tilespmem:s25+$0xF0] =	vst v2  }
0x2df: {  	[spmem:s2] =	stream.indirect.scatter.add.f32 [tilespmem:s29], [sflag:$0xC], $0x80, s28, s8, $0xb8;
	[tilespmem:$0x1F680] =	vst v63  }
0x2e0: {  	s0 =	simm.s32 $0x0  }
0x2e1: {  	s9 =	simm.s32 $0x2;
	v1 =	vmov s0  }
0x2e2: {  	_ =	swait.ge [sflag:s22], $0x2800;
	v2 =	vmov s9;
	v1 =	vand.u32 $0xFFFFFFFC, v1  }
0x2e3: {  	[sflag:s22] =	ssyncset.done $0x0;
	v2 =	vand.u32 $0xFFFFFFFE, v2;
	v1 =	vbroadcast v1, $0x0  }
0x2e4: {  	s0 =	simm.s32 $0x900;
	[sflag:s22] =	ssyncadd.s32 $0xFFFFD800;
	v2 =	vbroadcast v2, $0x0  }
0x2e5: {  	v4 =	vld [tilespmem:s0+$0x70]  }
0x2e6: {  	v5 =	vld [tilespmem:s0+$0xFFFFFF00]  }
0x2e7: {  	s4 =	simm.s32 $0x1;
	v6 =	vld [tilespmem:s0+$0xFFFFFF10]  }
0x2e8: {  	v3 =	vmov s4;
	v7 =	vld [tilespmem:s0+$0xFFFFFF20]  }
0x2e9: {  	v3 =	vand.u32 $0xFFFFFFFD, v3;
	v1 =	vld.idx.msk [tilespmem:v1+s24+$0x0], $0xffff  }
0x2ea: {  	v3 =	vbroadcast v3, $0x0;
	v2 =	vld.idx.msk [tilespmem:v2+s24+$0x0], $0xffff  }
0x2eb: {  	v8 =	vld [tilespmem:s0+$0xFFFFFF30]  }
0x2ec: {  	v9 =	vld [tilespmem:s0+$0xFFFFFF40]  }
0x2ed: {  	v10 =	vld [tilespmem:s0+$0xFFFFFF50]  }
0x2ee: {  	v11 =	vld [tilespmem:s0+$0xFFFFFF60];
	v5 =	vmul.f32 v5, v1  }
0x2ef: {  	v13 =	vld [tilespmem:s0+$0x40];
	v4 =	vmul.f32 v4, v2  }
0x2f0: {  	v3 =	vld.idx.msk [tilespmem:v3+s24+$0x0], $0xffff;
	[tilespmem:s0+$0xFFFFFF00] =	vst v5;
	v5 =	vmul.f32 v6, v1  }
0x2f1: {  	v6 =	vld [tilespmem:s0+$0xFFFFFF70];
	[tilespmem:s0+$0x70] =	vst v4;
	v4 =	vmul.f32 v7, v1  }
0x2f2: {  	v7 =	vld [tilespmem:s0+$0xFFFFFF80];
	[tilespmem:s0+$0xFFFFFF10] =	vst v5;
	v5 =	vmul.f32 v8, v1  }
0x2f3: {  	v8 =	vld [tilespmem:s0+$0xFFFFFF90];
	[tilespmem:s0+$0xFFFFFF20] =	vst v4;
	v4 =	vmul.f32 v9, v1  }
0x2f4: {  	v9 =	vld [tilespmem:s0+$0xFFFFFFA0];
	[tilespmem:s0+$0xFFFFFF30] =	vst v5;
	v5 =	vmul.f32 v10, v1  }
0x2f5: {  	v10 =	vld [tilespmem:s0+$0xFFFFFFB0];
	[tilespmem:s0+$0xFFFFFF40] =	vst v4;
	v4 =	vmul.f32 v11, v1  }
0x2f6: {  	v11 =	vld [tilespmem:s0+$0xFFFFFFC0];
	v6 =	vmul.f32 v6, v1;
	[tilespmem:s0+$0xFFFFFF50] =	vst v5  }
0x2f7: {  	v5 =	vmul.f32 v7, v3;
	v7 =	vld [tilespmem:s0+$0xFFFFFFD0];
	[tilespmem:s0+$0xFFFFFF60] =	vst v4  }
0x2f8: {  	s16 =	simm.s32 $0x3;
	v4 =	vld [tilespmem:s0+$0xFFFFFFE0];
	v8 =	vmul.f32 v8, v3;
	[tilespmem:s0+$0xFFFFFF70] =	vst v6  }
0x2f9: {  	v12 =	vmov s16;
	v6 =	vld [tilespmem:s0+$0xFFFFFFF0];
	[tilespmem:s0+$0xFFFFFF80] =	vst v5;
	v5 =	vmul.f32 v9, v3  }
0x2fa: {  	v9 =	vld [tilespmem:s0+$0x0];
	[tilespmem:s0+$0xFFFFFF90] =	vst v8;
	v8 =	vmul.f32 v10, v3  }
0x2fb: {  	v10 =	vld [tilespmem:s0+$0x10];
	[tilespmem:s0+$0xFFFFFFA0] =	vst v5;
	v5 =	vmul.f32 v11, v3  }
0x2fc: {  	[tilespmem:s0+$0xFFFFFFB0] =	vst v8;
	v7 =	vmul.f32 v7, v3;
	v8 =	vld [tilespmem:s0+$0x20]  }
0x2fd: {  	v11 =	vld [tilespmem:s0+$0x30];
	v4 =	vmul.f32 v4, v3;
	[tilespmem:s0+$0xFFFFFFC0] =	vst v5  }
0x2fe: {  	v1 =	vld.idx.msk [tilespmem:v12+s24+$0x0], $0xffff;
	v3 =	vmul.f32 v6, v3;
	[tilespmem:s0+$0xFFFFFFD0] =	vst v7  }
0x2ff: {  	[tilespmem:s0+$0xFFFFFFE0] =	vst v4;
	v5 =	vmul.f32 v9, v2;
	v4 =	vld [tilespmem:s0+$0x50]  }
0x300: {  	s25 =	simm.s32 $0x4;
	[tilespmem:s0+$0xFFFFFFF0] =	vst v3;
	v6 =	vmul.f32 v10, v2;
	v3 =	vld [tilespmem:s0+$0x60]  }
0x301: {  	s28 =	simm.s32 $0x7;
	v7 =	vmov s25;
	[tilespmem:s0+$0x0] =	vst v5;
	v9 =	vmul.f32 v8, v2;
	v8 =	vld [tilespmem:s0+$0x80]  }
0x302: {  	s6 =	simm.s32 $0x5;
	v12 =	vand.u32 $0xFFFFFFFC, v7;
	v7 =	vld [tilespmem:s0+$0x90];
	v5 =	vmov s28;
	v10 =	vmul.f32 v11, v2;
	[tilespmem:s0+$0x10] =	vst v6  }
0x303: {  	s16 =	simm.s32 $0x6;
	s9 =	simm.s32 $0x8;
	v11 =	vmul.f32 v13, v2;
	v6 =	vbroadcast v12, $0x0;
	v12 =	vmov s6;
	s6 =	simm.s32 $0x900;
	[tilespmem:s0+$0x20] =	vst v9;
	v9 =	vld [tilespmem:s0+$0xA0]  }
.LBB2_17:
0x304: {  	p1 =	slt.u32 s9, $0x4C;
	v12 =	vand.u32 $0xFFFFFFFD, v12;
	v13 =	vmov s16;
	[tilespmem:s0+$0x30] =	vst v10;
	v4 =	vmul.f32 v4, v2;
	v10 =	vld [tilespmem:s0+$0xB0]  }
0x305: {  	v12 =	vbroadcast v12, $0x0;
	v13 =	vand.u32 $0xFFFFFFFE, v13;
	[tilespmem:s0+$0x40] =	vst v11;
	v2 =	vmul.f32 v3, v2;
	v3 =	vld [tilespmem:s0+$0xC0]  }
0x306: {  	v11 =	vbroadcast v13, $0x0;
	[tilespmem:s0+$0x50] =	vst v4;
	v4 =	vmul.f32 v8, v1;
	v8 =	vld [tilespmem:s0+$0xD0]  }
0x307: {  	[tilespmem:s0+$0x60] =	vst v2;
	v2 =	vmul.f32 v7, v1;
	v7 =	vld [tilespmem:s0+$0xE0]  }
0x308: {  	[tilespmem:s0+$0x80] =	vst v4;
	v4 =	vmul.f32 v9, v1;
	v9 =	vld [tilespmem:s0+$0xF0]  }
0x309: {  	v5 =	vld.idx.msk [tilespmem:v5+s24+$0x0], $0xffff;
	[tilespmem:s0+$0x90] =	vst v2;
	v2 =	vmul.f32 v10, v1  }
0x30a: {  	v6 =	vld.idx.msk [tilespmem:v6+s24+$0x0], $0xffff;
	[tilespmem:s0+$0xA0] =	vst v4;
	v3 =	vmul.f32 v3, v1  }
0x30b: {  	v4 =	vld.idx.msk [tilespmem:v12+s24+$0x0], $0xffff;
	[tilespmem:s0+$0xB0] =	vst v2;
	v8 =	vmul.f32 v8, v1  }
0x30c: {  	s0 =	sadd.s32 $0x200, s0;
	v2 =	vld.idx.msk [tilespmem:v11+s24+$0x0], $0xffff;
	[tilespmem:s6+$0xC0] =	vst v3;
	v3 =	vmul.f32 v7, v1  }
0x30d: {  	v7 =	vld [tilespmem:s0+$0x70];
	[tilespmem:s6+$0xD0] =	vst v8;
	v9 =	vmul.f32 v9, v1  }
0x30e: {  	v8 =	vld [tilespmem:s0+$0xFFFFFF00];
	[tilespmem:s6+$0xE0] =	vst v3  }
0x30f: {  	v1 =	vmov v5;
	v3 =	vld [tilespmem:s0+$0xFFFFFF10];
	[tilespmem:s6+$0xF0] =	vst v9;
	s6 =	smov.u32 s0  }
0x310: {  	v5 =	vld [tilespmem:s0+$0xFFFFFF20]  }
0x311: {  	v9 =	vld [tilespmem:s0+$0xFFFFFF30]  }
0x312: {  	v10 =	vld [tilespmem:s0+$0xFFFFFF40];
	v7 =	vmul.f32 v7, v2  }
0x313: {  	v8 =	vmul.f32 v8, v6;
	v11 =	vld [tilespmem:s0+$0xFFFFFF50]  }
0x314: {  	v3 =	vmul.f32 v3, v6;
	v12 =	vld [tilespmem:s0+$0xFFFFFF60];
	[tilespmem:s0+$0x70] =	vst v7  }
0x315: {  	[tilespmem:s0+$0xFFFFFF00] =	vst v8;
	v5 =	vmul.f32 v5, v6;
	v7 =	vld [tilespmem:s0+$0xFFFFFF70]  }
0x316: {  	[tilespmem:s0+$0xFFFFFF10] =	vst v3;
	v3 =	vmul.f32 v9, v6;
	v8 =	vld [tilespmem:s0+$0xFFFFFF80]  }
0x317: {  	[tilespmem:s0+$0xFFFFFF20] =	vst v5;
	v5 =	vmul.f32 v10, v6;
	v9 =	vld [tilespmem:s0+$0xFFFFFF90]  }
0x318: {  	[tilespmem:s0+$0xFFFFFF30] =	vst v3;
	v3 =	vmul.f32 v11, v6;
	v10 =	vld [tilespmem:s0+$0xFFFFFFA0]  }
0x319: {  	[tilespmem:s0+$0xFFFFFF40] =	vst v5;
	v5 =	vmul.f32 v12, v6;
	v11 =	vld [tilespmem:s0+$0xFFFFFFB0]  }
0x31a: {  	[tilespmem:s0+$0xFFFFFF50] =	vst v3;
	v3 =	vmul.f32 v7, v6;
	v6 =	vld [tilespmem:s0+$0xFFFFFFC0]  }
0x31b: {  	[tilespmem:s0+$0xFFFFFF60] =	vst v5;
	v5 =	vmul.f32 v8, v4;
	v7 =	vld [tilespmem:s0+$0xFFFFFFD0]  }
0x31c: {  	[tilespmem:s0+$0xFFFFFF70] =	vst v3;
	v3 =	vmul.f32 v9, v4;
	v8 =	vld [tilespmem:s0+$0xFFFFFFE0]  }
0x31d: {  	[tilespmem:s0+$0xFFFFFF80] =	vst v5;
	v5 =	vmul.f32 v10, v4;
	v9 =	vld [tilespmem:s0+$0xFFFFFFF0]  }
0x31e: {  	[tilespmem:s0+$0xFFFFFF90] =	vst v3;
	v3 =	vmul.f32 v11, v4;
	v10 =	vld [tilespmem:s0+$0x0]  }
0x31f: {  	[tilespmem:s0+$0xFFFFFFA0] =	vst v5;
	v5 =	vmul.f32 v6, v4;
	v6 =	vld [tilespmem:s0+$0x10]  }
0x320: {  	[tilespmem:s0+$0xFFFFFFB0] =	vst v3;
	v3 =	vmul.f32 v7, v4;
	v7 =	vld [tilespmem:s0+$0x20]  }
0x321: {  	[tilespmem:s0+$0xFFFFFFC0] =	vst v5;
	v5 =	vmul.f32 v8, v4;
	v11 =	vld [tilespmem:s0+$0x30]  }
0x322: {  	[tilespmem:s0+$0xFFFFFFD0] =	vst v3;
	v3 =	vmul.f32 v9, v4;
	v9 =	vld [tilespmem:s0+$0x40]  }
.Ltmp7:
0x323: {  	[tilespmem:s0+$0xFFFFFFE0] =	vst v5;
	v5 =	vmul.f32 v10, v2;
	v4 =	vld [tilespmem:s0+$0x50];
	(pc) =	sbr.rel @p1 .LBB2_17-.Ltmp7, $4  }
0x324: {  	[tilespmem:s0+$0xFFFFFFF0] =	vst v3;
	v6 =	vmul.f32 v6, v2;
	v3 =	vld [tilespmem:s0+$0x60]  }
0x325: {  	s4 =	sadd.s32 $0x3, s9;
	v10 =	vmov s9;
	[tilespmem:s0+$0x0] =	vst v5;
	v13 =	vmul.f32 v7, v2;
	v8 =	vld [tilespmem:s0+$0x80]  }
0x326: {  	s16 =	sadd.s32 $0x1, s9;
	v12 =	vand.u32 $0xFFFFFFFC, v10;
	v5 =	vmov s4;
	[tilespmem:s0+$0x10] =	vst v6;
	v10 =	vmul.f32 v11, v2;
	v7 =	vld [tilespmem:s0+$0x90]  }
0x327: {  	v6 =	vbroadcast v12, $0x0;
	v12 =	vmov s16;
	s16 =	sadd.s32 $0x2, s9;
	s9 =	sadd.s32 $0x4, s9;
	[tilespmem:s0+$0x20] =	vst v13;
	v11 =	vmul.f32 v9, v2;
	v9 =	vld [tilespmem:s0+$0xA0]  }
0x328: {  	v13 =	vld [tilespmem:s0+$0xB0]  }
0x329: {  	v15 =	vld [tilespmem:s0+$0xC0]  }
0x32a: {  	v16 =	vld [tilespmem:s0+$0xD0]  }
0x32b: {  	v17 =	vld [tilespmem:s0+$0xE0]  }
0x32c: {  	v29 =	vld [tilespmem:s0+$0xF0];
	[tilespmem:s0+$0x30] =	vst v10;
	v4 =	vmul.f32 v4, v2  }
0x32d: {  	v5 =	vld.idx.msk [tilespmem:v5+s24+$0x0], $0xffff;
	[tilespmem:s0+$0x40] =	vst v11;
	v2 =	vmul.f32 v3, v2  }
0x32e: {  	s9 =	sadd.s32 $0x200, s0;
	v3 =	vld.idx.msk [tilespmem:v6+s24+$0x0], $0xffff;
	v8 =	vmul.f32 v8, v1;
	[tilespmem:s0+$0x50] =	vst v4  }
0x32f: {  	v14 =	vmov s16;
	v34 =	vld [tilespmem:s9+$0x70];
	v30 =	vmul.f32 v7, v1;
	[tilespmem:s0+$0x60] =	vst v2  }
0x330: {  	v14 =	vand.u32 $0xFFFFFFFE, v14;
	v35 =	vld [tilespmem:s9+$0xFFFFFF00];
	[tilespmem:s0+$0x80] =	vst v8;
	v2 =	vmul.f32 v9, v1  }
0x331: {  	v37 =	vld [tilespmem:s9+$0xFFFFFF10];
	v14 =	vbroadcast v14, $0x0;
	[tilespmem:s0+$0x90] =	vst v30;
	v33 =	vmul.f32 v13, v1  }
0x332: {  	v38 =	vld [tilespmem:s9+$0xFFFFFF20];
	[tilespmem:s0+$0xA0] =	vst v2;
	v2 =	vmul.f32 v15, v1  }
0x333: {  	v12 =	vand.u32 $0xFFFFFFFD, v12;
	v39 =	vld [tilespmem:s9+$0xFFFFFF30];
	v36 =	vmul.f32 v16, v1;
	[tilespmem:s0+$0xB0] =	vst v33  }
0x334: {  	v12 =	vbroadcast v12, $0x0;
	v41 =	vld [tilespmem:s9+$0xFFFFFF50];
	[tilespmem:s6+$0xC0] =	vst v2;
	v2 =	vmul.f32 v17, v1  }
0x335: {  	v43 =	vld [tilespmem:s9+$0xFFFFFF60];
	[tilespmem:s6+$0xD0] =	vst v36;
	v1 =	vmul.f32 v29, v1  }
0x336: {  	v42 =	vmul.f32 v37, v3;
	[tilespmem:s6+$0xE0] =	vst v2;
	v2 =	vld [tilespmem:s9+$0xFFFFFF40]  }
0x337: {  	v32 =	vld.idx.msk [tilespmem:v14+s24+$0x0], $0xffff;
	[tilespmem:s6+$0xF0] =	vst v1;
	v1 =	vmul.f32 v35, v3  }
0x338: {  	v44 =	vld [tilespmem:s9+$0xFFFFFF70];
	v4 =	vmul.f32 v39, v3;
	[tilespmem:s9+$0xFFFFFF10] =	vst v42  }
0x339: {  	v45 =	vld [tilespmem:s9+$0xFFFFFF80];
	[tilespmem:s9+$0xFFFFFF00] =	vst v1;
	v1 =	vmul.f32 v38, v3  }
0x33a: {  	v46 =	vmul.f32 v41, v3;
	v31 =	vld.idx.msk [tilespmem:v12+s24+$0x0], $0xffff;
	[tilespmem:s9+$0xFFFFFF30] =	vst v4  }
0x33b: {  	[tilespmem:s9+$0xFFFFFF20] =	vst v1;
	v1 =	vmul.f32 v2, v3;
	v2 =	vld [tilespmem:s9+$0xFFFFFF90]  }
0x33c: {  	v47 =	vld [tilespmem:s9+$0xFFFFFFA0];
	[tilespmem:s9+$0xFFFFFF50] =	vst v46;
	v40 =	vmul.f32 v34, v32  }
0x33d: {  	v48 =	vld [tilespmem:s9+$0xFFFFFFB0];
	[tilespmem:s9+$0xFFFFFF40] =	vst v1;
	v1 =	vmul.f32 v43, v3  }
0x33e: {  	v49 =	vld [tilespmem:s9+$0xFFFFFFC0];
	[tilespmem:s9+$0x70] =	vst v40;
	v3 =	vmul.f32 v44, v3  }
0x33f: {  	v50 =	vld [tilespmem:s9+$0xFFFFFFD0];
	[tilespmem:s9+$0xFFFFFF60] =	vst v1;
	v1 =	vmul.f32 v45, v31  }
0x340: {  	[tilespmem:s9+$0xFFFFFF70] =	vst v3;
	v3 =	vld [tilespmem:s9+$0xFFFFFFE0];
	v2 =	vmul.f32 v2, v31  }
0x341: {  	v51 =	vld [tilespmem:s9+$0xFFFFFFF0];
	[tilespmem:s9+$0xFFFFFF80] =	vst v1;
	v1 =	vmul.f32 v47, v31  }
0x342: {  	v52 =	vld [tilespmem:s9+$0x0];
	[tilespmem:s9+$0xFFFFFF90] =	vst v2;
	v2 =	vmul.f32 v48, v31  }
0x343: {  	v53 =	vld [tilespmem:s9+$0x10];
	[tilespmem:s9+$0xFFFFFFA0] =	vst v1;
	v1 =	vmul.f32 v49, v31  }
0x344: {  	v54 =	vld [tilespmem:s9+$0x20];
	[tilespmem:s9+$0xFFFFFFB0] =	vst v2;
	v2 =	vmul.f32 v50, v31  }
0x345: {  	[tilespmem:s9+$0xFFFFFFC0] =	vst v1;
	v1 =	vmul.f32 v3, v31;
	v3 =	vld [tilespmem:s9+$0x30]  }
0x346: {  	v55 =	vld [tilespmem:s9+$0x40];
	[tilespmem:s9+$0xFFFFFFD0] =	vst v2;
	v2 =	vmul.f32 v51, v31  }
0x347: {  	v56 =	vld [tilespmem:s9+$0x50];
	[tilespmem:s9+$0xFFFFFFE0] =	vst v1;
	v1 =	vmul.f32 v52, v32  }
0x348: {  	v57 =	vld [tilespmem:s9+$0x60];
	[tilespmem:s9+$0xFFFFFFF0] =	vst v2;
	v2 =	vmul.f32 v53, v32  }
0x349: {  	v58 =	vld [tilespmem:s9+$0x80];
	[tilespmem:s9+$0x0] =	vst v1;
	v1 =	vmul.f32 v54, v32  }
0x34a: {  	[tilespmem:s9+$0x10] =	vst v2;
	v2 =	vmul.f32 v3, v32;
	v3 =	vld [tilespmem:s9+$0x90]  }
0x34b: {  	v59 =	vld [tilespmem:s9+$0xA0];
	[tilespmem:s9+$0x20] =	vst v1;
	v1 =	vmul.f32 v55, v32  }
0x34c: {  	v60 =	vld [tilespmem:s9+$0xB0];
	[tilespmem:s9+$0x30] =	vst v2;
	v2 =	vmul.f32 v56, v32  }
0x34d: {  	v61 =	vld [tilespmem:s9+$0xC0];
	[tilespmem:s9+$0x40] =	vst v1;
	v1 =	vmul.f32 v57, v32  }
0x34e: {  	v62 =	vld [tilespmem:s9+$0xD0];
	[tilespmem:s9+$0x50] =	vst v2;
	v2 =	vmul.f32 v58, v5  }
0x34f: {  	[tilespmem:s9+$0x60] =	vst v1;
	v1 =	vmul.f32 v3, v5;
	v3 =	vld [tilespmem:s9+$0xE0]  }
0x350: {  	v63 =	vld [tilespmem:s9+$0xF0];
	[tilespmem:s9+$0x80] =	vst v2;
	v2 =	vmul.f32 v59, v5  }
0x351: {  	[tilespmem:s9+$0x90] =	vst v1;
	v1 =	vmul.f32 v60, v5  }
0x352: {  	[tilespmem:s9+$0xA0] =	vst v2;
	v2 =	vmul.f32 v61, v5  }
0x353: {  	[tilespmem:s9+$0xB0] =	vst v1;
	v1 =	vmul.f32 v62, v5  }
0x354: {  	[tilespmem:s9+$0xC0] =	vst v2;
	v2 =	vmul.f32 v3, v5  }
0x355: {  	[tilespmem:s9+$0xD0] =	vst v1;
	v1 =	vmul.f32 v63, v5  }
0x356: {  	[tilespmem:s9+$0xE0] =	vst v2  }
0x357: {  	s6 =	simm.s32 $0x600;
	[tilespmem:s9+$0xF0] =	vst v1  }
0x358: {  	[spmem:s2] =	stream.indirect.scatter.add.f32 [tilespmem:s12], [sflag:$0x9], $0x80, s6, s8, $0xb8;
	[tilespmem:$0x1F680] =	vst v63  }
0x359: {  	_ =	swait.ge [sflag:s17], $0x2800  }
0x35a: {  	[sflag:s17] =	ssyncset.done $0x0  }
0x35b: {  	s9 =	simm.s32 $0xA;
	[sflag:s17] =	ssyncadd.s32 $0xFFFFD800  }
0x35c: {  	_ =	swait.ge [sflag:s9], $0x2800  }
0x35d: {  	[sflag:s9] =	ssyncset.done $0x0  }
0x35e: {  	s4 =	simm.s32 $0xB;
	[sflag:s9] =	ssyncadd.s32 $0xFFFFD800  }
0x35f: {  	_ =	swait.ge [sflag:s4], $0x2800  }
0x360: {  	[sflag:s4] =	ssyncset.done $0x0;
	s16 =	rddreg [dreg:$0x9]  }
0x361: {  	s25 =	simm.s32 $0xC;
	s28 =	rddreg [dreg:$0x1c];
	[sflag:s4] =	ssyncadd.s32 $0xFFFFD800  }
0x362: {  	s0 =	sadd.s32 s16, s28;
	_ =	swait.ge [sflag:s25], $0x2800  }
0x363: {  	s0 =	smul.u32 $0x2710, s0;
	[sflag:s25] =	ssyncset.done $0x0  }
0x364: {  	s9 =	rddreg [dreg:$0x1a];
	[sflag:s25] =	ssyncadd.s32 $0xFFFFD800  }
0x365: {  	s4 =	sadd.s32 s0, s9;
	[bflag:$0x0] =	sbarrier.arrive $0xFFFF  }
0x366: {  	s16 =	sshll.u32 s3, $0x6;
	s4 =	sshll.u32 s4, $0x4;
	s9 =	rddreg [dreg:$0x4]  }
0x367: {  	s6 =	sor.u32 $0x1C0D, s16;
	s25 =	rddreg [dreg:$0x12];
	s4 =	sadd.s32 s9, s4  }
0x368: {  	[hbm:s4], [sflag:s6] =	dma.local [spmem:s25], $0x500  }
0x369: {  	s25 =	simm.s32 $0xD  }
0x36a: {  	_ =	swait.ge [sflag:s25], $0x500  }
0x36b: {  	s16 =	rddreg [dreg:$0x8]  }
0x36c: {  	s4 =	sadd.s32 s0, s16  }
0x36d: {  	[sflag:s25] =	ssyncset.done $0x0;
	s4 =	sshll.u32 s4, $0x4  }
0x36e: {  	[sflag:s25] =	ssyncadd.s32 $0xFFFFFB00;
	s16 =	rddreg [dreg:$0x13];
	s4 =	sadd.s32 s9, s4  }
0x36f: {  	[hbm:s4], [sflag:s6] =	dma.local [spmem:s16], $0x500  }
0x370: {  	_ =	swait.ge [sflag:s25], $0x500  }
0x371: {  	s16 =	rddreg [dreg:$0xa]  }
0x372: {  	s4 =	sadd.s32 s0, s16  }
0x373: {  	[sflag:s25] =	ssyncset.done $0x0;
	s4 =	sshll.u32 s4, $0x4  }
0x374: {  	[sflag:s25] =	ssyncadd.s32 $0xFFFFFB00;
	s16 =	rddreg [dreg:$0x14];
	s4 =	sadd.s32 s9, s4  }
0x375: {  	[hbm:s4], [sflag:s6] =	dma.local [spmem:s16], $0x500  }
0x376: {  	_ =	swait.ge [sflag:s25], $0x500  }
0x377: {  	s16 =	rddreg [dreg:$0xc]  }
0x378: {  	s4 =	sadd.s32 s0, s16  }
0x379: {  	[sflag:s25] =	ssyncset.done $0x0;
	s4 =	sshll.u32 s4, $0x4  }
0x37a: {  	[sflag:s25] =	ssyncadd.s32 $0xFFFFFB00;
	s16 =	rddreg [dreg:$0x15];
	s4 =	sadd.s32 s9, s4  }
0x37b: {  	[hbm:s4], [sflag:s6] =	dma.local [spmem:s16], $0x500  }
0x37c: {  	_ =	swait.ge [sflag:s25], $0x500  }
0x37d: {  	s16 =	rddreg [dreg:$0xd]  }
0x37e: {  	s4 =	sadd.s32 s0, s16  }
0x37f: {  	[sflag:s25] =	ssyncset.done $0x0;
	s4 =	sshll.u32 s4, $0x4  }
0x380: {  	[sflag:s25] =	ssyncadd.s32 $0xFFFFFB00;
	s16 =	rddreg [dreg:$0x16];
	s4 =	sadd.s32 s9, s4  }
0x381: {  	[hbm:s4], [sflag:s6] =	dma.local [spmem:s16], $0x500  }
0x382: {  	_ =	swait.ge [sflag:s25], $0x500  }
0x383: {  	s16 =	rddreg [dreg:$0xe]  }
0x384: {  	s4 =	sadd.s32 s0, s16  }
0x385: {  	[sflag:s25] =	ssyncset.done $0x0;
	s4 =	sshll.u32 s4, $0x4  }
0x386: {  	[sflag:s25] =	ssyncadd.s32 $0xFFFFFB00;
	s16 =	rddreg [dreg:$0x17];
	s4 =	sadd.s32 s9, s4  }
0x387: {  	[hbm:s4], [sflag:s6] =	dma.local [spmem:s16], $0x500  }
0x388: {  	_ =	swait.ge [sflag:s25], $0x500  }
0x389: {  	s16 =	rddreg [dreg:$0xf]  }
0x38a: {  	s4 =	sadd.s32 s0, s16  }
0x38b: {  	[sflag:s25] =	ssyncset.done $0x0;
	s4 =	sshll.u32 s4, $0x4  }
0x38c: {  	[sflag:s25] =	ssyncadd.s32 $0xFFFFFB00;
	s16 =	rddreg [dreg:$0x18];
	s4 =	sadd.s32 s9, s4  }
0x38d: {  	[hbm:s4], [sflag:s6] =	dma.local [spmem:s16], $0x500  }
0x38e: {  	_ =	swait.ge [sflag:s25], $0x500  }
0x38f: {  	s4 =	rddreg [dreg:$0x10]  }
0x390: {  	s0 =	sadd.s32 @!p0 s0, s4  }
0x391: {  	s28 =	sadd.s32 $0x1, s28;
	[sflag:s25] =	ssyncset.done $0x0;
	s0 =	sshll.u32 @!p0 s0, $0x4  }
0x392: {  	[sflag:s25] =	ssyncadd.s32 $0xFFFFFB00;
	s4 =	rddreg [dreg:$0x19];
	s0 =	sadd.s32 @!p0 s9, s0  }
0x393: {  	[hbm:s0], [sflag:s6] =	dma.local @!p0 [spmem:s4], $0x500  }
0x394: {  	p1 =	sne.s32 s28, $0x4;
	s0 =	simm.s32 @!p0 $0xD  }
.Ltmp8:
0x395: {  	_ =	swait.ge @!p0 [sflag:s0], $0x500;
	(pc) =	sbr.rel @p1 .LBB2_4-.Ltmp8, $3  }
0x396: {  	[sflag:s0] =	ssyncset.done @!p0 $0x0  }
0x397: {  	[sflag:s0] =	ssyncadd.s32 @!p0 $0xFFFFFB00  }
0x398: {  	[bflag:$0x0] =	sbarrier.arrive $0xFFFF;
	_ =	sdelay $0x1  }
0x399: {  	s4 =	rddreg [dreg:$0x1b]  }
0x39a: {  	s0 =	rddreg [dreg:$0xb];
	s4 =	sadd.s32 $0x1, s4  }
0x39b: {  	p1 =	sne.s32 s4, s0  }
.Ltmp9:
0x39c: {  	_ = 	snop;
	(pc) =	sbr.rel @p1 .LBB2_1-.Ltmp9, $1  }
0x39d: {  	_ =	sdelay $0x3  }
0x39e: {  	_ =	sfence.sel $0x180000  }
0x39f: {  	[bflag:$0x0] =	sbarrier.arrive $0xFFFF  }
0x3a0: {  	_ =	strace $0x9000004A  }
0x3a1: {  	[bflag:$0x2] =	sbarrier.arrive $0xFFFF  }
0x3a2: {  	p0 =	sne.s32 s3, $0x0;
	s0 =	rddreg [dreg:$0x3]  }
0x3a3: {  	s0 =	sadd.s32 @!p0 $0x100000, s0  }
0x3a4: {  	[sflag:s0] =	ssyncadd.tile.s32 @!p0 $0x1;
	_ =	shalt  }
.Lfunc_end2:
_tile_overlayer_lowered:
.L_overlay_start_2:
0x3a5: {  	(tag) =	ssettag $0x2  }
0x3a6: {  	s0 =	rddreg [dreg:$0x0];
	s2 =	stileid.u32  }
0x3a7: {  	s1 =	rddreg [dreg:$0x1];
	p0 =	sne.s32 s2, $0x0  }
0x3a8: {  	s3 =	rddreg [dreg:$0x2];
	[bflag:$0x3] =	sbarrier.arrive $0xFFFF;
	s2 =	simm.s32 @!p0 $0x1C0D  }
0x3a9: {  	[timem:s3], [sflag:s2] =	dma.local @!p0 [hbm:s0], s1  }
0x3aa: {  	s0 =	simm.s32 @!p0 $0xD  }
0x3ab: {  	_ =	swait.ge @!p0 [sflag:s0], s1  }
0x3ac: {  	s1 =	ssub.s32 @!p0 $0x0, s1;
	[sflag:s0] =	ssyncset.done @!p0 $0x0  }
0x3ad: {  	[sflag:s0] =	ssyncadd.s32 @!p0 s1  }
0x3ae: {  	[bflag:$0x3] =	sbarrier.arrive $0xFFFF  }
0x3af: {  	_ =	shalt  }

</sc_bundles>
